<compile_context>
chip_gen: v7x
topology: tpu7x:2x2x1
jax: 0.10.2.dev20260603
libtpu: 0.0.44.dev20260713+nightly
codegen_flags: <defaults>
</compile_context>

<pallas_src>
import jax
import jax.numpy as jnp
import numpy as np
from jax import lax
from jax.experimental import pallas as pl
from jax.experimental.pallas import tpu as pltpu
from jax.experimental.pallas import tpu_sc as plsc

M = 512
N = 512
XL, YL = 0.0, 0.0
BSX, BSY = 1.0, 1.0
NUM_MOVABLE = 500000
NUM_TERMINALS = 100000
NUM_FILLER = 400000
NUM_NODES = NUM_MOVABLE + NUM_TERMINALS + NUM_FILLER
FILLER_LO = NUM_NODES - NUM_FILLER

NC, NS = 2, 16
NW = NC * NS
CHUNK = 4224
GPC = CHUNK // 128
N_CHUNKS = 7
RW = 128
NR = 4 * CHUNK // RW
GPR = CHUNK // RW
GRID = M * N
GSLAB = GRID // NS

GA_TOT = (NUM_MOVABLE + 127) // 128
GB_TOT = NUM_FILLER // 128
GA_Q, GA_R = GA_TOT // NW, GA_TOT % NW
GB_Q, GB_R = GB_TOT // NW, GB_TOT % NW
N_CHUNKS_A = -(-(GA_Q + 1) // GPC)
N_CHUNKS_B = -(-(GB_Q + 1) // GPC)
assert N_CHUNKS_A + N_CHUNKS_B == N_CHUNKS


def _sc_scatter_body(pos_hbm, nsx_hbm, nsy_hbm, out,
                     xvA, yvA, sxvA, syvA, xvB, yvB, sxvB, syvB,
                     idxA, valA, idxB, valB, zv, grid,
                     in_semA, in_semB, sc_semA, sc_semB):
    cid = lax.axis_index("c")
    sid = lax.axis_index("s")
    wid = cid * NS + sid

    ga_start = GA_Q * wid + jnp.minimum(wid, GA_R)
    ga_cnt = GA_Q + (wid < GA_R).astype(jnp.int32)
    gb_start = GB_Q * wid + jnp.minimum(wid, GB_R)
    gb_cnt = GB_Q + (wid < GB_R).astype(jnp.int32)
    a_hi = jnp.minimum((ga_start + ga_cnt) * 128, NUM_MOVABLE)
    b_hi = FILLER_LO + (gb_start + gb_cnt) * 128

    def chunk_params(c):
        is_b = c >= N_CHUNKS_A
        c_loc = jnp.where(is_b, c - N_CHUNKS_A, c)
        g0 = jnp.where(is_b, gb_start, ga_start) + c_loc * GPC
        lo = jnp.where(is_b, FILLER_LO, 0) + g0 * 128
        hi = jnp.minimum(lo + CHUNK, jnp.where(is_b, b_hi, a_hi))
        cap = jnp.where(is_b, NUM_NODES - CHUNK, NUM_MOVABLE - CHUNK)
        off = jnp.minimum(lo, cap)
        return off, lo, hi

    bufA = (xvA, yvA, sxvA, syvA, idxA, valA, in_semA, sc_semA)
    bufB = (xvB, yvB, sxvB, syvB, idxB, valB, in_semB, sc_semB)

    def fetch(bufs, c):
        xv, yv, sxv, syv, _, _, sem, _ = bufs
        off, _, _ = chunk_params(c)
        pltpu.async_copy(pos_hbm.at[pl.ds(off, CHUNK)], xv, sem)
        pltpu.async_copy(pos_hbm.at[pl.ds(NUM_NODES + off, CHUNK)], yv, sem)
        pltpu.async_copy(nsx_hbm.at[pl.ds(off, CHUNK)], sxv, sem)
        pltpu.async_copy(nsy_hbm.at[pl.ds(off, CHUNK)], syv, sem)

    def wait_fetch(bufs, c):
        xv, yv, sxv, syv, _, _, sem, _ = bufs
        off, _, _ = chunk_params(c)
        pltpu.make_async_copy(pos_hbm.at[pl.ds(off, CHUNK)], xv, sem).wait()
        pltpu.make_async_copy(pos_hbm.at[pl.ds(NUM_NODES + off, CHUNK)], yv,
                              sem).wait()
        pltpu.make_async_copy(nsx_hbm.at[pl.ds(off, CHUNK)], sxv, sem).wait()
        pltpu.make_async_copy(nsy_hbm.at[pl.ds(off, CHUNK)], syv, sem).wait()

    def compute(bufs, c):
        xv, yv, sxv, syv, idxv, valv, _, _ = bufs
        off, lo, hi = chunk_params(c)
        lanes = lax.broadcasted_iota(jnp.int32, (16,), 0)

        @pl.loop(0, GPR)
        def _row(r):
            for q in range(RW // 16):
                s = r * RW + q * 16
                x = xv[pl.ds(s, 16)]
                y = yv[pl.ds(s, 16)]
                sx = sxv[pl.ds(s, 16)]
                sy = syv[pl.ds(s, 16)]
                gi = (off + s) + lanes
                valid = (gi >= lo) & (gi < hi)
                fx = x + 0.5 * sx - (0.5 + XL / BSX)
                fy = y + 0.5 * sy - (0.5 + YL / BSY)
                ix0f = fx.astype(jnp.int32)
                iy0f = fy.astype(jnp.int32)
                wx1 = fx - ix0f.astype(jnp.float32)
                wy1 = fy - iy0f.astype(jnp.float32)
                ix0 = jnp.minimum(ix0f, M - 1)
                iy0 = jnp.minimum(iy0f, N - 1)
                ix1 = jnp.minimum(ix0f + 1, M - 1)
                iy1 = jnp.minimum(iy0f + 1, N - 1)
                area = jnp.where(valid, sx * sy, 0.0)
                ax0 = area * (1.0 - wx1)
                ax1 = area * wx1
                r0 = ix0 * N
                r1 = ix1 * N
                col = q * 16
                idxv[r, pl.ds(col, 16)] = r0 + iy0
                idxv[GPR + r, pl.ds(col, 16)] = r0 + iy1
                idxv[2 * GPR + r, pl.ds(col, 16)] = r1 + iy0
                idxv[3 * GPR + r, pl.ds(col, 16)] = r1 + iy1
                valv[r, pl.ds(col, 16)] = ax0 * (1.0 - wy1)
                valv[GPR + r, pl.ds(col, 16)] = ax0 * wy1
                valv[2 * GPR + r, pl.ds(col, 16)] = ax1 * (1.0 - wy1)
                valv[3 * GPR + r, pl.ds(col, 16)] = ax1 * wy1

    def fire_scatter(bufs):
        _, _, _, _, idxv, valv, _, sem = bufs

        @pl.loop(0, NR)
        def _f(r):
            pltpu.async_copy(valv.at[r], grid.at[idxv.at[r]], sem, add=True)

    def drain_scatter(bufs):
        _, _, _, _, idxv, valv, _, sem = bufs

        @pl.loop(0, NR)
        def _d(r):
            pltpu.make_async_copy(valv.at[r], grid.at[idxv.at[r]], sem).wait()

    fetch(bufA, 0)

    @pl.loop(0, zv.shape[0] // 16)
    def _zero(i):
        zv[pl.ds(i * 16, 16)] = jnp.zeros((16,), jnp.float32)

    for k in range(GSLAB // zv.shape[0]):
        pltpu.sync_copy(zv, grid.at[pl.ds(sid * GSLAB + k * zv.shape[0],
                                          zv.shape[0])])
    plsc.subcore_barrier()

    @pl.loop(0, N_CHUNKS + 1, step=2)
    def _c(c):
        for par, bufs, nxt in ((0, bufA, bufB), (1, bufB, bufA)):
            cc = c + par

            @pl.when(cc < N_CHUNKS)
            def _iter():
                wait_fetch(bufs, cc)

                @pl.when(cc < N_CHUNKS - 1)
                def _pref():
                    fetch(nxt, cc + 1)

                @pl.when(cc >= 2)
                def _dr():
                    drain_scatter(bufs)

                compute(bufs, cc)
                fire_scatter(bufs)

    drain_scatter(bufA if (N_CHUNKS - 2) % 2 == 0 else bufB)
    drain_scatter(bufA if (N_CHUNKS - 1) % 2 == 0 else bufB)
    plsc.subcore_barrier()
    pltpu.sync_copy(grid.at[pl.ds(sid * GSLAB, GSLAB)],
                    out.at[cid, pl.ds(sid * GSLAB, GSLAB)])


@jax.jit
def _sc_density(pos, nsx, nsy):
    mesh = plsc.VectorSubcoreMesh(core_axis_name="c", subcore_axis_name="s",
                                  num_cores=NC, num_subcores=NS)
    fn = pl.kernel(
        _sc_scatter_body,
        out_type=jax.ShapeDtypeStruct((NC, GRID), jnp.float32),
        mesh=mesh,
        scratch_types=[
            pltpu.VMEM((CHUNK,), jnp.float32),
            pltpu.VMEM((CHUNK,), jnp.float32),
            pltpu.VMEM((CHUNK,), jnp.float32),
            pltpu.VMEM((CHUNK,), jnp.float32),
            pltpu.VMEM((CHUNK,), jnp.float32),
            pltpu.VMEM((CHUNK,), jnp.float32),
            pltpu.VMEM((CHUNK,), jnp.float32),
            pltpu.VMEM((CHUNK,), jnp.float32),
            pltpu.VMEM((NR, RW), jnp.int32),
            pltpu.VMEM((NR, RW), jnp.float32),
            pltpu.VMEM((NR, RW), jnp.int32),
            pltpu.VMEM((NR, RW), jnp.float32),
            pltpu.VMEM((2048,), jnp.float32),
            pltpu.VMEM_SHARED((GRID,), jnp.float32),
            pltpu.SemaphoreType.DMA,
            pltpu.SemaphoreType.DMA,
            pltpu.SemaphoreType.DMA,
            pltpu.SemaphoreType.DMA,
        ],
    )
    return fn(pos, nsx, nsy)


def _spectral_consts():
    ku = np.arange(M).reshape(M, 1)
    nM = np.arange(M).reshape(1, M)
    C_M = np.cos(np.pi * ku * (nM + 0.5) / M).astype(np.float32)
    kv = np.arange(N).reshape(N, 1)
    nN = np.arange(N).reshape(1, N)
    C_N = np.cos(np.pi * kv * (nN + 0.5) / N).astype(np.float32)
    wu = (np.arange(M, dtype=np.float32) * np.float32(2.0 * np.pi / M)
          ).reshape(M, 1)
    wv = (np.arange(N, dtype=np.float32) * np.float32(2.0 * np.pi / N)
          ).reshape(1, N)
    w2 = wu ** 2 + wv ** 2
    w2[0, 0] = 1.0
    s2 = (np.float32(2.0) / w2) * np.float32(2.0)
    s2[0, 0] = 0.0
    edge = np.ones((M, N), np.float32)
    edge[0, :] *= 0.5
    edge[:, 0] *= 0.5
    return (jnp.asarray(C_M), jnp.asarray(C_N.T), jnp.asarray(C_M.T),
            jnp.asarray(C_N), jnp.asarray(edge), jnp.asarray(s2.astype(
                np.float32)))


def _tc_energy_body(p_ref, cm_ref, cnt_ref, cmt_ref, cn_ref, edge_ref,
                    s2_ref, out_ref):
    dm = (p_ref[0] + p_ref[1]).reshape(M, N) * (1.0 / (BSX * BSY))
    t1 = jnp.dot(cm_ref[...], dm, preferred_element_type=jnp.float32)
    auv = (4.0 / (M * N)) * jnp.dot(t1, cnt_ref[...],
                                    preferred_element_type=jnp.float32)
    auv = auv * edge_ref[...]
    x = auv * s2_ref[...]
    t2 = jnp.dot(cmt_ref[...], x, preferred_element_type=jnp.float32)
    pot = jnp.dot(t2, cn_ref[...], preferred_element_type=jnp.float32)
    out_ref[0, 0] = jnp.sum(pot * dm)


def _tc_energy(partials, consts):
    return pl.pallas_call(
        _tc_energy_body,
        out_shape=jax.ShapeDtypeStruct((1, 1), jnp.float32),
        in_specs=[pl.BlockSpec(memory_space=pltpu.VMEM)] * 7,
        out_specs=pl.BlockSpec(memory_space=pltpu.SMEM),
    )(partials, *consts)


def kernel(pos, node_size_x, node_size_y, bin_center_x, bin_center_y):
    partials = _sc_density(pos, node_size_x, node_size_y)
    energy = _tc_energy(partials, _spectral_consts())
    return energy[0, 0]

# --- scband reference (transcript-rebuilt; emitter-appended) ---
"""Pipeline reference for scband-electric-potential-51384988729986 (READ-ONLY COPY).

The authoritative reference and input builder live on the scoring server;
editing this copy changes nothing except your own understanding.
"""

import jax, jax.numpy as jnp
import numpy as np

M = 512
N = 512
XL, YL, XH, YH = 0.0, 0.0, 512.0, 512.0
BSX, BSY = 1.0, 1.0
NUM_MOVABLE = 500000
NUM_TERMINALS = 100000
NUM_FILLER = 400000
NUM_NODES = NUM_MOVABLE + NUM_TERMINALS + NUM_FILLER


def _spectral_mats():
    ku = np.arange(M).reshape(M, 1)
    nM = np.arange(M).reshape(1, M)
    C_M = np.cos(np.pi * ku * (nM + 0.5) / M).astype(np.float32)
    S_M = np.sin(np.pi * ku * (nM + 0.5) / M).astype(np.float32)
    kv = np.arange(N).reshape(N, 1)
    nN = np.arange(N).reshape(1, N)
    C_N = np.cos(np.pi * kv * (nN + 0.5) / N).astype(np.float32)
    S_N = np.sin(np.pi * kv * (nN + 0.5) / N).astype(np.float32)
    return jnp.asarray(C_M), jnp.asarray(S_M), jnp.asarray(C_N), jnp.asarray(S_N)


def setup_inputs(seed: int = 0):
    key = jax.random.key(seed)
    k1, k2, k3 = jax.random.split(key, 3)
    pos = jax.random.uniform(k1, (2 * NUM_NODES,), jnp.float32, 1.0, 511.0)
    node_size_x = jax.random.uniform(k2, (NUM_NODES,), jnp.float32, 0.5, 2.0)
    node_size_y = jax.random.uniform(k3, (NUM_NODES,), jnp.float32, 0.5, 2.0)
    bin_center_x = (jnp.arange(M, dtype=jnp.float32) + 0.5) * BSX + XL
    bin_center_y = (jnp.arange(N, dtype=jnp.float32) + 0.5) * BSY + YL
    return {"pos": pos, "node_size_x": node_size_x, "node_size_y": node_size_y,
            "bin_center_x": bin_center_x, "bin_center_y": bin_center_y}


def _density_map(pos, node_size_x, node_size_y):
    x = pos[:NUM_NODES]
    y = pos[NUM_NODES:]
    cx = x + 0.5 * node_size_x
    cy = y + 0.5 * node_size_y
    area = node_size_x * node_size_y
    # movable cells first, filler cells last; fixed cells contribute the
    # (zero) initial density map, matching the torch module structure.
    sx = jnp.concatenate([cx[:NUM_MOVABLE], cx[NUM_NODES - NUM_FILLER:]])
    sy = jnp.concatenate([cy[:NUM_MOVABLE], cy[NUM_NODES - NUM_FILLER:]])
    sa = jnp.concatenate([area[:NUM_MOVABLE], area[NUM_NODES - NUM_FILLER:]])
    fx = (sx - XL) / BSX - 0.5
    fy = (sy - YL) / BSY - 0.5
    ix0f = jnp.floor(fx)
    iy0f = jnp.floor(fy)
    wx1 = fx - ix0f
    wy1 = fy - iy0f
    ix0 = jnp.clip(ix0f.astype(jnp.int32), 0, M - 1)
    ix1 = jnp.clip(ix0f.astype(jnp.int32) + 1, 0, M - 1)
    iy0 = jnp.clip(iy0f.astype(jnp.int32), 0, N - 1)
    iy1 = jnp.clip(iy0f.astype(jnp.int32) + 1, 0, N - 1)
    dm = jnp.zeros((M, N), jnp.float32)
    dm = dm.at[ix0, iy0].add(sa * (1.0 - wx1) * (1.0 - wy1))
    dm = dm.at[ix1, iy0].add(sa * wx1 * (1.0 - wy1))
    dm = dm.at[ix0, iy1].add(sa * (1.0 - wx1) * wy1)
    dm = dm.at[ix1, iy1].add(sa * wx1 * wy1)
    return dm


def reference(pos, node_size_x, node_size_y, bin_center_x, bin_center_y):
    C_M, S_M, C_N, S_N = _spectral_mats()
    density_map = _density_map(pos, node_size_x, node_size_y)
    density_map = density_map * (1.0 / (BSX * BSY))
    # DCT2 coefficients a_{uv}
    auv = (4.0 / (M * N)) * (C_M @ density_map @ C_N.T)
    auv = auv.at[0, :].multiply(0.5)
    auv = auv.at[:, 0].multiply(0.5)
    wu = (jnp.arange(M, dtype=jnp.float32) * (2.0 * np.pi / M)).reshape(M, 1)
    wv = (jnp.arange(N, dtype=jnp.float32) * (2.0 * np.pi / N)).reshape(1, N)
    w2 = wu ** 2 + wv ** 2
    w2 = w2.at[0, 0].set(1.0)
    inv_w2_2x = 2.0 / w2
    inv_w2_2x = inv_w2_2x.at[0, 0].set(0.0)
    auv_u = auv * (wu * inv_w2_2x)
    auv_v = auv * (wv * inv_w2_2x)
    field_map_x = S_M.T @ auv_u @ C_N   # idsct2
    field_map_y = C_M.T @ auv_v @ S_N   # idcst2
    potential_map = C_M.T @ (auv * inv_w2_2x * 2.0) @ C_N  # idcct2
    energy = jnp.sum(potential_map * density_map)
    # field maps are stashed for the backward pass in torch; energy is the output
    return energy

if __name__ == "__main__":
    import jax
    _d = setup_inputs()
    print(jax.jit(kernel)(*tuple(_d.values())))

</pallas_src>

<mosaic_0001>
#map = affine_map<(d0, d1) -> (0)>
#map1 = affine_map<(d0, d1) -> (0, 0)>
module attributes {stable_mosaic.version = 14 : i64} {
  func.func @_sc_scatter_body(%arg0: i32, %arg1: i32, %arg2: memref<2000000xf32, #tpu.memory_space<hbm>>, %arg3: memref<1000000xf32, #tpu.memory_space<hbm>>, %arg4: memref<1000000xf32, #tpu.memory_space<hbm>>, %arg5: memref<2x262144xf32, #tpu.memory_space<hbm>>, %arg6: memref<4224xf32, #tpu.memory_space<vmem>>, %arg7: memref<4224xf32, #tpu.memory_space<vmem>>, %arg8: memref<4224xf32, #tpu.memory_space<vmem>>, %arg9: memref<4224xf32, #tpu.memory_space<vmem>>, %arg10: memref<4224xf32, #tpu.memory_space<vmem>>, %arg11: memref<4224xf32, #tpu.memory_space<vmem>>, %arg12: memref<4224xf32, #tpu.memory_space<vmem>>, %arg13: memref<4224xf32, #tpu.memory_space<vmem>>, %arg14: memref<132x128xi32, #tpu.memory_space<vmem>>, %arg15: memref<132x128xf32, #tpu.memory_space<vmem>>, %arg16: memref<132x128xi32, #tpu.memory_space<vmem>>, %arg17: memref<132x128xf32, #tpu.memory_space<vmem>>, %arg18: memref<2048xf32, #tpu.memory_space<vmem>>, %arg19: memref<262144xf32, #tpu.memory_space<vmem_shared>>, %arg20: memref<!tpu.dma_semaphore, #tpu.memory_space<semaphore_mem>>, %arg21: memref<!tpu.dma_semaphore, #tpu.memory_space<semaphore_mem>>, %arg22: memref<!tpu.dma_semaphore, #tpu.memory_space<semaphore_mem>>, %arg23: memref<!tpu.dma_semaphore, #tpu.memory_space<semaphore_mem>>) attributes {dimension_semantics = [#tpu.dimension_semantics<core_parallel>, #tpu.dimension_semantics<subcore_parallel>], iteration_bounds = array<i64: 2, 16>, scalar_prefetch = 0 : i64, scratch_operands = 18 : i64, tpu.core_type = #tpu.core_type<sc_vector_subcore>, window_params = [{transform_indices = #map}, {transform_indices = #map}, {transform_indices = #map}, {transform_indices = #map1}]} {
    %mul3A = arith.constant 16 : i32
    %mul3A_0 = arith.muli %arg0, %mul3A : i32
    %add3A = arith.addi %mul3A_0, %arg1 : i32
    %mul3A_1 = arith.constant 122 : i32
    %mul3A_2 = arith.muli %mul3A_1, %add3A : i32
    %min3A = arith.constant 3 : i32
    %min3A_3 = arith.minsi %add3A, %min3A : i32
    %add3A_4 = arith.addi %mul3A_2, %min3A_3 : i32
    %lt3A = arith.constant 3 : i32
    %lt3A_5 = arith.cmpi slt, %add3A, %lt3A : i32
    %convert_element_type3A = arith.extui %lt3A_5 : i1 to i32
    %add3A_6 = arith.constant 122 : i32
    %add3A_7 = arith.addi %add3A_6, %convert_element_type3A : i32
    %mul3A_8 = arith.constant 97 : i32
    %mul3A_9 = arith.muli %mul3A_8, %add3A : i32
    %min3A_10 = arith.constant 21 : i32
    %min3A_11 = arith.minsi %add3A, %min3A_10 : i32
    %add3A_12 = arith.addi %mul3A_9, %min3A_11 : i32
    %lt3A_13 = arith.constant 21 : i32
    %lt3A_14 = arith.cmpi slt, %add3A, %lt3A_13 : i32
    %convert_element_type3A_15 = arith.extui %lt3A_14 : i1 to i32
    %add3A_16 = arith.constant 97 : i32
    %add3A_17 = arith.addi %add3A_16, %convert_element_type3A_15 : i32
    %add3A_18 = arith.addi %add3A_4, %add3A_7 : i32
    %mul3A_19 = arith.constant 128 : i32
    %mul3A_20 = arith.muli %add3A_18, %mul3A_19 : i32
    %min3A_21 = arith.constant 500000 : i32
    %min3A_22 = arith.minsi %mul3A_20, %min3A_21 : i32
    %add3A_23 = arith.addi %add3A_12, %add3A_17 : i32
    %mul3A_24 = arith.constant 128 : i32
    %mul3A_25 = arith.muli %add3A_23, %mul3A_24 : i32
    %add3A_26 = arith.constant 600000 : i32
    %add3A_27 = arith.addi %add3A_26, %mul3A_25 : i32
    %jit3A = arith.constant false
    %jit3A_28 = arith.constant -4 : i32
    %jit3A_29 = arith.constant 0 : i32
    %select_n3A = arith.select %jit3A, %jit3A_28, %jit3A_29 : i32
    %jit3A_30 = arith.constant false
    %select_n3A_31 = arith.select %jit3A_30, %add3A_12, %add3A_4 : i32
    %mul3A_32 = arith.constant 33 : i32
    %mul3A_33 = arith.muli %select_n3A, %mul3A_32 : i32
    %add3A_34 = arith.addi %select_n3A_31, %mul3A_33 : i32
    %jit3A_35 = arith.constant false
    %jit3A_36 = arith.constant 600000 : i32
    %jit3A_37 = arith.constant 0 : i32
    %select_n3A_38 = arith.select %jit3A_35, %jit3A_36, %jit3A_37 : i32
    %mul3A_39 = arith.constant 128 : i32
    %mul3A_40 = arith.muli %add3A_34, %mul3A_39 : i32
    %add3A_41 = arith.addi %select_n3A_38, %mul3A_40 : i32
    %add3A_42 = arith.constant 4224 : i32
    %add3A_43 = arith.addi %add3A_41, %add3A_42 : i32
    %jit3A_44 = arith.constant false
    %select_n3A_45 = arith.select %jit3A_44, %add3A_27, %min3A_22 : i32
    %min3A_46 = arith.minsi %add3A_43, %select_n3A_45 : i32
    %jit3A_47 = arith.constant false
    %jit3A_48 = arith.constant 995776 : i32
    %jit3A_49 = arith.constant 495776 : i32
    %select_n3A_50 = arith.select %jit3A_47, %jit3A_48, %jit3A_49 : i32
    %min3A_51 = arith.minsi %add3A_41, %select_n3A_50 : i32
    %dma_start3A = tpu.memref_slice %arg2[%min3A_51] : memref<2000000xf32, #tpu.memory_space<hbm>> -> memref<4224xf32, #tpu.memory_space<hbm>>
    %dma_start3A_52 = tpu.memref_slice %arg2[%min3A_51] : memref<2000000xf32, #tpu.memory_space<hbm>> -> memref<4224xf32, #tpu.memory_space<hbm>>
    tpu.enqueue_dma source(%dma_start3A_52 : memref<4224xf32, #tpu.memory_space<hbm>>) target(%arg6 : memref<4224xf32, #tpu.memory_space<vmem>>) target_semaphore(%arg20 : memref<!tpu.dma_semaphore, #tpu.memory_space<semaphore_mem>>)
    %add3A_53 = arith.constant 1000000 : i32
    %add3A_54 = arith.addi %add3A_53, %min3A_51 : i32
    %dma_start3A_55 = tpu.memref_slice %arg2[%add3A_54] : memref<2000000xf32, #tpu.memory_space<hbm>> -> memref<4224xf32, #tpu.memory_space<hbm>>
    %dma_start3A_56 = tpu.memref_slice %arg2[%add3A_54] : memref<2000000xf32, #tpu.memory_space<hbm>> -> memref<4224xf32, #tpu.memory_space<hbm>>
    tpu.enqueue_dma source(%dma_start3A_56 : memref<4224xf32, #tpu.memory_space<hbm>>) target(%arg7 : memref<4224xf32, #tpu.memory_space<vmem>>) target_semaphore(%arg20 : memref<!tpu.dma_semaphore, #tpu.memory_space<semaphore_mem>>)
    %dma_start3A_57 = tpu.memref_slice %arg3[%min3A_51] : memref<1000000xf32, #tpu.memory_space<hbm>> -> memref<4224xf32, #tpu.memory_space<hbm>>
    %dma_start3A_58 = tpu.memref_slice %arg3[%min3A_51] : memref<1000000xf32, #tpu.memory_space<hbm>> -> memref<4224xf32, #tpu.memory_space<hbm>>
    tpu.enqueue_dma source(%dma_start3A_58 : memref<4224xf32, #tpu.memory_space<hbm>>) target(%arg8 : memref<4224xf32, #tpu.memory_space<vmem>>) target_semaphore(%arg20 : memref<!tpu.dma_semaphore, #tpu.memory_space<semaphore_mem>>)
    %dma_start3A_59 = tpu.memref_slice %arg4[%min3A_51] : memref<1000000xf32, #tpu.memory_space<hbm>> -> memref<4224xf32, #tpu.memory_space<hbm>>
    %dma_start3A_60 = tpu.memref_slice %arg4[%min3A_51] : memref<1000000xf32, #tpu.memory_space<hbm>> -> memref<4224xf32, #tpu.memory_space<hbm>>
    tpu.enqueue_dma source(%dma_start3A_60 : memref<4224xf32, #tpu.memory_space<hbm>>) target(%arg9 : memref<4224xf32, #tpu.memory_space<vmem>>) target_semaphore(%arg20 : memref<!tpu.dma_semaphore, #tpu.memory_space<semaphore_mem>>)
    %scan3A = arith.constant 0 : i32
    %scan3A_61 = arith.constant 128 : i32
    %scan3A_62 = arith.addi %scan3A, %scan3A_61 : i32
    %scan3A_63 = arith.constant 1 : i32
    scf.for %scan3A_117 = %scan3A to %scan3A_62 step %scan3A_63  : i32 {
      %mul3A_118 = arith.constant 1 : i32
      %mul3A_119 = arith.muli %scan3A_117, %mul3A_118 : i32
      %add3A_120 = arith.constant 0 : i32
      %add3A_121 = arith.addi %add3A_120, %mul3A_119 : i32
      %broadcast_in_dim3A = arith.constant 0.000000e+00 : f32
      %broadcast_in_dim3A_122 = vector.broadcast %broadcast_in_dim3A : f32 to vector<16xf32>
      %mul3A_123 = arith.constant 16 : i32
      %mul3A_124 = arith.muli %add3A_121, %mul3A_123 : i32
      %swap3A = arith.index_cast %mul3A_124 : i32 to index
      %swap3A_125 = tpu.vector_load %arg18[%swap3A] {strides = array<i32>} : memref<2048xf32, #tpu.memory_space<vmem>>, vector<16xf32>,
      %swap3A_126 = vector.shape_cast %swap3A_125 : vector<16xf32> to vector<16xf32>
      %swap3A_127 = vector.shape_cast %broadcast_in_dim3A_122 : vector<16xf32> to vector<16xf32>
      tpu.vector_store %arg18[%swap3A], %swap3A_127 {strides = array<i32>} : memref<2048xf32, #tpu.memory_space<vmem>>, vector<16xf32>,
    }
    %scan3A_64 = arith.constant 128 : i32
    %mul3A_65 = arith.constant 16384 : i32
    %mul3A_66 = arith.muli %arg1, %mul3A_65 : i32
    %add3A_67 = arith.constant 0 : i32
    %add3A_68 = arith.addi %mul3A_66, %add3A_67 : i32
    "tpu.region"() ({
      %run_scoped3A = tpu.sem_alloc : memref<!tpu.dma_semaphore, #tpu.memory_space<semaphore_mem>>
      %dma_start3A_117 = tpu.memref_slice %arg19[%add3A_68] : memref<262144xf32, #tpu.memory_space<vmem_shared>> -> memref<2048xf32, #tpu.memory_space<vmem_shared>>
      %dma_start3A_118 = tpu.memref_slice %arg19[%add3A_68] : memref<262144xf32, #tpu.memory_space<vmem_shared>> -> memref<2048xf32, #tpu.memory_space<vmem_shared>>
      tpu.enqueue_dma source(%arg18 : memref<2048xf32, #tpu.memory_space<vmem>>) target(%dma_start3A_118 : memref<2048xf32, #tpu.memory_space<vmem_shared>>) target_semaphore(%run_scoped3A : memref<!tpu.dma_semaphore, #tpu.memory_space<semaphore_mem>>)
      %dma_wait3A = tpu.memref_slice %arg19[%add3A_68] : memref<262144xf32, #tpu.memory_space<vmem_shared>> -> memref<2048xf32, #tpu.memory_space<vmem_shared>>
      %dma_wait3A_119 = tpu.memref_slice %arg19[%add3A_68] : memref<262144xf32, #tpu.memory_space<vmem_shared>> -> memref<2048xf32, #tpu.memory_space<vmem_shared>>
      tpu.wait_dma2 semaphore(%run_scoped3A : memref<!tpu.dma_semaphore, #tpu.memory_space<semaphore_mem>>) src(%arg18 : memref<2048xf32, #tpu.memory_space<vmem>>) dst(%dma_wait3A_119 : memref<2048xf32, #tpu.memory_space<vmem_shared>>)
      tpu.yield
    }) : () -> ()
    %mul3A_69 = arith.constant 16384 : i32
    %mul3A_70 = arith.muli %arg1, %mul3A_69 : i32
    %add3A_71 = arith.constant 2048 : i32
    %add3A_72 = arith.addi %mul3A_70, %add3A_71 : i32
    "tpu.region"() ({
      %run_scoped3A = tpu.sem_alloc : memref<!tpu.dma_semaphore, #tpu.memory_space<semaphore_mem>>
      %dma_start3A_117 = tpu.memref_slice %arg19[%add3A_72] : memref<262144xf32, #tpu.memory_space<vmem_shared>> -> memref<2048xf32, #tpu.memory_space<vmem_shared>>
      %dma_start3A_118 = tpu.memref_slice %arg19[%add3A_72] : memref<262144xf32, #tpu.memory_space<vmem_shared>> -> memref<2048xf32, #tpu.memory_space<vmem_shared>>
      tpu.enqueue_dma source(%arg18 : memref<2048xf32, #tpu.memory_space<vmem>>) target(%dma_start3A_118 : memref<2048xf32, #tpu.memory_space<vmem_shared>>) target_semaphore(%run_scoped3A : memref<!tpu.dma_semaphore, #tpu.memory_space<semaphore_mem>>)
      %dma_wait3A = tpu.memref_slice %arg19[%add3A_72] : memref<262144xf32, #tpu.memory_space<vmem_shared>> -> memref<2048xf32, #tpu.memory_space<vmem_shared>>
      %dma_wait3A_119 = tpu.memref_slice %arg19[%add3A_72] : memref<262144xf32, #tpu.memory_space<vmem_shared>> -> memref<2048xf32, #tpu.memory_space<vmem_shared>>
      tpu.wait_dma2 semaphore(%run_scoped3A : memref<!tpu.dma_semaphore, #tpu.memory_space<semaphore_mem>>) src(%arg18 : memref<2048xf32, #tpu.memory_space<vmem>>) dst(%dma_wait3A_119 : memref<2048xf32, #tpu.memory_space<vmem_shared>>)
      tpu.yield
    }) : () -> ()
    %mul3A_73 = arith.constant 16384 : i32
    %mul3A_74 = arith.muli %arg1, %mul3A_73 : i32
    %add3A_75 = arith.constant 4096 : i32
    %add3A_76 = arith.addi %mul3A_74, %add3A_75 : i32
    "tpu.region"() ({
      %run_scoped3A = tpu.sem_alloc : memref<!tpu.dma_semaphore, #tpu.memory_space<semaphore_mem>>
      %dma_start3A_117 = tpu.memref_slice %arg19[%add3A_76] : memref<262144xf32, #tpu.memory_space<vmem_shared>> -> memref<2048xf32, #tpu.memory_space<vmem_shared>>
      %dma_start3A_118 = tpu.memref_slice %arg19[%add3A_76] : memref<262144xf32, #tpu.memory_space<vmem_shared>> -> memref<2048xf32, #tpu.memory_space<vmem_shared>>
      tpu.enqueue_dma source(%arg18 : memref<2048xf32, #tpu.memory_space<vmem>>) target(%dma_start3A_118 : memref<2048xf32, #tpu.memory_space<vmem_shared>>) target_semaphore(%run_scoped3A : memref<!tpu.dma_semaphore, #tpu.memory_space<semaphore_mem>>)
      %dma_wait3A = tpu.memref_slice %arg19[%add3A_76] : memref<262144xf32, #tpu.memory_space<vmem_shared>> -> memref<2048xf32, #tpu.memory_space<vmem_shared>>
      %dma_wait3A_119 = tpu.memref_slice %arg19[%add3A_76] : memref<262144xf32, #tpu.memory_space<vmem_shared>> -> memref<2048xf32, #tpu.memory_space<vmem_shared>>
      tpu.wait_dma2 semaphore(%run_scoped3A : memref<!tpu.dma_semaphore, #tpu.memory_space<semaphore_mem>>) src(%arg18 : memref<2048xf32, #tpu.memory_space<vmem>>) dst(%dma_wait3A_119 : memref<2048xf32, #tpu.memory_space<vmem_shared>>)
      tpu.yield
    }) : () -> ()
    %mul3A_77 = arith.constant 16384 : i32
    %mul3A_78 = arith.muli %arg1, %mul3A_77 : i32
    %add3A_79 = arith.constant 6144 : i32
    %add3A_80 = arith.addi %mul3A_78, %add3A_79 : i32
    "tpu.region"() ({
      %run_scoped3A = tpu.sem_alloc : memref<!tpu.dma_semaphore, #tpu.memory_space<semaphore_mem>>
      %dma_start3A_117 = tpu.memref_slice %arg19[%add3A_80] : memref<262144xf32, #tpu.memory_space<vmem_shared>> -> memref<2048xf32, #tpu.memory_space<vmem_shared>>
      %dma_start3A_118 = tpu.memref_slice %arg19[%add3A_80] : memref<262144xf32, #tpu.memory_space<vmem_shared>> -> memref<2048xf32, #tpu.memory_space<vmem_shared>>
      tpu.enqueue_dma source(%arg18 : memref<2048xf32, #tpu.memory_space<vmem>>) target(%dma_start3A_118 : memref<2048xf32, #tpu.memory_space<vmem_shared>>) target_semaphore(%run_scoped3A : memref<!tpu.dma_semaphore, #tpu.memory_space<semaphore_mem>>)
      %dma_wait3A = tpu.memref_slice %arg19[%add3A_80] : memref<262144xf32, #tpu.memory_space<vmem_shared>> -> memref<2048xf32, #tpu.memory_space<vmem_shared>>
      %dma_wait3A_119 = tpu.memref_slice %arg19[%add3A_80] : memref<262144xf32, #tpu.memory_space<vmem_shared>> -> memref<2048xf32, #tpu.memory_space<vmem_shared>>
      tpu.wait_dma2 semaphore(%run_scoped3A : memref<!tpu.dma_semaphore, #tpu.memory_space<semaphore_mem>>) src(%arg18 : memref<2048xf32, #tpu.memory_space<vmem>>) dst(%dma_wait3A_119 : memref<2048xf32, #tpu.memory_space<vmem_shared>>)
      tpu.yield
    }) : () -> ()
    %mul3A_81 = arith.constant 16384 : i32
    %mul3A_82 = arith.muli %arg1, %mul3A_81 : i32
    %add3A_83 = arith.constant 8192 : i32
    %add3A_84 = arith.addi %mul3A_82, %add3A_83 : i32
    "tpu.region"() ({
      %run_scoped3A = tpu.sem_alloc : memref<!tpu.dma_semaphore, #tpu.memory_space<semaphore_mem>>
      %dma_start3A_117 = tpu.memref_slice %arg19[%add3A_84] : memref<262144xf32, #tpu.memory_space<vmem_shared>> -> memref<2048xf32, #tpu.memory_space<vmem_shared>>
      %dma_start3A_118 = tpu.memref_slice %arg19[%add3A_84] : memref<262144xf32, #tpu.memory_space<vmem_shared>> -> memref<2048xf32, #tpu.memory_space<vmem_shared>>
      tpu.enqueue_dma source(%arg18 : memref<2048xf32, #tpu.memory_space<vmem>>) target(%dma_start3A_118 : memref<2048xf32, #tpu.memory_space<vmem_shared>>) target_semaphore(%run_scoped3A : memref<!tpu.dma_semaphore, #tpu.memory_space<semaphore_mem>>)
      %dma_wait3A = tpu.memref_slice %arg19[%add3A_84] : memref<262144xf32, #tpu.memory_space<vmem_shared>> -> memref<2048xf32, #tpu.memory_space<vmem_shared>>
      %dma_wait3A_119 = tpu.memref_slice %arg19[%add3A_84] : memref<262144xf32, #tpu.memory_space<vmem_shared>> -> memref<2048xf32, #tpu.memory_space<vmem_shared>>
      tpu.wait_dma2 semaphore(%run_scoped3A : memref<!tpu.dma_semaphore, #tpu.memory_space<semaphore_mem>>) src(%arg18 : memref<2048xf32, #tpu.memory_space<vmem>>) dst(%dma_wait3A_119 : memref<2048xf32, #tpu.memory_space<vmem_shared>>)
      tpu.yield
    }) : () -> ()
    %mul3A_85 = arith.constant 16384 : i32
    %mul3A_86 = arith.muli %arg1, %mul3A_85 : i32
    %add3A_87 = arith.constant 10240 : i32
    %add3A_88 = arith.addi %mul3A_86, %add3A_87 : i32
    "tpu.region"() ({
      %run_scoped3A = tpu.sem_alloc : memref<!tpu.dma_semaphore, #tpu.memory_space<semaphore_mem>>
      %dma_start3A_117 = tpu.memref_slice %arg19[%add3A_88] : memref<262144xf32, #tpu.memory_space<vmem_shared>> -> memref<2048xf32, #tpu.memory_space<vmem_shared>>
      %dma_start3A_118 = tpu.memref_slice %arg19[%add3A_88] : memref<262144xf32, #tpu.memory_space<vmem_shared>> -> memref<2048xf32, #tpu.memory_space<vmem_shared>>
      tpu.enqueue_dma source(%arg18 : memref<2048xf32, #tpu.memory_space<vmem>>) target(%dma_start3A_118 : memref<2048xf32, #tpu.memory_space<vmem_shared>>) target_semaphore(%run_scoped3A : memref<!tpu.dma_semaphore, #tpu.memory_space<semaphore_mem>>)
      %dma_wait3A = tpu.memref_slice %arg19[%add3A_88] : memref<262144xf32, #tpu.memory_space<vmem_shared>> -> memref<2048xf32, #tpu.memory_space<vmem_shared>>
      %dma_wait3A_119 = tpu.memref_slice %arg19[%add3A_88] : memref<262144xf32, #tpu.memory_space<vmem_shared>> -> memref<2048xf32, #tpu.memory_space<vmem_shared>>
      tpu.wait_dma2 semaphore(%run_scoped3A : memref<!tpu.dma_semaphore, #tpu.memory_space<semaphore_mem>>) src(%arg18 : memref<2048xf32, #tpu.memory_space<vmem>>) dst(%dma_wait3A_119 : memref<2048xf32, #tpu.memory_space<vmem_shared>>)
      tpu.yield
    }) : () -> ()
    %mul3A_89 = arith.constant 16384 : i32
    %mul3A_90 = arith.muli %arg1, %mul3A_89 : i32
    %add3A_91 = arith.constant 12288 : i32
    %add3A_92 = arith.addi %mul3A_90, %add3A_91 : i32
    "tpu.region"() ({
      %run_scoped3A = tpu.sem_alloc : memref<!tpu.dma_semaphore, #tpu.memory_space<semaphore_mem>>
      %dma_start3A_117 = tpu.memref_slice %arg19[%add3A_92] : memref<262144xf32, #tpu.memory_space<vmem_shared>> -> memref<2048xf32, #tpu.memory_space<vmem_shared>>
      %dma_start3A_118 = tpu.memref_slice %arg19[%add3A_92] : memref<262144xf32, #tpu.memory_space<vmem_shared>> -> memref<2048xf32, #tpu.memory_space<vmem_shared>>
      tpu.enqueue_dma source(%arg18 : memref<2048xf32, #tpu.memory_space<vmem>>) target(%dma_start3A_118 : memref<2048xf32, #tpu.memory_space<vmem_shared>>) target_semaphore(%run_scoped3A : memref<!tpu.dma_semaphore, #tpu.memory_space<semaphore_mem>>)
      %dma_wait3A = tpu.memref_slice %arg19[%add3A_92] : memref<262144xf32, #tpu.memory_space<vmem_shared>> -> memref<2048xf32, #tpu.memory_space<vmem_shared>>
      %dma_wait3A_119 = tpu.memref_slice %arg19[%add3A_92] : memref<262144xf32, #tpu.memory_space<vmem_shared>> -> memref<2048xf32, #tpu.memory_space<vmem_shared>>
      tpu.wait_dma2 semaphore(%run_scoped3A : memref<!tpu.dma_semaphore, #tpu.memory_space<semaphore_mem>>) src(%arg18 : memref<2048xf32, #tpu.memory_space<vmem>>) dst(%dma_wait3A_119 : memref<2048xf32, #tpu.memory_space<vmem_shared>>)
      tpu.yield
    }) : () -> ()
    %mul3A_93 = arith.constant 16384 : i32
    %mul3A_94 = arith.muli %arg1, %mul3A_93 : i32
    %add3A_95 = arith.constant 14336 : i32
    %add3A_96 = arith.addi %mul3A_94, %add3A_95 : i32
    "tpu.region"() ({
      %run_scoped3A = tpu.sem_alloc : memref<!tpu.dma_semaphore, #tpu.memory_space<semaphore_mem>>
      %dma_start3A_117 = tpu.memref_slice %arg19[%add3A_96] : memref<262144xf32, #tpu.memory_space<vmem_shared>> -> memref<2048xf32, #tpu.memory_space<vmem_shared>>
      %dma_start3A_118 = tpu.memref_slice %arg19[%add3A_96] : memref<262144xf32, #tpu.memory_space<vmem_shared>> -> memref<2048xf32, #tpu.memory_space<vmem_shared>>
      tpu.enqueue_dma source(%arg18 : memref<2048xf32, #tpu.memory_space<vmem>>) target(%dma_start3A_118 : memref<2048xf32, #tpu.memory_space<vmem_shared>>) target_semaphore(%run_scoped3A : memref<!tpu.dma_semaphore, #tpu.memory_space<semaphore_mem>>)
      %dma_wait3A = tpu.memref_slice %arg19[%add3A_96] : memref<262144xf32, #tpu.memory_space<vmem_shared>> -> memref<2048xf32, #tpu.memory_space<vmem_shared>>
      %dma_wait3A_119 = tpu.memref_slice %arg19[%add3A_96] : memref<262144xf32, #tpu.memory_space<vmem_shared>> -> memref<2048xf32, #tpu.memory_space<vmem_shared>>
      tpu.wait_dma2 semaphore(%run_scoped3A : memref<!tpu.dma_semaphore, #tpu.memory_space<semaphore_mem>>) src(%arg18 : memref<2048xf32, #tpu.memory_space<vmem>>) dst(%dma_wait3A_119 : memref<2048xf32, #tpu.memory_space<vmem_shared>>)
      tpu.yield
    }) : () -> ()
    %barrier3A = arith.constant 0 : index
    tpu.barrier barrier_id(%barrier3A)
    %scan3A_97 = arith.constant 0 : i32
    %scan3A_98 = arith.constant 4 : i32
    %scan3A_99 = arith.addi %scan3A_97, %scan3A_98 : i32
    %scan3A_100 = arith.constant 1 : i32
    scf.for %scan3A_117 = %scan3A_97 to %scan3A_99 step %scan3A_100  : i32 {
      %mul3A_118 = arith.constant 2 : i32
      %mul3A_119 = arith.muli %scan3A_117, %mul3A_118 : i32
      %add3A_120 = arith.constant 0 : i32
      %add3A_121 = arith.addi %add3A_120, %mul3A_119 : i32
      %add3A_122 = arith.constant 0 : i32
      %add3A_123 = arith.addi %add3A_121, %add3A_122 : i32
      %lt3A_124 = arith.constant 7 : i32
      %lt3A_125 = arith.cmpi slt, %add3A_123, %lt3A_124 : i32
      %convert_element_type3A_126 = arith.extui %lt3A_125 : i1 to i32
      %cond3A = arith.constant 0 : i32
      %cond3A_127 = arith.cmpi ne, %convert_element_type3A_126, %cond3A : i32
      scf.if %cond3A_127 {
        %ge3A = arith.constant 4 : i32
        %ge3A_135 = arith.cmpi sge, %add3A_123, %ge3A : i32
        %sub3A = arith.constant 4 : i32
        %sub3A_136 = arith.subi %add3A_123, %sub3A : i32
        %select_n3A_137 = arith.select %ge3A_135, %sub3A_136, %add3A_123 : i32
        %select_n3A_138 = arith.select %ge3A_135, %add3A_12, %add3A_4 : i32
        %mul3A_139 = arith.constant 33 : i32
        %mul3A_140 = arith.muli %select_n3A_137, %mul3A_139 : i32
        %add3A_141 = arith.addi %select_n3A_138, %mul3A_140 : i32
        %jit3A_142 = arith.constant 600000 : i32
        %jit3A_143 = arith.constant 0 : i32
        %select_n3A_144 = arith.select %ge3A_135, %jit3A_142, %jit3A_143 : i32
        %mul3A_145 = arith.constant 128 : i32
        %mul3A_146 = arith.muli %add3A_141, %mul3A_145 : i32
        %add3A_147 = arith.addi %select_n3A_144, %mul3A_146 : i32
        %add3A_148 = arith.constant 4224 : i32
        %add3A_149 = arith.addi %add3A_147, %add3A_148 : i32
        %select_n3A_150 = arith.select %ge3A_135, %add3A_27, %min3A_22 : i32
        %min3A_151 = arith.minsi %add3A_149, %select_n3A_150 : i32
        %jit3A_152 = arith.constant 995776 : i32
        %jit3A_153 = arith.constant 495776 : i32
        %select_n3A_154 = arith.select %ge3A_135, %jit3A_152, %jit3A_153 : i32
        %min3A_155 = arith.minsi %add3A_147, %select_n3A_154 : i32
        %dma_wait3A = tpu.memref_slice %arg2[%min3A_155] : memref<2000000xf32, #tpu.memory_space<hbm>> -> memref<4224xf32, #tpu.memory_space<hbm>>
        %dma_wait3A_156 = tpu.memref_slice %arg2[%min3A_155] : memref<2000000xf32, #tpu.memory_space<hbm>> -> memref<4224xf32, #tpu.memory_space<hbm>>
        tpu.wait_dma2 semaphore(%arg20 : memref<!tpu.dma_semaphore, #tpu.memory_space<semaphore_mem>>) src(%dma_wait3A_156 : memref<4224xf32, #tpu.memory_space<hbm>>) dst(%arg6 : memref<4224xf32, #tpu.memory_space<vmem>>)
        %add3A_157 = arith.constant 1000000 : i32
        %add3A_158 = arith.addi %add3A_157, %min3A_155 : i32
        %dma_wait3A_159 = tpu.memref_slice %arg2[%add3A_158] : memref<2000000xf32, #tpu.memory_space<hbm>> -> memref<4224xf32, #tpu.memory_space<hbm>>
        %dma_wait3A_160 = tpu.memref_slice %arg2[%add3A_158] : memref<2000000xf32, #tpu.memory_space<hbm>> -> memref<4224xf32, #tpu.memory_space<hbm>>
        tpu.wait_dma2 semaphore(%arg20 : memref<!tpu.dma_semaphore, #tpu.memory_space<semaphore_mem>>) src(%dma_wait3A_160 : memref<4224xf32, #tpu.memory_space<hbm>>) dst(%arg7 : memref<4224xf32, #tpu.memory_space<vmem>>)
        %dma_wait3A_161 = tpu.memref_slice %arg3[%min3A_155] : memref<1000000xf32, #tpu.memory_space<hbm>> -> memref<4224xf32, #tpu.memory_space<hbm>>
        %dma_wait3A_162 = tpu.memref_slice %arg3[%min3A_155] : memref<1000000xf32, #tpu.memory_space<hbm>> -> memref<4224xf32, #tpu.memory_space<hbm>>
        tpu.wait_dma2 semaphore(%arg20 : memref<!tpu.dma_semaphore, #tpu.memory_space<semaphore_mem>>) src(%dma_wait3A_162 : memref<4224xf32, #tpu.memory_space<hbm>>) dst(%arg8 : memref<4224xf32, #tpu.memory_space<vmem>>)
        %dma_wait3A_163 = tpu.memref_slice %arg4[%min3A_155] : memref<1000000xf32, #tpu.memory_space<hbm>> -> memref<4224xf32, #tpu.memory_space<hbm>>
        %dma_wait3A_164 = tpu.memref_slice %arg4[%min3A_155] : memref<1000000xf32, #tpu.memory_space<hbm>> -> memref<4224xf32, #tpu.memory_space<hbm>>
        tpu.wait_dma2 semaphore(%arg20 : memref<!tpu.dma_semaphore, #tpu.memory_space<semaphore_mem>>) src(%dma_wait3A_164 : memref<4224xf32, #tpu.memory_space<hbm>>) dst(%arg9 : memref<4224xf32, #tpu.memory_space<vmem>>)
        %lt3A_165 = arith.constant 6 : i32
        %lt3A_166 = arith.cmpi slt, %add3A_123, %lt3A_165 : i32
        %convert_element_type3A_167 = arith.extui %lt3A_166 : i1 to i32
        %cond3A_168 = arith.constant 0 : i32
        %cond3A_169 = arith.cmpi ne, %convert_element_type3A_167, %cond3A_168 : i32
        scf.if %cond3A_169 {
          %add3A_208 = arith.constant 1 : i32
          %add3A_209 = arith.addi %add3A_123, %add3A_208 : i32
          %ge3A_210 = arith.constant 4 : i32
          %ge3A_211 = arith.cmpi sge, %add3A_209, %ge3A_210 : i32
          %sub3A_212 = arith.constant 4 : i32
          %sub3A_213 = arith.subi %add3A_209, %sub3A_212 : i32
          %select_n3A_214 = arith.select %ge3A_211, %sub3A_213, %add3A_209 : i32
          %select_n3A_215 = arith.select %ge3A_211, %add3A_12, %add3A_4 : i32
          %mul3A_216 = arith.constant 33 : i32
          %mul3A_217 = arith.muli %select_n3A_214, %mul3A_216 : i32
          %add3A_218 = arith.addi %select_n3A_215, %mul3A_217 : i32
          %jit3A_219 = arith.constant 600000 : i32
          %jit3A_220 = arith.constant 0 : i32
          %select_n3A_221 = arith.select %ge3A_211, %jit3A_219, %jit3A_220 : i32
          %mul3A_222 = arith.constant 128 : i32
          %mul3A_223 = arith.muli %add3A_218, %mul3A_222 : i32
          %add3A_224 = arith.addi %select_n3A_221, %mul3A_223 : i32
          %add3A_225 = arith.constant 4224 : i32
          %add3A_226 = arith.addi %add3A_224, %add3A_225 : i32
          %select_n3A_227 = arith.select %ge3A_211, %add3A_27, %min3A_22 : i32
          %min3A_228 = arith.minsi %add3A_226, %select_n3A_227 : i32
          %jit3A_229 = arith.constant 995776 : i32
          %jit3A_230 = arith.constant 495776 : i32
          %select_n3A_231 = arith.select %ge3A_211, %jit3A_229, %jit3A_230 : i32
          %min3A_232 = arith.minsi %add3A_224, %select_n3A_231 : i32
          %dma_start3A_233 = tpu.memref_slice %arg2[%min3A_232] : memref<2000000xf32, #tpu.memory_space<hbm>> -> memref<4224xf32, #tpu.memory_space<hbm>>
          %dma_start3A_234 = tpu.memref_slice %arg2[%min3A_232] : memref<2000000xf32, #tpu.memory_space<hbm>> -> memref<4224xf32, #tpu.memory_space<hbm>>
          tpu.enqueue_dma source(%dma_start3A_234 : memref<4224xf32, #tpu.memory_space<hbm>>) target(%arg10 : memref<4224xf32, #tpu.memory_space<vmem>>) target_semaphore(%arg21 : memref<!tpu.dma_semaphore, #tpu.memory_space<semaphore_mem>>)
          %add3A_235 = arith.constant 1000000 : i32
          %add3A_236 = arith.addi %add3A_235, %min3A_232 : i32
          %dma_start3A_237 = tpu.memref_slice %arg2[%add3A_236] : memref<2000000xf32, #tpu.memory_space<hbm>> -> memref<4224xf32, #tpu.memory_space<hbm>>
          %dma_start3A_238 = tpu.memref_slice %arg2[%add3A_236] : memref<2000000xf32, #tpu.memory_space<hbm>> -> memref<4224xf32, #tpu.memory_space<hbm>>
          tpu.enqueue_dma source(%dma_start3A_238 : memref<4224xf32, #tpu.memory_space<hbm>>) target(%arg11 : memref<4224xf32, #tpu.memory_space<vmem>>) target_semaphore(%arg21 : memref<!tpu.dma_semaphore, #tpu.memory_space<semaphore_mem>>)
          %dma_start3A_239 = tpu.memref_slice %arg3[%min3A_232] : memref<1000000xf32, #tpu.memory_space<hbm>> -> memref<4224xf32, #tpu.memory_space<hbm>>
          %dma_start3A_240 = tpu.memref_slice %arg3[%min3A_232] : memref<1000000xf32, #tpu.memory_space<hbm>> -> memref<4224xf32, #tpu.memory_space<hbm>>
          tpu.enqueue_dma source(%dma_start3A_240 : memref<4224xf32, #tpu.memory_space<hbm>>) target(%arg12 : memref<4224xf32, #tpu.memory_space<vmem>>) target_semaphore(%arg21 : memref<!tpu.dma_semaphore, #tpu.memory_space<semaphore_mem>>)
          %dma_start3A_241 = tpu.memref_slice %arg4[%min3A_232] : memref<1000000xf32, #tpu.memory_space<hbm>> -> memref<4224xf32, #tpu.memory_space<hbm>>
          %dma_start3A_242 = tpu.memref_slice %arg4[%min3A_232] : memref<1000000xf32, #tpu.memory_space<hbm>> -> memref<4224xf32, #tpu.memory_space<hbm>>
          tpu.enqueue_dma source(%dma_start3A_242 : memref<4224xf32, #tpu.memory_space<hbm>>) target(%arg13 : memref<4224xf32, #tpu.memory_space<vmem>>) target_semaphore(%arg21 : memref<!tpu.dma_semaphore, #tpu.memory_space<semaphore_mem>>)
        } else {
        }
        %ge3A_170 = arith.constant 2 : i32
        %ge3A_171 = arith.cmpi sge, %add3A_123, %ge3A_170 : i32
        %convert_element_type3A_172 = arith.extui %ge3A_171 : i1 to i32
        %cond3A_173 = arith.constant 0 : i32
        %cond3A_174 = arith.cmpi ne, %convert_element_type3A_172, %cond3A_173 : i32
        scf.if %cond3A_174 {
          %scan3A_208 = arith.constant 0 : i32
          %scan3A_209 = arith.constant 132 : i32
          %scan3A_210 = arith.addi %scan3A_208, %scan3A_209 : i32
          %scan3A_211 = arith.constant 1 : i32
          scf.for %scan3A_213 = %scan3A_208 to %scan3A_210 step %scan3A_211  : i32 {
            %mul3A_214 = arith.constant 1 : i32
            %mul3A_215 = arith.muli %scan3A_213, %mul3A_214 : i32
            %add3A_216 = arith.constant 0 : i32
            %add3A_217 = arith.addi %add3A_216, %mul3A_215 : i32
            %dma_wait3A_218 = arith.constant 0 : i32
            %dma_wait3A_219 = tpu.memref_slice %arg15[%add3A_217, %dma_wait3A_218] : memref<132x128xf32, #tpu.memory_space<vmem>> -> memref<1x128xf32, #tpu.memory_space<vmem>>
            %dma_wait3A_220 = tpu.memref_squeeze %dma_wait3A_219 : memref<1x128xf32, #tpu.memory_space<vmem>> -> memref<128xf32, #tpu.memory_space<vmem>>
            %dma_wait3A_221 = arith.constant 0 : i32
            %dma_wait3A_222 = tpu.memref_slice %arg14[%add3A_217, %dma_wait3A_221] : memref<132x128xi32, #tpu.memory_space<vmem>> -> memref<1x128xi32, #tpu.memory_space<vmem>>
            %dma_wait3A_223 = tpu.memref_squeeze %dma_wait3A_222 : memref<1x128xi32, #tpu.memory_space<vmem>> -> memref<128xi32, #tpu.memory_space<vmem>>
            %dma_wait3A_224 = arith.constant 0 : i32
            %dma_wait3A_225 = tpu.memref_slice %arg19[%dma_wait3A_224] : memref<262144xf32, #tpu.memory_space<vmem_shared>> -> memref<262144xf32, #tpu.memory_space<vmem_shared>>
            tpu.wait_indirect_dma semaphore(%arg22 : memref<!tpu.dma_semaphore, #tpu.memory_space<semaphore_mem>>) src(%dma_wait3A_220 : memref<128xf32, #tpu.memory_space<vmem>>) dst(%dma_wait3A_225 : memref<262144xf32, #tpu.memory_space<vmem_shared>>)
          }
          %scan3A_212 = arith.constant 132 : i32
        } else {
        }
        %ge3A_175 = arith.constant 4 : i32
        %ge3A_176 = arith.cmpi sge, %add3A_123, %ge3A_175 : i32
        %sub3A_177 = arith.constant 4 : i32
        %sub3A_178 = arith.subi %add3A_123, %sub3A_177 : i32
        %select_n3A_179 = arith.select %ge3A_176, %sub3A_178, %add3A_123 : i32
        %select_n3A_180 = arith.select %ge3A_176, %add3A_12, %add3A_4 : i32
        %mul3A_181 = arith.constant 33 : i32
        %mul3A_182 = arith.muli %select_n3A_179, %mul3A_181 : i32
        %add3A_183 = arith.addi %select_n3A_180, %mul3A_182 : i32
        %jit3A_184 = arith.constant 600000 : i32
        %jit3A_185 = arith.constant 0 : i32
        %select_n3A_186 = arith.select %ge3A_176, %jit3A_184, %jit3A_185 : i32
        %mul3A_187 = arith.constant 128 : i32
        %mul3A_188 = arith.muli %add3A_183, %mul3A_187 : i32
        %add3A_189 = arith.addi %select_n3A_186, %mul3A_188 : i32
        %add3A_190 = arith.constant 4224 : i32
        %add3A_191 = arith.addi %add3A_189, %add3A_190 : i32
        %select_n3A_192 = arith.select %ge3A_176, %add3A_27, %min3A_22 : i32
        %min3A_193 = arith.minsi %add3A_191, %select_n3A_192 : i32
        %jit3A_194 = arith.constant 995776 : i32
        %jit3A_195 = arith.constant 495776 : i32
        %select_n3A_196 = arith.select %ge3A_176, %jit3A_194, %jit3A_195 : i32
        %min3A_197 = arith.minsi %add3A_189, %select_n3A_196 : i32
        %iota3A = tpu.iota {dimensions = array<i32: 0>} : vector<16xi32>
        %scan3A_198 = arith.constant 0 : i32
        %scan3A_199 = arith.constant 33 : i32
        %scan3A_200 = arith.addi %scan3A_198, %scan3A_199 : i32
        %scan3A_201 = arith.constant 1 : i32
        scf.for %scan3A_208 = %scan3A_198 to %scan3A_200 step %scan3A_201  : i32 {
          %mul3A_209 = arith.constant 1 : i32
          %mul3A_210 = arith.muli %scan3A_208, %mul3A_209 : i32
          %add3A_211 = arith.constant 0 : i32
          %add3A_212 = arith.addi %add3A_211, %mul3A_210 : i32
          %mul3A_213 = arith.constant 128 : i32
          %mul3A_214 = arith.muli %add3A_212, %mul3A_213 : i32
          %add3A_215 = arith.constant 0 : i32
          %add3A_216 = arith.addi %mul3A_214, %add3A_215 : i32
          %get3A = arith.index_cast %add3A_216 : i32 to index
          %get3A_217 = tpu.vector_load %arg6[%get3A] {strides = array<i32>} : memref<4224xf32, #tpu.memory_space<vmem>>, vector<16xf32>,
          %get3A_218 = vector.shape_cast %get3A_217 : vector<16xf32> to vector<16xf32>
          %get3A_219 = arith.index_cast %add3A_216 : i32 to index
          %get3A_220 = tpu.vector_load %arg7[%get3A_219] {strides = array<i32>} : memref<4224xf32, #tpu.memory_space<vmem>>, vector<16xf32>,
          %get3A_221 = vector.shape_cast %get3A_220 : vector<16xf32> to vector<16xf32>
          %get3A_222 = arith.index_cast %add3A_216 : i32 to index
          %get3A_223 = tpu.vector_load %arg8[%get3A_222] {strides = array<i32>} : memref<4224xf32, #tpu.memory_space<vmem>>, vector<16xf32>,
          %get3A_224 = vector.shape_cast %get3A_223 : vector<16xf32> to vector<16xf32>
          %get3A_225 = arith.index_cast %add3A_216 : i32 to index
          %get3A_226 = tpu.vector_load %arg9[%get3A_225] {strides = array<i32>} : memref<4224xf32, #tpu.memory_space<vmem>>, vector<16xf32>,
          %get3A_227 = vector.shape_cast %get3A_226 : vector<16xf32> to vector<16xf32>
          %add3A_228 = arith.addi %min3A_197, %add3A_216 : i32
          %add3A_229 = vector.broadcast %add3A_228 : i32 to vector<16xi32>
          %add3A_230 = arith.addi %add3A_229, %iota3A : vector<16xi32>
          %ge3A_231 = vector.broadcast %add3A_189 : i32 to vector<16xi32>
          %ge3A_232 = arith.cmpi sge, %add3A_230, %ge3A_231 : vector<16xi32>
          %lt3A_233 = vector.broadcast %min3A_193 : i32 to vector<16xi32>
          %lt3A_234 = arith.cmpi slt, %add3A_230, %lt3A_233 : vector<16xi32>
          %and3A = arith.andi %ge3A_232, %lt3A_234 : vector<16xi1>
          %mul3A_235 = arith.constant 5.000000e-01 : f32
          %mul3A_236 = vector.broadcast %mul3A_235 : f32 to vector<16xf32>
          %mul3A_237 = arith.mulf %mul3A_236, %get3A_224 : vector<16xf32>
          %add3A_238 = arith.addf %get3A_218, %mul3A_237 : vector<16xf32>
          %sub3A_239 = arith.constant 5.000000e-01 : f32
          %sub3A_240 = vector.broadcast %sub3A_239 : f32 to vector<16xf32>
          %sub3A_241 = arith.subf %add3A_238, %sub3A_240 : vector<16xf32>
          %mul3A_242 = arith.constant 5.000000e-01 : f32
          %mul3A_243 = vector.broadcast %mul3A_242 : f32 to vector<16xf32>
          %mul3A_244 = arith.mulf %mul3A_243, %get3A_227 : vector<16xf32>
          %add3A_245 = arith.addf %get3A_221, %mul3A_244 : vector<16xf32>
          %sub3A_246 = arith.constant 5.000000e-01 : f32
          %sub3A_247 = vector.broadcast %sub3A_246 : f32 to vector<16xf32>
          %sub3A_248 = arith.subf %add3A_245, %sub3A_247 : vector<16xf32>
          %convert_element_type3A_249 = arith.fptosi %sub3A_241 : vector<16xf32> to vector<16xi32>
          %convert_element_type3A_250 = arith.fptosi %sub3A_248 : vector<16xf32> to vector<16xi32>
          %convert_element_type3A_251 = arith.sitofp %convert_element_type3A_249 : vector<16xi32> to vector<16xf32>
          %sub3A_252 = arith.subf %sub3A_241, %convert_element_type3A_251 : vector<16xf32>
          %convert_element_type3A_253 = arith.sitofp %convert_element_type3A_250 : vector<16xi32> to vector<16xf32>
          %sub3A_254 = arith.subf %sub3A_248, %convert_element_type3A_253 : vector<16xf32>
          %min3A_255 = arith.constant 511 : i32
          %min3A_256 = vector.broadcast %min3A_255 : i32 to vector<16xi32>
          %min3A_257 = arith.minsi %convert_element_type3A_249, %min3A_256 : vector<16xi32>
          %min3A_258 = arith.constant 511 : i32
          %min3A_259 = vector.broadcast %min3A_258 : i32 to vector<16xi32>
          %min3A_260 = arith.minsi %convert_element_type3A_250, %min3A_259 : vector<16xi32>
          %add3A_261 = arith.constant 1 : i32
          %add3A_262 = vector.broadcast %add3A_261 : i32 to vector<16xi32>
          %add3A_263 = arith.addi %convert_element_type3A_249, %add3A_262 : vector<16xi32>
          %min3A_264 = arith.constant 511 : i32
          %min3A_265 = vector.broadcast %min3A_264 : i32 to vector<16xi32>
          %min3A_266 = arith.minsi %add3A_263, %min3A_265 : vector<16xi32>
          %add3A_267 = arith.constant 1 : i32
          %add3A_268 = vector.broadcast %add3A_267 : i32 to vector<16xi32>
          %add3A_269 = arith.addi %convert_element_type3A_250, %add3A_268 : vector<16xi32>
          %min3A_270 = arith.constant 511 : i32
          %min3A_271 = vector.broadcast %min3A_270 : i32 to vector<16xi32>
          %min3A_272 = arith.minsi %add3A_269, %min3A_271 : vector<16xi32>
          %mul3A_273 = arith.mulf %get3A_224, %get3A_227 : vector<16xf32>
          %jit3A_274 = arith.constant 0.000000e+00 : f32
          %broadcast_in_dim3A = vector.broadcast %jit3A_274 : f32 to vector<16xf32>
          %select_n3A_275 = arith.select %and3A, %mul3A_273, %broadcast_in_dim3A : vector<16xi1>, vector<16xf32>
          %sub3A_276 = arith.constant 1.000000e+00 : f32
          %sub3A_277 = vector.broadcast %sub3A_276 : f32 to vector<16xf32>
          %sub3A_278 = arith.subf %sub3A_277, %sub3A_252 : vector<16xf32>
          %mul3A_279 = arith.mulf %select_n3A_275, %sub3A_278 : vector<16xf32>
          %mul3A_280 = arith.mulf %select_n3A_275, %sub3A_252 : vector<16xf32>
          %mul3A_281 = arith.constant 512 : i32
          %mul3A_282 = vector.broadcast %mul3A_281 : i32 to vector<16xi32>
          %mul3A_283 = arith.muli %min3A_257, %mul3A_282 : vector<16xi32>
          %mul3A_284 = arith.constant 512 : i32
          %mul3A_285 = vector.broadcast %mul3A_284 : i32 to vector<16xi32>
          %mul3A_286 = arith.muli %min3A_266, %mul3A_285 : vector<16xi32>
          %add3A_287 = arith.addi %mul3A_283, %min3A_260 : vector<16xi32>
          %swap3A = arith.index_cast %add3A_212 : i32 to index
          %swap3A_288 = arith.constant 0 : index
          %swap3A_289 = tpu.vector_load %arg14[%swap3A, %swap3A_288] {strides = array<i32>} : memref<132x128xi32, #tpu.memory_space<vmem>>, vector<1x16xi32>,
          %swap3A_290 = vector.shape_cast %swap3A_289 : vector<1x16xi32> to vector<16xi32>
          %swap3A_291 = vector.shape_cast %add3A_287 : vector<16xi32> to vector<1x16xi32>
          tpu.vector_store %arg14[%swap3A, %swap3A_288], %swap3A_291 {strides = array<i32>} : memref<132x128xi32, #tpu.memory_space<vmem>>, vector<1x16xi32>,
          %add3A_292 = arith.addi %mul3A_283, %min3A_272 : vector<16xi32>
          %add3A_293 = arith.constant 33 : i32
          %add3A_294 = arith.addi %add3A_293, %add3A_212 : i32
          %swap3A_295 = arith.index_cast %add3A_294 : i32 to index
          %swap3A_296 = arith.constant 0 : index
          %swap3A_297 = tpu.vector_load %arg14[%swap3A_295, %swap3A_296] {strides = array<i32>} : memref<132x128xi32, #tpu.memory_space<vmem>>, vector<1x16xi32>,
          %swap3A_298 = vector.shape_cast %swap3A_297 : vector<1x16xi32> to vector<16xi32>
          %swap3A_299 = vector.shape_cast %add3A_292 : vector<16xi32> to vector<1x16xi32>
          tpu.vector_store %arg14[%swap3A_295, %swap3A_296], %swap3A_299 {strides = array<i32>} : memref<132x128xi32, #tpu.memory_space<vmem>>, vector<1x16xi32>,
          %add3A_300 = arith.addi %mul3A_286, %min3A_260 : vector<16xi32>
          %add3A_301 = arith.constant 66 : i32
          %add3A_302 = arith.addi %add3A_301, %add3A_212 : i32
          %swap3A_303 = arith.index_cast %add3A_302 : i32 to index
          %swap3A_304 = arith.constant 0 : index
          %swap3A_305 = tpu.vector_load %arg14[%swap3A_303, %swap3A_304] {strides = array<i32>} : memref<132x128xi32, #tpu.memory_space<vmem>>, vector<1x16xi32>,
          %swap3A_306 = vector.shape_cast %swap3A_305 : vector<1x16xi32> to vector<16xi32>
          %swap3A_307 = vector.shape_cast %add3A_300 : vector<16xi32> to vector<1x16xi32>
          tpu.vector_store %arg14[%swap3A_303, %swap3A_304], %swap3A_307 {strides = array<i32>} : memref<132x128xi32, #tpu.memory_space<vmem>>, vector<1x16xi32>,
          %add3A_308 = arith.addi %mul3A_286, %min3A_272 : vector<16xi32>
          %add3A_309 = arith.constant 99 : i32
          %add3A_310 = arith.addi %add3A_309, %add3A_212 : i32
          %swap3A_311 = arith.index_cast %add3A_310 : i32 to index
          %swap3A_312 = arith.constant 0 : index
          %swap3A_313 = tpu.vector_load %arg14[%swap3A_311, %swap3A_312] {strides = array<i32>} : memref<132x128xi32, #tpu.memory_space<vmem>>, vector<1x16xi32>,
          %swap3A_314 = vector.shape_cast %swap3A_313 : vector<1x16xi32> to vector<16xi32>
          %swap3A_315 = vector.shape_cast %add3A_308 : vector<16xi32> to vector<1x16xi32>
          tpu.vector_store %arg14[%swap3A_311, %swap3A_312], %swap3A_315 {strides = array<i32>} : memref<132x128xi32, #tpu.memory_space<vmem>>, vector<1x16xi32>,
          %sub3A_316 = arith.constant 1.000000e+00 : f32
          %sub3A_317 = vector.broadcast %sub3A_316 : f32 to vector<16xf32>
          %sub3A_318 = arith.subf %sub3A_317, %sub3A_254 : vector<16xf32>
          %mul3A_319 = arith.mulf %mul3A_279, %sub3A_318 : vector<16xf32>
          %swap3A_320 = arith.index_cast %add3A_212 : i32 to index
          %swap3A_321 = arith.constant 0 : index
          %swap3A_322 = tpu.vector_load %arg15[%swap3A_320, %swap3A_321] {strides = array<i32>} : memref<132x128xf32, #tpu.memory_space<vmem>>, vector<1x16xf32>,
          %swap3A_323 = vector.shape_cast %swap3A_322 : vector<1x16xf32> to vector<16xf32>
          %swap3A_324 = vector.shape_cast %mul3A_319 : vector<16xf32> to vector<1x16xf32>
          tpu.vector_store %arg15[%swap3A_320, %swap3A_321], %swap3A_324 {strides = array<i32>} : memref<132x128xf32, #tpu.memory_space<vmem>>, vector<1x16xf32>,
          %mul3A_325 = arith.mulf %mul3A_279, %sub3A_254 : vector<16xf32>
          %add3A_326 = arith.constant 33 : i32
          %add3A_327 = arith.addi %add3A_326, %add3A_212 : i32
          %swap3A_328 = arith.index_cast %add3A_327 : i32 to index
          %swap3A_329 = arith.constant 0 : index
          %swap3A_330 = tpu.vector_load %arg15[%swap3A_328, %swap3A_329] {strides = array<i32>} : memref<132x128xf32, #tpu.memory_space<vmem>>, vector<1x16xf32>,
          %swap3A_331 = vector.shape_cast %swap3A_330 : vector<1x16xf32> to vector<16xf32>
          %swap3A_332 = vector.shape_cast %mul3A_325 : vector<16xf32> to vector<1x16xf32>
          tpu.vector_store %arg15[%swap3A_328, %swap3A_329], %swap3A_332 {strides = array<i32>} : memref<132x128xf32, #tpu.memory_space<vmem>>, vector<1x16xf32>,
          %sub3A_333 = arith.constant 1.000000e+00 : f32
          %sub3A_334 = vector.broadcast %sub3A_333 : f32 to vector<16xf32>
          %sub3A_335 = arith.subf %sub3A_334, %sub3A_254 : vector<16xf32>
          %mul3A_336 = arith.mulf %mul3A_280, %sub3A_335 : vector<16xf32>
          %add3A_337 = arith.constant 66 : i32
          %add3A_338 = arith.addi %add3A_337, %add3A_212 : i32
          %swap3A_339 = arith.index_cast %add3A_338 : i32 to index
          %swap3A_340 = arith.constant 0 : index
          %swap3A_341 = tpu.vector_load %arg15[%swap3A_339, %swap3A_340] {strides = array<i32>} : memref<132x128xf32, #tpu.memory_space<vmem>>, vector<1x16xf32>,
          %swap3A_342 = vector.shape_cast %swap3A_341 : vector<1x16xf32> to vector<16xf32>
          %swap3A_343 = vector.shape_cast %mul3A_336 : vector<16xf32> to vector<1x16xf32>
          tpu.vector_store %arg15[%swap3A_339, %swap3A_340], %swap3A_343 {strides = array<i32>} : memref<132x128xf32, #tpu.memory_space<vmem>>, vector<1x16xf32>,
          %mul3A_344 = arith.mulf %mul3A_280, %sub3A_254 : vector<16xf32>
          %add3A_345 = arith.constant 99 : i32
          %add3A_346 = arith.addi %add3A_345, %add3A_212 : i32
          %swap3A_347 = arith.index_cast %add3A_346 : i32 to index
          %swap3A_348 = arith.constant 0 : index
          %swap3A_349 = tpu.vector_load %arg15[%swap3A_347, %swap3A_348] {strides = array<i32>} : memref<132x128xf32, #tpu.memory_space<vmem>>, vector<1x16xf32>,
          %swap3A_350 = vector.shape_cast %swap3A_349 : vector<1x16xf32> to vector<16xf32>
          %swap3A_351 = vector.shape_cast %mul3A_344 : vector<16xf32> to vector<1x16xf32>
          tpu.vector_store %arg15[%swap3A_347, %swap3A_348], %swap3A_351 {strides = array<i32>} : memref<132x128xf32, #tpu.memory_space<vmem>>, vector<1x16xf32>,
          %mul3A_352 = arith.constant 128 : i32
          %mul3A_353 = arith.muli %add3A_212, %mul3A_352 : i32
          %add3A_354 = arith.constant 16 : i32
          %add3A_355 = arith.addi %mul3A_353, %add3A_354 : i32
          %get3A_356 = arith.index_cast %add3A_355 : i32 to index
          %get3A_357 = tpu.vector_load %arg6[%get3A_356] {strides = array<i32>} : memref<4224xf32, #tpu.memory_space<vmem>>, vector<16xf32>,
          %get3A_358 = vector.shape_cast %get3A_357 : vector<16xf32> to vector<16xf32>
          %get3A_359 = arith.index_cast %add3A_355 : i32 to index
          %get3A_360 = tpu.vector_load %arg7[%get3A_359] {strides = array<i32>} : memref<4224xf32, #tpu.memory_space<vmem>>, vector<16xf32>,
          %get3A_361 = vector.shape_cast %get3A_360 : vector<16xf32> to vector<16xf32>
          %get3A_362 = arith.index_cast %add3A_355 : i32 to index
          %get3A_363 = tpu.vector_load %arg8[%get3A_362] {strides = array<i32>} : memref<4224xf32, #tpu.memory_space<vmem>>, vector<16xf32>,
          %get3A_364 = vector.shape_cast %get3A_363 : vector<16xf32> to vector<16xf32>
          %get3A_365 = arith.index_cast %add3A_355 : i32 to index
          %get3A_366 = tpu.vector_load %arg9[%get3A_365] {strides = array<i32>} : memref<4224xf32, #tpu.memory_space<vmem>>, vector<16xf32>,
          %get3A_367 = vector.shape_cast %get3A_366 : vector<16xf32> to vector<16xf32>
          %add3A_368 = arith.addi %min3A_197, %add3A_355 : i32
          %add3A_369 = vector.broadcast %add3A_368 : i32 to vector<16xi32>
          %add3A_370 = arith.addi %add3A_369, %iota3A : vector<16xi32>
          %ge3A_371 = vector.broadcast %add3A_189 : i32 to vector<16xi32>
          %ge3A_372 = arith.cmpi sge, %add3A_370, %ge3A_371 : vector<16xi32>
          %lt3A_373 = vector.broadcast %min3A_193 : i32 to vector<16xi32>
          %lt3A_374 = arith.cmpi slt, %add3A_370, %lt3A_373 : vector<16xi32>
          %and3A_375 = arith.andi %ge3A_372, %lt3A_374 : vector<16xi1>
          %mul3A_376 = arith.constant 5.000000e-01 : f32
          %mul3A_377 = vector.broadcast %mul3A_376 : f32 to vector<16xf32>
          %mul3A_378 = arith.mulf %mul3A_377, %get3A_364 : vector<16xf32>
          %add3A_379 = arith.addf %get3A_358, %mul3A_378 : vector<16xf32>
          %sub3A_380 = arith.constant 5.000000e-01 : f32
          %sub3A_381 = vector.broadcast %sub3A_380 : f32 to vector<16xf32>
          %sub3A_382 = arith.subf %add3A_379, %sub3A_381 : vector<16xf32>
          %mul3A_383 = arith.constant 5.000000e-01 : f32
          %mul3A_384 = vector.broadcast %mul3A_383 : f32 to vector<16xf32>
          %mul3A_385 = arith.mulf %mul3A_384, %get3A_367 : vector<16xf32>
          %add3A_386 = arith.addf %get3A_361, %mul3A_385 : vector<16xf32>
          %sub3A_387 = arith.constant 5.000000e-01 : f32
          %sub3A_388 = vector.broadcast %sub3A_387 : f32 to vector<16xf32>
          %sub3A_389 = arith.subf %add3A_386, %sub3A_388 : vector<16xf32>
          %convert_element_type3A_390 = arith.fptosi %sub3A_382 : vector<16xf32> to vector<16xi32>
          %convert_element_type3A_391 = arith.fptosi %sub3A_389 : vector<16xf32> to vector<16xi32>
          %convert_element_type3A_392 = arith.sitofp %convert_element_type3A_390 : vector<16xi32> to vector<16xf32>
          %sub3A_393 = arith.subf %sub3A_382, %convert_element_type3A_392 : vector<16xf32>
          %convert_element_type3A_394 = arith.sitofp %convert_element_type3A_391 : vector<16xi32> to vector<16xf32>
          %sub3A_395 = arith.subf %sub3A_389, %convert_element_type3A_394 : vector<16xf32>
          %min3A_396 = arith.constant 511 : i32
          %min3A_397 = vector.broadcast %min3A_396 : i32 to vector<16xi32>
          %min3A_398 = arith.minsi %convert_element_type3A_390, %min3A_397 : vector<16xi32>
          %min3A_399 = arith.constant 511 : i32
          %min3A_400 = vector.broadcast %min3A_399 : i32 to vector<16xi32>
          %min3A_401 = arith.minsi %convert_element_type3A_391, %min3A_400 : vector<16xi32>
          %add3A_402 = arith.constant 1 : i32
          %add3A_403 = vector.broadcast %add3A_402 : i32 to vector<16xi32>
          %add3A_404 = arith.addi %convert_element_type3A_390, %add3A_403 : vector<16xi32>
          %min3A_405 = arith.constant 511 : i32
          %min3A_406 = vector.broadcast %min3A_405 : i32 to vector<16xi32>
          %min3A_407 = arith.minsi %add3A_404, %min3A_406 : vector<16xi32>
          %add3A_408 = arith.constant 1 : i32
          %add3A_409 = vector.broadcast %add3A_408 : i32 to vector<16xi32>
          %add3A_410 = arith.addi %convert_element_type3A_391, %add3A_409 : vector<16xi32>
          %min3A_411 = arith.constant 511 : i32
          %min3A_412 = vector.broadcast %min3A_411 : i32 to vector<16xi32>
          %min3A_413 = arith.minsi %add3A_410, %min3A_412 : vector<16xi32>
          %mul3A_414 = arith.mulf %get3A_364, %get3A_367 : vector<16xf32>
          %jit3A_415 = arith.constant 0.000000e+00 : f32
          %broadcast_in_dim3A_416 = vector.broadcast %jit3A_415 : f32 to vector<16xf32>
          %select_n3A_417 = arith.select %and3A_375, %mul3A_414, %broadcast_in_dim3A_416 : vector<16xi1>, vector<16xf32>
          %sub3A_418 = arith.constant 1.000000e+00 : f32
          %sub3A_419 = vector.broadcast %sub3A_418 : f32 to vector<16xf32>
          %sub3A_420 = arith.subf %sub3A_419, %sub3A_393 : vector<16xf32>
          %mul3A_421 = arith.mulf %select_n3A_417, %sub3A_420 : vector<16xf32>
          %mul3A_422 = arith.mulf %select_n3A_417, %sub3A_393 : vector<16xf32>
          %mul3A_423 = arith.constant 512 : i32
          %mul3A_424 = vector.broadcast %mul3A_423 : i32 to vector<16xi32>
          %mul3A_425 = arith.muli %min3A_398, %mul3A_424 : vector<16xi32>
          %mul3A_426 = arith.constant 512 : i32
          %mul3A_427 = vector.broadcast %mul3A_426 : i32 to vector<16xi32>
          %mul3A_428 = arith.muli %min3A_407, %mul3A_427 : vector<16xi32>
          %add3A_429 = arith.addi %mul3A_425, %min3A_401 : vector<16xi32>
          %swap3A_430 = arith.index_cast %add3A_212 : i32 to index
          %swap3A_431 = arith.constant 16 : index
          %swap3A_432 = tpu.vector_load %arg14[%swap3A_430, %swap3A_431] {strides = array<i32>} : memref<132x128xi32, #tpu.memory_space<vmem>>, vector<1x16xi32>,
          %swap3A_433 = vector.shape_cast %swap3A_432 : vector<1x16xi32> to vector<16xi32>
          %swap3A_434 = vector.shape_cast %add3A_429 : vector<16xi32> to vector<1x16xi32>
          tpu.vector_store %arg14[%swap3A_430, %swap3A_431], %swap3A_434 {strides = array<i32>} : memref<132x128xi32, #tpu.memory_space<vmem>>, vector<1x16xi32>,
          %add3A_435 = arith.addi %mul3A_425, %min3A_413 : vector<16xi32>
          %add3A_436 = arith.constant 33 : i32
          %add3A_437 = arith.addi %add3A_436, %add3A_212 : i32
          %swap3A_438 = arith.index_cast %add3A_437 : i32 to index
          %swap3A_439 = arith.constant 16 : index
          %swap3A_440 = tpu.vector_load %arg14[%swap3A_438, %swap3A_439] {strides = array<i32>} : memref<132x128xi32, #tpu.memory_space<vmem>>, vector<1x16xi32>,
          %swap3A_441 = vector.shape_cast %swap3A_440 : vector<1x16xi32> to vector<16xi32>
          %swap3A_442 = vector.shape_cast %add3A_435 : vector<16xi32> to vector<1x16xi32>
          tpu.vector_store %arg14[%swap3A_438, %swap3A_439], %swap3A_442 {strides = array<i32>} : memref<132x128xi32, #tpu.memory_space<vmem>>, vector<1x16xi32>,
          %add3A_443 = arith.addi %mul3A_428, %min3A_401 : vector<16xi32>
          %add3A_444 = arith.constant 66 : i32
          %add3A_445 = arith.addi %add3A_444, %add3A_212 : i32
          %swap3A_446 = arith.index_cast %add3A_445 : i32 to index
          %swap3A_447 = arith.constant 16 : index
          %swap3A_448 = tpu.vector_load %arg14[%swap3A_446, %swap3A_447] {strides = array<i32>} : memref<132x128xi32, #tpu.memory_space<vmem>>, vector<1x16xi32>,
          %swap3A_449 = vector.shape_cast %swap3A_448 : vector<1x16xi32> to vector<16xi32>
          %swap3A_450 = vector.shape_cast %add3A_443 : vector<16xi32> to vector<1x16xi32>
          tpu.vector_store %arg14[%swap3A_446, %swap3A_447], %swap3A_450 {strides = array<i32>} : memref<132x128xi32, #tpu.memory_space<vmem>>, vector<1x16xi32>,
          %add3A_451 = arith.addi %mul3A_428, %min3A_413 : vector<16xi32>
          %add3A_452 = arith.constant 99 : i32
          %add3A_453 = arith.addi %add3A_452, %add3A_212 : i32
          %swap3A_454 = arith.index_cast %add3A_453 : i32 to index
          %swap3A_455 = arith.constant 16 : index
          %swap3A_456 = tpu.vector_load %arg14[%swap3A_454, %swap3A_455] {strides = array<i32>} : memref<132x128xi32, #tpu.memory_space<vmem>>, vector<1x16xi32>,
          %swap3A_457 = vector.shape_cast %swap3A_456 : vector<1x16xi32> to vector<16xi32>
          %swap3A_458 = vector.shape_cast %add3A_451 : vector<16xi32> to vector<1x16xi32>
          tpu.vector_store %arg14[%swap3A_454, %swap3A_455], %swap3A_458 {strides = array<i32>} : memref<132x128xi32, #tpu.memory_space<vmem>>, vector<1x16xi32>,
          %sub3A_459 = arith.constant 1.000000e+00 : f32
          %sub3A_460 = vector.broadcast %sub3A_459 : f32 to vector<16xf32>
          %sub3A_461 = arith.subf %sub3A_460, %sub3A_395 : vector<16xf32>
          %mul3A_462 = arith.mulf %mul3A_421, %sub3A_461 : vector<16xf32>
          %swap3A_463 = arith.index_cast %add3A_212 : i32 to index
          %swap3A_464 = arith.constant 16 : index
          %swap3A_465 = tpu.vector_load %arg15[%swap3A_463, %swap3A_464] {strides = array<i32>} : memref<132x128xf32, #tpu.memory_space<vmem>>, vector<1x16xf32>,
          %swap3A_466 = vector.shape_cast %swap3A_465 : vector<1x16xf32> to vector<16xf32>
          %swap3A_467 = vector.shape_cast %mul3A_462 : vector<16xf32> to vector<1x16xf32>
          tpu.vector_store %arg15[%swap3A_463, %swap3A_464], %swap3A_467 {strides = array<i32>} : memref<132x128xf32, #tpu.memory_space<vmem>>, vector<1x16xf32>,
          %mul3A_468 = arith.mulf %mul3A_421, %sub3A_395 : vector<16xf32>
          %add3A_469 = arith.constant 33 : i32
          %add3A_470 = arith.addi %add3A_469, %add3A_212 : i32
          %swap3A_471 = arith.index_cast %add3A_470 : i32 to index
          %swap3A_472 = arith.constant 16 : index
          %swap3A_473 = tpu.vector_load %arg15[%swap3A_471, %swap3A_472] {strides = array<i32>} : memref<132x128xf32, #tpu.memory_space<vmem>>, vector<1x16xf32>,
          %swap3A_474 = vector.shape_cast %swap3A_473 : vector<1x16xf32> to vector<16xf32>
          %swap3A_475 = vector.shape_cast %mul3A_468 : vector<16xf32> to vector<1x16xf32>
          tpu.vector_store %arg15[%swap3A_471, %swap3A_472], %swap3A_475 {strides = array<i32>} : memref<132x128xf32, #tpu.memory_space<vmem>>, vector<1x16xf32>,
          %sub3A_476 = arith.constant 1.000000e+00 : f32
          %sub3A_477 = vector.broadcast %sub3A_476 : f32 to vector<16xf32>
          %sub3A_478 = arith.subf %sub3A_477, %sub3A_395 : vector<16xf32>
          %mul3A_479 = arith.mulf %mul3A_422, %sub3A_478 : vector<16xf32>
          %add3A_480 = arith.constant 66 : i32
          %add3A_481 = arith.addi %add3A_480, %add3A_212 : i32
          %swap3A_482 = arith.index_cast %add3A_481 : i32 to index
          %swap3A_483 = arith.constant 16 : index
          %swap3A_484 = tpu.vector_load %arg15[%swap3A_482, %swap3A_483] {strides = array<i32>} : memref<132x128xf32, #tpu.memory_space<vmem>>, vector<1x16xf32>,
          %swap3A_485 = vector.shape_cast %swap3A_484 : vector<1x16xf32> to vector<16xf32>
          %swap3A_486 = vector.shape_cast %mul3A_479 : vector<16xf32> to vector<1x16xf32>
          tpu.vector_store %arg15[%swap3A_482, %swap3A_483], %swap3A_486 {strides = array<i32>} : memref<132x128xf32, #tpu.memory_space<vmem>>, vector<1x16xf32>,
          %mul3A_487 = arith.mulf %mul3A_422, %sub3A_395 : vector<16xf32>
          %add3A_488 = arith.constant 99 : i32
          %add3A_489 = arith.addi %add3A_488, %add3A_212 : i32
          %swap3A_490 = arith.index_cast %add3A_489 : i32 to index
          %swap3A_491 = arith.constant 16 : index
          %swap3A_492 = tpu.vector_load %arg15[%swap3A_490, %swap3A_491] {strides = array<i32>} : memref<132x128xf32, #tpu.memory_space<vmem>>, vector<1x16xf32>,
          %swap3A_493 = vector.shape_cast %swap3A_492 : vector<1x16xf32> to vector<16xf32>
          %swap3A_494 = vector.shape_cast %mul3A_487 : vector<16xf32> to vector<1x16xf32>
          tpu.vector_store %arg15[%swap3A_490, %swap3A_491], %swap3A_494 {strides = array<i32>} : memref<132x128xf32, #tpu.memory_space<vmem>>, vector<1x16xf32>,
          %mul3A_495 = arith.constant 128 : i32
          %mul3A_496 = arith.muli %add3A_212, %mul3A_495 : i32
          %add3A_497 = arith.constant 32 : i32
          %add3A_498 = arith.addi %mul3A_496, %add3A_497 : i32
          %get3A_499 = arith.index_cast %add3A_498 : i32 to index
          %get3A_500 = tpu.vector_load %arg6[%get3A_499] {strides = array<i32>} : memref<4224xf32, #tpu.memory_space<vmem>>, vector<16xf32>,
          %get3A_501 = vector.shape_cast %get3A_500 : vector<16xf32> to vector<16xf32>
          %get3A_502 = arith.index_cast %add3A_498 : i32 to index
          %get3A_503 = tpu.vector_load %arg7[%get3A_502] {strides = array<i32>} : memref<4224xf32, #tpu.memory_space<vmem>>, vector<16xf32>,
          %get3A_504 = vector.shape_cast %get3A_503 : vector<16xf32> to vector<16xf32>
          %get3A_505 = arith.index_cast %add3A_498 : i32 to index
          %get3A_506 = tpu.vector_load %arg8[%get3A_505] {strides = array<i32>} : memref<4224xf32, #tpu.memory_space<vmem>>, vector<16xf32>,
          %get3A_507 = vector.shape_cast %get3A_506 : vector<16xf32> to vector<16xf32>
          %get3A_508 = arith.index_cast %add3A_498 : i32 to index
          %get3A_509 = tpu.vector_load %arg9[%get3A_508] {strides = array<i32>} : memref<4224xf32, #tpu.memory_space<vmem>>, vector<16xf32>,
          %get3A_510 = vector.shape_cast %get3A_509 : vector<16xf32> to vector<16xf32>
          %add3A_511 = arith.addi %min3A_197, %add3A_498 : i32
          %add3A_512 = vector.broadcast %add3A_511 : i32 to vector<16xi32>
          %add3A_513 = arith.addi %add3A_512, %iota3A : vector<16xi32>
          %ge3A_514 = vector.broadcast %add3A_189 : i32 to vector<16xi32>
          %ge3A_515 = arith.cmpi sge, %add3A_513, %ge3A_514 : vector<16xi32>
          %lt3A_516 = vector.broadcast %min3A_193 : i32 to vector<16xi32>
          %lt3A_517 = arith.cmpi slt, %add3A_513, %lt3A_516 : vector<16xi32>
          %and3A_518 = arith.andi %ge3A_515, %lt3A_517 : vector<16xi1>
          %mul3A_519 = arith.constant 5.000000e-01 : f32
          %mul3A_520 = vector.broadcast %mul3A_519 : f32 to vector<16xf32>
          %mul3A_521 = arith.mulf %mul3A_520, %get3A_507 : vector<16xf32>
          %add3A_522 = arith.addf %get3A_501, %mul3A_521 : vector<16xf32>
          %sub3A_523 = arith.constant 5.000000e-01 : f32
          %sub3A_524 = vector.broadcast %sub3A_523 : f32 to vector<16xf32>
          %sub3A_525 = arith.subf %add3A_522, %sub3A_524 : vector<16xf32>
          %mul3A_526 = arith.constant 5.000000e-01 : f32
          %mul3A_527 = vector.broadcast %mul3A_526 : f32 to vector<16xf32>
          %mul3A_528 = arith.mulf %mul3A_527, %get3A_510 : vector<16xf32>
          %add3A_529 = arith.addf %get3A_504, %mul3A_528 : vector<16xf32>
          %sub3A_530 = arith.constant 5.000000e-01 : f32
          %sub3A_531 = vector.broadcast %sub3A_530 : f32 to vector<16xf32>
          %sub3A_532 = arith.subf %add3A_529, %sub3A_531 : vector<16xf32>
          %convert_element_type3A_533 = arith.fptosi %sub3A_525 : vector<16xf32> to vector<16xi32>
          %convert_element_type3A_534 = arith.fptosi %sub3A_532 : vector<16xf32> to vector<16xi32>
          %convert_element_type3A_535 = arith.sitofp %convert_element_type3A_533 : vector<16xi32> to vector<16xf32>
          %sub3A_536 = arith.subf %sub3A_525, %convert_element_type3A_535 : vector<16xf32>
          %convert_element_type3A_537 = arith.sitofp %convert_element_type3A_534 : vector<16xi32> to vector<16xf32>
          %sub3A_538 = arith.subf %sub3A_532, %convert_element_type3A_537 : vector<16xf32>
          %min3A_539 = arith.constant 511 : i32
          %min3A_540 = vector.broadcast %min3A_539 : i32 to vector<16xi32>
          %min3A_541 = arith.minsi %convert_element_type3A_533, %min3A_540 : vector<16xi32>
          %min3A_542 = arith.constant 511 : i32
          %min3A_543 = vector.broadcast %min3A_542 : i32 to vector<16xi32>
          %min3A_544 = arith.minsi %convert_element_type3A_534, %min3A_543 : vector<16xi32>
          %add3A_545 = arith.constant 1 : i32
          %add3A_546 = vector.broadcast %add3A_545 : i32 to vector<16xi32>
          %add3A_547 = arith.addi %convert_element_type3A_533, %add3A_546 : vector<16xi32>
          %min3A_548 = arith.constant 511 : i32
          %min3A_549 = vector.broadcast %min3A_548 : i32 to vector<16xi32>
          %min3A_550 = arith.minsi %add3A_547, %min3A_549 : vector<16xi32>
          %add3A_551 = arith.constant 1 : i32
          %add3A_552 = vector.broadcast %add3A_551 : i32 to vector<16xi32>
          %add3A_553 = arith.addi %convert_element_type3A_534, %add3A_552 : vector<16xi32>
          %min3A_554 = arith.constant 511 : i32
          %min3A_555 = vector.broadcast %min3A_554 : i32 to vector<16xi32>
          %min3A_556 = arith.minsi %add3A_553, %min3A_555 : vector<16xi32>
          %mul3A_557 = arith.mulf %get3A_507, %get3A_510 : vector<16xf32>
          %jit3A_558 = arith.constant 0.000000e+00 : f32
          %broadcast_in_dim3A_559 = vector.broadcast %jit3A_558 : f32 to vector<16xf32>
          %select_n3A_560 = arith.select %and3A_518, %mul3A_557, %broadcast_in_dim3A_559 : vector<16xi1>, vector<16xf32>
          %sub3A_561 = arith.constant 1.000000e+00 : f32
          %sub3A_562 = vector.broadcast %sub3A_561 : f32 to vector<16xf32>
          %sub3A_563 = arith.subf %sub3A_562, %sub3A_536 : vector<16xf32>
          %mul3A_564 = arith.mulf %select_n3A_560, %sub3A_563 : vector<16xf32>
          %mul3A_565 = arith.mulf %select_n3A_560, %sub3A_536 : vector<16xf32>
          %mul3A_566 = arith.constant 512 : i32
          %mul3A_567 = vector.broadcast %mul3A_566 : i32 to vector<16xi32>
          %mul3A_568 = arith.muli %min3A_541, %mul3A_567 : vector<16xi32>
          %mul3A_569 = arith.constant 512 : i32
          %mul3A_570 = vector.broadcast %mul3A_569 : i32 to vector<16xi32>
          %mul3A_571 = arith.muli %min3A_550, %mul3A_570 : vector<16xi32>
          %add3A_572 = arith.addi %mul3A_568, %min3A_544 : vector<16xi32>
          %swap3A_573 = arith.index_cast %add3A_212 : i32 to index
          %swap3A_574 = arith.constant 32 : index
          %swap3A_575 = tpu.vector_load %arg14[%swap3A_573, %swap3A_574] {strides = array<i32>} : memref<132x128xi32, #tpu.memory_space<vmem>>, vector<1x16xi32>,
          %swap3A_576 = vector.shape_cast %swap3A_575 : vector<1x16xi32> to vector<16xi32>
          %swap3A_577 = vector.shape_cast %add3A_572 : vector<16xi32> to vector<1x16xi32>
          tpu.vector_store %arg14[%swap3A_573, %swap3A_574], %swap3A_577 {strides = array<i32>} : memref<132x128xi32, #tpu.memory_space<vmem>>, vector<1x16xi32>,
          %add3A_578 = arith.addi %mul3A_568, %min3A_556 : vector<16xi32>
          %add3A_579 = arith.constant 33 : i32
          %add3A_580 = arith.addi %add3A_579, %add3A_212 : i32
          %swap3A_581 = arith.index_cast %add3A_580 : i32 to index
          %swap3A_582 = arith.constant 32 : index
          %swap3A_583 = tpu.vector_load %arg14[%swap3A_581, %swap3A_582] {strides = array<i32>} : memref<132x128xi32, #tpu.memory_space<vmem>>, vector<1x16xi32>,
          %swap3A_584 = vector.shape_cast %swap3A_583 : vector<1x16xi32> to vector<16xi32>
          %swap3A_585 = vector.shape_cast %add3A_578 : vector<16xi32> to vector<1x16xi32>
          tpu.vector_store %arg14[%swap3A_581, %swap3A_582], %swap3A_585 {strides = array<i32>} : memref<132x128xi32, #tpu.memory_space<vmem>>, vector<1x16xi32>,
          %add3A_586 = arith.addi %mul3A_571, %min3A_544 : vector<16xi32>
          %add3A_587 = arith.constant 66 : i32
          %add3A_588 = arith.addi %add3A_587, %add3A_212 : i32
          %swap3A_589 = arith.index_cast %add3A_588 : i32 to index
          %swap3A_590 = arith.constant 32 : index
          %swap3A_591 = tpu.vector_load %arg14[%swap3A_589, %swap3A_590] {strides = array<i32>} : memref<132x128xi32, #tpu.memory_space<vmem>>, vector<1x16xi32>,
          %swap3A_592 = vector.shape_cast %swap3A_591 : vector<1x16xi32> to vector<16xi32>
          %swap3A_593 = vector.shape_cast %add3A_586 : vector<16xi32> to vector<1x16xi32>
          tpu.vector_store %arg14[%swap3A_589, %swap3A_590], %swap3A_593 {strides = array<i32>} : memref<132x128xi32, #tpu.memory_space<vmem>>, vector<1x16xi32>,
          %add3A_594 = arith.addi %mul3A_571, %min3A_556 : vector<16xi32>
          %add3A_595 = arith.constant 99 : i32
          %add3A_596 = arith.addi %add3A_595, %add3A_212 : i32
          %swap3A_597 = arith.index_cast %add3A_596 : i32 to index
          %swap3A_598 = arith.constant 32 : index
          %swap3A_599 = tpu.vector_load %arg14[%swap3A_597, %swap3A_598] {strides = array<i32>} : memref<132x128xi32, #tpu.memory_space<vmem>>, vector<1x16xi32>,
          %swap3A_600 = vector.shape_cast %swap3A_599 : vector<1x16xi32> to vector<16xi32>
          %swap3A_601 = vector.shape_cast %add3A_594 : vector<16xi32> to vector<1x16xi32>
          tpu.vector_store %arg14[%swap3A_597, %swap3A_598], %swap3A_601 {strides = array<i32>} : memref<132x128xi32, #tpu.memory_space<vmem>>, vector<1x16xi32>,
          %sub3A_602 = arith.constant 1.000000e+00 : f32
          %sub3A_603 = vector.broadcast %sub3A_602 : f32 to vector<16xf32>
          %sub3A_604 = arith.subf %sub3A_603, %sub3A_538 : vector<16xf32>
          %mul3A_605 = arith.mulf %mul3A_564, %sub3A_604 : vector<16xf32>
          %swap3A_606 = arith.index_cast %add3A_212 : i32 to index
          %swap3A_607 = arith.constant 32 : index
          %swap3A_608 = tpu.vector_load %arg15[%swap3A_606, %swap3A_607] {strides = array<i32>} : memref<132x128xf32, #tpu.memory_space<vmem>>, vector<1x16xf32>,
          %swap3A_609 = vector.shape_cast %swap3A_608 : vector<1x16xf32> to vector<16xf32>
          %swap3A_610 = vector.shape_cast %mul3A_605 : vector<16xf32> to vector<1x16xf32>
          tpu.vector_store %arg15[%swap3A_606, %swap3A_607], %swap3A_610 {strides = array<i32>} : memref<132x128xf32, #tpu.memory_space<vmem>>, vector<1x16xf32>,
          %mul3A_611 = arith.mulf %mul3A_564, %sub3A_538 : vector<16xf32>
          %add3A_612 = arith.constant 33 : i32
          %add3A_613 = arith.addi %add3A_612, %add3A_212 : i32
          %swap3A_614 = arith.index_cast %add3A_613 : i32 to index
          %swap3A_615 = arith.constant 32 : index
          %swap3A_616 = tpu.vector_load %arg15[%swap3A_614, %swap3A_615] {strides = array<i32>} : memref<132x128xf32, #tpu.memory_space<vmem>>, vector<1x16xf32>,
          %swap3A_617 = vector.shape_cast %swap3A_616 : vector<1x16xf32> to vector<16xf32>
          %swap3A_618 = vector.shape_cast %mul3A_611 : vector<16xf32> to vector<1x16xf32>
          tpu.vector_store %arg15[%swap3A_614, %swap3A_615], %swap3A_618 {strides = array<i32>} : memref<132x128xf32, #tpu.memory_space<vmem>>, vector<1x16xf32>,
          %sub3A_619 = arith.constant 1.000000e+00 : f32
          %sub3A_620 = vector.broadcast %sub3A_619 : f32 to vector<16xf32>
          %sub3A_621 = arith.subf %sub3A_620, %sub3A_538 : vector<16xf32>
          %mul3A_622 = arith.mulf %mul3A_565, %sub3A_621 : vector<16xf32>
          %add3A_623 = arith.constant 66 : i32
          %add3A_624 = arith.addi %add3A_623, %add3A_212 : i32
          %swap3A_625 = arith.index_cast %add3A_624 : i32 to index
          %swap3A_626 = arith.constant 32 : index
          %swap3A_627 = tpu.vector_load %arg15[%swap3A_625, %swap3A_626] {strides = array<i32>} : memref<132x128xf32, #tpu.memory_space<vmem>>, vector<1x16xf32>,
          %swap3A_628 = vector.shape_cast %swap3A_627 : vector<1x16xf32> to vector<16xf32>
          %swap3A_629 = vector.shape_cast %mul3A_622 : vector<16xf32> to vector<1x16xf32>
          tpu.vector_store %arg15[%swap3A_625, %swap3A_626], %swap3A_629 {strides = array<i32>} : memref<132x128xf32, #tpu.memory_space<vmem>>, vector<1x16xf32>,
          %mul3A_630 = arith.mulf %mul3A_565, %sub3A_538 : vector<16xf32>
          %add3A_631 = arith.constant 99 : i32
          %add3A_632 = arith.addi %add3A_631, %add3A_212 : i32
          %swap3A_633 = arith.index_cast %add3A_632 : i32 to index
          %swap3A_634 = arith.constant 32 : index
          %swap3A_635 = tpu.vector_load %arg15[%swap3A_633, %swap3A_634] {strides = array<i32>} : memref<132x128xf32, #tpu.memory_space<vmem>>, vector<1x16xf32>,
          %swap3A_636 = vector.shape_cast %swap3A_635 : vector<1x16xf32> to vector<16xf32>
          %swap3A_637 = vector.shape_cast %mul3A_630 : vector<16xf32> to vector<1x16xf32>
          tpu.vector_store %arg15[%swap3A_633, %swap3A_634], %swap3A_637 {strides = array<i32>} : memref<132x128xf32, #tpu.memory_space<vmem>>, vector<1x16xf32>,
          %mul3A_638 = arith.constant 128 : i32
          %mul3A_639 = arith.muli %add3A_212, %mul3A_638 : i32
          %add3A_640 = arith.constant 48 : i32
          %add3A_641 = arith.addi %mul3A_639, %add3A_640 : i32
          %get3A_642 = arith.index_cast %add3A_641 : i32 to index
          %get3A_643 = tpu.vector_load %arg6[%get3A_642] {strides = array<i32>} : memref<4224xf32, #tpu.memory_space<vmem>>, vector<16xf32>,
          %get3A_644 = vector.shape_cast %get3A_643 : vector<16xf32> to vector<16xf32>
          %get3A_645 = arith.index_cast %add3A_641 : i32 to index
          %get3A_646 = tpu.vector_load %arg7[%get3A_645] {strides = array<i32>} : memref<4224xf32, #tpu.memory_space<vmem>>, vector<16xf32>,
          %get3A_647 = vector.shape_cast %get3A_646 : vector<16xf32> to vector<16xf32>
          %get3A_648 = arith.index_cast %add3A_641 : i32 to index
          %get3A_649 = tpu.vector_load %arg8[%get3A_648] {strides = array<i32>} : memref<4224xf32, #tpu.memory_space<vmem>>, vector<16xf32>,
          %get3A_650 = vector.shape_cast %get3A_649 : vector<16xf32> to vector<16xf32>
          %get3A_651 = arith.index_cast %add3A_641 : i32 to index
          %get3A_652 = tpu.vector_load %arg9[%get3A_651] {strides = array<i32>} : memref<4224xf32, #tpu.memory_space<vmem>>, vector<16xf32>,
          %get3A_653 = vector.shape_cast %get3A_652 : vector<16xf32> to vector<16xf32>
          %add3A_654 = arith.addi %min3A_197, %add3A_641 : i32
          %add3A_655 = vector.broadcast %add3A_654 : i32 to vector<16xi32>
          %add3A_656 = arith.addi %add3A_655, %iota3A : vector<16xi32>
          %ge3A_657 = vector.broadcast %add3A_189 : i32 to vector<16xi32>
          %ge3A_658 = arith.cmpi sge, %add3A_656, %ge3A_657 : vector<16xi32>
          %lt3A_659 = vector.broadcast %min3A_193 : i32 to vector<16xi32>
          %lt3A_660 = arith.cmpi slt, %add3A_656, %lt3A_659 : vector<16xi32>
          %and3A_661 = arith.andi %ge3A_658, %lt3A_660 : vector<16xi1>
          %mul3A_662 = arith.constant 5.000000e-01 : f32
          %mul3A_663 = vector.broadcast %mul3A_662 : f32 to vector<16xf32>
          %mul3A_664 = arith.mulf %mul3A_663, %get3A_650 : vector<16xf32>
          %add3A_665 = arith.addf %get3A_644, %mul3A_664 : vector<16xf32>
          %sub3A_666 = arith.constant 5.000000e-01 : f32
          %sub3A_667 = vector.broadcast %sub3A_666 : f32 to vector<16xf32>
          %sub3A_668 = arith.subf %add3A_665, %sub3A_667 : vector<16xf32>
          %mul3A_669 = arith.constant 5.000000e-01 : f32
          %mul3A_670 = vector.broadcast %mul3A_669 : f32 to vector<16xf32>
          %mul3A_671 = arith.mulf %mul3A_670, %get3A_653 : vector<16xf32>
          %add3A_672 = arith.addf %get3A_647, %mul3A_671 : vector<16xf32>
          %sub3A_673 = arith.constant 5.000000e-01 : f32
          %sub3A_674 = vector.broadcast %sub3A_673 : f32 to vector<16xf32>
          %sub3A_675 = arith.subf %add3A_672, %sub3A_674 : vector<16xf32>
          %convert_element_type3A_676 = arith.fptosi %sub3A_668 : vector<16xf32> to vector<16xi32>
          %convert_element_type3A_677 = arith.fptosi %sub3A_675 : vector<16xf32> to vector<16xi32>
          %convert_element_type3A_678 = arith.sitofp %convert_element_type3A_676 : vector<16xi32> to vector<16xf32>
          %sub3A_679 = arith.subf %sub3A_668, %convert_element_type3A_678 : vector<16xf32>
          %convert_element_type3A_680 = arith.sitofp %convert_element_type3A_677 : vector<16xi32> to vector<16xf32>
          %sub3A_681 = arith.subf %sub3A_675, %convert_element_type3A_680 : vector<16xf32>
          %min3A_682 = arith.constant 511 : i32
          %min3A_683 = vector.broadcast %min3A_682 : i32 to vector<16xi32>
          %min3A_684 = arith.minsi %convert_element_type3A_676, %min3A_683 : vector<16xi32>
          %min3A_685 = arith.constant 511 : i32
          %min3A_686 = vector.broadcast %min3A_685 : i32 to vector<16xi32>
          %min3A_687 = arith.minsi %convert_element_type3A_677, %min3A_686 : vector<16xi32>
          %add3A_688 = arith.constant 1 : i32
          %add3A_689 = vector.broadcast %add3A_688 : i32 to vector<16xi32>
          %add3A_690 = arith.addi %convert_element_type3A_676, %add3A_689 : vector<16xi32>
          %min3A_691 = arith.constant 511 : i32
          %min3A_692 = vector.broadcast %min3A_691 : i32 to vector<16xi32>
          %min3A_693 = arith.minsi %add3A_690, %min3A_692 : vector<16xi32>
          %add3A_694 = arith.constant 1 : i32
          %add3A_695 = vector.broadcast %add3A_694 : i32 to vector<16xi32>
          %add3A_696 = arith.addi %convert_element_type3A_677, %add3A_695 : vector<16xi32>
          %min3A_697 = arith.constant 511 : i32
          %min3A_698 = vector.broadcast %min3A_697 : i32 to vector<16xi32>
          %min3A_699 = arith.minsi %add3A_696, %min3A_698 : vector<16xi32>
          %mul3A_700 = arith.mulf %get3A_650, %get3A_653 : vector<16xf32>
          %jit3A_701 = arith.constant 0.000000e+00 : f32
          %broadcast_in_dim3A_702 = vector.broadcast %jit3A_701 : f32 to vector<16xf32>
          %select_n3A_703 = arith.select %and3A_661, %mul3A_700, %broadcast_in_dim3A_702 : vector<16xi1>, vector<16xf32>
          %sub3A_704 = arith.constant 1.000000e+00 : f32
          %sub3A_705 = vector.broadcast %sub3A_704 : f32 to vector<16xf32>
          %sub3A_706 = arith.subf %sub3A_705, %sub3A_679 : vector<16xf32>
          %mul3A_707 = arith.mulf %select_n3A_703, %sub3A_706 : vector<16xf32>
          %mul3A_708 = arith.mulf %select_n3A_703, %sub3A_679 : vector<16xf32>
          %mul3A_709 = arith.constant 512 : i32
          %mul3A_710 = vector.broadcast %mul3A_709 : i32 to vector<16xi32>
          %mul3A_711 = arith.muli %min3A_684, %mul3A_710 : vector<16xi32>
          %mul3A_712 = arith.constant 512 : i32
          %mul3A_713 = vector.broadcast %mul3A_712 : i32 to vector<16xi32>
          %mul3A_714 = arith.muli %min3A_693, %mul3A_713 : vector<16xi32>
          %add3A_715 = arith.addi %mul3A_711, %min3A_687 : vector<16xi32>
          %swap3A_716 = arith.index_cast %add3A_212 : i32 to index
          %swap3A_717 = arith.constant 48 : index
          %swap3A_718 = tpu.vector_load %arg14[%swap3A_716, %swap3A_717] {strides = array<i32>} : memref<132x128xi32, #tpu.memory_space<vmem>>, vector<1x16xi32>,
          %swap3A_719 = vector.shape_cast %swap3A_718 : vector<1x16xi32> to vector<16xi32>
          %swap3A_720 = vector.shape_cast %add3A_715 : vector<16xi32> to vector<1x16xi32>
          tpu.vector_store %arg14[%swap3A_716, %swap3A_717], %swap3A_720 {strides = array<i32>} : memref<132x128xi32, #tpu.memory_space<vmem>>, vector<1x16xi32>,
          %add3A_721 = arith.addi %mul3A_711, %min3A_699 : vector<16xi32>
          %add3A_722 = arith.constant 33 : i32
          %add3A_723 = arith.addi %add3A_722, %add3A_212 : i32
          %swap3A_724 = arith.index_cast %add3A_723 : i32 to index
          %swap3A_725 = arith.constant 48 : index
          %swap3A_726 = tpu.vector_load %arg14[%swap3A_724, %swap3A_725] {strides = array<i32>} : memref<132x128xi32, #tpu.memory_space<vmem>>, vector<1x16xi32>,
          %swap3A_727 = vector.shape_cast %swap3A_726 : vector<1x16xi32> to vector<16xi32>
          %swap3A_728 = vector.shape_cast %add3A_721 : vector<16xi32> to vector<1x16xi32>
          tpu.vector_store %arg14[%swap3A_724, %swap3A_725], %swap3A_728 {strides = array<i32>} : memref<132x128xi32, #tpu.memory_space<vmem>>, vector<1x16xi32>,
          %add3A_729 = arith.addi %mul3A_714, %min3A_687 : vector<16xi32>
          %add3A_730 = arith.constant 66 : i32
          %add3A_731 = arith.addi %add3A_730, %add3A_212 : i32
          %swap3A_732 = arith.index_cast %add3A_731 : i32 to index
          %swap3A_733 = arith.constant 48 : index
          %swap3A_734 = tpu.vector_load %arg14[%swap3A_732, %swap3A_733] {strides = array<i32>} : memref<132x128xi32, #tpu.memory_space<vmem>>, vector<1x16xi32>,
          %swap3A_735 = vector.shape_cast %swap3A_734 : vector<1x16xi32> to vector<16xi32>
          %swap3A_736 = vector.shape_cast %add3A_729 : vector<16xi32> to vector<1x16xi32>
          tpu.vector_store %arg14[%swap3A_732, %swap3A_733], %swap3A_736 {strides = array<i32>} : memref<132x128xi32, #tpu.memory_space<vmem>>, vector<1x16xi32>,
          %add3A_737 = arith.addi %mul3A_714, %min3A_699 : vector<16xi32>
          %add3A_738 = arith.constant 99 : i32
          %add3A_739 = arith.addi %add3A_738, %add3A_212 : i32
          %swap3A_740 = arith.index_cast %add3A_739 : i32 to index
          %swap3A_741 = arith.constant 48 : index
          %swap3A_742 = tpu.vector_load %arg14[%swap3A_740, %swap3A_741] {strides = array<i32>} : memref<132x128xi32, #tpu.memory_space<vmem>>, vector<1x16xi32>,
          %swap3A_743 = vector.shape_cast %swap3A_742 : vector<1x16xi32> to vector<16xi32>
          %swap3A_744 = vector.shape_cast %add3A_737 : vector<16xi32> to vector<1x16xi32>
          tpu.vector_store %arg14[%swap3A_740, %swap3A_741], %swap3A_744 {strides = array<i32>} : memref<132x128xi32, #tpu.memory_space<vmem>>, vector<1x16xi32>,
          %sub3A_745 = arith.constant 1.000000e+00 : f32
          %sub3A_746 = vector.broadcast %sub3A_745 : f32 to vector<16xf32>
          %sub3A_747 = arith.subf %sub3A_746, %sub3A_681 : vector<16xf32>
          %mul3A_748 = arith.mulf %mul3A_707, %sub3A_747 : vector<16xf32>
          %swap3A_749 = arith.index_cast %add3A_212 : i32 to index
          %swap3A_750 = arith.constant 48 : index
          %swap3A_751 = tpu.vector_load %arg15[%swap3A_749, %swap3A_750] {strides = array<i32>} : memref<132x128xf32, #tpu.memory_space<vmem>>, vector<1x16xf32>,
          %swap3A_752 = vector.shape_cast %swap3A_751 : vector<1x16xf32> to vector<16xf32>
          %swap3A_753 = vector.shape_cast %mul3A_748 : vector<16xf32> to vector<1x16xf32>
          tpu.vector_store %arg15[%swap3A_749, %swap3A_750], %swap3A_753 {strides = array<i32>} : memref<132x128xf32, #tpu.memory_space<vmem>>, vector<1x16xf32>,
          %mul3A_754 = arith.mulf %mul3A_707, %sub3A_681 : vector<16xf32>
          %add3A_755 = arith.constant 33 : i32
          %add3A_756 = arith.addi %add3A_755, %add3A_212 : i32
          %swap3A_757 = arith.index_cast %add3A_756 : i32 to index
          %swap3A_758 = arith.constant 48 : index
          %swap3A_759 = tpu.vector_load %arg15[%swap3A_757, %swap3A_758] {strides = array<i32>} : memref<132x128xf32, #tpu.memory_space<vmem>>, vector<1x16xf32>,
          %swap3A_760 = vector.shape_cast %swap3A_759 : vector<1x16xf32> to vector<16xf32>
          %swap3A_761 = vector.shape_cast %mul3A_754 : vector<16xf32> to vector<1x16xf32>
          tpu.vector_store %arg15[%swap3A_757, %swap3A_758], %swap3A_761 {strides = array<i32>} : memref<132x128xf32, #tpu.memory_space<vmem>>, vector<1x16xf32>,
          %sub3A_762 = arith.constant 1.000000e+00 : f32
          %sub3A_763 = vector.broadcast %sub3A_762 : f32 to vector<16xf32>
          %sub3A_764 = arith.subf %sub3A_763, %sub3A_681 : vector<16xf32>
          %mul3A_765 = arith.mulf %mul3A_708, %sub3A_764 : vector<16xf32>
          %add3A_766 = arith.constant 66 : i32
          %add3A_767 = arith.addi %add3A_766, %add3A_212 : i32
          %swap3A_768 = arith.index_cast %add3A_767 : i32 to index
          %swap3A_769 = arith.constant 48 : index
          %swap3A_770 = tpu.vector_load %arg15[%swap3A_768, %swap3A_769] {strides = array<i32>} : memref<132x128xf32, #tpu.memory_space<vmem>>, vector<1x16xf32>,
          %swap3A_771 = vector.shape_cast %swap3A_770 : vector<1x16xf32> to vector<16xf32>
          %swap3A_772 = vector.shape_cast %mul3A_765 : vector<16xf32> to vector<1x16xf32>
          tpu.vector_store %arg15[%swap3A_768, %swap3A_769], %swap3A_772 {strides = array<i32>} : memref<132x128xf32, #tpu.memory_space<vmem>>, vector<1x16xf32>,
          %mul3A_773 = arith.mulf %mul3A_708, %sub3A_681 : vector<16xf32>
          %add3A_774 = arith.constant 99 : i32
          %add3A_775 = arith.addi %add3A_774, %add3A_212 : i32
          %swap3A_776 = arith.index_cast %add3A_775 : i32 to index
          %swap3A_777 = arith.constant 48 : index
          %swap3A_778 = tpu.vector_load %arg15[%swap3A_776, %swap3A_777] {strides = array<i32>} : memref<132x128xf32, #tpu.memory_space<vmem>>, vector<1x16xf32>,
          %swap3A_779 = vector.shape_cast %swap3A_778 : vector<1x16xf32> to vector<16xf32>
          %swap3A_780 = vector.shape_cast %mul3A_773 : vector<16xf32> to vector<1x16xf32>
          tpu.vector_store %arg15[%swap3A_776, %swap3A_777], %swap3A_780 {strides = array<i32>} : memref<132x128xf32, #tpu.memory_space<vmem>>, vector<1x16xf32>,
          %mul3A_781 = arith.constant 128 : i32
          %mul3A_782 = arith.muli %add3A_212, %mul3A_781 : i32
          %add3A_783 = arith.constant 64 : i32
          %add3A_784 = arith.addi %mul3A_782, %add3A_783 : i32
          %get3A_785 = arith.index_cast %add3A_784 : i32 to index
          %get3A_786 = tpu.vector_load %arg6[%get3A_785] {strides = array<i32>} : memref<4224xf32, #tpu.memory_space<vmem>>, vector<16xf32>,
          %get3A_787 = vector.shape_cast %get3A_786 : vector<16xf32> to vector<16xf32>
          %get3A_788 = arith.index_cast %add3A_784 : i32 to index
          %get3A_789 = tpu.vector_load %arg7[%get3A_788] {strides = array<i32>} : memref<4224xf32, #tpu.memory_space<vmem>>, vector<16xf32>,
          %get3A_790 = vector.shape_cast %get3A_789 : vector<16xf32> to vector<16xf32>
          %get3A_791 = arith.index_cast %add3A_784 : i32 to index
          %get3A_792 = tpu.vector_load %arg8[%get3A_791] {strides = array<i32>} : memref<4224xf32, #tpu.memory_space<vmem>>, vector<16xf32>,
          %get3A_793 = vector.shape_cast %get3A_792 : vector<16xf32> to vector<16xf32>
          %get3A_794 = arith.index_cast %add3A_784 : i32 to index
          %get3A_795 = tpu.vector_load %arg9[%get3A_794] {strides = array<i32>} : memref<4224xf32, #tpu.memory_space<vmem>>, vector<16xf32>,
          %get3A_796 = vector.shape_cast %get3A_795 : vector<16xf32> to vector<16xf32>
          %add3A_797 = arith.addi %min3A_197, %add3A_784 : i32
          %add3A_798 = vector.broadcast %add3A_797 : i32 to vector<16xi32>
          %add3A_799 = arith.addi %add3A_798, %iota3A : vector<16xi32>
          %ge3A_800 = vector.broadcast %add3A_189 : i32 to vector<16xi32>
          %ge3A_801 = arith.cmpi sge, %add3A_799, %ge3A_800 : vector<16xi32>
          %lt3A_802 = vector.broadcast %min3A_193 : i32 to vector<16xi32>
          %lt3A_803 = arith.cmpi slt, %add3A_799, %lt3A_802 : vector<16xi32>
          %and3A_804 = arith.andi %ge3A_801, %lt3A_803 : vector<16xi1>
          %mul3A_805 = arith.constant 5.000000e-01 : f32
          %mul3A_806 = vector.broadcast %mul3A_805 : f32 to vector<16xf32>
          %mul3A_807 = arith.mulf %mul3A_806, %get3A_793 : vector<16xf32>
          %add3A_808 = arith.addf %get3A_787, %mul3A_807 : vector<16xf32>
          %sub3A_809 = arith.constant 5.000000e-01 : f32
          %sub3A_810 = vector.broadcast %sub3A_809 : f32 to vector<16xf32>
          %sub3A_811 = arith.subf %add3A_808, %sub3A_810 : vector<16xf32>
          %mul3A_812 = arith.constant 5.000000e-01 : f32
          %mul3A_813 = vector.broadcast %mul3A_812 : f32 to vector<16xf32>
          %mul3A_814 = arith.mulf %mul3A_813, %get3A_796 : vector<16xf32>
          %add3A_815 = arith.addf %get3A_790, %mul3A_814 : vector<16xf32>
          %sub3A_816 = arith.constant 5.000000e-01 : f32
          %sub3A_817 = vector.broadcast %sub3A_816 : f32 to vector<16xf32>
          %sub3A_818 = arith.subf %add3A_815, %sub3A_817 : vector<16xf32>
          %convert_element_type3A_819 = arith.fptosi %sub3A_811 : vector<16xf32> to vector<16xi32>
          %convert_element_type3A_820 = arith.fptosi %sub3A_818 : vector<16xf32> to vector<16xi32>
          %convert_element_type3A_821 = arith.sitofp %convert_element_type3A_819 : vector<16xi32> to vector<16xf32>
          %sub3A_822 = arith.subf %sub3A_811, %convert_element_type3A_821 : vector<16xf32>
          %convert_element_type3A_823 = arith.sitofp %convert_element_type3A_820 : vector<16xi32> to vector<16xf32>
          %sub3A_824 = arith.subf %sub3A_818, %convert_element_type3A_823 : vector<16xf32>
          %min3A_825 = arith.constant 511 : i32
          %min3A_826 = vector.broadcast %min3A_825 : i32 to vector<16xi32>
          %min3A_827 = arith.minsi %convert_element_type3A_819, %min3A_826 : vector<16xi32>
          %min3A_828 = arith.constant 511 : i32
          %min3A_829 = vector.broadcast %min3A_828 : i32 to vector<16xi32>
          %min3A_830 = arith.minsi %convert_element_type3A_820, %min3A_829 : vector<16xi32>
          %add3A_831 = arith.constant 1 : i32
          %add3A_832 = vector.broadcast %add3A_831 : i32 to vector<16xi32>
          %add3A_833 = arith.addi %convert_element_type3A_819, %add3A_832 : vector<16xi32>
          %min3A_834 = arith.constant 511 : i32
          %min3A_835 = vector.broadcast %min3A_834 : i32 to vector<16xi32>
          %min3A_836 = arith.minsi %add3A_833, %min3A_835 : vector<16xi32>
          %add3A_837 = arith.constant 1 : i32
          %add3A_838 = vector.broadcast %add3A_837 : i32 to vector<16xi32>
          %add3A_839 = arith.addi %convert_element_type3A_820, %add3A_838 : vector<16xi32>
          %min3A_840 = arith.constant 511 : i32
          %min3A_841 = vector.broadcast %min3A_840 : i32 to vector<16xi32>
          %min3A_842 = arith.minsi %add3A_839, %min3A_841 : vector<16xi32>
          %mul3A_843 = arith.mulf %get3A_793, %get3A_796 : vector<16xf32>
          %jit3A_844 = arith.constant 0.000000e+00 : f32
          %broadcast_in_dim3A_845 = vector.broadcast %jit3A_844 : f32 to vector<16xf32>
          %select_n3A_846 = arith.select %and3A_804, %mul3A_843, %broadcast_in_dim3A_845 : vector<16xi1>, vector<16xf32>
          %sub3A_847 = arith.constant 1.000000e+00 : f32
          %sub3A_848 = vector.broadcast %sub3A_847 : f32 to vector<16xf32>
          %sub3A_849 = arith.subf %sub3A_848, %sub3A_822 : vector<16xf32>
          %mul3A_850 = arith.mulf %select_n3A_846, %sub3A_849 : vector<16xf32>
          %mul3A_851 = arith.mulf %select_n3A_846, %sub3A_822 : vector<16xf32>
          %mul3A_852 = arith.constant 512 : i32
          %mul3A_853 = vector.broadcast %mul3A_852 : i32 to vector<16xi32>
          %mul3A_854 = arith.muli %min3A_827, %mul3A_853 : vector<16xi32>
          %mul3A_855 = arith.constant 512 : i32
          %mul3A_856 = vector.broadcast %mul3A_855 : i32 to vector<16xi32>
          %mul3A_857 = arith.muli %min3A_836, %mul3A_856 : vector<16xi32>
          %add3A_858 = arith.addi %mul3A_854, %min3A_830 : vector<16xi32>
          %swap3A_859 = arith.index_cast %add3A_212 : i32 to index
          %swap3A_860 = arith.constant 64 : index
          %swap3A_861 = tpu.vector_load %arg14[%swap3A_859, %swap3A_860] {strides = array<i32>} : memref<132x128xi32, #tpu.memory_space<vmem>>, vector<1x16xi32>,
          %swap3A_862 = vector.shape_cast %swap3A_861 : vector<1x16xi32> to vector<16xi32>
          %swap3A_863 = vector.shape_cast %add3A_858 : vector<16xi32> to vector<1x16xi32>
          tpu.vector_store %arg14[%swap3A_859, %swap3A_860], %swap3A_863 {strides = array<i32>} : memref<132x128xi32, #tpu.memory_space<vmem>>, vector<1x16xi32>,
          %add3A_864 = arith.addi %mul3A_854, %min3A_842 : vector<16xi32>
          %add3A_865 = arith.constant 33 : i32
          %add3A_866 = arith.addi %add3A_865, %add3A_212 : i32
          %swap3A_867 = arith.index_cast %add3A_866 : i32 to index
          %swap3A_868 = arith.constant 64 : index
          %swap3A_869 = tpu.vector_load %arg14[%swap3A_867, %swap3A_868] {strides = array<i32>} : memref<132x128xi32, #tpu.memory_space<vmem>>, vector<1x16xi32>,
          %swap3A_870 = vector.shape_cast %swap3A_869 : vector<1x16xi32> to vector<16xi32>
          %swap3A_871 = vector.shape_cast %add3A_864 : vector<16xi32> to vector<1x16xi32>
          tpu.vector_store %arg14[%swap3A_867, %swap3A_868], %swap3A_871 {strides = array<i32>} : memref<132x128xi32, #tpu.memory_space<vmem>>, vector<1x16xi32>,
          %add3A_872 = arith.addi %mul3A_857, %min3A_830 : vector<16xi32>
          %add3A_873 = arith.constant 66 : i32
          %add3A_874 = arith.addi %add3A_873, %add3A_212 : i32
          %swap3A_875 = arith.index_cast %add3A_874 : i32 to index
          %swap3A_876 = arith.constant 64 : index
          %swap3A_877 = tpu.vector_load %arg14[%swap3A_875, %swap3A_876] {strides = array<i32>} : memref<132x128xi32, #tpu.memory_space<vmem>>, vector<1x16xi32>,
          %swap3A_878 = vector.shape_cast %swap3A_877 : vector<1x16xi32> to vector<16xi32>
          %swap3A_879 = vector.shape_cast %add3A_872 : vector<16xi32> to vector<1x16xi32>
          tpu.vector_store %arg14[%swap3A_875, %swap3A_876], %swap3A_879 {strides = array<i32>} : memref<132x128xi32, #tpu.memory_space<vmem>>, vector<1x16xi32>,
          %add3A_880 = arith.addi %mul3A_857, %min3A_842 : vector<16xi32>
          %add3A_881 = arith.constant 99 : i32
          %add3A_882 = arith.addi %add3A_881, %add3A_212 : i32
          %swap3A_883 = arith.index_cast %add3A_882 : i32 to index
          %swap3A_884 = arith.constant 64 : index
          %swap3A_885 = tpu.vector_load %arg14[%swap3A_883, %swap3A_884] {strides = array<i32>} : memref<132x128xi32, #tpu.memory_space<vmem>>, vector<1x16xi32>,
          %swap3A_886 = vector.shape_cast %swap3A_885 : vector<1x16xi32> to vector<16xi32>
          %swap3A_887 = vector.shape_cast %add3A_880 : vector<16xi32> to vector<1x16xi32>
          tpu.vector_store %arg14[%swap3A_883, %swap3A_884], %swap3A_887 {strides = array<i32>} : memref<132x128xi32, #tpu.memory_space<vmem>>, vector<1x16xi32>,
          %sub3A_888 = arith.constant 1.000000e+00 : f32
          %sub3A_889 = vector.broadcast %sub3A_888 : f32 to vector<16xf32>
          %sub3A_890 = arith.subf %sub3A_889, %sub3A_824 : vector<16xf32>
          %mul3A_891 = arith.mulf %mul3A_850, %sub3A_890 : vector<16xf32>
          %swap3A_892 = arith.index_cast %add3A_212 : i32 to index
          %swap3A_893 = arith.constant 64 : index
          %swap3A_894 = tpu.vector_load %arg15[%swap3A_892, %swap3A_893] {strides = array<i32>} : memref<132x128xf32, #tpu.memory_space<vmem>>, vector<1x16xf32>,
          %swap3A_895 = vector.shape_cast %swap3A_894 : vector<1x16xf32> to vector<16xf32>
          %swap3A_896 = vector.shape_cast %mul3A_891 : vector<16xf32> to vector<1x16xf32>
          tpu.vector_store %arg15[%swap3A_892, %swap3A_893], %swap3A_896 {strides = array<i32>} : memref<132x128xf32, #tpu.memory_space<vmem>>, vector<1x16xf32>,
          %mul3A_897 = arith.mulf %mul3A_850, %sub3A_824 : vector<16xf32>
          %add3A_898 = arith.constant 33 : i32
          %add3A_899 = arith.addi %add3A_898, %add3A_212 : i32
          %swap3A_900 = arith.index_cast %add3A_899 : i32 to index
          %swap3A_901 = arith.constant 64 : index
          %swap3A_902 = tpu.vector_load %arg15[%swap3A_900, %swap3A_901] {strides = array<i32>} : memref<132x128xf32, #tpu.memory_space<vmem>>, vector<1x16xf32>,
          %swap3A_903 = vector.shape_cast %swap3A_902 : vector<1x16xf32> to vector<16xf32>
          %swap3A_904 = vector.shape_cast %mul3A_897 : vector<16xf32> to vector<1x16xf32>
          tpu.vector_store %arg15[%swap3A_900, %swap3A_901], %swap3A_904 {strides = array<i32>} : memref<132x128xf32, #tpu.memory_space<vmem>>, vector<1x16xf32>,
          %sub3A_905 = arith.constant 1.000000e+00 : f32
          %sub3A_906 = vector.broadcast %sub3A_905 : f32 to vector<16xf32>
          %sub3A_907 = arith.subf %sub3A_906, %sub3A_824 : vector<16xf32>
          %mul3A_908 = arith.mulf %mul3A_851, %sub3A_907 : vector<16xf32>
          %add3A_909 = arith.constant 66 : i32
          %add3A_910 = arith.addi %add3A_909, %add3A_212 : i32
          %swap3A_911 = arith.index_cast %add3A_910 : i32 to index
          %swap3A_912 = arith.constant 64 : index
          %swap3A_913 = tpu.vector_load %arg15[%swap3A_911, %swap3A_912] {strides = array<i32>} : memref<132x128xf32, #tpu.memory_space<vmem>>, vector<1x16xf32>,
          %swap3A_914 = vector.shape_cast %swap3A_913 : vector<1x16xf32> to vector<16xf32>
          %swap3A_915 = vector.shape_cast %mul3A_908 : vector<16xf32> to vector<1x16xf32>
          tpu.vector_store %arg15[%swap3A_911, %swap3A_912], %swap3A_915 {strides = array<i32>} : memref<132x128xf32, #tpu.memory_space<vmem>>, vector<1x16xf32>,
          %mul3A_916 = arith.mulf %mul3A_851, %sub3A_824 : vector<16xf32>
          %add3A_917 = arith.constant 99 : i32
          %add3A_918 = arith.addi %add3A_917, %add3A_212 : i32
          %swap3A_919 = arith.index_cast %add3A_918 : i32 to index
          %swap3A_920 = arith.constant 64 : index
          %swap3A_921 = tpu.vector_load %arg15[%swap3A_919, %swap3A_920] {strides = array<i32>} : memref<132x128xf32, #tpu.memory_space<vmem>>, vector<1x16xf32>,
          %swap3A_922 = vector.shape_cast %swap3A_921 : vector<1x16xf32> to vector<16xf32>
          %swap3A_923 = vector.shape_cast %mul3A_916 : vector<16xf32> to vector<1x16xf32>
          tpu.vector_store %arg15[%swap3A_919, %swap3A_920], %swap3A_923 {strides = array<i32>} : memref<132x128xf32, #tpu.memory_space<vmem>>, vector<1x16xf32>,
          %mul3A_924 = arith.constant 128 : i32
          %mul3A_925 = arith.muli %add3A_212, %mul3A_924 : i32
          %add3A_926 = arith.constant 80 : i32
          %add3A_927 = arith.addi %mul3A_925, %add3A_926 : i32
          %get3A_928 = arith.index_cast %add3A_927 : i32 to index
          %get3A_929 = tpu.vector_load %arg6[%get3A_928] {strides = array<i32>} : memref<4224xf32, #tpu.memory_space<vmem>>, vector<16xf32>,
          %get3A_930 = vector.shape_cast %get3A_929 : vector<16xf32> to vector<16xf32>
          %get3A_931 = arith.index_cast %add3A_927 : i32 to index
          %get3A_932 = tpu.vector_load %arg7[%get3A_931] {strides = array<i32>} : memref<4224xf32, #tpu.memory_space<vmem>>, vector<16xf32>,
          %get3A_933 = vector.shape_cast %get3A_932 : vector<16xf32> to vector<16xf32>
          %get3A_934 = arith.index_cast %add3A_927 : i32 to index
          %get3A_935 = tpu.vector_load %arg8[%get3A_934] {strides = array<i32>} : memref<4224xf32, #tpu.memory_space<vmem>>, vector<16xf32>,
          %get3A_936 = vector.shape_cast %get3A_935 : vector<16xf32> to vector<16xf32>
          %get3A_937 = arith.index_cast %add3A_927 : i32 to index
          %get3A_938 = tpu.vector_load %arg9[%get3A_937] {strides = array<i32>} : memref<4224xf32, #tpu.memory_space<vmem>>, vector<16xf32>,
          %get3A_939 = vector.shape_cast %get3A_938 : vector<16xf32> to vector<16xf32>
          %add3A_940 = arith.addi %min3A_197, %add3A_927 : i32
          %add3A_941 = vector.broadcast %add3A_940 : i32 to vector<16xi32>
          %add3A_942 = arith.addi %add3A_941, %iota3A : vector<16xi32>
          %ge3A_943 = vector.broadcast %add3A_189 : i32 to vector<16xi32>
          %ge3A_944 = arith.cmpi sge, %add3A_942, %ge3A_943 : vector<16xi32>
          %lt3A_945 = vector.broadcast %min3A_193 : i32 to vector<16xi32>
          %lt3A_946 = arith.cmpi slt, %add3A_942, %lt3A_945 : vector<16xi32>
          %and3A_947 = arith.andi %ge3A_944, %lt3A_946 : vector<16xi1>
          %mul3A_948 = arith.constant 5.000000e-01 : f32
          %mul3A_949 = vector.broadcast %mul3A_948 : f32 to vector<16xf32>
          %mul3A_950 = arith.mulf %mul3A_949, %get3A_936 : vector<16xf32>
          %add3A_951 = arith.addf %get3A_930, %mul3A_950 : vector<16xf32>
          %sub3A_952 = arith.constant 5.000000e-01 : f32
          %sub3A_953 = vector.broadcast %sub3A_952 : f32 to vector<16xf32>
          %sub3A_954 = arith.subf %add3A_951, %sub3A_953 : vector<16xf32>
          %mul3A_955 = arith.constant 5.000000e-01 : f32
          %mul3A_956 = vector.broadcast %mul3A_955 : f32 to vector<16xf32>
          %mul3A_957 = arith.mulf %mul3A_956, %get3A_939 : vector<16xf32>
          %add3A_958 = arith.addf %get3A_933, %mul3A_957 : vector<16xf32>
          %sub3A_959 = arith.constant 5.000000e-01 : f32
          %sub3A_960 = vector.broadcast %sub3A_959 : f32 to vector<16xf32>
          %sub3A_961 = arith.subf %add3A_958, %sub3A_960 : vector<16xf32>
          %convert_element_type3A_962 = arith.fptosi %sub3A_954 : vector<16xf32> to vector<16xi32>
          %convert_element_type3A_963 = arith.fptosi %sub3A_961 : vector<16xf32> to vector<16xi32>
          %convert_element_type3A_964 = arith.sitofp %convert_element_type3A_962 : vector<16xi32> to vector<16xf32>
          %sub3A_965 = arith.subf %sub3A_954, %convert_element_type3A_964 : vector<16xf32>
          %convert_element_type3A_966 = arith.sitofp %convert_element_type3A_963 : vector<16xi32> to vector<16xf32>
          %sub3A_967 = arith.subf %sub3A_961, %convert_element_type3A_966 : vector<16xf32>
          %min3A_968 = arith.constant 511 : i32
          %min3A_969 = vector.broadcast %min3A_968 : i32 to vector<16xi32>
          %min3A_970 = arith.minsi %convert_element_type3A_962, %min3A_969 : vector<16xi32>
          %min3A_971 = arith.constant 511 : i32
          %min3A_972 = vector.broadcast %min3A_971 : i32 to vector<16xi32>
          %min3A_973 = arith.minsi %convert_element_type3A_963, %min3A_972 : vector<16xi32>
          %add3A_974 = arith.constant 1 : i32
          %add3A_975 = vector.broadcast %add3A_974 : i32 to vector<16xi32>
          %add3A_976 = arith.addi %convert_element_type3A_962, %add3A_975 : vector<16xi32>
          %min3A_977 = arith.constant 511 : i32
          %min3A_978 = vector.broadcast %min3A_977 : i32 to vector<16xi32>
          %min3A_979 = arith.minsi %add3A_976, %min3A_978 : vector<16xi32>
          %add3A_980 = arith.constant 1 : i32
          %add3A_981 = vector.broadcast %add3A_980 : i32 to vector<16xi32>
          %add3A_982 = arith.addi %convert_element_type3A_963, %add3A_981 : vector<16xi32>
          %min3A_983 = arith.constant 511 : i32
          %min3A_984 = vector.broadcast %min3A_983 : i32 to vector<16xi32>
          %min3A_985 = arith.minsi %add3A_982, %min3A_984 : vector<16xi32>
          %mul3A_986 = arith.mulf %get3A_936, %get3A_939 : vector<16xf32>
          %jit3A_987 = arith.constant 0.000000e+00 : f32
          %broadcast_in_dim3A_988 = vector.broadcast %jit3A_987 : f32 to vector<16xf32>
          %select_n3A_989 = arith.select %and3A_947, %mul3A_986, %broadcast_in_dim3A_988 : vector<16xi1>, vector<16xf32>
          %sub3A_990 = arith.constant 1.000000e+00 : f32
          %sub3A_991 = vector.broadcast %sub3A_990 : f32 to vector<16xf32>
          %sub3A_992 = arith.subf %sub3A_991, %sub3A_965 : vector<16xf32>
          %mul3A_993 = arith.mulf %select_n3A_989, %sub3A_992 : vector<16xf32>
          %mul3A_994 = arith.mulf %select_n3A_989, %sub3A_965 : vector<16xf32>
          %mul3A_995 = arith.constant 512 : i32
          %mul3A_996 = vector.broadcast %mul3A_995 : i32 to vector<16xi32>
          %mul3A_997 = arith.muli %min3A_970, %mul3A_996 : vector<16xi32>
          %mul3A_998 = arith.constant 512 : i32
          %mul3A_999 = vector.broadcast %mul3A_998 : i32 to vector<16xi32>
          %mul3A_1000 = arith.muli %min3A_979, %mul3A_999 : vector<16xi32>
          %add3A_1001 = arith.addi %mul3A_997, %min3A_973 : vector<16xi32>
          %swap3A_1002 = arith.index_cast %add3A_212 : i32 to index
          %swap3A_1003 = arith.constant 80 : index
          %swap3A_1004 = tpu.vector_load %arg14[%swap3A_1002, %swap3A_1003] {strides = array<i32>} : memref<132x128xi32, #tpu.memory_space<vmem>>, vector<1x16xi32>,
          %swap3A_1005 = vector.shape_cast %swap3A_1004 : vector<1x16xi32> to vector<16xi32>
          %swap3A_1006 = vector.shape_cast %add3A_1001 : vector<16xi32> to vector<1x16xi32>
          tpu.vector_store %arg14[%swap3A_1002, %swap3A_1003], %swap3A_1006 {strides = array<i32>} : memref<132x128xi32, #tpu.memory_space<vmem>>, vector<1x16xi32>,
          %add3A_1007 = arith.addi %mul3A_997, %min3A_985 : vector<16xi32>
          %add3A_1008 = arith.constant 33 : i32
          %add3A_1009 = arith.addi %add3A_1008, %add3A_212 : i32
          %swap3A_1010 = arith.index_cast %add3A_1009 : i32 to index
          %swap3A_1011 = arith.constant 80 : index
          %swap3A_1012 = tpu.vector_load %arg14[%swap3A_1010, %swap3A_1011] {strides = array<i32>} : memref<132x128xi32, #tpu.memory_space<vmem>>, vector<1x16xi32>,
          %swap3A_1013 = vector.shape_cast %swap3A_1012 : vector<1x16xi32> to vector<16xi32>
          %swap3A_1014 = vector.shape_cast %add3A_1007 : vector<16xi32> to vector<1x16xi32>
          tpu.vector_store %arg14[%swap3A_1010, %swap3A_1011], %swap3A_1014 {strides = array<i32>} : memref<132x128xi32, #tpu.memory_space<vmem>>, vector<1x16xi32>,
          %add3A_1015 = arith.addi %mul3A_1000, %min3A_973 : vector<16xi32>
          %add3A_1016 = arith.constant 66 : i32
          %add3A_1017 = arith.addi %add3A_1016, %add3A_212 : i32
          %swap3A_1018 = arith.index_cast %add3A_1017 : i32 to index
          %swap3A_1019 = arith.constant 80 : index
          %swap3A_1020 = tpu.vector_load %arg14[%swap3A_1018, %swap3A_1019] {strides = array<i32>} : memref<132x128xi32, #tpu.memory_space<vmem>>, vector<1x16xi32>,
          %swap3A_1021 = vector.shape_cast %swap3A_1020 : vector<1x16xi32> to vector<16xi32>
          %swap3A_1022 = vector.shape_cast %add3A_1015 : vector<16xi32> to vector<1x16xi32>
          tpu.vector_store %arg14[%swap3A_1018, %swap3A_1019], %swap3A_1022 {strides = array<i32>} : memref<132x128xi32, #tpu.memory_space<vmem>>, vector<1x16xi32>,
          %add3A_1023 = arith.addi %mul3A_1000, %min3A_985 : vector<16xi32>
          %add3A_1024 = arith.constant 99 : i32
          %add3A_1025 = arith.addi %add3A_1024, %add3A_212 : i32
          %swap3A_1026 = arith.index_cast %add3A_1025 : i32 to index
          %swap3A_1027 = arith.constant 80 : index
          %swap3A_1028 = tpu.vector_load %arg14[%swap3A_1026, %swap3A_1027] {strides = array<i32>} : memref<132x128xi32, #tpu.memory_space<vmem>>, vector<1x16xi32>,
          %swap3A_1029 = vector.shape_cast %swap3A_1028 : vector<1x16xi32> to vector<16xi32>
          %swap3A_1030 = vector.shape_cast %add3A_1023 : vector<16xi32> to vector<1x16xi32>
          tpu.vector_store %arg14[%swap3A_1026, %swap3A_1027], %swap3A_1030 {strides = array<i32>} : memref<132x128xi32, #tpu.memory_space<vmem>>, vector<1x16xi32>,
          %sub3A_1031 = arith.constant 1.000000e+00 : f32
          %sub3A_1032 = vector.broadcast %sub3A_1031 : f32 to vector<16xf32>
          %sub3A_1033 = arith.subf %sub3A_1032, %sub3A_967 : vector<16xf32>
          %mul3A_1034 = arith.mulf %mul3A_993, %sub3A_1033 : vector<16xf32>
          %swap3A_1035 = arith.index_cast %add3A_212 : i32 to index
          %swap3A_1036 = arith.constant 80 : index
          %swap3A_1037 = tpu.vector_load %arg15[%swap3A_1035, %swap3A_1036] {strides = array<i32>} : memref<132x128xf32, #tpu.memory_space<vmem>>, vector<1x16xf32>,
          %swap3A_1038 = vector.shape_cast %swap3A_1037 : vector<1x16xf32> to vector<16xf32>
          %swap3A_1039 = vector.shape_cast %mul3A_1034 : vector<16xf32> to vector<1x16xf32>
          tpu.vector_store %arg15[%swap3A_1035, %swap3A_1036], %swap3A_1039 {strides = array<i32>} : memref<132x128xf32, #tpu.memory_space<vmem>>, vector<1x16xf32>,
          %mul3A_1040 = arith.mulf %mul3A_993, %sub3A_967 : vector<16xf32>
          %add3A_1041 = arith.constant 33 : i32
          %add3A_1042 = arith.addi %add3A_1041, %add3A_212 : i32
          %swap3A_1043 = arith.index_cast %add3A_1042 : i32 to index
          %swap3A_1044 = arith.constant 80 : index
          %swap3A_1045 = tpu.vector_load %arg15[%swap3A_1043, %swap3A_1044] {strides = array<i32>} : memref<132x128xf32, #tpu.memory_space<vmem>>, vector<1x16xf32>,
          %swap3A_1046 = vector.shape_cast %swap3A_1045 : vector<1x16xf32> to vector<16xf32>
          %swap3A_1047 = vector.shape_cast %mul3A_1040 : vector<16xf32> to vector<1x16xf32>
          tpu.vector_store %arg15[%swap3A_1043, %swap3A_1044], %swap3A_1047 {strides = array<i32>} : memref<132x128xf32, #tpu.memory_space<vmem>>, vector<1x16xf32>,
          %sub3A_1048 = arith.constant 1.000000e+00 : f32
          %sub3A_1049 = vector.broadcast %sub3A_1048 : f32 to vector<16xf32>
          %sub3A_1050 = arith.subf %sub3A_1049, %sub3A_967 : vector<16xf32>
          %mul3A_1051 = arith.mulf %mul3A_994, %sub3A_1050 : vector<16xf32>
          %add3A_1052 = arith.constant 66 : i32
          %add3A_1053 = arith.addi %add3A_1052, %add3A_212 : i32
          %swap3A_1054 = arith.index_cast %add3A_1053 : i32 to index
          %swap3A_1055 = arith.constant 80 : index
          %swap3A_1056 = tpu.vector_load %arg15[%swap3A_1054, %swap3A_1055] {strides = array<i32>} : memref<132x128xf32, #tpu.memory_space<vmem>>, vector<1x16xf32>,
          %swap3A_1057 = vector.shape_cast %swap3A_1056 : vector<1x16xf32> to vector<16xf32>
          %swap3A_1058 = vector.shape_cast %mul3A_1051 : vector<16xf32> to vector<1x16xf32>
          tpu.vector_store %arg15[%swap3A_1054, %swap3A_1055], %swap3A_1058 {strides = array<i32>} : memref<132x128xf32, #tpu.memory_space<vmem>>, vector<1x16xf32>,
          %mul3A_1059 = arith.mulf %mul3A_994, %sub3A_967 : vector<16xf32>
          %add3A_1060 = arith.constant 99 : i32
          %add3A_1061 = arith.addi %add3A_1060, %add3A_212 : i32
          %swap3A_1062 = arith.index_cast %add3A_1061 : i32 to index
          %swap3A_1063 = arith.constant 80 : index
          %swap3A_1064 = tpu.vector_load %arg15[%swap3A_1062, %swap3A_1063] {strides = array<i32>} : memref<132x128xf32, #tpu.memory_space<vmem>>, vector<1x16xf32>,
          %swap3A_1065 = vector.shape_cast %swap3A_1064 : vector<1x16xf32> to vector<16xf32>
          %swap3A_1066 = vector.shape_cast %mul3A_1059 : vector<16xf32> to vector<1x16xf32>
          tpu.vector_store %arg15[%swap3A_1062, %swap3A_1063], %swap3A_1066 {strides = array<i32>} : memref<132x128xf32, #tpu.memory_space<vmem>>, vector<1x16xf32>,
          %mul3A_1067 = arith.constant 128 : i32
          %mul3A_1068 = arith.muli %add3A_212, %mul3A_1067 : i32
          %add3A_1069 = arith.constant 96 : i32
          %add3A_1070 = arith.addi %mul3A_1068, %add3A_1069 : i32
          %get3A_1071 = arith.index_cast %add3A_1070 : i32 to index
          %get3A_1072 = tpu.vector_load %arg6[%get3A_1071] {strides = array<i32>} : memref<4224xf32, #tpu.memory_space<vmem>>, vector<16xf32>,
          %get3A_1073 = vector.shape_cast %get3A_1072 : vector<16xf32> to vector<16xf32>
          %get3A_1074 = arith.index_cast %add3A_1070 : i32 to index
          %get3A_1075 = tpu.vector_load %arg7[%get3A_1074] {strides = array<i32>} : memref<4224xf32, #tpu.memory_space<vmem>>, vector<16xf32>,
          %get3A_1076 = vector.shape_cast %get3A_1075 : vector<16xf32> to vector<16xf32>
          %get3A_1077 = arith.index_cast %add3A_1070 : i32 to index
          %get3A_1078 = tpu.vector_load %arg8[%get3A_1077] {strides = array<i32>} : memref<4224xf32, #tpu.memory_space<vmem>>, vector<16xf32>,
          %get3A_1079 = vector.shape_cast %get3A_1078 : vector<16xf32> to vector<16xf32>
          %get3A_1080 = arith.index_cast %add3A_1070 : i32 to index
          %get3A_1081 = tpu.vector_load %arg9[%get3A_1080] {strides = array<i32>} : memref<4224xf32, #tpu.memory_space<vmem>>, vector<16xf32>,
          %get3A_1082 = vector.shape_cast %get3A_1081 : vector<16xf32> to vector<16xf32>
          %add3A_1083 = arith.addi %min3A_197, %add3A_1070 : i32
          %add3A_1084 = vector.broadcast %add3A_1083 : i32 to vector<16xi32>
          %add3A_1085 = arith.addi %add3A_1084, %iota3A : vector<16xi32>
          %ge3A_1086 = vector.broadcast %add3A_189 : i32 to vector<16xi32>
          %ge3A_1087 = arith.cmpi sge, %add3A_1085, %ge3A_1086 : vector<16xi32>
          %lt3A_1088 = vector.broadcast %min3A_193 : i32 to vector<16xi32>
          %lt3A_1089 = arith.cmpi slt, %add3A_1085, %lt3A_1088 : vector<16xi32>
          %and3A_1090 = arith.andi %ge3A_1087, %lt3A_1089 : vector<16xi1>
          %mul3A_1091 = arith.constant 5.000000e-01 : f32
          %mul3A_1092 = vector.broadcast %mul3A_1091 : f32 to vector<16xf32>
          %mul3A_1093 = arith.mulf %mul3A_1092, %get3A_1079 : vector<16xf32>
          %add3A_1094 = arith.addf %get3A_1073, %mul3A_1093 : vector<16xf32>
          %sub3A_1095 = arith.constant 5.000000e-01 : f32
          %sub3A_1096 = vector.broadcast %sub3A_1095 : f32 to vector<16xf32>
          %sub3A_1097 = arith.subf %add3A_1094, %sub3A_1096 : vector<16xf32>
          %mul3A_1098 = arith.constant 5.000000e-01 : f32
          %mul3A_1099 = vector.broadcast %mul3A_1098 : f32 to vector<16xf32>
          %mul3A_1100 = arith.mulf %mul3A_1099, %get3A_1082 : vector<16xf32>
          %add3A_1101 = arith.addf %get3A_1076, %mul3A_1100 : vector<16xf32>
          %sub3A_1102 = arith.constant 5.000000e-01 : f32
          %sub3A_1103 = vector.broadcast %sub3A_1102 : f32 to vector<16xf32>
          %sub3A_1104 = arith.subf %add3A_1101, %sub3A_1103 : vector<16xf32>
          %convert_element_type3A_1105 = arith.fptosi %sub3A_1097 : vector<16xf32> to vector<16xi32>
          %convert_element_type3A_1106 = arith.fptosi %sub3A_1104 : vector<16xf32> to vector<16xi32>
          %convert_element_type3A_1107 = arith.sitofp %convert_element_type3A_1105 : vector<16xi32> to vector<16xf32>
          %sub3A_1108 = arith.subf %sub3A_1097, %convert_element_type3A_1107 : vector<16xf32>
          %convert_element_type3A_1109 = arith.sitofp %convert_element_type3A_1106 : vector<16xi32> to vector<16xf32>
          %sub3A_1110 = arith.subf %sub3A_1104, %convert_element_type3A_1109 : vector<16xf32>
          %min3A_1111 = arith.constant 511 : i32
          %min3A_1112 = vector.broadcast %min3A_1111 : i32 to vector<16xi32>
          %min3A_1113 = arith.minsi %convert_element_type3A_1105, %min3A_1112 : vector<16xi32>
          %min3A_1114 = arith.constant 511 : i32
          %min3A_1115 = vector.broadcast %min3A_1114 : i32 to vector<16xi32>
          %min3A_1116 = arith.minsi %convert_element_type3A_1106, %min3A_1115 : vector<16xi32>
          %add3A_1117 = arith.constant 1 : i32
          %add3A_1118 = vector.broadcast %add3A_1117 : i32 to vector<16xi32>
          %add3A_1119 = arith.addi %convert_element_type3A_1105, %add3A_1118 : vector<16xi32>
          %min3A_1120 = arith.constant 511 : i32
          %min3A_1121 = vector.broadcast %min3A_1120 : i32 to vector<16xi32>
          %min3A_1122 = arith.minsi %add3A_1119, %min3A_1121 : vector<16xi32>
          %add3A_1123 = arith.constant 1 : i32
          %add3A_1124 = vector.broadcast %add3A_1123 : i32 to vector<16xi32>
          %add3A_1125 = arith.addi %convert_element_type3A_1106, %add3A_1124 : vector<16xi32>
          %min3A_1126 = arith.constant 511 : i32
          %min3A_1127 = vector.broadcast %min3A_1126 : i32 to vector<16xi32>
          %min3A_1128 = arith.minsi %add3A_1125, %min3A_1127 : vector<16xi32>
          %mul3A_1129 = arith.mulf %get3A_1079, %get3A_1082 : vector<16xf32>
          %jit3A_1130 = arith.constant 0.000000e+00 : f32
          %broadcast_in_dim3A_1131 = vector.broadcast %jit3A_1130 : f32 to vector<16xf32>
          %select_n3A_1132 = arith.select %and3A_1090, %mul3A_1129, %broadcast_in_dim3A_1131 : vector<16xi1>, vector<16xf32>
          %sub3A_1133 = arith.constant 1.000000e+00 : f32
          %sub3A_1134 = vector.broadcast %sub3A_1133 : f32 to vector<16xf32>
          %sub3A_1135 = arith.subf %sub3A_1134, %sub3A_1108 : vector<16xf32>
          %mul3A_1136 = arith.mulf %select_n3A_1132, %sub3A_1135 : vector<16xf32>
          %mul3A_1137 = arith.mulf %select_n3A_1132, %sub3A_1108 : vector<16xf32>
          %mul3A_1138 = arith.constant 512 : i32
          %mul3A_1139 = vector.broadcast %mul3A_1138 : i32 to vector<16xi32>
          %mul3A_1140 = arith.muli %min3A_1113, %mul3A_1139 : vector<16xi32>
          %mul3A_1141 = arith.constant 512 : i32
          %mul3A_1142 = vector.broadcast %mul3A_1141 : i32 to vector<16xi32>
          %mul3A_1143 = arith.muli %min3A_1122, %mul3A_1142 : vector<16xi32>
          %add3A_1144 = arith.addi %mul3A_1140, %min3A_1116 : vector<16xi32>
          %swap3A_1145 = arith.index_cast %add3A_212 : i32 to index
          %swap3A_1146 = arith.constant 96 : index
          %swap3A_1147 = tpu.vector_load %arg14[%swap3A_1145, %swap3A_1146] {strides = array<i32>} : memref<132x128xi32, #tpu.memory_space<vmem>>, vector<1x16xi32>,
          %swap3A_1148 = vector.shape_cast %swap3A_1147 : vector<1x16xi32> to vector<16xi32>
          %swap3A_1149 = vector.shape_cast %add3A_1144 : vector<16xi32> to vector<1x16xi32>
          tpu.vector_store %arg14[%swap3A_1145, %swap3A_1146], %swap3A_1149 {strides = array<i32>} : memref<132x128xi32, #tpu.memory_space<vmem>>, vector<1x16xi32>,
          %add3A_1150 = arith.addi %mul3A_1140, %min3A_1128 : vector<16xi32>
          %add3A_1151 = arith.constant 33 : i32
          %add3A_1152 = arith.addi %add3A_1151, %add3A_212 : i32
          %swap3A_1153 = arith.index_cast %add3A_1152 : i32 to index
          %swap3A_1154 = arith.constant 96 : index
          %swap3A_1155 = tpu.vector_load %arg14[%swap3A_1153, %swap3A_1154] {strides = array<i32>} : memref<132x128xi32, #tpu.memory_space<vmem>>, vector<1x16xi32>,
          %swap3A_1156 = vector.shape_cast %swap3A_1155 : vector<1x16xi32> to vector<16xi32>
          %swap3A_1157 = vector.shape_cast %add3A_1150 : vector<16xi32> to vector<1x16xi32>
          tpu.vector_store %arg14[%swap3A_1153, %swap3A_1154], %swap3A_1157 {strides = array<i32>} : memref<132x128xi32, #tpu.memory_space<vmem>>, vector<1x16xi32>,
          %add3A_1158 = arith.addi %mul3A_1143, %min3A_1116 : vector<16xi32>
          %add3A_1159 = arith.constant 66 : i32
          %add3A_1160 = arith.addi %add3A_1159, %add3A_212 : i32
          %swap3A_1161 = arith.index_cast %add3A_1160 : i32 to index
          %swap3A_1162 = arith.constant 96 : index
          %swap3A_1163 = tpu.vector_load %arg14[%swap3A_1161, %swap3A_1162] {strides = array<i32>} : memref<132x128xi32, #tpu.memory_space<vmem>>, vector<1x16xi32>,
          %swap3A_1164 = vector.shape_cast %swap3A_1163 : vector<1x16xi32> to vector<16xi32>
          %swap3A_1165 = vector.shape_cast %add3A_1158 : vector<16xi32> to vector<1x16xi32>
          tpu.vector_store %arg14[%swap3A_1161, %swap3A_1162], %swap3A_1165 {strides = array<i32>} : memref<132x128xi32, #tpu.memory_space<vmem>>, vector<1x16xi32>,
          %add3A_1166 = arith.addi %mul3A_1143, %min3A_1128 : vector<16xi32>
          %add3A_1167 = arith.constant 99 : i32
          %add3A_1168 = arith.addi %add3A_1167, %add3A_212 : i32
          %swap3A_1169 = arith.index_cast %add3A_1168 : i32 to index
          %swap3A_1170 = arith.constant 96 : index
          %swap3A_1171 = tpu.vector_load %arg14[%swap3A_1169, %swap3A_1170] {strides = array<i32>} : memref<132x128xi32, #tpu.memory_space<vmem>>, vector<1x16xi32>,
          %swap3A_1172 = vector.shape_cast %swap3A_1171 : vector<1x16xi32> to vector<16xi32>
          %swap3A_1173 = vector.shape_cast %add3A_1166 : vector<16xi32> to vector<1x16xi32>
          tpu.vector_store %arg14[%swap3A_1169, %swap3A_1170], %swap3A_1173 {strides = array<i32>} : memref<132x128xi32, #tpu.memory_space<vmem>>, vector<1x16xi32>,
          %sub3A_1174 = arith.constant 1.000000e+00 : f32
          %sub3A_1175 = vector.broadcast %sub3A_1174 : f32 to vector<16xf32>
          %sub3A_1176 = arith.subf %sub3A_1175, %sub3A_1110 : vector<16xf32>
          %mul3A_1177 = arith.mulf %mul3A_1136, %sub3A_1176 : vector<16xf32>
          %swap3A_1178 = arith.index_cast %add3A_212 : i32 to index
          %swap3A_1179 = arith.constant 96 : index
          %swap3A_1180 = tpu.vector_load %arg15[%swap3A_1178, %swap3A_1179] {strides = array<i32>} : memref<132x128xf32, #tpu.memory_space<vmem>>, vector<1x16xf32>,
          %swap3A_1181 = vector.shape_cast %swap3A_1180 : vector<1x16xf32> to vector<16xf32>
          %swap3A_1182 = vector.shape_cast %mul3A_1177 : vector<16xf32> to vector<1x16xf32>
          tpu.vector_store %arg15[%swap3A_1178, %swap3A_1179], %swap3A_1182 {strides = array<i32>} : memref<132x128xf32, #tpu.memory_space<vmem>>, vector<1x16xf32>,
          %mul3A_1183 = arith.mulf %mul3A_1136, %sub3A_1110 : vector<16xf32>
          %add3A_1184 = arith.constant 33 : i32
          %add3A_1185 = arith.addi %add3A_1184, %add3A_212 : i32
          %swap3A_1186 = arith.index_cast %add3A_1185 : i32 to index
          %swap3A_1187 = arith.constant 96 : index
          %swap3A_1188 = tpu.vector_load %arg15[%swap3A_1186, %swap3A_1187] {strides = array<i32>} : memref<132x128xf32, #tpu.memory_space<vmem>>, vector<1x16xf32>,
          %swap3A_1189 = vector.shape_cast %swap3A_1188 : vector<1x16xf32> to vector<16xf32>
          %swap3A_1190 = vector.shape_cast %mul3A_1183 : vector<16xf32> to vector<1x16xf32>
          tpu.vector_store %arg15[%swap3A_1186, %swap3A_1187], %swap3A_1190 {strides = array<i32>} : memref<132x128xf32, #tpu.memory_space<vmem>>, vector<1x16xf32>,
          %sub3A_1191 = arith.constant 1.000000e+00 : f32
          %sub3A_1192 = vector.broadcast %sub3A_1191 : f32 to vector<16xf32>
          %sub3A_1193 = arith.subf %sub3A_1192, %sub3A_1110 : vector<16xf32>
          %mul3A_1194 = arith.mulf %mul3A_1137, %sub3A_1193 : vector<16xf32>
          %add3A_1195 = arith.constant 66 : i32
          %add3A_1196 = arith.addi %add3A_1195, %add3A_212 : i32
          %swap3A_1197 = arith.index_cast %add3A_1196 : i32 to index
          %swap3A_1198 = arith.constant 96 : index
          %swap3A_1199 = tpu.vector_load %arg15[%swap3A_1197, %swap3A_1198] {strides = array<i32>} : memref<132x128xf32, #tpu.memory_space<vmem>>, vector<1x16xf32>,
          %swap3A_1200 = vector.shape_cast %swap3A_1199 : vector<1x16xf32> to vector<16xf32>
          %swap3A_1201 = vector.shape_cast %mul3A_1194 : vector<16xf32> to vector<1x16xf32>
          tpu.vector_store %arg15[%swap3A_1197, %swap3A_1198], %swap3A_1201 {strides = array<i32>} : memref<132x128xf32, #tpu.memory_space<vmem>>, vector<1x16xf32>,
          %mul3A_1202 = arith.mulf %mul3A_1137, %sub3A_1110 : vector<16xf32>
          %add3A_1203 = arith.constant 99 : i32
          %add3A_1204 = arith.addi %add3A_1203, %add3A_212 : i32
          %swap3A_1205 = arith.index_cast %add3A_1204 : i32 to index
          %swap3A_1206 = arith.constant 96 : index
          %swap3A_1207 = tpu.vector_load %arg15[%swap3A_1205, %swap3A_1206] {strides = array<i32>} : memref<132x128xf32, #tpu.memory_space<vmem>>, vector<1x16xf32>,
          %swap3A_1208 = vector.shape_cast %swap3A_1207 : vector<1x16xf32> to vector<16xf32>
          %swap3A_1209 = vector.shape_cast %mul3A_1202 : vector<16xf32> to vector<1x16xf32>
          tpu.vector_store %arg15[%swap3A_1205, %swap3A_1206], %swap3A_1209 {strides = array<i32>} : memref<132x128xf32, #tpu.memory_space<vmem>>, vector<1x16xf32>,
          %mul3A_1210 = arith.constant 128 : i32
          %mul3A_1211 = arith.muli %add3A_212, %mul3A_1210 : i32
          %add3A_1212 = arith.constant 112 : i32
          %add3A_1213 = arith.addi %mul3A_1211, %add3A_1212 : i32
          %get3A_1214 = arith.index_cast %add3A_1213 : i32 to index
          %get3A_1215 = tpu.vector_load %arg6[%get3A_1214] {strides = array<i32>} : memref<4224xf32, #tpu.memory_space<vmem>>, vector<16xf32>,
          %get3A_1216 = vector.shape_cast %get3A_1215 : vector<16xf32> to vector<16xf32>
          %get3A_1217 = arith.index_cast %add3A_1213 : i32 to index
          %get3A_1218 = tpu.vector_load %arg7[%get3A_1217] {strides = array<i32>} : memref<4224xf32, #tpu.memory_space<vmem>>, vector<16xf32>,
          %get3A_1219 = vector.shape_cast %get3A_1218 : vector<16xf32> to vector<16xf32>
          %get3A_1220 = arith.index_cast %add3A_1213 : i32 to index
          %get3A_1221 = tpu.vector_load %arg8[%get3A_1220] {strides = array<i32>} : memref<4224xf32, #tpu.memory_space<vmem>>, vector<16xf32>,
          %get3A_1222 = vector.shape_cast %get3A_1221 : vector<16xf32> to vector<16xf32>
          %get3A_1223 = arith.index_cast %add3A_1213 : i32 to index
          %get3A_1224 = tpu.vector_load %arg9[%get3A_1223] {strides = array<i32>} : memref<4224xf32, #tpu.memory_space<vmem>>, vector<16xf32>,
          %get3A_1225 = vector.shape_cast %get3A_1224 : vector<16xf32> to vector<16xf32>
          %add3A_1226 = arith.addi %min3A_197, %add3A_1213 : i32
          %add3A_1227 = vector.broadcast %add3A_1226 : i32 to vector<16xi32>
          %add3A_1228 = arith.addi %add3A_1227, %iota3A : vector<16xi32>
          %ge3A_1229 = vector.broadcast %add3A_189 : i32 to vector<16xi32>
          %ge3A_1230 = arith.cmpi sge, %add3A_1228, %ge3A_1229 : vector<16xi32>
          %lt3A_1231 = vector.broadcast %min3A_193 : i32 to vector<16xi32>
          %lt3A_1232 = arith.cmpi slt, %add3A_1228, %lt3A_1231 : vector<16xi32>
          %and3A_1233 = arith.andi %ge3A_1230, %lt3A_1232 : vector<16xi1>
          %mul3A_1234 = arith.constant 5.000000e-01 : f32
          %mul3A_1235 = vector.broadcast %mul3A_1234 : f32 to vector<16xf32>
          %mul3A_1236 = arith.mulf %mul3A_1235, %get3A_1222 : vector<16xf32>
          %add3A_1237 = arith.addf %get3A_1216, %mul3A_1236 : vector<16xf32>
          %sub3A_1238 = arith.constant 5.000000e-01 : f32
          %sub3A_1239 = vector.broadcast %sub3A_1238 : f32 to vector<16xf32>
          %sub3A_1240 = arith.subf %add3A_1237, %sub3A_1239 : vector<16xf32>
          %mul3A_1241 = arith.constant 5.000000e-01 : f32
          %mul3A_1242 = vector.broadcast %mul3A_1241 : f32 to vector<16xf32>
          %mul3A_1243 = arith.mulf %mul3A_1242, %get3A_1225 : vector<16xf32>
          %add3A_1244 = arith.addf %get3A_1219, %mul3A_1243 : vector<16xf32>
          %sub3A_1245 = arith.constant 5.000000e-01 : f32
          %sub3A_1246 = vector.broadcast %sub3A_1245 : f32 to vector<16xf32>
          %sub3A_1247 = arith.subf %add3A_1244, %sub3A_1246 : vector<16xf32>
          %convert_element_type3A_1248 = arith.fptosi %sub3A_1240 : vector<16xf32> to vector<16xi32>
          %convert_element_type3A_1249 = arith.fptosi %sub3A_1247 : vector<16xf32> to vector<16xi32>
          %convert_element_type3A_1250 = arith.sitofp %convert_element_type3A_1248 : vector<16xi32> to vector<16xf32>
          %sub3A_1251 = arith.subf %sub3A_1240, %convert_element_type3A_1250 : vector<16xf32>
          %convert_element_type3A_1252 = arith.sitofp %convert_element_type3A_1249 : vector<16xi32> to vector<16xf32>
          %sub3A_1253 = arith.subf %sub3A_1247, %convert_element_type3A_1252 : vector<16xf32>
          %min3A_1254 = arith.constant 511 : i32
          %min3A_1255 = vector.broadcast %min3A_1254 : i32 to vector<16xi32>
          %min3A_1256 = arith.minsi %convert_element_type3A_1248, %min3A_1255 : vector<16xi32>
          %min3A_1257 = arith.constant 511 : i32
          %min3A_1258 = vector.broadcast %min3A_1257 : i32 to vector<16xi32>
          %min3A_1259 = arith.minsi %convert_element_type3A_1249, %min3A_1258 : vector<16xi32>
          %add3A_1260 = arith.constant 1 : i32
          %add3A_1261 = vector.broadcast %add3A_1260 : i32 to vector<16xi32>
          %add3A_1262 = arith.addi %convert_element_type3A_1248, %add3A_1261 : vector<16xi32>
          %min3A_1263 = arith.constant 511 : i32
          %min3A_1264 = vector.broadcast %min3A_1263 : i32 to vector<16xi32>
          %min3A_1265 = arith.minsi %add3A_1262, %min3A_1264 : vector<16xi32>
          %add3A_1266 = arith.constant 1 : i32
          %add3A_1267 = vector.broadcast %add3A_1266 : i32 to vector<16xi32>
          %add3A_1268 = arith.addi %convert_element_type3A_1249, %add3A_1267 : vector<16xi32>
          %min3A_1269 = arith.constant 511 : i32
          %min3A_1270 = vector.broadcast %min3A_1269 : i32 to vector<16xi32>
          %min3A_1271 = arith.minsi %add3A_1268, %min3A_1270 : vector<16xi32>
          %mul3A_1272 = arith.mulf %get3A_1222, %get3A_1225 : vector<16xf32>
          %jit3A_1273 = arith.constant 0.000000e+00 : f32
          %broadcast_in_dim3A_1274 = vector.broadcast %jit3A_1273 : f32 to vector<16xf32>
          %select_n3A_1275 = arith.select %and3A_1233, %mul3A_1272, %broadcast_in_dim3A_1274 : vector<16xi1>, vector<16xf32>
          %sub3A_1276 = arith.constant 1.000000e+00 : f32
          %sub3A_1277 = vector.broadcast %sub3A_1276 : f32 to vector<16xf32>
          %sub3A_1278 = arith.subf %sub3A_1277, %sub3A_1251 : vector<16xf32>
          %mul3A_1279 = arith.mulf %select_n3A_1275, %sub3A_1278 : vector<16xf32>
          %mul3A_1280 = arith.mulf %select_n3A_1275, %sub3A_1251 : vector<16xf32>
          %mul3A_1281 = arith.constant 512 : i32
          %mul3A_1282 = vector.broadcast %mul3A_1281 : i32 to vector<16xi32>
          %mul3A_1283 = arith.muli %min3A_1256, %mul3A_1282 : vector<16xi32>
          %mul3A_1284 = arith.constant 512 : i32
          %mul3A_1285 = vector.broadcast %mul3A_1284 : i32 to vector<16xi32>
          %mul3A_1286 = arith.muli %min3A_1265, %mul3A_1285 : vector<16xi32>
          %add3A_1287 = arith.addi %mul3A_1283, %min3A_1259 : vector<16xi32>
          %swap3A_1288 = arith.index_cast %add3A_212 : i32 to index
          %swap3A_1289 = arith.constant 112 : index
          %swap3A_1290 = tpu.vector_load %arg14[%swap3A_1288, %swap3A_1289] {strides = array<i32>} : memref<132x128xi32, #tpu.memory_space<vmem>>, vector<1x16xi32>,
          %swap3A_1291 = vector.shape_cast %swap3A_1290 : vector<1x16xi32> to vector<16xi32>
          %swap3A_1292 = vector.shape_cast %add3A_1287 : vector<16xi32> to vector<1x16xi32>
          tpu.vector_store %arg14[%swap3A_1288, %swap3A_1289], %swap3A_1292 {strides = array<i32>} : memref<132x128xi32, #tpu.memory_space<vmem>>, vector<1x16xi32>,
          %add3A_1293 = arith.addi %mul3A_1283, %min3A_1271 : vector<16xi32>
          %add3A_1294 = arith.constant 33 : i32
          %add3A_1295 = arith.addi %add3A_1294, %add3A_212 : i32
          %swap3A_1296 = arith.index_cast %add3A_1295 : i32 to index
          %swap3A_1297 = arith.constant 112 : index
          %swap3A_1298 = tpu.vector_load %arg14[%swap3A_1296, %swap3A_1297] {strides = array<i32>} : memref<132x128xi32, #tpu.memory_space<vmem>>, vector<1x16xi32>,
          %swap3A_1299 = vector.shape_cast %swap3A_1298 : vector<1x16xi32> to vector<16xi32>
          %swap3A_1300 = vector.shape_cast %add3A_1293 : vector<16xi32> to vector<1x16xi32>
          tpu.vector_store %arg14[%swap3A_1296, %swap3A_1297], %swap3A_1300 {strides = array<i32>} : memref<132x128xi32, #tpu.memory_space<vmem>>, vector<1x16xi32>,
          %add3A_1301 = arith.addi %mul3A_1286, %min3A_1259 : vector<16xi32>
          %add3A_1302 = arith.constant 66 : i32
          %add3A_1303 = arith.addi %add3A_1302, %add3A_212 : i32
          %swap3A_1304 = arith.index_cast %add3A_1303 : i32 to index
          %swap3A_1305 = arith.constant 112 : index
          %swap3A_1306 = tpu.vector_load %arg14[%swap3A_1304, %swap3A_1305] {strides = array<i32>} : memref<132x128xi32, #tpu.memory_space<vmem>>, vector<1x16xi32>,
          %swap3A_1307 = vector.shape_cast %swap3A_1306 : vector<1x16xi32> to vector<16xi32>
          %swap3A_1308 = vector.shape_cast %add3A_1301 : vector<16xi32> to vector<1x16xi32>
          tpu.vector_store %arg14[%swap3A_1304, %swap3A_1305], %swap3A_1308 {strides = array<i32>} : memref<132x128xi32, #tpu.memory_space<vmem>>, vector<1x16xi32>,
          %add3A_1309 = arith.addi %mul3A_1286, %min3A_1271 : vector<16xi32>
          %add3A_1310 = arith.constant 99 : i32
          %add3A_1311 = arith.addi %add3A_1310, %add3A_212 : i32
          %swap3A_1312 = arith.index_cast %add3A_1311 : i32 to index
          %swap3A_1313 = arith.constant 112 : index
          %swap3A_1314 = tpu.vector_load %arg14[%swap3A_1312, %swap3A_1313] {strides = array<i32>} : memref<132x128xi32, #tpu.memory_space<vmem>>, vector<1x16xi32>,
          %swap3A_1315 = vector.shape_cast %swap3A_1314 : vector<1x16xi32> to vector<16xi32>
          %swap3A_1316 = vector.shape_cast %add3A_1309 : vector<16xi32> to vector<1x16xi32>
          tpu.vector_store %arg14[%swap3A_1312, %swap3A_1313], %swap3A_1316 {strides = array<i32>} : memref<132x128xi32, #tpu.memory_space<vmem>>, vector<1x16xi32>,
          %sub3A_1317 = arith.constant 1.000000e+00 : f32
          %sub3A_1318 = vector.broadcast %sub3A_1317 : f32 to vector<16xf32>
          %sub3A_1319 = arith.subf %sub3A_1318, %sub3A_1253 : vector<16xf32>
          %mul3A_1320 = arith.mulf %mul3A_1279, %sub3A_1319 : vector<16xf32>
          %swap3A_1321 = arith.index_cast %add3A_212 : i32 to index
          %swap3A_1322 = arith.constant 112 : index
          %swap3A_1323 = tpu.vector_load %arg15[%swap3A_1321, %swap3A_1322] {strides = array<i32>} : memref<132x128xf32, #tpu.memory_space<vmem>>, vector<1x16xf32>,
          %swap3A_1324 = vector.shape_cast %swap3A_1323 : vector<1x16xf32> to vector<16xf32>
          %swap3A_1325 = vector.shape_cast %mul3A_1320 : vector<16xf32> to vector<1x16xf32>
          tpu.vector_store %arg15[%swap3A_1321, %swap3A_1322], %swap3A_1325 {strides = array<i32>} : memref<132x128xf32, #tpu.memory_space<vmem>>, vector<1x16xf32>,
          %mul3A_1326 = arith.mulf %mul3A_1279, %sub3A_1253 : vector<16xf32>
          %add3A_1327 = arith.constant 33 : i32
          %add3A_1328 = arith.addi %add3A_1327, %add3A_212 : i32
          %swap3A_1329 = arith.index_cast %add3A_1328 : i32 to index
          %swap3A_1330 = arith.constant 112 : index
          %swap3A_1331 = tpu.vector_load %arg15[%swap3A_1329, %swap3A_1330] {strides = array<i32>} : memref<132x128xf32, #tpu.memory_space<vmem>>, vector<1x16xf32>,
          %swap3A_1332 = vector.shape_cast %swap3A_1331 : vector<1x16xf32> to vector<16xf32>
          %swap3A_1333 = vector.shape_cast %mul3A_1326 : vector<16xf32> to vector<1x16xf32>
          tpu.vector_store %arg15[%swap3A_1329, %swap3A_1330], %swap3A_1333 {strides = array<i32>} : memref<132x128xf32, #tpu.memory_space<vmem>>, vector<1x16xf32>,
          %sub3A_1334 = arith.constant 1.000000e+00 : f32
          %sub3A_1335 = vector.broadcast %sub3A_1334 : f32 to vector<16xf32>
          %sub3A_1336 = arith.subf %sub3A_1335, %sub3A_1253 : vector<16xf32>
          %mul3A_1337 = arith.mulf %mul3A_1280, %sub3A_1336 : vector<16xf32>
          %add3A_1338 = arith.constant 66 : i32
          %add3A_1339 = arith.addi %add3A_1338, %add3A_212 : i32
          %swap3A_1340 = arith.index_cast %add3A_1339 : i32 to index
          %swap3A_1341 = arith.constant 112 : index
          %swap3A_1342 = tpu.vector_load %arg15[%swap3A_1340, %swap3A_1341] {strides = array<i32>} : memref<132x128xf32, #tpu.memory_space<vmem>>, vector<1x16xf32>,
          %swap3A_1343 = vector.shape_cast %swap3A_1342 : vector<1x16xf32> to vector<16xf32>
          %swap3A_1344 = vector.shape_cast %mul3A_1337 : vector<16xf32> to vector<1x16xf32>
          tpu.vector_store %arg15[%swap3A_1340, %swap3A_1341], %swap3A_1344 {strides = array<i32>} : memref<132x128xf32, #tpu.memory_space<vmem>>, vector<1x16xf32>,
          %mul3A_1345 = arith.mulf %mul3A_1280, %sub3A_1253 : vector<16xf32>
          %add3A_1346 = arith.constant 99 : i32
          %add3A_1347 = arith.addi %add3A_1346, %add3A_212 : i32
          %swap3A_1348 = arith.index_cast %add3A_1347 : i32 to index
          %swap3A_1349 = arith.constant 112 : index
          %swap3A_1350 = tpu.vector_load %arg15[%swap3A_1348, %swap3A_1349] {strides = array<i32>} : memref<132x128xf32, #tpu.memory_space<vmem>>, vector<1x16xf32>,
          %swap3A_1351 = vector.shape_cast %swap3A_1350 : vector<1x16xf32> to vector<16xf32>
          %swap3A_1352 = vector.shape_cast %mul3A_1345 : vector<16xf32> to vector<1x16xf32>
          tpu.vector_store %arg15[%swap3A_1348, %swap3A_1349], %swap3A_1352 {strides = array<i32>} : memref<132x128xf32, #tpu.memory_space<vmem>>, vector<1x16xf32>,
        }
        %scan3A_202 = arith.constant 33 : i32
        %scan3A_203 = arith.constant 0 : i32
        %scan3A_204 = arith.constant 132 : i32
        %scan3A_205 = arith.addi %scan3A_203, %scan3A_204 : i32
        %scan3A_206 = arith.constant 1 : i32
        scf.for %scan3A_208 = %scan3A_203 to %scan3A_205 step %scan3A_206  : i32 {
          %mul3A_209 = arith.constant 1 : i32
          %mul3A_210 = arith.muli %scan3A_208, %mul3A_209 : i32
          %add3A_211 = arith.constant 0 : i32
          %add3A_212 = arith.addi %add3A_211, %mul3A_210 : i32
          %dma_start3A_213 = arith.constant 0 : i32
          %dma_start3A_214 = tpu.memref_slice %arg15[%add3A_212, %dma_start3A_213] : memref<132x128xf32, #tpu.memory_space<vmem>> -> memref<1x128xf32, #tpu.memory_space<vmem>>
          %dma_start3A_215 = tpu.memref_squeeze %dma_start3A_214 : memref<1x128xf32, #tpu.memory_space<vmem>> -> memref<128xf32, #tpu.memory_space<vmem>>
          %dma_start3A_216 = arith.constant 0 : i32
          %dma_start3A_217 = tpu.memref_slice %arg14[%add3A_212, %dma_start3A_216] : memref<132x128xi32, #tpu.memory_space<vmem>> -> memref<1x128xi32, #tpu.memory_space<vmem>>
          %dma_start3A_218 = tpu.memref_squeeze %dma_start3A_217 : memref<1x128xi32, #tpu.memory_space<vmem>> -> memref<128xi32, #tpu.memory_space<vmem>>
          %dma_start3A_219 = arith.constant 0 : i32
          %dma_start3A_220 = tpu.memref_slice %arg19[%dma_start3A_219] : memref<262144xf32, #tpu.memory_space<vmem_shared>> -> memref<262144xf32, #tpu.memory_space<vmem_shared>>
          tpu.enqueue_indirect_dma source(%dma_start3A_215 : memref<128xf32, #tpu.memory_space<vmem>>) target(%dma_start3A_220 : memref<262144xf32, #tpu.memory_space<vmem_shared>>) offsets(%dma_start3A_218 : memref<128xi32, #tpu.memory_space<vmem>>) semaphore(%arg22 : memref<!tpu.dma_semaphore, #tpu.memory_space<semaphore_mem>>) {add = true}
        }
        %scan3A_207 = arith.constant 132 : i32
      } else {
      }
      %add3A_128 = arith.constant 1 : i32
      %add3A_129 = arith.addi %add3A_121, %add3A_128 : i32
      %lt3A_130 = arith.constant 7 : i32
      %lt3A_131 = arith.cmpi slt, %add3A_129, %lt3A_130 : i32
      %convert_element_type3A_132 = arith.extui %lt3A_131 : i1 to i32
      %cond3A_133 = arith.constant 0 : i32
      %cond3A_134 = arith.cmpi ne, %convert_element_type3A_132, %cond3A_133 : i32
      scf.if %cond3A_134 {
        %ge3A = arith.constant 4 : i32
        %ge3A_135 = arith.cmpi sge, %add3A_129, %ge3A : i32
        %sub3A = arith.constant 4 : i32
        %sub3A_136 = arith.subi %add3A_129, %sub3A : i32
        %select_n3A_137 = arith.select %ge3A_135, %sub3A_136, %add3A_129 : i32
        %select_n3A_138 = arith.select %ge3A_135, %add3A_12, %add3A_4 : i32
        %mul3A_139 = arith.constant 33 : i32
        %mul3A_140 = arith.muli %select_n3A_137, %mul3A_139 : i32
        %add3A_141 = arith.addi %select_n3A_138, %mul3A_140 : i32
        %jit3A_142 = arith.constant 600000 : i32
        %jit3A_143 = arith.constant 0 : i32
        %select_n3A_144 = arith.select %ge3A_135, %jit3A_142, %jit3A_143 : i32
        %mul3A_145 = arith.constant 128 : i32
        %mul3A_146 = arith.muli %add3A_141, %mul3A_145 : i32
        %add3A_147 = arith.addi %select_n3A_144, %mul3A_146 : i32
        %add3A_148 = arith.constant 4224 : i32
        %add3A_149 = arith.addi %add3A_147, %add3A_148 : i32
        %select_n3A_150 = arith.select %ge3A_135, %add3A_27, %min3A_22 : i32
        %min3A_151 = arith.minsi %add3A_149, %select_n3A_150 : i32
        %jit3A_152 = arith.constant 995776 : i32
        %jit3A_153 = arith.constant 495776 : i32
        %select_n3A_154 = arith.select %ge3A_135, %jit3A_152, %jit3A_153 : i32
        %min3A_155 = arith.minsi %add3A_147, %select_n3A_154 : i32
        %dma_wait3A = tpu.memref_slice %arg2[%min3A_155] : memref<2000000xf32, #tpu.memory_space<hbm>> -> memref<4224xf32, #tpu.memory_space<hbm>>
        %dma_wait3A_156 = tpu.memref_slice %arg2[%min3A_155] : memref<2000000xf32, #tpu.memory_space<hbm>> -> memref<4224xf32, #tpu.memory_space<hbm>>
        tpu.wait_dma2 semaphore(%arg21 : memref<!tpu.dma_semaphore, #tpu.memory_space<semaphore_mem>>) src(%dma_wait3A_156 : memref<4224xf32, #tpu.memory_space<hbm>>) dst(%arg10 : memref<4224xf32, #tpu.memory_space<vmem>>)
        %add3A_157 = arith.constant 1000000 : i32
        %add3A_158 = arith.addi %add3A_157, %min3A_155 : i32
        %dma_wait3A_159 = tpu.memref_slice %arg2[%add3A_158] : memref<2000000xf32, #tpu.memory_space<hbm>> -> memref<4224xf32, #tpu.memory_space<hbm>>
        %dma_wait3A_160 = tpu.memref_slice %arg2[%add3A_158] : memref<2000000xf32, #tpu.memory_space<hbm>> -> memref<4224xf32, #tpu.memory_space<hbm>>
        tpu.wait_dma2 semaphore(%arg21 : memref<!tpu.dma_semaphore, #tpu.memory_space<semaphore_mem>>) src(%dma_wait3A_160 : memref<4224xf32, #tpu.memory_space<hbm>>) dst(%arg11 : memref<4224xf32, #tpu.memory_space<vmem>>)
        %dma_wait3A_161 = tpu.memref_slice %arg3[%min3A_155] : memref<1000000xf32, #tpu.memory_space<hbm>> -> memref<4224xf32, #tpu.memory_space<hbm>>
        %dma_wait3A_162 = tpu.memref_slice %arg3[%min3A_155] : memref<1000000xf32, #tpu.memory_space<hbm>> -> memref<4224xf32, #tpu.memory_space<hbm>>
        tpu.wait_dma2 semaphore(%arg21 : memref<!tpu.dma_semaphore, #tpu.memory_space<semaphore_mem>>) src(%dma_wait3A_162 : memref<4224xf32, #tpu.memory_space<hbm>>) dst(%arg12 : memref<4224xf32, #tpu.memory_space<vmem>>)
        %dma_wait3A_163 = tpu.memref_slice %arg4[%min3A_155] : memref<1000000xf32, #tpu.memory_space<hbm>> -> memref<4224xf32, #tpu.memory_space<hbm>>
        %dma_wait3A_164 = tpu.memref_slice %arg4[%min3A_155] : memref<1000000xf32, #tpu.memory_space<hbm>> -> memref<4224xf32, #tpu.memory_space<hbm>>
        tpu.wait_dma2 semaphore(%arg21 : memref<!tpu.dma_semaphore, #tpu.memory_space<semaphore_mem>>) src(%dma_wait3A_164 : memref<4224xf32, #tpu.memory_space<hbm>>) dst(%arg13 : memref<4224xf32, #tpu.memory_space<vmem>>)
        %lt3A_165 = arith.constant 6 : i32
        %lt3A_166 = arith.cmpi slt, %add3A_129, %lt3A_165 : i32
        %convert_element_type3A_167 = arith.extui %lt3A_166 : i1 to i32
        %cond3A_168 = arith.constant 0 : i32
        %cond3A_169 = arith.cmpi ne, %convert_element_type3A_167, %cond3A_168 : i32
        scf.if %cond3A_169 {
          %add3A_208 = arith.constant 1 : i32
          %add3A_209 = arith.addi %add3A_129, %add3A_208 : i32
          %ge3A_210 = arith.constant 4 : i32
          %ge3A_211 = arith.cmpi sge, %add3A_209, %ge3A_210 : i32
          %sub3A_212 = arith.constant 4 : i32
          %sub3A_213 = arith.subi %add3A_209, %sub3A_212 : i32
          %select_n3A_214 = arith.select %ge3A_211, %sub3A_213, %add3A_209 : i32
          %select_n3A_215 = arith.select %ge3A_211, %add3A_12, %add3A_4 : i32
          %mul3A_216 = arith.constant 33 : i32
          %mul3A_217 = arith.muli %select_n3A_214, %mul3A_216 : i32
          %add3A_218 = arith.addi %select_n3A_215, %mul3A_217 : i32
          %jit3A_219 = arith.constant 600000 : i32
          %jit3A_220 = arith.constant 0 : i32
          %select_n3A_221 = arith.select %ge3A_211, %jit3A_219, %jit3A_220 : i32
          %mul3A_222 = arith.constant 128 : i32
          %mul3A_223 = arith.muli %add3A_218, %mul3A_222 : i32
          %add3A_224 = arith.addi %select_n3A_221, %mul3A_223 : i32
          %add3A_225 = arith.constant 4224 : i32
          %add3A_226 = arith.addi %add3A_224, %add3A_225 : i32
          %select_n3A_227 = arith.select %ge3A_211, %add3A_27, %min3A_22 : i32
          %min3A_228 = arith.minsi %add3A_226, %select_n3A_227 : i32
          %jit3A_229 = arith.constant 995776 : i32
          %jit3A_230 = arith.constant 495776 : i32
          %select_n3A_231 = arith.select %ge3A_211, %jit3A_229, %jit3A_230 : i32
          %min3A_232 = arith.minsi %add3A_224, %select_n3A_231 : i32
          %dma_start3A_233 = tpu.memref_slice %arg2[%min3A_232] : memref<2000000xf32, #tpu.memory_space<hbm>> -> memref<4224xf32, #tpu.memory_space<hbm>>
          %dma_start3A_234 = tpu.memref_slice %arg2[%min3A_232] : memref<2000000xf32, #tpu.memory_space<hbm>> -> memref<4224xf32, #tpu.memory_space<hbm>>
          tpu.enqueue_dma source(%dma_start3A_234 : memref<4224xf32, #tpu.memory_space<hbm>>) target(%arg6 : memref<4224xf32, #tpu.memory_space<vmem>>) target_semaphore(%arg20 : memref<!tpu.dma_semaphore, #tpu.memory_space<semaphore_mem>>)
          %add3A_235 = arith.constant 1000000 : i32
          %add3A_236 = arith.addi %add3A_235, %min3A_232 : i32
          %dma_start3A_237 = tpu.memref_slice %arg2[%add3A_236] : memref<2000000xf32, #tpu.memory_space<hbm>> -> memref<4224xf32, #tpu.memory_space<hbm>>
          %dma_start3A_238 = tpu.memref_slice %arg2[%add3A_236] : memref<2000000xf32, #tpu.memory_space<hbm>> -> memref<4224xf32, #tpu.memory_space<hbm>>
          tpu.enqueue_dma source(%dma_start3A_238 : memref<4224xf32, #tpu.memory_space<hbm>>) target(%arg7 : memref<4224xf32, #tpu.memory_space<vmem>>) target_semaphore(%arg20 : memref<!tpu.dma_semaphore, #tpu.memory_space<semaphore_mem>>)
          %dma_start3A_239 = tpu.memref_slice %arg3[%min3A_232] : memref<1000000xf32, #tpu.memory_space<hbm>> -> memref<4224xf32, #tpu.memory_space<hbm>>
          %dma_start3A_240 = tpu.memref_slice %arg3[%min3A_232] : memref<1000000xf32, #tpu.memory_space<hbm>> -> memref<4224xf32, #tpu.memory_space<hbm>>
          tpu.enqueue_dma source(%dma_start3A_240 : memref<4224xf32, #tpu.memory_space<hbm>>) target(%arg8 : memref<4224xf32, #tpu.memory_space<vmem>>) target_semaphore(%arg20 : memref<!tpu.dma_semaphore, #tpu.memory_space<semaphore_mem>>)
          %dma_start3A_241 = tpu.memref_slice %arg4[%min3A_232] : memref<1000000xf32, #tpu.memory_space<hbm>> -> memref<4224xf32, #tpu.memory_space<hbm>>
          %dma_start3A_242 = tpu.memref_slice %arg4[%min3A_232] : memref<1000000xf32, #tpu.memory_space<hbm>> -> memref<4224xf32, #tpu.memory_space<hbm>>
          tpu.enqueue_dma source(%dma_start3A_242 : memref<4224xf32, #tpu.memory_space<hbm>>) target(%arg9 : memref<4224xf32, #tpu.memory_space<vmem>>) target_semaphore(%arg20 : memref<!tpu.dma_semaphore, #tpu.memory_space<semaphore_mem>>)
        } else {
        }
        %ge3A_170 = arith.constant 2 : i32
        %ge3A_171 = arith.cmpi sge, %add3A_129, %ge3A_170 : i32
        %convert_element_type3A_172 = arith.extui %ge3A_171 : i1 to i32
        %cond3A_173 = arith.constant 0 : i32
        %cond3A_174 = arith.cmpi ne, %convert_element_type3A_172, %cond3A_173 : i32
        scf.if %cond3A_174 {
          %scan3A_208 = arith.constant 0 : i32
          %scan3A_209 = arith.constant 132 : i32
          %scan3A_210 = arith.addi %scan3A_208, %scan3A_209 : i32
          %scan3A_211 = arith.constant 1 : i32
          scf.for %scan3A_213 = %scan3A_208 to %scan3A_210 step %scan3A_211  : i32 {
            %mul3A_214 = arith.constant 1 : i32
            %mul3A_215 = arith.muli %scan3A_213, %mul3A_214 : i32
            %add3A_216 = arith.constant 0 : i32
            %add3A_217 = arith.addi %add3A_216, %mul3A_215 : i32
            %dma_wait3A_218 = arith.constant 0 : i32
            %dma_wait3A_219 = tpu.memref_slice %arg17[%add3A_217, %dma_wait3A_218] : memref<132x128xf32, #tpu.memory_space<vmem>> -> memref<1x128xf32, #tpu.memory_space<vmem>>
            %dma_wait3A_220 = tpu.memref_squeeze %dma_wait3A_219 : memref<1x128xf32, #tpu.memory_space<vmem>> -> memref<128xf32, #tpu.memory_space<vmem>>
            %dma_wait3A_221 = arith.constant 0 : i32
            %dma_wait3A_222 = tpu.memref_slice %arg16[%add3A_217, %dma_wait3A_221] : memref<132x128xi32, #tpu.memory_space<vmem>> -> memref<1x128xi32, #tpu.memory_space<vmem>>
            %dma_wait3A_223 = tpu.memref_squeeze %dma_wait3A_222 : memref<1x128xi32, #tpu.memory_space<vmem>> -> memref<128xi32, #tpu.memory_space<vmem>>
            %dma_wait3A_224 = arith.constant 0 : i32
            %dma_wait3A_225 = tpu.memref_slice %arg19[%dma_wait3A_224] : memref<262144xf32, #tpu.memory_space<vmem_shared>> -> memref<262144xf32, #tpu.memory_space<vmem_shared>>
            tpu.wait_indirect_dma semaphore(%arg23 : memref<!tpu.dma_semaphore, #tpu.memory_space<semaphore_mem>>) src(%dma_wait3A_220 : memref<128xf32, #tpu.memory_space<vmem>>) dst(%dma_wait3A_225 : memref<262144xf32, #tpu.memory_space<vmem_shared>>)
          }
          %scan3A_212 = arith.constant 132 : i32
        } else {
        }
        %ge3A_175 = arith.constant 4 : i32
        %ge3A_176 = arith.cmpi sge, %add3A_129, %ge3A_175 : i32
        %sub3A_177 = arith.constant 4 : i32
        %sub3A_178 = arith.subi %add3A_129, %sub3A_177 : i32
        %select_n3A_179 = arith.select %ge3A_176, %sub3A_178, %add3A_129 : i32
        %select_n3A_180 = arith.select %ge3A_176, %add3A_12, %add3A_4 : i32
        %mul3A_181 = arith.constant 33 : i32
        %mul3A_182 = arith.muli %select_n3A_179, %mul3A_181 : i32
        %add3A_183 = arith.addi %select_n3A_180, %mul3A_182 : i32
        %jit3A_184 = arith.constant 600000 : i32
        %jit3A_185 = arith.constant 0 : i32
        %select_n3A_186 = arith.select %ge3A_176, %jit3A_184, %jit3A_185 : i32
        %mul3A_187 = arith.constant 128 : i32
        %mul3A_188 = arith.muli %add3A_183, %mul3A_187 : i32
        %add3A_189 = arith.addi %select_n3A_186, %mul3A_188 : i32
        %add3A_190 = arith.constant 4224 : i32
        %add3A_191 = arith.addi %add3A_189, %add3A_190 : i32
        %select_n3A_192 = arith.select %ge3A_176, %add3A_27, %min3A_22 : i32
        %min3A_193 = arith.minsi %add3A_191, %select_n3A_192 : i32
        %jit3A_194 = arith.constant 995776 : i32
        %jit3A_195 = arith.constant 495776 : i32
        %select_n3A_196 = arith.select %ge3A_176, %jit3A_194, %jit3A_195 : i32
        %min3A_197 = arith.minsi %add3A_189, %select_n3A_196 : i32
        %iota3A = tpu.iota {dimensions = array<i32: 0>} : vector<16xi32>
        %scan3A_198 = arith.constant 0 : i32
        %scan3A_199 = arith.constant 33 : i32
        %scan3A_200 = arith.addi %scan3A_198, %scan3A_199 : i32
        %scan3A_201 = arith.constant 1 : i32
        scf.for %scan3A_208 = %scan3A_198 to %scan3A_200 step %scan3A_201  : i32 {
          %mul3A_209 = arith.constant 1 : i32
          %mul3A_210 = arith.muli %scan3A_208, %mul3A_209 : i32
          %add3A_211 = arith.constant 0 : i32
          %add3A_212 = arith.addi %add3A_211, %mul3A_210 : i32
          %mul3A_213 = arith.constant 128 : i32
          %mul3A_214 = arith.muli %add3A_212, %mul3A_213 : i32
          %add3A_215 = arith.constant 0 : i32
          %add3A_216 = arith.addi %mul3A_214, %add3A_215 : i32
          %get3A = arith.index_cast %add3A_216 : i32 to index
          %get3A_217 = tpu.vector_load %arg10[%get3A] {strides = array<i32>} : memref<4224xf32, #tpu.memory_space<vmem>>, vector<16xf32>,
          %get3A_218 = vector.shape_cast %get3A_217 : vector<16xf32> to vector<16xf32>
          %get3A_219 = arith.index_cast %add3A_216 : i32 to index
          %get3A_220 = tpu.vector_load %arg11[%get3A_219] {strides = array<i32>} : memref<4224xf32, #tpu.memory_space<vmem>>, vector<16xf32>,
          %get3A_221 = vector.shape_cast %get3A_220 : vector<16xf32> to vector<16xf32>
          %get3A_222 = arith.index_cast %add3A_216 : i32 to index
          %get3A_223 = tpu.vector_load %arg12[%get3A_222] {strides = array<i32>} : memref<4224xf32, #tpu.memory_space<vmem>>, vector<16xf32>,
          %get3A_224 = vector.shape_cast %get3A_223 : vector<16xf32> to vector<16xf32>
          %get3A_225 = arith.index_cast %add3A_216 : i32 to index
          %get3A_226 = tpu.vector_load %arg13[%get3A_225] {strides = array<i32>} : memref<4224xf32, #tpu.memory_space<vmem>>, vector<16xf32>,
          %get3A_227 = vector.shape_cast %get3A_226 : vector<16xf32> to vector<16xf32>
          %add3A_228 = arith.addi %min3A_197, %add3A_216 : i32
          %add3A_229 = vector.broadcast %add3A_228 : i32 to vector<16xi32>
          %add3A_230 = arith.addi %add3A_229, %iota3A : vector<16xi32>
          %ge3A_231 = vector.broadcast %add3A_189 : i32 to vector<16xi32>
          %ge3A_232 = arith.cmpi sge, %add3A_230, %ge3A_231 : vector<16xi32>
          %lt3A_233 = vector.broadcast %min3A_193 : i32 to vector<16xi32>
          %lt3A_234 = arith.cmpi slt, %add3A_230, %lt3A_233 : vector<16xi32>
          %and3A = arith.andi %ge3A_232, %lt3A_234 : vector<16xi1>
          %mul3A_235 = arith.constant 5.000000e-01 : f32
          %mul3A_236 = vector.broadcast %mul3A_235 : f32 to vector<16xf32>
          %mul3A_237 = arith.mulf %mul3A_236, %get3A_224 : vector<16xf32>
          %add3A_238 = arith.addf %get3A_218, %mul3A_237 : vector<16xf32>
          %sub3A_239 = arith.constant 5.000000e-01 : f32
          %sub3A_240 = vector.broadcast %sub3A_239 : f32 to vector<16xf32>
          %sub3A_241 = arith.subf %add3A_238, %sub3A_240 : vector<16xf32>
          %mul3A_242 = arith.constant 5.000000e-01 : f32
          %mul3A_243 = vector.broadcast %mul3A_242 : f32 to vector<16xf32>
          %mul3A_244 = arith.mulf %mul3A_243, %get3A_227 : vector<16xf32>
          %add3A_245 = arith.addf %get3A_221, %mul3A_244 : vector<16xf32>
          %sub3A_246 = arith.constant 5.000000e-01 : f32
          %sub3A_247 = vector.broadcast %sub3A_246 : f32 to vector<16xf32>
          %sub3A_248 = arith.subf %add3A_245, %sub3A_247 : vector<16xf32>
          %convert_element_type3A_249 = arith.fptosi %sub3A_241 : vector<16xf32> to vector<16xi32>
          %convert_element_type3A_250 = arith.fptosi %sub3A_248 : vector<16xf32> to vector<16xi32>
          %convert_element_type3A_251 = arith.sitofp %convert_element_type3A_249 : vector<16xi32> to vector<16xf32>
          %sub3A_252 = arith.subf %sub3A_241, %convert_element_type3A_251 : vector<16xf32>
          %convert_element_type3A_253 = arith.sitofp %convert_element_type3A_250 : vector<16xi32> to vector<16xf32>
          %sub3A_254 = arith.subf %sub3A_248, %convert_element_type3A_253 : vector<16xf32>
          %min3A_255 = arith.constant 511 : i32
          %min3A_256 = vector.broadcast %min3A_255 : i32 to vector<16xi32>
          %min3A_257 = arith.minsi %convert_element_type3A_249, %min3A_256 : vector<16xi32>
          %min3A_258 = arith.constant 511 : i32
          %min3A_259 = vector.broadcast %min3A_258 : i32 to vector<16xi32>
          %min3A_260 = arith.minsi %convert_element_type3A_250, %min3A_259 : vector<16xi32>
          %add3A_261 = arith.constant 1 : i32
          %add3A_262 = vector.broadcast %add3A_261 : i32 to vector<16xi32>
          %add3A_263 = arith.addi %convert_element_type3A_249, %add3A_262 : vector<16xi32>
          %min3A_264 = arith.constant 511 : i32
          %min3A_265 = vector.broadcast %min3A_264 : i32 to vector<16xi32>
          %min3A_266 = arith.minsi %add3A_263, %min3A_265 : vector<16xi32>
          %add3A_267 = arith.constant 1 : i32
          %add3A_268 = vector.broadcast %add3A_267 : i32 to vector<16xi32>
          %add3A_269 = arith.addi %convert_element_type3A_250, %add3A_268 : vector<16xi32>
          %min3A_270 = arith.constant 511 : i32
          %min3A_271 = vector.broadcast %min3A_270 : i32 to vector<16xi32>
          %min3A_272 = arith.minsi %add3A_269, %min3A_271 : vector<16xi32>
          %mul3A_273 = arith.mulf %get3A_224, %get3A_227 : vector<16xf32>
          %jit3A_274 = arith.constant 0.000000e+00 : f32
          %broadcast_in_dim3A = vector.broadcast %jit3A_274 : f32 to vector<16xf32>
          %select_n3A_275 = arith.select %and3A, %mul3A_273, %broadcast_in_dim3A : vector<16xi1>, vector<16xf32>
          %sub3A_276 = arith.constant 1.000000e+00 : f32
          %sub3A_277 = vector.broadcast %sub3A_276 : f32 to vector<16xf32>
          %sub3A_278 = arith.subf %sub3A_277, %sub3A_252 : vector<16xf32>
          %mul3A_279 = arith.mulf %select_n3A_275, %sub3A_278 : vector<16xf32>
          %mul3A_280 = arith.mulf %select_n3A_275, %sub3A_252 : vector<16xf32>
          %mul3A_281 = arith.constant 512 : i32
          %mul3A_282 = vector.broadcast %mul3A_281 : i32 to vector<16xi32>
          %mul3A_283 = arith.muli %min3A_257, %mul3A_282 : vector<16xi32>
          %mul3A_284 = arith.constant 512 : i32
          %mul3A_285 = vector.broadcast %mul3A_284 : i32 to vector<16xi32>
          %mul3A_286 = arith.muli %min3A_266, %mul3A_285 : vector<16xi32>
          %add3A_287 = arith.addi %mul3A_283, %min3A_260 : vector<16xi32>
          %swap3A = arith.index_cast %add3A_212 : i32 to index
          %swap3A_288 = arith.constant 0 : index
          %swap3A_289 = tpu.vector_load %arg16[%swap3A, %swap3A_288] {strides = array<i32>} : memref<132x128xi32, #tpu.memory_space<vmem>>, vector<1x16xi32>,
          %swap3A_290 = vector.shape_cast %swap3A_289 : vector<1x16xi32> to vector<16xi32>
          %swap3A_291 = vector.shape_cast %add3A_287 : vector<16xi32> to vector<1x16xi32>
          tpu.vector_store %arg16[%swap3A, %swap3A_288], %swap3A_291 {strides = array<i32>} : memref<132x128xi32, #tpu.memory_space<vmem>>, vector<1x16xi32>,
          %add3A_292 = arith.addi %mul3A_283, %min3A_272 : vector<16xi32>
          %add3A_293 = arith.constant 33 : i32
          %add3A_294 = arith.addi %add3A_293, %add3A_212 : i32
          %swap3A_295 = arith.index_cast %add3A_294 : i32 to index
          %swap3A_296 = arith.constant 0 : index
          %swap3A_297 = tpu.vector_load %arg16[%swap3A_295, %swap3A_296] {strides = array<i32>} : memref<132x128xi32, #tpu.memory_space<vmem>>, vector<1x16xi32>,
          %swap3A_298 = vector.shape_cast %swap3A_297 : vector<1x16xi32> to vector<16xi32>
          %swap3A_299 = vector.shape_cast %add3A_292 : vector<16xi32> to vector<1x16xi32>
          tpu.vector_store %arg16[%swap3A_295, %swap3A_296], %swap3A_299 {strides = array<i32>} : memref<132x128xi32, #tpu.memory_space<vmem>>, vector<1x16xi32>,
          %add3A_300 = arith.addi %mul3A_286, %min3A_260 : vector<16xi32>
          %add3A_301 = arith.constant 66 : i32
          %add3A_302 = arith.addi %add3A_301, %add3A_212 : i32
          %swap3A_303 = arith.index_cast %add3A_302 : i32 to index
          %swap3A_304 = arith.constant 0 : index
          %swap3A_305 = tpu.vector_load %arg16[%swap3A_303, %swap3A_304] {strides = array<i32>} : memref<132x128xi32, #tpu.memory_space<vmem>>, vector<1x16xi32>,
          %swap3A_306 = vector.shape_cast %swap3A_305 : vector<1x16xi32> to vector<16xi32>
          %swap3A_307 = vector.shape_cast %add3A_300 : vector<16xi32> to vector<1x16xi32>
          tpu.vector_store %arg16[%swap3A_303, %swap3A_304], %swap3A_307 {strides = array<i32>} : memref<132x128xi32, #tpu.memory_space<vmem>>, vector<1x16xi32>,
          %add3A_308 = arith.addi %mul3A_286, %min3A_272 : vector<16xi32>
          %add3A_309 = arith.constant 99 : i32
          %add3A_310 = arith.addi %add3A_309, %add3A_212 : i32
          %swap3A_311 = arith.index_cast %add3A_310 : i32 to index
          %swap3A_312 = arith.constant 0 : index
          %swap3A_313 = tpu.vector_load %arg16[%swap3A_311, %swap3A_312] {strides = array<i32>} : memref<132x128xi32, #tpu.memory_space<vmem>>, vector<1x16xi32>,
          %swap3A_314 = vector.shape_cast %swap3A_313 : vector<1x16xi32> to vector<16xi32>
          %swap3A_315 = vector.shape_cast %add3A_308 : vector<16xi32> to vector<1x16xi32>
          tpu.vector_store %arg16[%swap3A_311, %swap3A_312], %swap3A_315 {strides = array<i32>} : memref<132x128xi32, #tpu.memory_space<vmem>>, vector<1x16xi32>,
          %sub3A_316 = arith.constant 1.000000e+00 : f32
          %sub3A_317 = vector.broadcast %sub3A_316 : f32 to vector<16xf32>
          %sub3A_318 = arith.subf %sub3A_317, %sub3A_254 : vector<16xf32>
          %mul3A_319 = arith.mulf %mul3A_279, %sub3A_318 : vector<16xf32>
          %swap3A_320 = arith.index_cast %add3A_212 : i32 to index
          %swap3A_321 = arith.constant 0 : index
          %swap3A_322 = tpu.vector_load %arg17[%swap3A_320, %swap3A_321] {strides = array<i32>} : memref<132x128xf32, #tpu.memory_space<vmem>>, vector<1x16xf32>,
          %swap3A_323 = vector.shape_cast %swap3A_322 : vector<1x16xf32> to vector<16xf32>
          %swap3A_324 = vector.shape_cast %mul3A_319 : vector<16xf32> to vector<1x16xf32>
          tpu.vector_store %arg17[%swap3A_320, %swap3A_321], %swap3A_324 {strides = array<i32>} : memref<132x128xf32, #tpu.memory_space<vmem>>, vector<1x16xf32>,
          %mul3A_325 = arith.mulf %mul3A_279, %sub3A_254 : vector<16xf32>
          %add3A_326 = arith.constant 33 : i32
          %add3A_327 = arith.addi %add3A_326, %add3A_212 : i32
          %swap3A_328 = arith.index_cast %add3A_327 : i32 to index
          %swap3A_329 = arith.constant 0 : index
          %swap3A_330 = tpu.vector_load %arg17[%swap3A_328, %swap3A_329] {strides = array<i32>} : memref<132x128xf32, #tpu.memory_space<vmem>>, vector<1x16xf32>,
          %swap3A_331 = vector.shape_cast %swap3A_330 : vector<1x16xf32> to vector<16xf32>
          %swap3A_332 = vector.shape_cast %mul3A_325 : vector<16xf32> to vector<1x16xf32>
          tpu.vector_store %arg17[%swap3A_328, %swap3A_329], %swap3A_332 {strides = array<i32>} : memref<132x128xf32, #tpu.memory_space<vmem>>, vector<1x16xf32>,
          %sub3A_333 = arith.constant 1.000000e+00 : f32
          %sub3A_334 = vector.broadcast %sub3A_333 : f32 to vector<16xf32>
          %sub3A_335 = arith.subf %sub3A_334, %sub3A_254 : vector<16xf32>
          %mul3A_336 = arith.mulf %mul3A_280, %sub3A_335 : vector<16xf32>
          %add3A_337 = arith.constant 66 : i32
          %add3A_338 = arith.addi %add3A_337, %add3A_212 : i32
          %swap3A_339 = arith.index_cast %add3A_338 : i32 to index
          %swap3A_340 = arith.constant 0 : index
          %swap3A_341 = tpu.vector_load %arg17[%swap3A_339, %swap3A_340] {strides = array<i32>} : memref<132x128xf32, #tpu.memory_space<vmem>>, vector<1x16xf32>,
          %swap3A_342 = vector.shape_cast %swap3A_341 : vector<1x16xf32> to vector<16xf32>
          %swap3A_343 = vector.shape_cast %mul3A_336 : vector<16xf32> to vector<1x16xf32>
          tpu.vector_store %arg17[%swap3A_339, %swap3A_340], %swap3A_343 {strides = array<i32>} : memref<132x128xf32, #tpu.memory_space<vmem>>, vector<1x16xf32>,
          %mul3A_344 = arith.mulf %mul3A_280, %sub3A_254 : vector<16xf32>
          %add3A_345 = arith.constant 99 : i32
          %add3A_346 = arith.addi %add3A_345, %add3A_212 : i32
          %swap3A_347 = arith.index_cast %add3A_346 : i32 to index
          %swap3A_348 = arith.constant 0 : index
          %swap3A_349 = tpu.vector_load %arg17[%swap3A_347, %swap3A_348] {strides = array<i32>} : memref<132x128xf32, #tpu.memory_space<vmem>>, vector<1x16xf32>,
          %swap3A_350 = vector.shape_cast %swap3A_349 : vector<1x16xf32> to vector<16xf32>
          %swap3A_351 = vector.shape_cast %mul3A_344 : vector<16xf32> to vector<1x16xf32>
          tpu.vector_store %arg17[%swap3A_347, %swap3A_348], %swap3A_351 {strides = array<i32>} : memref<132x128xf32, #tpu.memory_space<vmem>>, vector<1x16xf32>,
          %mul3A_352 = arith.constant 128 : i32
          %mul3A_353 = arith.muli %add3A_212, %mul3A_352 : i32
          %add3A_354 = arith.constant 16 : i32
          %add3A_355 = arith.addi %mul3A_353, %add3A_354 : i32
          %get3A_356 = arith.index_cast %add3A_355 : i32 to index
          %get3A_357 = tpu.vector_load %arg10[%get3A_356] {strides = array<i32>} : memref<4224xf32, #tpu.memory_space<vmem>>, vector<16xf32>,
          %get3A_358 = vector.shape_cast %get3A_357 : vector<16xf32> to vector<16xf32>
          %get3A_359 = arith.index_cast %add3A_355 : i32 to index
          %get3A_360 = tpu.vector_load %arg11[%get3A_359] {strides = array<i32>} : memref<4224xf32, #tpu.memory_space<vmem>>, vector<16xf32>,
          %get3A_361 = vector.shape_cast %get3A_360 : vector<16xf32> to vector<16xf32>
          %get3A_362 = arith.index_cast %add3A_355 : i32 to index
          %get3A_363 = tpu.vector_load %arg12[%get3A_362] {strides = array<i32>} : memref<4224xf32, #tpu.memory_space<vmem>>, vector<16xf32>,
          %get3A_364 = vector.shape_cast %get3A_363 : vector<16xf32> to vector<16xf32>
          %get3A_365 = arith.index_cast %add3A_355 : i32 to index
          %get3A_366 = tpu.vector_load %arg13[%get3A_365] {strides = array<i32>} : memref<4224xf32, #tpu.memory_space<vmem>>, vector<16xf32>,
          %get3A_367 = vector.shape_cast %get3A_366 : vector<16xf32> to vector<16xf32>
          %add3A_368 = arith.addi %min3A_197, %add3A_355 : i32
          %add3A_369 = vector.broadcast %add3A_368 : i32 to vector<16xi32>
          %add3A_370 = arith.addi %add3A_369, %iota3A : vector<16xi32>
          %ge3A_371 = vector.broadcast %add3A_189 : i32 to vector<16xi32>
          %ge3A_372 = arith.cmpi sge, %add3A_370, %ge3A_371 : vector<16xi32>
          %lt3A_373 = vector.broadcast %min3A_193 : i32 to vector<16xi32>
          %lt3A_374 = arith.cmpi slt, %add3A_370, %lt3A_373 : vector<16xi32>
          %and3A_375 = arith.andi %ge3A_372, %lt3A_374 : vector<16xi1>
          %mul3A_376 = arith.constant 5.000000e-01 : f32
          %mul3A_377 = vector.broadcast %mul3A_376 : f32 to vector<16xf32>
          %mul3A_378 = arith.mulf %mul3A_377, %get3A_364 : vector<16xf32>
          %add3A_379 = arith.addf %get3A_358, %mul3A_378 : vector<16xf32>
          %sub3A_380 = arith.constant 5.000000e-01 : f32
          %sub3A_381 = vector.broadcast %sub3A_380 : f32 to vector<16xf32>
          %sub3A_382 = arith.subf %add3A_379, %sub3A_381 : vector<16xf32>
          %mul3A_383 = arith.constant 5.000000e-01 : f32
          %mul3A_384 = vector.broadcast %mul3A_383 : f32 to vector<16xf32>
          %mul3A_385 = arith.mulf %mul3A_384, %get3A_367 : vector<16xf32>
          %add3A_386 = arith.addf %get3A_361, %mul3A_385 : vector<16xf32>
          %sub3A_387 = arith.constant 5.000000e-01 : f32
          %sub3A_388 = vector.broadcast %sub3A_387 : f32 to vector<16xf32>
          %sub3A_389 = arith.subf %add3A_386, %sub3A_388 : vector<16xf32>
          %convert_element_type3A_390 = arith.fptosi %sub3A_382 : vector<16xf32> to vector<16xi32>
          %convert_element_type3A_391 = arith.fptosi %sub3A_389 : vector<16xf32> to vector<16xi32>
          %convert_element_type3A_392 = arith.sitofp %convert_element_type3A_390 : vector<16xi32> to vector<16xf32>
          %sub3A_393 = arith.subf %sub3A_382, %convert_element_type3A_392 : vector<16xf32>
          %convert_element_type3A_394 = arith.sitofp %convert_element_type3A_391 : vector<16xi32> to vector<16xf32>
          %sub3A_395 = arith.subf %sub3A_389, %convert_element_type3A_394 : vector<16xf32>
          %min3A_396 = arith.constant 511 : i32
          %min3A_397 = vector.broadcast %min3A_396 : i32 to vector<16xi32>
          %min3A_398 = arith.minsi %convert_element_type3A_390, %min3A_397 : vector<16xi32>
          %min3A_399 = arith.constant 511 : i32
          %min3A_400 = vector.broadcast %min3A_399 : i32 to vector<16xi32>
          %min3A_401 = arith.minsi %convert_element_type3A_391, %min3A_400 : vector<16xi32>
          %add3A_402 = arith.constant 1 : i32
          %add3A_403 = vector.broadcast %add3A_402 : i32 to vector<16xi32>
          %add3A_404 = arith.addi %convert_element_type3A_390, %add3A_403 : vector<16xi32>
          %min3A_405 = arith.constant 511 : i32
          %min3A_406 = vector.broadcast %min3A_405 : i32 to vector<16xi32>
          %min3A_407 = arith.minsi %add3A_404, %min3A_406 : vector<16xi32>
          %add3A_408 = arith.constant 1 : i32
          %add3A_409 = vector.broadcast %add3A_408 : i32 to vector<16xi32>
          %add3A_410 = arith.addi %convert_element_type3A_391, %add3A_409 : vector<16xi32>
          %min3A_411 = arith.constant 511 : i32
          %min3A_412 = vector.broadcast %min3A_411 : i32 to vector<16xi32>
          %min3A_413 = arith.minsi %add3A_410, %min3A_412 : vector<16xi32>
          %mul3A_414 = arith.mulf %get3A_364, %get3A_367 : vector<16xf32>
          %jit3A_415 = arith.constant 0.000000e+00 : f32
          %broadcast_in_dim3A_416 = vector.broadcast %jit3A_415 : f32 to vector<16xf32>
          %select_n3A_417 = arith.select %and3A_375, %mul3A_414, %broadcast_in_dim3A_416 : vector<16xi1>, vector<16xf32>
          %sub3A_418 = arith.constant 1.000000e+00 : f32
          %sub3A_419 = vector.broadcast %sub3A_418 : f32 to vector<16xf32>
          %sub3A_420 = arith.subf %sub3A_419, %sub3A_393 : vector<16xf32>
          %mul3A_421 = arith.mulf %select_n3A_417, %sub3A_420 : vector<16xf32>
          %mul3A_422 = arith.mulf %select_n3A_417, %sub3A_393 : vector<16xf32>
          %mul3A_423 = arith.constant 512 : i32
          %mul3A_424 = vector.broadcast %mul3A_423 : i32 to vector<16xi32>
          %mul3A_425 = arith.muli %min3A_398, %mul3A_424 : vector<16xi32>
          %mul3A_426 = arith.constant 512 : i32
          %mul3A_427 = vector.broadcast %mul3A_426 : i32 to vector<16xi32>
          %mul3A_428 = arith.muli %min3A_407, %mul3A_427 : vector<16xi32>
          %add3A_429 = arith.addi %mul3A_425, %min3A_401 : vector<16xi32>
          %swap3A_430 = arith.index_cast %add3A_212 : i32 to index
          %swap3A_431 = arith.constant 16 : index
          %swap3A_432 = tpu.vector_load %arg16[%swap3A_430, %swap3A_431] {strides = array<i32>} : memref<132x128xi32, #tpu.memory_space<vmem>>, vector<1x16xi32>,
          %swap3A_433 = vector.shape_cast %swap3A_432 : vector<1x16xi32> to vector<16xi32>
          %swap3A_434 = vector.shape_cast %add3A_429 : vector<16xi32> to vector<1x16xi32>
          tpu.vector_store %arg16[%swap3A_430, %swap3A_431], %swap3A_434 {strides = array<i32>} : memref<132x128xi32, #tpu.memory_space<vmem>>, vector<1x16xi32>,
          %add3A_435 = arith.addi %mul3A_425, %min3A_413 : vector<16xi32>
          %add3A_436 = arith.constant 33 : i32
          %add3A_437 = arith.addi %add3A_436, %add3A_212 : i32
          %swap3A_438 = arith.index_cast %add3A_437 : i32 to index
          %swap3A_439 = arith.constant 16 : index
          %swap3A_440 = tpu.vector_load %arg16[%swap3A_438, %swap3A_439] {strides = array<i32>} : memref<132x128xi32, #tpu.memory_space<vmem>>, vector<1x16xi32>,
          %swap3A_441 = vector.shape_cast %swap3A_440 : vector<1x16xi32> to vector<16xi32>
          %swap3A_442 = vector.shape_cast %add3A_435 : vector<16xi32> to vector<1x16xi32>
          tpu.vector_store %arg16[%swap3A_438, %swap3A_439], %swap3A_442 {strides = array<i32>} : memref<132x128xi32, #tpu.memory_space<vmem>>, vector<1x16xi32>,
          %add3A_443 = arith.addi %mul3A_428, %min3A_401 : vector<16xi32>
          %add3A_444 = arith.constant 66 : i32
          %add3A_445 = arith.addi %add3A_444, %add3A_212 : i32
          %swap3A_446 = arith.index_cast %add3A_445 : i32 to index
          %swap3A_447 = arith.constant 16 : index
          %swap3A_448 = tpu.vector_load %arg16[%swap3A_446, %swap3A_447] {strides = array<i32>} : memref<132x128xi32, #tpu.memory_space<vmem>>, vector<1x16xi32>,
          %swap3A_449 = vector.shape_cast %swap3A_448 : vector<1x16xi32> to vector<16xi32>
          %swap3A_450 = vector.shape_cast %add3A_443 : vector<16xi32> to vector<1x16xi32>
          tpu.vector_store %arg16[%swap3A_446, %swap3A_447], %swap3A_450 {strides = array<i32>} : memref<132x128xi32, #tpu.memory_space<vmem>>, vector<1x16xi32>,
          %add3A_451 = arith.addi %mul3A_428, %min3A_413 : vector<16xi32>
          %add3A_452 = arith.constant 99 : i32
          %add3A_453 = arith.addi %add3A_452, %add3A_212 : i32
          %swap3A_454 = arith.index_cast %add3A_453 : i32 to index
          %swap3A_455 = arith.constant 16 : index
          %swap3A_456 = tpu.vector_load %arg16[%swap3A_454, %swap3A_455] {strides = array<i32>} : memref<132x128xi32, #tpu.memory_space<vmem>>, vector<1x16xi32>,
          %swap3A_457 = vector.shape_cast %swap3A_456 : vector<1x16xi32> to vector<16xi32>
          %swap3A_458 = vector.shape_cast %add3A_451 : vector<16xi32> to vector<1x16xi32>
          tpu.vector_store %arg16[%swap3A_454, %swap3A_455], %swap3A_458 {strides = array<i32>} : memref<132x128xi32, #tpu.memory_space<vmem>>, vector<1x16xi32>,
          %sub3A_459 = arith.constant 1.000000e+00 : f32
          %sub3A_460 = vector.broadcast %sub3A_459 : f32 to vector<16xf32>
          %sub3A_461 = arith.subf %sub3A_460, %sub3A_395 : vector<16xf32>
          %mul3A_462 = arith.mulf %mul3A_421, %sub3A_461 : vector<16xf32>
          %swap3A_463 = arith.index_cast %add3A_212 : i32 to index
          %swap3A_464 = arith.constant 16 : index
          %swap3A_465 = tpu.vector_load %arg17[%swap3A_463, %swap3A_464] {strides = array<i32>} : memref<132x128xf32, #tpu.memory_space<vmem>>, vector<1x16xf32>,
          %swap3A_466 = vector.shape_cast %swap3A_465 : vector<1x16xf32> to vector<16xf32>
          %swap3A_467 = vector.shape_cast %mul3A_462 : vector<16xf32> to vector<1x16xf32>
          tpu.vector_store %arg17[%swap3A_463, %swap3A_464], %swap3A_467 {strides = array<i32>} : memref<132x128xf32, #tpu.memory_space<vmem>>, vector<1x16xf32>,
          %mul3A_468 = arith.mulf %mul3A_421, %sub3A_395 : vector<16xf32>
          %add3A_469 = arith.constant 33 : i32
          %add3A_470 = arith.addi %add3A_469, %add3A_212 : i32
          %swap3A_471 = arith.index_cast %add3A_470 : i32 to index
          %swap3A_472 = arith.constant 16 : index
          %swap3A_473 = tpu.vector_load %arg17[%swap3A_471, %swap3A_472] {strides = array<i32>} : memref<132x128xf32, #tpu.memory_space<vmem>>, vector<1x16xf32>,
          %swap3A_474 = vector.shape_cast %swap3A_473 : vector<1x16xf32> to vector<16xf32>
          %swap3A_475 = vector.shape_cast %mul3A_468 : vector<16xf32> to vector<1x16xf32>
          tpu.vector_store %arg17[%swap3A_471, %swap3A_472], %swap3A_475 {strides = array<i32>} : memref<132x128xf32, #tpu.memory_space<vmem>>, vector<1x16xf32>,
          %sub3A_476 = arith.constant 1.000000e+00 : f32
          %sub3A_477 = vector.broadcast %sub3A_476 : f32 to vector<16xf32>
          %sub3A_478 = arith.subf %sub3A_477, %sub3A_395 : vector<16xf32>
          %mul3A_479 = arith.mulf %mul3A_422, %sub3A_478 : vector<16xf32>
          %add3A_480 = arith.constant 66 : i32
          %add3A_481 = arith.addi %add3A_480, %add3A_212 : i32
          %swap3A_482 = arith.index_cast %add3A_481 : i32 to index
          %swap3A_483 = arith.constant 16 : index
          %swap3A_484 = tpu.vector_load %arg17[%swap3A_482, %swap3A_483] {strides = array<i32>} : memref<132x128xf32, #tpu.memory_space<vmem>>, vector<1x16xf32>,
          %swap3A_485 = vector.shape_cast %swap3A_484 : vector<1x16xf32> to vector<16xf32>
          %swap3A_486 = vector.shape_cast %mul3A_479 : vector<16xf32> to vector<1x16xf32>
          tpu.vector_store %arg17[%swap3A_482, %swap3A_483], %swap3A_486 {strides = array<i32>} : memref<132x128xf32, #tpu.memory_space<vmem>>, vector<1x16xf32>,
          %mul3A_487 = arith.mulf %mul3A_422, %sub3A_395 : vector<16xf32>
          %add3A_488 = arith.constant 99 : i32
          %add3A_489 = arith.addi %add3A_488, %add3A_212 : i32
          %swap3A_490 = arith.index_cast %add3A_489 : i32 to index
          %swap3A_491 = arith.constant 16 : index
          %swap3A_492 = tpu.vector_load %arg17[%swap3A_490, %swap3A_491] {strides = array<i32>} : memref<132x128xf32, #tpu.memory_space<vmem>>, vector<1x16xf32>,
          %swap3A_493 = vector.shape_cast %swap3A_492 : vector<1x16xf32> to vector<16xf32>
          %swap3A_494 = vector.shape_cast %mul3A_487 : vector<16xf32> to vector<1x16xf32>
          tpu.vector_store %arg17[%swap3A_490, %swap3A_491], %swap3A_494 {strides = array<i32>} : memref<132x128xf32, #tpu.memory_space<vmem>>, vector<1x16xf32>,
          %mul3A_495 = arith.constant 128 : i32
          %mul3A_496 = arith.muli %add3A_212, %mul3A_495 : i32
          %add3A_497 = arith.constant 32 : i32
          %add3A_498 = arith.addi %mul3A_496, %add3A_497 : i32
          %get3A_499 = arith.index_cast %add3A_498 : i32 to index
          %get3A_500 = tpu.vector_load %arg10[%get3A_499] {strides = array<i32>} : memref<4224xf32, #tpu.memory_space<vmem>>, vector<16xf32>,
          %get3A_501 = vector.shape_cast %get3A_500 : vector<16xf32> to vector<16xf32>
          %get3A_502 = arith.index_cast %add3A_498 : i32 to index
          %get3A_503 = tpu.vector_load %arg11[%get3A_502] {strides = array<i32>} : memref<4224xf32, #tpu.memory_space<vmem>>, vector<16xf32>,
          %get3A_504 = vector.shape_cast %get3A_503 : vector<16xf32> to vector<16xf32>
          %get3A_505 = arith.index_cast %add3A_498 : i32 to index
          %get3A_506 = tpu.vector_load %arg12[%get3A_505] {strides = array<i32>} : memref<4224xf32, #tpu.memory_space<vmem>>, vector<16xf32>,
          %get3A_507 = vector.shape_cast %get3A_506 : vector<16xf32> to vector<16xf32>
          %get3A_508 = arith.index_cast %add3A_498 : i32 to index
          %get3A_509 = tpu.vector_load %arg13[%get3A_508] {strides = array<i32>} : memref<4224xf32, #tpu.memory_space<vmem>>, vector<16xf32>,
          %get3A_510 = vector.shape_cast %get3A_509 : vector<16xf32> to vector<16xf32>
          %add3A_511 = arith.addi %min3A_197, %add3A_498 : i32
          %add3A_512 = vector.broadcast %add3A_511 : i32 to vector<16xi32>
          %add3A_513 = arith.addi %add3A_512, %iota3A : vector<16xi32>
          %ge3A_514 = vector.broadcast %add3A_189 : i32 to vector<16xi32>
          %ge3A_515 = arith.cmpi sge, %add3A_513, %ge3A_514 : vector<16xi32>
          %lt3A_516 = vector.broadcast %min3A_193 : i32 to vector<16xi32>
          %lt3A_517 = arith.cmpi slt, %add3A_513, %lt3A_516 : vector<16xi32>
          %and3A_518 = arith.andi %ge3A_515, %lt3A_517 : vector<16xi1>
          %mul3A_519 = arith.constant 5.000000e-01 : f32
          %mul3A_520 = vector.broadcast %mul3A_519 : f32 to vector<16xf32>
          %mul3A_521 = arith.mulf %mul3A_520, %get3A_507 : vector<16xf32>
          %add3A_522 = arith.addf %get3A_501, %mul3A_521 : vector<16xf32>
          %sub3A_523 = arith.constant 5.000000e-01 : f32
          %sub3A_524 = vector.broadcast %sub3A_523 : f32 to vector<16xf32>
          %sub3A_525 = arith.subf %add3A_522, %sub3A_524 : vector<16xf32>
          %mul3A_526 = arith.constant 5.000000e-01 : f32
          %mul3A_527 = vector.broadcast %mul3A_526 : f32 to vector<16xf32>
          %mul3A_528 = arith.mulf %mul3A_527, %get3A_510 : vector<16xf32>
          %add3A_529 = arith.addf %get3A_504, %mul3A_528 : vector<16xf32>
          %sub3A_530 = arith.constant 5.000000e-01 : f32
          %sub3A_531 = vector.broadcast %sub3A_530 : f32 to vector<16xf32>
          %sub3A_532 = arith.subf %add3A_529, %sub3A_531 : vector<16xf32>
          %convert_element_type3A_533 = arith.fptosi %sub3A_525 : vector<16xf32> to vector<16xi32>
          %convert_element_type3A_534 = arith.fptosi %sub3A_532 : vector<16xf32> to vector<16xi32>
          %convert_element_type3A_535 = arith.sitofp %convert_element_type3A_533 : vector<16xi32> to vector<16xf32>
          %sub3A_536 = arith.subf %sub3A_525, %convert_element_type3A_535 : vector<16xf32>
          %convert_element_type3A_537 = arith.sitofp %convert_element_type3A_534 : vector<16xi32> to vector<16xf32>
          %sub3A_538 = arith.subf %sub3A_532, %convert_element_type3A_537 : vector<16xf32>
          %min3A_539 = arith.constant 511 : i32
          %min3A_540 = vector.broadcast %min3A_539 : i32 to vector<16xi32>
          %min3A_541 = arith.minsi %convert_element_type3A_533, %min3A_540 : vector<16xi32>
          %min3A_542 = arith.constant 511 : i32
          %min3A_543 = vector.broadcast %min3A_542 : i32 to vector<16xi32>
          %min3A_544 = arith.minsi %convert_element_type3A_534, %min3A_543 : vector<16xi32>
          %add3A_545 = arith.constant 1 : i32
          %add3A_546 = vector.broadcast %add3A_545 : i32 to vector<16xi32>
          %add3A_547 = arith.addi %convert_element_type3A_533, %add3A_546 : vector<16xi32>
          %min3A_548 = arith.constant 511 : i32
          %min3A_549 = vector.broadcast %min3A_548 : i32 to vector<16xi32>
          %min3A_550 = arith.minsi %add3A_547, %min3A_549 : vector<16xi32>
          %add3A_551 = arith.constant 1 : i32
          %add3A_552 = vector.broadcast %add3A_551 : i32 to vector<16xi32>
          %add3A_553 = arith.addi %convert_element_type3A_534, %add3A_552 : vector<16xi32>
          %min3A_554 = arith.constant 511 : i32
          %min3A_555 = vector.broadcast %min3A_554 : i32 to vector<16xi32>
          %min3A_556 = arith.minsi %add3A_553, %min3A_555 : vector<16xi32>
          %mul3A_557 = arith.mulf %get3A_507, %get3A_510 : vector<16xf32>
          %jit3A_558 = arith.constant 0.000000e+00 : f32
          %broadcast_in_dim3A_559 = vector.broadcast %jit3A_558 : f32 to vector<16xf32>
          %select_n3A_560 = arith.select %and3A_518, %mul3A_557, %broadcast_in_dim3A_559 : vector<16xi1>, vector<16xf32>
          %sub3A_561 = arith.constant 1.000000e+00 : f32
          %sub3A_562 = vector.broadcast %sub3A_561 : f32 to vector<16xf32>
          %sub3A_563 = arith.subf %sub3A_562, %sub3A_536 : vector<16xf32>
          %mul3A_564 = arith.mulf %select_n3A_560, %sub3A_563 : vector<16xf32>
          %mul3A_565 = arith.mulf %select_n3A_560, %sub3A_536 : vector<16xf32>
          %mul3A_566 = arith.constant 512 : i32
          %mul3A_567 = vector.broadcast %mul3A_566 : i32 to vector<16xi32>
          %mul3A_568 = arith.muli %min3A_541, %mul3A_567 : vector<16xi32>
          %mul3A_569 = arith.constant 512 : i32
          %mul3A_570 = vector.broadcast %mul3A_569 : i32 to vector<16xi32>
          %mul3A_571 = arith.muli %min3A_550, %mul3A_570 : vector<16xi32>
          %add3A_572 = arith.addi %mul3A_568, %min3A_544 : vector<16xi32>
          %swap3A_573 = arith.index_cast %add3A_212 : i32 to index
          %swap3A_574 = arith.constant 32 : index
          %swap3A_575 = tpu.vector_load %arg16[%swap3A_573, %swap3A_574] {strides = array<i32>} : memref<132x128xi32, #tpu.memory_space<vmem>>, vector<1x16xi32>,
          %swap3A_576 = vector.shape_cast %swap3A_575 : vector<1x16xi32> to vector<16xi32>
          %swap3A_577 = vector.shape_cast %add3A_572 : vector<16xi32> to vector<1x16xi32>
          tpu.vector_store %arg16[%swap3A_573, %swap3A_574], %swap3A_577 {strides = array<i32>} : memref<132x128xi32, #tpu.memory_space<vmem>>, vector<1x16xi32>,
          %add3A_578 = arith.addi %mul3A_568, %min3A_556 : vector<16xi32>
          %add3A_579 = arith.constant 33 : i32
          %add3A_580 = arith.addi %add3A_579, %add3A_212 : i32
          %swap3A_581 = arith.index_cast %add3A_580 : i32 to index
          %swap3A_582 = arith.constant 32 : index
          %swap3A_583 = tpu.vector_load %arg16[%swap3A_581, %swap3A_582] {strides = array<i32>} : memref<132x128xi32, #tpu.memory_space<vmem>>, vector<1x16xi32>,
          %swap3A_584 = vector.shape_cast %swap3A_583 : vector<1x16xi32> to vector<16xi32>
          %swap3A_585 = vector.shape_cast %add3A_578 : vector<16xi32> to vector<1x16xi32>
          tpu.vector_store %arg16[%swap3A_581, %swap3A_582], %swap3A_585 {strides = array<i32>} : memref<132x128xi32, #tpu.memory_space<vmem>>, vector<1x16xi32>,
          %add3A_586 = arith.addi %mul3A_571, %min3A_544 : vector<16xi32>
          %add3A_587 = arith.constant 66 : i32
          %add3A_588 = arith.addi %add3A_587, %add3A_212 : i32
          %swap3A_589 = arith.index_cast %add3A_588 : i32 to index
          %swap3A_590 = arith.constant 32 : index
          %swap3A_591 = tpu.vector_load %arg16[%swap3A_589, %swap3A_590] {strides = array<i32>} : memref<132x128xi32, #tpu.memory_space<vmem>>, vector<1x16xi32>,
          %swap3A_592 = vector.shape_cast %swap3A_591 : vector<1x16xi32> to vector<16xi32>
          %swap3A_593 = vector.shape_cast %add3A_586 : vector<16xi32> to vector<1x16xi32>
          tpu.vector_store %arg16[%swap3A_589, %swap3A_590], %swap3A_593 {strides = array<i32>} : memref<132x128xi32, #tpu.memory_space<vmem>>, vector<1x16xi32>,
          %add3A_594 = arith.addi %mul3A_571, %min3A_556 : vector<16xi32>
          %add3A_595 = arith.constant 99 : i32
          %add3A_596 = arith.addi %add3A_595, %add3A_212 : i32
          %swap3A_597 = arith.index_cast %add3A_596 : i32 to index
          %swap3A_598 = arith.constant 32 : index
          %swap3A_599 = tpu.vector_load %arg16[%swap3A_597, %swap3A_598] {strides = array<i32>} : memref<132x128xi32, #tpu.memory_space<vmem>>, vector<1x16xi32>,
          %swap3A_600 = vector.shape_cast %swap3A_599 : vector<1x16xi32> to vector<16xi32>
          %swap3A_601 = vector.shape_cast %add3A_594 : vector<16xi32> to vector<1x16xi32>
          tpu.vector_store %arg16[%swap3A_597, %swap3A_598], %swap3A_601 {strides = array<i32>} : memref<132x128xi32, #tpu.memory_space<vmem>>, vector<1x16xi32>,
          %sub3A_602 = arith.constant 1.000000e+00 : f32
          %sub3A_603 = vector.broadcast %sub3A_602 : f32 to vector<16xf32>
          %sub3A_604 = arith.subf %sub3A_603, %sub3A_538 : vector<16xf32>
          %mul3A_605 = arith.mulf %mul3A_564, %sub3A_604 : vector<16xf32>
          %swap3A_606 = arith.index_cast %add3A_212 : i32 to index
          %swap3A_607 = arith.constant 32 : index
          %swap3A_608 = tpu.vector_load %arg17[%swap3A_606, %swap3A_607] {strides = array<i32>} : memref<132x128xf32, #tpu.memory_space<vmem>>, vector<1x16xf32>,
          %swap3A_609 = vector.shape_cast %swap3A_608 : vector<1x16xf32> to vector<16xf32>
          %swap3A_610 = vector.shape_cast %mul3A_605 : vector<16xf32> to vector<1x16xf32>
          tpu.vector_store %arg17[%swap3A_606, %swap3A_607], %swap3A_610 {strides = array<i32>} : memref<132x128xf32, #tpu.memory_space<vmem>>, vector<1x16xf32>,
          %mul3A_611 = arith.mulf %mul3A_564, %sub3A_538 : vector<16xf32>
          %add3A_612 = arith.constant 33 : i32
          %add3A_613 = arith.addi %add3A_612, %add3A_212 : i32
          %swap3A_614 = arith.index_cast %add3A_613 : i32 to index
          %swap3A_615 = arith.constant 32 : index
          %swap3A_616 = tpu.vector_load %arg17[%swap3A_614, %swap3A_615] {strides = array<i32>} : memref<132x128xf32, #tpu.memory_space<vmem>>, vector<1x16xf32>,
          %swap3A_617 = vector.shape_cast %swap3A_616 : vector<1x16xf32> to vector<16xf32>
          %swap3A_618 = vector.shape_cast %mul3A_611 : vector<16xf32> to vector<1x16xf32>
          tpu.vector_store %arg17[%swap3A_614, %swap3A_615], %swap3A_618 {strides = array<i32>} : memref<132x128xf32, #tpu.memory_space<vmem>>, vector<1x16xf32>,
          %sub3A_619 = arith.constant 1.000000e+00 : f32
          %sub3A_620 = vector.broadcast %sub3A_619 : f32 to vector<16xf32>
          %sub3A_621 = arith.subf %sub3A_620, %sub3A_538 : vector<16xf32>
          %mul3A_622 = arith.mulf %mul3A_565, %sub3A_621 : vector<16xf32>
          %add3A_623 = arith.constant 66 : i32
          %add3A_624 = arith.addi %add3A_623, %add3A_212 : i32
          %swap3A_625 = arith.index_cast %add3A_624 : i32 to index
          %swap3A_626 = arith.constant 32 : index
          %swap3A_627 = tpu.vector_load %arg17[%swap3A_625, %swap3A_626] {strides = array<i32>} : memref<132x128xf32, #tpu.memory_space<vmem>>, vector<1x16xf32>,
          %swap3A_628 = vector.shape_cast %swap3A_627 : vector<1x16xf32> to vector<16xf32>
          %swap3A_629 = vector.shape_cast %mul3A_622 : vector<16xf32> to vector<1x16xf32>
          tpu.vector_store %arg17[%swap3A_625, %swap3A_626], %swap3A_629 {strides = array<i32>} : memref<132x128xf32, #tpu.memory_space<vmem>>, vector<1x16xf32>,
          %mul3A_630 = arith.mulf %mul3A_565, %sub3A_538 : vector<16xf32>
          %add3A_631 = arith.constant 99 : i32
          %add3A_632 = arith.addi %add3A_631, %add3A_212 : i32
          %swap3A_633 = arith.index_cast %add3A_632 : i32 to index
          %swap3A_634 = arith.constant 32 : index
          %swap3A_635 = tpu.vector_load %arg17[%swap3A_633, %swap3A_634] {strides = array<i32>} : memref<132x128xf32, #tpu.memory_space<vmem>>, vector<1x16xf32>,
          %swap3A_636 = vector.shape_cast %swap3A_635 : vector<1x16xf32> to vector<16xf32>
          %swap3A_637 = vector.shape_cast %mul3A_630 : vector<16xf32> to vector<1x16xf32>
          tpu.vector_store %arg17[%swap3A_633, %swap3A_634], %swap3A_637 {strides = array<i32>} : memref<132x128xf32, #tpu.memory_space<vmem>>, vector<1x16xf32>,
          %mul3A_638 = arith.constant 128 : i32
          %mul3A_639 = arith.muli %add3A_212, %mul3A_638 : i32
          %add3A_640 = arith.constant 48 : i32
          %add3A_641 = arith.addi %mul3A_639, %add3A_640 : i32
          %get3A_642 = arith.index_cast %add3A_641 : i32 to index
          %get3A_643 = tpu.vector_load %arg10[%get3A_642] {strides = array<i32>} : memref<4224xf32, #tpu.memory_space<vmem>>, vector<16xf32>,
          %get3A_644 = vector.shape_cast %get3A_643 : vector<16xf32> to vector<16xf32>
          %get3A_645 = arith.index_cast %add3A_641 : i32 to index
          %get3A_646 = tpu.vector_load %arg11[%get3A_645] {strides = array<i32>} : memref<4224xf32, #tpu.memory_space<vmem>>, vector<16xf32>,
          %get3A_647 = vector.shape_cast %get3A_646 : vector<16xf32> to vector<16xf32>
          %get3A_648 = arith.index_cast %add3A_641 : i32 to index
          %get3A_649 = tpu.vector_load %arg12[%get3A_648] {strides = array<i32>} : memref<4224xf32, #tpu.memory_space<vmem>>, vector<16xf32>,
          %get3A_650 = vector.shape_cast %get3A_649 : vector<16xf32> to vector<16xf32>
          %get3A_651 = arith.index_cast %add3A_641 : i32 to index
          %get3A_652 = tpu.vector_load %arg13[%get3A_651] {strides = array<i32>} : memref<4224xf32, #tpu.memory_space<vmem>>, vector<16xf32>,
          %get3A_653 = vector.shape_cast %get3A_652 : vector<16xf32> to vector<16xf32>
          %add3A_654 = arith.addi %min3A_197, %add3A_641 : i32
          %add3A_655 = vector.broadcast %add3A_654 : i32 to vector<16xi32>
          %add3A_656 = arith.addi %add3A_655, %iota3A : vector<16xi32>
          %ge3A_657 = vector.broadcast %add3A_189 : i32 to vector<16xi32>
          %ge3A_658 = arith.cmpi sge, %add3A_656, %ge3A_657 : vector<16xi32>
          %lt3A_659 = vector.broadcast %min3A_193 : i32 to vector<16xi32>
          %lt3A_660 = arith.cmpi slt, %add3A_656, %lt3A_659 : vector<16xi32>
          %and3A_661 = arith.andi %ge3A_658, %lt3A_660 : vector<16xi1>
          %mul3A_662 = arith.constant 5.000000e-01 : f32
          %mul3A_663 = vector.broadcast %mul3A_662 : f32 to vector<16xf32>
          %mul3A_664 = arith.mulf %mul3A_663, %get3A_650 : vector<16xf32>
          %add3A_665 = arith.addf %get3A_644, %mul3A_664 : vector<16xf32>
          %sub3A_666 = arith.constant 5.000000e-01 : f32
          %sub3A_667 = vector.broadcast %sub3A_666 : f32 to vector<16xf32>
          %sub3A_668 = arith.subf %add3A_665, %sub3A_667 : vector<16xf32>
          %mul3A_669 = arith.constant 5.000000e-01 : f32
          %mul3A_670 = vector.broadcast %mul3A_669 : f32 to vector<16xf32>
          %mul3A_671 = arith.mulf %mul3A_670, %get3A_653 : vector<16xf32>
          %add3A_672 = arith.addf %get3A_647, %mul3A_671 : vector<16xf32>
          %sub3A_673 = arith.constant 5.000000e-01 : f32
          %sub3A_674 = vector.broadcast %sub3A_673 : f32 to vector<16xf32>
          %sub3A_675 = arith.subf %add3A_672, %sub3A_674 : vector<16xf32>
          %convert_element_type3A_676 = arith.fptosi %sub3A_668 : vector<16xf32> to vector<16xi32>
          %convert_element_type3A_677 = arith.fptosi %sub3A_675 : vector<16xf32> to vector<16xi32>
          %convert_element_type3A_678 = arith.sitofp %convert_element_type3A_676 : vector<16xi32> to vector<16xf32>
          %sub3A_679 = arith.subf %sub3A_668, %convert_element_type3A_678 : vector<16xf32>
          %convert_element_type3A_680 = arith.sitofp %convert_element_type3A_677 : vector<16xi32> to vector<16xf32>
          %sub3A_681 = arith.subf %sub3A_675, %convert_element_type3A_680 : vector<16xf32>
          %min3A_682 = arith.constant 511 : i32
          %min3A_683 = vector.broadcast %min3A_682 : i32 to vector<16xi32>
          %min3A_684 = arith.minsi %convert_element_type3A_676, %min3A_683 : vector<16xi32>
          %min3A_685 = arith.constant 511 : i32
          %min3A_686 = vector.broadcast %min3A_685 : i32 to vector<16xi32>
          %min3A_687 = arith.minsi %convert_element_type3A_677, %min3A_686 : vector<16xi32>
          %add3A_688 = arith.constant 1 : i32
          %add3A_689 = vector.broadcast %add3A_688 : i32 to vector<16xi32>
          %add3A_690 = arith.addi %convert_element_type3A_676, %add3A_689 : vector<16xi32>
          %min3A_691 = arith.constant 511 : i32
          %min3A_692 = vector.broadcast %min3A_691 : i32 to vector<16xi32>
          %min3A_693 = arith.minsi %add3A_690, %min3A_692 : vector<16xi32>
          %add3A_694 = arith.constant 1 : i32
          %add3A_695 = vector.broadcast %add3A_694 : i32 to vector<16xi32>
          %add3A_696 = arith.addi %convert_element_type3A_677, %add3A_695 : vector<16xi32>
          %min3A_697 = arith.constant 511 : i32
          %min3A_698 = vector.broadcast %min3A_697 : i32 to vector<16xi32>
          %min3A_699 = arith.minsi %add3A_696, %min3A_698 : vector<16xi32>
          %mul3A_700 = arith.mulf %get3A_650, %get3A_653 : vector<16xf32>
          %jit3A_701 = arith.constant 0.000000e+00 : f32
          %broadcast_in_dim3A_702 = vector.broadcast %jit3A_701 : f32 to vector<16xf32>
          %select_n3A_703 = arith.select %and3A_661, %mul3A_700, %broadcast_in_dim3A_702 : vector<16xi1>, vector<16xf32>
          %sub3A_704 = arith.constant 1.000000e+00 : f32
          %sub3A_705 = vector.broadcast %sub3A_704 : f32 to vector<16xf32>
          %sub3A_706 = arith.subf %sub3A_705, %sub3A_679 : vector<16xf32>
          %mul3A_707 = arith.mulf %select_n3A_703, %sub3A_706 : vector<16xf32>
          %mul3A_708 = arith.mulf %select_n3A_703, %sub3A_679 : vector<16xf32>
          %mul3A_709 = arith.constant 512 : i32
          %mul3A_710 = vector.broadcast %mul3A_709 : i32 to vector<16xi32>
          %mul3A_711 = arith.muli %min3A_684, %mul3A_710 : vector<16xi32>
          %mul3A_712 = arith.constant 512 : i32
          %mul3A_713 = vector.broadcast %mul3A_712 : i32 to vector<16xi32>
          %mul3A_714 = arith.muli %min3A_693, %mul3A_713 : vector<16xi32>
          %add3A_715 = arith.addi %mul3A_711, %min3A_687 : vector<16xi32>
          %swap3A_716 = arith.index_cast %add3A_212 : i32 to index
          %swap3A_717 = arith.constant 48 : index
          %swap3A_718 = tpu.vector_load %arg16[%swap3A_716, %swap3A_717] {strides = array<i32>} : memref<132x128xi32, #tpu.memory_space<vmem>>, vector<1x16xi32>,
          %swap3A_719 = vector.shape_cast %swap3A_718 : vector<1x16xi32> to vector<16xi32>
          %swap3A_720 = vector.shape_cast %add3A_715 : vector<16xi32> to vector<1x16xi32>
          tpu.vector_store %arg16[%swap3A_716, %swap3A_717], %swap3A_720 {strides = array<i32>} : memref<132x128xi32, #tpu.memory_space<vmem>>, vector<1x16xi32>,
          %add3A_721 = arith.addi %mul3A_711, %min3A_699 : vector<16xi32>
          %add3A_722 = arith.constant 33 : i32
          %add3A_723 = arith.addi %add3A_722, %add3A_212 : i32
          %swap3A_724 = arith.index_cast %add3A_723 : i32 to index
          %swap3A_725 = arith.constant 48 : index
          %swap3A_726 = tpu.vector_load %arg16[%swap3A_724, %swap3A_725] {strides = array<i32>} : memref<132x128xi32, #tpu.memory_space<vmem>>, vector<1x16xi32>,
          %swap3A_727 = vector.shape_cast %swap3A_726 : vector<1x16xi32> to vector<16xi32>
          %swap3A_728 = vector.shape_cast %add3A_721 : vector<16xi32> to vector<1x16xi32>
          tpu.vector_store %arg16[%swap3A_724, %swap3A_725], %swap3A_728 {strides = array<i32>} : memref<132x128xi32, #tpu.memory_space<vmem>>, vector<1x16xi32>,
          %add3A_729 = arith.addi %mul3A_714, %min3A_687 : vector<16xi32>
          %add3A_730 = arith.constant 66 : i32
          %add3A_731 = arith.addi %add3A_730, %add3A_212 : i32
          %swap3A_732 = arith.index_cast %add3A_731 : i32 to index
          %swap3A_733 = arith.constant 48 : index
          %swap3A_734 = tpu.vector_load %arg16[%swap3A_732, %swap3A_733] {strides = array<i32>} : memref<132x128xi32, #tpu.memory_space<vmem>>, vector<1x16xi32>,
          %swap3A_735 = vector.shape_cast %swap3A_734 : vector<1x16xi32> to vector<16xi32>
          %swap3A_736 = vector.shape_cast %add3A_729 : vector<16xi32> to vector<1x16xi32>
          tpu.vector_store %arg16[%swap3A_732, %swap3A_733], %swap3A_736 {strides = array<i32>} : memref<132x128xi32, #tpu.memory_space<vmem>>, vector<1x16xi32>,
          %add3A_737 = arith.addi %mul3A_714, %min3A_699 : vector<16xi32>
          %add3A_738 = arith.constant 99 : i32
          %add3A_739 = arith.addi %add3A_738, %add3A_212 : i32
          %swap3A_740 = arith.index_cast %add3A_739 : i32 to index
          %swap3A_741 = arith.constant 48 : index
          %swap3A_742 = tpu.vector_load %arg16[%swap3A_740, %swap3A_741] {strides = array<i32>} : memref<132x128xi32, #tpu.memory_space<vmem>>, vector<1x16xi32>,
          %swap3A_743 = vector.shape_cast %swap3A_742 : vector<1x16xi32> to vector<16xi32>
          %swap3A_744 = vector.shape_cast %add3A_737 : vector<16xi32> to vector<1x16xi32>
          tpu.vector_store %arg16[%swap3A_740, %swap3A_741], %swap3A_744 {strides = array<i32>} : memref<132x128xi32, #tpu.memory_space<vmem>>, vector<1x16xi32>,
          %sub3A_745 = arith.constant 1.000000e+00 : f32
          %sub3A_746 = vector.broadcast %sub3A_745 : f32 to vector<16xf32>
          %sub3A_747 = arith.subf %sub3A_746, %sub3A_681 : vector<16xf32>
          %mul3A_748 = arith.mulf %mul3A_707, %sub3A_747 : vector<16xf32>
          %swap3A_749 = arith.index_cast %add3A_212 : i32 to index
          %swap3A_750 = arith.constant 48 : index
          %swap3A_751 = tpu.vector_load %arg17[%swap3A_749, %swap3A_750] {strides = array<i32>} : memref<132x128xf32, #tpu.memory_space<vmem>>, vector<1x16xf32>,
          %swap3A_752 = vector.shape_cast %swap3A_751 : vector<1x16xf32> to vector<16xf32>
          %swap3A_753 = vector.shape_cast %mul3A_748 : vector<16xf32> to vector<1x16xf32>
          tpu.vector_store %arg17[%swap3A_749, %swap3A_750], %swap3A_753 {strides = array<i32>} : memref<132x128xf32, #tpu.memory_space<vmem>>, vector<1x16xf32>,
          %mul3A_754 = arith.mulf %mul3A_707, %sub3A_681 : vector<16xf32>
          %add3A_755 = arith.constant 33 : i32
          %add3A_756 = arith.addi %add3A_755, %add3A_212 : i32
          %swap3A_757 = arith.index_cast %add3A_756 : i32 to index
          %swap3A_758 = arith.constant 48 : index
          %swap3A_759 = tpu.vector_load %arg17[%swap3A_757, %swap3A_758] {strides = array<i32>} : memref<132x128xf32, #tpu.memory_space<vmem>>, vector<1x16xf32>,
          %swap3A_760 = vector.shape_cast %swap3A_759 : vector<1x16xf32> to vector<16xf32>
          %swap3A_761 = vector.shape_cast %mul3A_754 : vector<16xf32> to vector<1x16xf32>
          tpu.vector_store %arg17[%swap3A_757, %swap3A_758], %swap3A_761 {strides = array<i32>} : memref<132x128xf32, #tpu.memory_space<vmem>>, vector<1x16xf32>,
          %sub3A_762 = arith.constant 1.000000e+00 : f32
          %sub3A_763 = vector.broadcast %sub3A_762 : f32 to vector<16xf32>
          %sub3A_764 = arith.subf %sub3A_763, %sub3A_681 : vector<16xf32>
          %mul3A_765 = arith.mulf %mul3A_708, %sub3A_764 : vector<16xf32>
          %add3A_766 = arith.constant 66 : i32
          %add3A_767 = arith.addi %add3A_766, %add3A_212 : i32
          %swap3A_768 = arith.index_cast %add3A_767 : i32 to index
          %swap3A_769 = arith.constant 48 : index
          %swap3A_770 = tpu.vector_load %arg17[%swap3A_768, %swap3A_769] {strides = array<i32>} : memref<132x128xf32, #tpu.memory_space<vmem>>, vector<1x16xf32>,
          %swap3A_771 = vector.shape_cast %swap3A_770 : vector<1x16xf32> to vector<16xf32>
          %swap3A_772 = vector.shape_cast %mul3A_765 : vector<16xf32> to vector<1x16xf32>
          tpu.vector_store %arg17[%swap3A_768, %swap3A_769], %swap3A_772 {strides = array<i32>} : memref<132x128xf32, #tpu.memory_space<vmem>>, vector<1x16xf32>,
          %mul3A_773 = arith.mulf %mul3A_708, %sub3A_681 : vector<16xf32>
          %add3A_774 = arith.constant 99 : i32
          %add3A_775 = arith.addi %add3A_774, %add3A_212 : i32
          %swap3A_776 = arith.index_cast %add3A_775 : i32 to index
          %swap3A_777 = arith.constant 48 : index
          %swap3A_778 = tpu.vector_load %arg17[%swap3A_776, %swap3A_777] {strides = array<i32>} : memref<132x128xf32, #tpu.memory_space<vmem>>, vector<1x16xf32>,
          %swap3A_779 = vector.shape_cast %swap3A_778 : vector<1x16xf32> to vector<16xf32>
          %swap3A_780 = vector.shape_cast %mul3A_773 : vector<16xf32> to vector<1x16xf32>
          tpu.vector_store %arg17[%swap3A_776, %swap3A_777], %swap3A_780 {strides = array<i32>} : memref<132x128xf32, #tpu.memory_space<vmem>>, vector<1x16xf32>,
          %mul3A_781 = arith.constant 128 : i32
          %mul3A_782 = arith.muli %add3A_212, %mul3A_781 : i32
          %add3A_783 = arith.constant 64 : i32
          %add3A_784 = arith.addi %mul3A_782, %add3A_783 : i32
          %get3A_785 = arith.index_cast %add3A_784 : i32 to index
          %get3A_786 = tpu.vector_load %arg10[%get3A_785] {strides = array<i32>} : memref<4224xf32, #tpu.memory_space<vmem>>, vector<16xf32>,
          %get3A_787 = vector.shape_cast %get3A_786 : vector<16xf32> to vector<16xf32>
          %get3A_788 = arith.index_cast %add3A_784 : i32 to index
          %get3A_789 = tpu.vector_load %arg11[%get3A_788] {strides = array<i32>} : memref<4224xf32, #tpu.memory_space<vmem>>, vector<16xf32>,
          %get3A_790 = vector.shape_cast %get3A_789 : vector<16xf32> to vector<16xf32>
          %get3A_791 = arith.index_cast %add3A_784 : i32 to index
          %get3A_792 = tpu.vector_load %arg12[%get3A_791] {strides = array<i32>} : memref<4224xf32, #tpu.memory_space<vmem>>, vector<16xf32>,
          %get3A_793 = vector.shape_cast %get3A_792 : vector<16xf32> to vector<16xf32>
          %get3A_794 = arith.index_cast %add3A_784 : i32 to index
          %get3A_795 = tpu.vector_load %arg13[%get3A_794] {strides = array<i32>} : memref<4224xf32, #tpu.memory_space<vmem>>, vector<16xf32>,
          %get3A_796 = vector.shape_cast %get3A_795 : vector<16xf32> to vector<16xf32>
          %add3A_797 = arith.addi %min3A_197, %add3A_784 : i32
          %add3A_798 = vector.broadcast %add3A_797 : i32 to vector<16xi32>
          %add3A_799 = arith.addi %add3A_798, %iota3A : vector<16xi32>
          %ge3A_800 = vector.broadcast %add3A_189 : i32 to vector<16xi32>
          %ge3A_801 = arith.cmpi sge, %add3A_799, %ge3A_800 : vector<16xi32>
          %lt3A_802 = vector.broadcast %min3A_193 : i32 to vector<16xi32>
          %lt3A_803 = arith.cmpi slt, %add3A_799, %lt3A_802 : vector<16xi32>
          %and3A_804 = arith.andi %ge3A_801, %lt3A_803 : vector<16xi1>
          %mul3A_805 = arith.constant 5.000000e-01 : f32
          %mul3A_806 = vector.broadcast %mul3A_805 : f32 to vector<16xf32>
          %mul3A_807 = arith.mulf %mul3A_806, %get3A_793 : vector<16xf32>
          %add3A_808 = arith.addf %get3A_787, %mul3A_807 : vector<16xf32>
          %sub3A_809 = arith.constant 5.000000e-01 : f32
          %sub3A_810 = vector.broadcast %sub3A_809 : f32 to vector<16xf32>
          %sub3A_811 = arith.subf %add3A_808, %sub3A_810 : vector<16xf32>
          %mul3A_812 = arith.constant 5.000000e-01 : f32
          %mul3A_813 = vector.broadcast %mul3A_812 : f32 to vector<16xf32>
          %mul3A_814 = arith.mulf %mul3A_813, %get3A_796 : vector<16xf32>
          %add3A_815 = arith.addf %get3A_790, %mul3A_814 : vector<16xf32>
          %sub3A_816 = arith.constant 5.000000e-01 : f32
          %sub3A_817 = vector.broadcast %sub3A_816 : f32 to vector<16xf32>
          %sub3A_818 = arith.subf %add3A_815, %sub3A_817 : vector<16xf32>
          %convert_element_type3A_819 = arith.fptosi %sub3A_811 : vector<16xf32> to vector<16xi32>
          %convert_element_type3A_820 = arith.fptosi %sub3A_818 : vector<16xf32> to vector<16xi32>
          %convert_element_type3A_821 = arith.sitofp %convert_element_type3A_819 : vector<16xi32> to vector<16xf32>
          %sub3A_822 = arith.subf %sub3A_811, %convert_element_type3A_821 : vector<16xf32>
          %convert_element_type3A_823 = arith.sitofp %convert_element_type3A_820 : vector<16xi32> to vector<16xf32>
          %sub3A_824 = arith.subf %sub3A_818, %convert_element_type3A_823 : vector<16xf32>
          %min3A_825 = arith.constant 511 : i32
          %min3A_826 = vector.broadcast %min3A_825 : i32 to vector<16xi32>
          %min3A_827 = arith.minsi %convert_element_type3A_819, %min3A_826 : vector<16xi32>
          %min3A_828 = arith.constant 511 : i32
          %min3A_829 = vector.broadcast %min3A_828 : i32 to vector<16xi32>
          %min3A_830 = arith.minsi %convert_element_type3A_820, %min3A_829 : vector<16xi32>
          %add3A_831 = arith.constant 1 : i32
          %add3A_832 = vector.broadcast %add3A_831 : i32 to vector<16xi32>
          %add3A_833 = arith.addi %convert_element_type3A_819, %add3A_832 : vector<16xi32>
          %min3A_834 = arith.constant 511 : i32
          %min3A_835 = vector.broadcast %min3A_834 : i32 to vector<16xi32>
          %min3A_836 = arith.minsi %add3A_833, %min3A_835 : vector<16xi32>
          %add3A_837 = arith.constant 1 : i32
          %add3A_838 = vector.broadcast %add3A_837 : i32 to vector<16xi32>
          %add3A_839 = arith.addi %convert_element_type3A_820, %add3A_838 : vector<16xi32>
          %min3A_840 = arith.constant 511 : i32
          %min3A_841 = vector.broadcast %min3A_840 : i32 to vector<16xi32>
          %min3A_842 = arith.minsi %add3A_839, %min3A_841 : vector<16xi32>
          %mul3A_843 = arith.mulf %get3A_793, %get3A_796 : vector<16xf32>
          %jit3A_844 = arith.constant 0.000000e+00 : f32
          %broadcast_in_dim3A_845 = vector.broadcast %jit3A_844 : f32 to vector<16xf32>
          %select_n3A_846 = arith.select %and3A_804, %mul3A_843, %broadcast_in_dim3A_845 : vector<16xi1>, vector<16xf32>
          %sub3A_847 = arith.constant 1.000000e+00 : f32
          %sub3A_848 = vector.broadcast %sub3A_847 : f32 to vector<16xf32>
          %sub3A_849 = arith.subf %sub3A_848, %sub3A_822 : vector<16xf32>
          %mul3A_850 = arith.mulf %select_n3A_846, %sub3A_849 : vector<16xf32>
          %mul3A_851 = arith.mulf %select_n3A_846, %sub3A_822 : vector<16xf32>
          %mul3A_852 = arith.constant 512 : i32
          %mul3A_853 = vector.broadcast %mul3A_852 : i32 to vector<16xi32>
          %mul3A_854 = arith.muli %min3A_827, %mul3A_853 : vector<16xi32>
          %mul3A_855 = arith.constant 512 : i32
          %mul3A_856 = vector.broadcast %mul3A_855 : i32 to vector<16xi32>
          %mul3A_857 = arith.muli %min3A_836, %mul3A_856 : vector<16xi32>
          %add3A_858 = arith.addi %mul3A_854, %min3A_830 : vector<16xi32>
          %swap3A_859 = arith.index_cast %add3A_212 : i32 to index
          %swap3A_860 = arith.constant 64 : index
          %swap3A_861 = tpu.vector_load %arg16[%swap3A_859, %swap3A_860] {strides = array<i32>} : memref<132x128xi32, #tpu.memory_space<vmem>>, vector<1x16xi32>,
          %swap3A_862 = vector.shape_cast %swap3A_861 : vector<1x16xi32> to vector<16xi32>
          %swap3A_863 = vector.shape_cast %add3A_858 : vector<16xi32> to vector<1x16xi32>
          tpu.vector_store %arg16[%swap3A_859, %swap3A_860], %swap3A_863 {strides = array<i32>} : memref<132x128xi32, #tpu.memory_space<vmem>>, vector<1x16xi32>,
          %add3A_864 = arith.addi %mul3A_854, %min3A_842 : vector<16xi32>
          %add3A_865 = arith.constant 33 : i32
          %add3A_866 = arith.addi %add3A_865, %add3A_212 : i32
          %swap3A_867 = arith.index_cast %add3A_866 : i32 to index
          %swap3A_868 = arith.constant 64 : index
          %swap3A_869 = tpu.vector_load %arg16[%swap3A_867, %swap3A_868] {strides = array<i32>} : memref<132x128xi32, #tpu.memory_space<vmem>>, vector<1x16xi32>,
          %swap3A_870 = vector.shape_cast %swap3A_869 : vector<1x16xi32> to vector<16xi32>
          %swap3A_871 = vector.shape_cast %add3A_864 : vector<16xi32> to vector<1x16xi32>
          tpu.vector_store %arg16[%swap3A_867, %swap3A_868], %swap3A_871 {strides = array<i32>} : memref<132x128xi32, #tpu.memory_space<vmem>>, vector<1x16xi32>,
          %add3A_872 = arith.addi %mul3A_857, %min3A_830 : vector<16xi32>
          %add3A_873 = arith.constant 66 : i32
          %add3A_874 = arith.addi %add3A_873, %add3A_212 : i32
          %swap3A_875 = arith.index_cast %add3A_874 : i32 to index
          %swap3A_876 = arith.constant 64 : index
          %swap3A_877 = tpu.vector_load %arg16[%swap3A_875, %swap3A_876] {strides = array<i32>} : memref<132x128xi32, #tpu.memory_space<vmem>>, vector<1x16xi32>,
          %swap3A_878 = vector.shape_cast %swap3A_877 : vector<1x16xi32> to vector<16xi32>
          %swap3A_879 = vector.shape_cast %add3A_872 : vector<16xi32> to vector<1x16xi32>
          tpu.vector_store %arg16[%swap3A_875, %swap3A_876], %swap3A_879 {strides = array<i32>} : memref<132x128xi32, #tpu.memory_space<vmem>>, vector<1x16xi32>,
          %add3A_880 = arith.addi %mul3A_857, %min3A_842 : vector<16xi32>
          %add3A_881 = arith.constant 99 : i32
          %add3A_882 = arith.addi %add3A_881, %add3A_212 : i32
          %swap3A_883 = arith.index_cast %add3A_882 : i32 to index
          %swap3A_884 = arith.constant 64 : index
          %swap3A_885 = tpu.vector_load %arg16[%swap3A_883, %swap3A_884] {strides = array<i32>} : memref<132x128xi32, #tpu.memory_space<vmem>>, vector<1x16xi32>,
          %swap3A_886 = vector.shape_cast %swap3A_885 : vector<1x16xi32> to vector<16xi32>
          %swap3A_887 = vector.shape_cast %add3A_880 : vector<16xi32> to vector<1x16xi32>
          tpu.vector_store %arg16[%swap3A_883, %swap3A_884], %swap3A_887 {strides = array<i32>} : memref<132x128xi32, #tpu.memory_space<vmem>>, vector<1x16xi32>,
          %sub3A_888 = arith.constant 1.000000e+00 : f32
          %sub3A_889 = vector.broadcast %sub3A_888 : f32 to vector<16xf32>
          %sub3A_890 = arith.subf %sub3A_889, %sub3A_824 : vector<16xf32>
          %mul3A_891 = arith.mulf %mul3A_850, %sub3A_890 : vector<16xf32>
          %swap3A_892 = arith.index_cast %add3A_212 : i32 to index
          %swap3A_893 = arith.constant 64 : index
          %swap3A_894 = tpu.vector_load %arg17[%swap3A_892, %swap3A_893] {strides = array<i32>} : memref<132x128xf32, #tpu.memory_space<vmem>>, vector<1x16xf32>,
          %swap3A_895 = vector.shape_cast %swap3A_894 : vector<1x16xf32> to vector<16xf32>
          %swap3A_896 = vector.shape_cast %mul3A_891 : vector<16xf32> to vector<1x16xf32>
          tpu.vector_store %arg17[%swap3A_892, %swap3A_893], %swap3A_896 {strides = array<i32>} : memref<132x128xf32, #tpu.memory_space<vmem>>, vector<1x16xf32>,
          %mul3A_897 = arith.mulf %mul3A_850, %sub3A_824 : vector<16xf32>
          %add3A_898 = arith.constant 33 : i32
          %add3A_899 = arith.addi %add3A_898, %add3A_212 : i32
          %swap3A_900 = arith.index_cast %add3A_899 : i32 to index
          %swap3A_901 = arith.constant 64 : index
          %swap3A_902 = tpu.vector_load %arg17[%swap3A_900, %swap3A_901] {strides = array<i32>} : memref<132x128xf32, #tpu.memory_space<vmem>>, vector<1x16xf32>,
          %swap3A_903 = vector.shape_cast %swap3A_902 : vector<1x16xf32> to vector<16xf32>
          %swap3A_904 = vector.shape_cast %mul3A_897 : vector<16xf32> to vector<1x16xf32>
          tpu.vector_store %arg17[%swap3A_900, %swap3A_901], %swap3A_904 {strides = array<i32>} : memref<132x128xf32, #tpu.memory_space<vmem>>, vector<1x16xf32>,
          %sub3A_905 = arith.constant 1.000000e+00 : f32
          %sub3A_906 = vector.broadcast %sub3A_905 : f32 to vector<16xf32>
          %sub3A_907 = arith.subf %sub3A_906, %sub3A_824 : vector<16xf32>
          %mul3A_908 = arith.mulf %mul3A_851, %sub3A_907 : vector<16xf32>
          %add3A_909 = arith.constant 66 : i32
          %add3A_910 = arith.addi %add3A_909, %add3A_212 : i32
          %swap3A_911 = arith.index_cast %add3A_910 : i32 to index
          %swap3A_912 = arith.constant 64 : index
          %swap3A_913 = tpu.vector_load %arg17[%swap3A_911, %swap3A_912] {strides = array<i32>} : memref<132x128xf32, #tpu.memory_space<vmem>>, vector<1x16xf32>,
          %swap3A_914 = vector.shape_cast %swap3A_913 : vector<1x16xf32> to vector<16xf32>
          %swap3A_915 = vector.shape_cast %mul3A_908 : vector<16xf32> to vector<1x16xf32>
          tpu.vector_store %arg17[%swap3A_911, %swap3A_912], %swap3A_915 {strides = array<i32>} : memref<132x128xf32, #tpu.memory_space<vmem>>, vector<1x16xf32>,
          %mul3A_916 = arith.mulf %mul3A_851, %sub3A_824 : vector<16xf32>
          %add3A_917 = arith.constant 99 : i32
          %add3A_918 = arith.addi %add3A_917, %add3A_212 : i32
          %swap3A_919 = arith.index_cast %add3A_918 : i32 to index
          %swap3A_920 = arith.constant 64 : index
          %swap3A_921 = tpu.vector_load %arg17[%swap3A_919, %swap3A_920] {strides = array<i32>} : memref<132x128xf32, #tpu.memory_space<vmem>>, vector<1x16xf32>,
          %swap3A_922 = vector.shape_cast %swap3A_921 : vector<1x16xf32> to vector<16xf32>
          %swap3A_923 = vector.shape_cast %mul3A_916 : vector<16xf32> to vector<1x16xf32>
          tpu.vector_store %arg17[%swap3A_919, %swap3A_920], %swap3A_923 {strides = array<i32>} : memref<132x128xf32, #tpu.memory_space<vmem>>, vector<1x16xf32>,
          %mul3A_924 = arith.constant 128 : i32
          %mul3A_925 = arith.muli %add3A_212, %mul3A_924 : i32
          %add3A_926 = arith.constant 80 : i32
          %add3A_927 = arith.addi %mul3A_925, %add3A_926 : i32
          %get3A_928 = arith.index_cast %add3A_927 : i32 to index
          %get3A_929 = tpu.vector_load %arg10[%get3A_928] {strides = array<i32>} : memref<4224xf32, #tpu.memory_space<vmem>>, vector<16xf32>,
          %get3A_930 = vector.shape_cast %get3A_929 : vector<16xf32> to vector<16xf32>
          %get3A_931 = arith.index_cast %add3A_927 : i32 to index
          %get3A_932 = tpu.vector_load %arg11[%get3A_931] {strides = array<i32>} : memref<4224xf32, #tpu.memory_space<vmem>>, vector<16xf32>,
          %get3A_933 = vector.shape_cast %get3A_932 : vector<16xf32> to vector<16xf32>
          %get3A_934 = arith.index_cast %add3A_927 : i32 to index
          %get3A_935 = tpu.vector_load %arg12[%get3A_934] {strides = array<i32>} : memref<4224xf32, #tpu.memory_space<vmem>>, vector<16xf32>,
          %get3A_936 = vector.shape_cast %get3A_935 : vector<16xf32> to vector<16xf32>
          %get3A_937 = arith.index_cast %add3A_927 : i32 to index
          %get3A_938 = tpu.vector_load %arg13[%get3A_937] {strides = array<i32>} : memref<4224xf32, #tpu.memory_space<vmem>>, vector<16xf32>,
          %get3A_939 = vector.shape_cast %get3A_938 : vector<16xf32> to vector<16xf32>
          %add3A_940 = arith.addi %min3A_197, %add3A_927 : i32
          %add3A_941 = vector.broadcast %add3A_940 : i32 to vector<16xi32>
          %add3A_942 = arith.addi %add3A_941, %iota3A : vector<16xi32>
          %ge3A_943 = vector.broadcast %add3A_189 : i32 to vector<16xi32>
          %ge3A_944 = arith.cmpi sge, %add3A_942, %ge3A_943 : vector<16xi32>
          %lt3A_945 = vector.broadcast %min3A_193 : i32 to vector<16xi32>
          %lt3A_946 = arith.cmpi slt, %add3A_942, %lt3A_945 : vector<16xi32>
          %and3A_947 = arith.andi %ge3A_944, %lt3A_946 : vector<16xi1>
          %mul3A_948 = arith.constant 5.000000e-01 : f32
          %mul3A_949 = vector.broadcast %mul3A_948 : f32 to vector<16xf32>
          %mul3A_950 = arith.mulf %mul3A_949, %get3A_936 : vector<16xf32>
          %add3A_951 = arith.addf %get3A_930, %mul3A_950 : vector<16xf32>
          %sub3A_952 = arith.constant 5.000000e-01 : f32
          %sub3A_953 = vector.broadcast %sub3A_952 : f32 to vector<16xf32>
          %sub3A_954 = arith.subf %add3A_951, %sub3A_953 : vector<16xf32>
          %mul3A_955 = arith.constant 5.000000e-01 : f32
          %mul3A_956 = vector.broadcast %mul3A_955 : f32 to vector<16xf32>
          %mul3A_957 = arith.mulf %mul3A_956, %get3A_939 : vector<16xf32>
          %add3A_958 = arith.addf %get3A_933, %mul3A_957 : vector<16xf32>
          %sub3A_959 = arith.constant 5.000000e-01 : f32
          %sub3A_960 = vector.broadcast %sub3A_959 : f32 to vector<16xf32>
          %sub3A_961 = arith.subf %add3A_958, %sub3A_960 : vector<16xf32>
          %convert_element_type3A_962 = arith.fptosi %sub3A_954 : vector<16xf32> to vector<16xi32>
          %convert_element_type3A_963 = arith.fptosi %sub3A_961 : vector<16xf32> to vector<16xi32>
          %convert_element_type3A_964 = arith.sitofp %convert_element_type3A_962 : vector<16xi32> to vector<16xf32>
          %sub3A_965 = arith.subf %sub3A_954, %convert_element_type3A_964 : vector<16xf32>
          %convert_element_type3A_966 = arith.sitofp %convert_element_type3A_963 : vector<16xi32> to vector<16xf32>
          %sub3A_967 = arith.subf %sub3A_961, %convert_element_type3A_966 : vector<16xf32>
          %min3A_968 = arith.constant 511 : i32
          %min3A_969 = vector.broadcast %min3A_968 : i32 to vector<16xi32>
          %min3A_970 = arith.minsi %convert_element_type3A_962, %min3A_969 : vector<16xi32>
          %min3A_971 = arith.constant 511 : i32
          %min3A_972 = vector.broadcast %min3A_971 : i32 to vector<16xi32>
          %min3A_973 = arith.minsi %convert_element_type3A_963, %min3A_972 : vector<16xi32>
          %add3A_974 = arith.constant 1 : i32
          %add3A_975 = vector.broadcast %add3A_974 : i32 to vector<16xi32>
          %add3A_976 = arith.addi %convert_element_type3A_962, %add3A_975 : vector<16xi32>
          %min3A_977 = arith.constant 511 : i32
          %min3A_978 = vector.broadcast %min3A_977 : i32 to vector<16xi32>
          %min3A_979 = arith.minsi %add3A_976, %min3A_978 : vector<16xi32>
          %add3A_980 = arith.constant 1 : i32
          %add3A_981 = vector.broadcast %add3A_980 : i32 to vector<16xi32>
          %add3A_982 = arith.addi %convert_element_type3A_963, %add3A_981 : vector<16xi32>
          %min3A_983 = arith.constant 511 : i32
          %min3A_984 = vector.broadcast %min3A_983 : i32 to vector<16xi32>
          %min3A_985 = arith.minsi %add3A_982, %min3A_984 : vector<16xi32>
          %mul3A_986 = arith.mulf %get3A_936, %get3A_939 : vector<16xf32>
          %jit3A_987 = arith.constant 0.000000e+00 : f32
          %broadcast_in_dim3A_988 = vector.broadcast %jit3A_987 : f32 to vector<16xf32>
          %select_n3A_989 = arith.select %and3A_947, %mul3A_986, %broadcast_in_dim3A_988 : vector<16xi1>, vector<16xf32>
          %sub3A_990 = arith.constant 1.000000e+00 : f32
          %sub3A_991 = vector.broadcast %sub3A_990 : f32 to vector<16xf32>
          %sub3A_992 = arith.subf %sub3A_991, %sub3A_965 : vector<16xf32>
          %mul3A_993 = arith.mulf %select_n3A_989, %sub3A_992 : vector<16xf32>
          %mul3A_994 = arith.mulf %select_n3A_989, %sub3A_965 : vector<16xf32>
          %mul3A_995 = arith.constant 512 : i32
          %mul3A_996 = vector.broadcast %mul3A_995 : i32 to vector<16xi32>
          %mul3A_997 = arith.muli %min3A_970, %mul3A_996 : vector<16xi32>
          %mul3A_998 = arith.constant 512 : i32
          %mul3A_999 = vector.broadcast %mul3A_998 : i32 to vector<16xi32>
          %mul3A_1000 = arith.muli %min3A_979, %mul3A_999 : vector<16xi32>
          %add3A_1001 = arith.addi %mul3A_997, %min3A_973 : vector<16xi32>
          %swap3A_1002 = arith.index_cast %add3A_212 : i32 to index
          %swap3A_1003 = arith.constant 80 : index
          %swap3A_1004 = tpu.vector_load %arg16[%swap3A_1002, %swap3A_1003] {strides = array<i32>} : memref<132x128xi32, #tpu.memory_space<vmem>>, vector<1x16xi32>,
          %swap3A_1005 = vector.shape_cast %swap3A_1004 : vector<1x16xi32> to vector<16xi32>
          %swap3A_1006 = vector.shape_cast %add3A_1001 : vector<16xi32> to vector<1x16xi32>
          tpu.vector_store %arg16[%swap3A_1002, %swap3A_1003], %swap3A_1006 {strides = array<i32>} : memref<132x128xi32, #tpu.memory_space<vmem>>, vector<1x16xi32>,
          %add3A_1007 = arith.addi %mul3A_997, %min3A_985 : vector<16xi32>
          %add3A_1008 = arith.constant 33 : i32
          %add3A_1009 = arith.addi %add3A_1008, %add3A_212 : i32
          %swap3A_1010 = arith.index_cast %add3A_1009 : i32 to index
          %swap3A_1011 = arith.constant 80 : index
          %swap3A_1012 = tpu.vector_load %arg16[%swap3A_1010, %swap3A_1011] {strides = array<i32>} : memref<132x128xi32, #tpu.memory_space<vmem>>, vector<1x16xi32>,
          %swap3A_1013 = vector.shape_cast %swap3A_1012 : vector<1x16xi32> to vector<16xi32>
          %swap3A_1014 = vector.shape_cast %add3A_1007 : vector<16xi32> to vector<1x16xi32>
          tpu.vector_store %arg16[%swap3A_1010, %swap3A_1011], %swap3A_1014 {strides = array<i32>} : memref<132x128xi32, #tpu.memory_space<vmem>>, vector<1x16xi32>,
          %add3A_1015 = arith.addi %mul3A_1000, %min3A_973 : vector<16xi32>
          %add3A_1016 = arith.constant 66 : i32
          %add3A_1017 = arith.addi %add3A_1016, %add3A_212 : i32
          %swap3A_1018 = arith.index_cast %add3A_1017 : i32 to index
          %swap3A_1019 = arith.constant 80 : index
          %swap3A_1020 = tpu.vector_load %arg16[%swap3A_1018, %swap3A_1019] {strides = array<i32>} : memref<132x128xi32, #tpu.memory_space<vmem>>, vector<1x16xi32>,
          %swap3A_1021 = vector.shape_cast %swap3A_1020 : vector<1x16xi32> to vector<16xi32>
          %swap3A_1022 = vector.shape_cast %add3A_1015 : vector<16xi32> to vector<1x16xi32>
          tpu.vector_store %arg16[%swap3A_1018, %swap3A_1019], %swap3A_1022 {strides = array<i32>} : memref<132x128xi32, #tpu.memory_space<vmem>>, vector<1x16xi32>,
          %add3A_1023 = arith.addi %mul3A_1000, %min3A_985 : vector<16xi32>
          %add3A_1024 = arith.constant 99 : i32
          %add3A_1025 = arith.addi %add3A_1024, %add3A_212 : i32
          %swap3A_1026 = arith.index_cast %add3A_1025 : i32 to index
          %swap3A_1027 = arith.constant 80 : index
          %swap3A_1028 = tpu.vector_load %arg16[%swap3A_1026, %swap3A_1027] {strides = array<i32>} : memref<132x128xi32, #tpu.memory_space<vmem>>, vector<1x16xi32>,
          %swap3A_1029 = vector.shape_cast %swap3A_1028 : vector<1x16xi32> to vector<16xi32>
          %swap3A_1030 = vector.shape_cast %add3A_1023 : vector<16xi32> to vector<1x16xi32>
          tpu.vector_store %arg16[%swap3A_1026, %swap3A_1027], %swap3A_1030 {strides = array<i32>} : memref<132x128xi32, #tpu.memory_space<vmem>>, vector<1x16xi32>,
          %sub3A_1031 = arith.constant 1.000000e+00 : f32
          %sub3A_1032 = vector.broadcast %sub3A_1031 : f32 to vector<16xf32>
          %sub3A_1033 = arith.subf %sub3A_1032, %sub3A_967 : vector<16xf32>
          %mul3A_1034 = arith.mulf %mul3A_993, %sub3A_1033 : vector<16xf32>
          %swap3A_1035 = arith.index_cast %add3A_212 : i32 to index
          %swap3A_1036 = arith.constant 80 : index
          %swap3A_1037 = tpu.vector_load %arg17[%swap3A_1035, %swap3A_1036] {strides = array<i32>} : memref<132x128xf32, #tpu.memory_space<vmem>>, vector<1x16xf32>,
          %swap3A_1038 = vector.shape_cast %swap3A_1037 : vector<1x16xf32> to vector<16xf32>
          %swap3A_1039 = vector.shape_cast %mul3A_1034 : vector<16xf32> to vector<1x16xf32>
          tpu.vector_store %arg17[%swap3A_1035, %swap3A_1036], %swap3A_1039 {strides = array<i32>} : memref<132x128xf32, #tpu.memory_space<vmem>>, vector<1x16xf32>,
          %mul3A_1040 = arith.mulf %mul3A_993, %sub3A_967 : vector<16xf32>
          %add3A_1041 = arith.constant 33 : i32
          %add3A_1042 = arith.addi %add3A_1041, %add3A_212 : i32
          %swap3A_1043 = arith.index_cast %add3A_1042 : i32 to index
          %swap3A_1044 = arith.constant 80 : index
          %swap3A_1045 = tpu.vector_load %arg17[%swap3A_1043, %swap3A_1044] {strides = array<i32>} : memref<132x128xf32, #tpu.memory_space<vmem>>, vector<1x16xf32>,
          %swap3A_1046 = vector.shape_cast %swap3A_1045 : vector<1x16xf32> to vector<16xf32>
          %swap3A_1047 = vector.shape_cast %mul3A_1040 : vector<16xf32> to vector<1x16xf32>
          tpu.vector_store %arg17[%swap3A_1043, %swap3A_1044], %swap3A_1047 {strides = array<i32>} : memref<132x128xf32, #tpu.memory_space<vmem>>, vector<1x16xf32>,
          %sub3A_1048 = arith.constant 1.000000e+00 : f32
          %sub3A_1049 = vector.broadcast %sub3A_1048 : f32 to vector<16xf32>
          %sub3A_1050 = arith.subf %sub3A_1049, %sub3A_967 : vector<16xf32>
          %mul3A_1051 = arith.mulf %mul3A_994, %sub3A_1050 : vector<16xf32>
          %add3A_1052 = arith.constant 66 : i32
          %add3A_1053 = arith.addi %add3A_1052, %add3A_212 : i32
          %swap3A_1054 = arith.index_cast %add3A_1053 : i32 to index
          %swap3A_1055 = arith.constant 80 : index
          %swap3A_1056 = tpu.vector_load %arg17[%swap3A_1054, %swap3A_1055] {strides = array<i32>} : memref<132x128xf32, #tpu.memory_space<vmem>>, vector<1x16xf32>,
          %swap3A_1057 = vector.shape_cast %swap3A_1056 : vector<1x16xf32> to vector<16xf32>
          %swap3A_1058 = vector.shape_cast %mul3A_1051 : vector<16xf32> to vector<1x16xf32>
          tpu.vector_store %arg17[%swap3A_1054, %swap3A_1055], %swap3A_1058 {strides = array<i32>} : memref<132x128xf32, #tpu.memory_space<vmem>>, vector<1x16xf32>,
          %mul3A_1059 = arith.mulf %mul3A_994, %sub3A_967 : vector<16xf32>
          %add3A_1060 = arith.constant 99 : i32
          %add3A_1061 = arith.addi %add3A_1060, %add3A_212 : i32
          %swap3A_1062 = arith.index_cast %add3A_1061 : i32 to index
          %swap3A_1063 = arith.constant 80 : index
          %swap3A_1064 = tpu.vector_load %arg17[%swap3A_1062, %swap3A_1063] {strides = array<i32>} : memref<132x128xf32, #tpu.memory_space<vmem>>, vector<1x16xf32>,
          %swap3A_1065 = vector.shape_cast %swap3A_1064 : vector<1x16xf32> to vector<16xf32>
          %swap3A_1066 = vector.shape_cast %mul3A_1059 : vector<16xf32> to vector<1x16xf32>
          tpu.vector_store %arg17[%swap3A_1062, %swap3A_1063], %swap3A_1066 {strides = array<i32>} : memref<132x128xf32, #tpu.memory_space<vmem>>, vector<1x16xf32>,
          %mul3A_1067 = arith.constant 128 : i32
          %mul3A_1068 = arith.muli %add3A_212, %mul3A_1067 : i32
          %add3A_1069 = arith.constant 96 : i32
          %add3A_1070 = arith.addi %mul3A_1068, %add3A_1069 : i32
          %get3A_1071 = arith.index_cast %add3A_1070 : i32 to index
          %get3A_1072 = tpu.vector_load %arg10[%get3A_1071] {strides = array<i32>} : memref<4224xf32, #tpu.memory_space<vmem>>, vector<16xf32>,
          %get3A_1073 = vector.shape_cast %get3A_1072 : vector<16xf32> to vector<16xf32>
          %get3A_1074 = arith.index_cast %add3A_1070 : i32 to index
          %get3A_1075 = tpu.vector_load %arg11[%get3A_1074] {strides = array<i32>} : memref<4224xf32, #tpu.memory_space<vmem>>, vector<16xf32>,
          %get3A_1076 = vector.shape_cast %get3A_1075 : vector<16xf32> to vector<16xf32>
          %get3A_1077 = arith.index_cast %add3A_1070 : i32 to index
          %get3A_1078 = tpu.vector_load %arg12[%get3A_1077] {strides = array<i32>} : memref<4224xf32, #tpu.memory_space<vmem>>, vector<16xf32>,
          %get3A_1079 = vector.shape_cast %get3A_1078 : vector<16xf32> to vector<16xf32>
          %get3A_1080 = arith.index_cast %add3A_1070 : i32 to index
          %get3A_1081 = tpu.vector_load %arg13[%get3A_1080] {strides = array<i32>} : memref<4224xf32, #tpu.memory_space<vmem>>, vector<16xf32>,
          %get3A_1082 = vector.shape_cast %get3A_1081 : vector<16xf32> to vector<16xf32>
          %add3A_1083 = arith.addi %min3A_197, %add3A_1070 : i32
          %add3A_1084 = vector.broadcast %add3A_1083 : i32 to vector<16xi32>
          %add3A_1085 = arith.addi %add3A_1084, %iota3A : vector<16xi32>
          %ge3A_1086 = vector.broadcast %add3A_189 : i32 to vector<16xi32>
          %ge3A_1087 = arith.cmpi sge, %add3A_1085, %ge3A_1086 : vector<16xi32>
          %lt3A_1088 = vector.broadcast %min3A_193 : i32 to vector<16xi32>
          %lt3A_1089 = arith.cmpi slt, %add3A_1085, %lt3A_1088 : vector<16xi32>
          %and3A_1090 = arith.andi %ge3A_1087, %lt3A_1089 : vector<16xi1>
          %mul3A_1091 = arith.constant 5.000000e-01 : f32
          %mul3A_1092 = vector.broadcast %mul3A_1091 : f32 to vector<16xf32>
          %mul3A_1093 = arith.mulf %mul3A_1092, %get3A_1079 : vector<16xf32>
          %add3A_1094 = arith.addf %get3A_1073, %mul3A_1093 : vector<16xf32>
          %sub3A_1095 = arith.constant 5.000000e-01 : f32
          %sub3A_1096 = vector.broadcast %sub3A_1095 : f32 to vector<16xf32>
          %sub3A_1097 = arith.subf %add3A_1094, %sub3A_1096 : vector<16xf32>
          %mul3A_1098 = arith.constant 5.000000e-01 : f32
          %mul3A_1099 = vector.broadcast %mul3A_1098 : f32 to vector<16xf32>
          %mul3A_1100 = arith.mulf %mul3A_1099, %get3A_1082 : vector<16xf32>
          %add3A_1101 = arith.addf %get3A_1076, %mul3A_1100 : vector<16xf32>
          %sub3A_1102 = arith.constant 5.000000e-01 : f32
          %sub3A_1103 = vector.broadcast %sub3A_1102 : f32 to vector<16xf32>
          %sub3A_1104 = arith.subf %add3A_1101, %sub3A_1103 : vector<16xf32>
          %convert_element_type3A_1105 = arith.fptosi %sub3A_1097 : vector<16xf32> to vector<16xi32>
          %convert_element_type3A_1106 = arith.fptosi %sub3A_1104 : vector<16xf32> to vector<16xi32>
          %convert_element_type3A_1107 = arith.sitofp %convert_element_type3A_1105 : vector<16xi32> to vector<16xf32>
          %sub3A_1108 = arith.subf %sub3A_1097, %convert_element_type3A_1107 : vector<16xf32>
          %convert_element_type3A_1109 = arith.sitofp %convert_element_type3A_1106 : vector<16xi32> to vector<16xf32>
          %sub3A_1110 = arith.subf %sub3A_1104, %convert_element_type3A_1109 : vector<16xf32>
          %min3A_1111 = arith.constant 511 : i32
          %min3A_1112 = vector.broadcast %min3A_1111 : i32 to vector<16xi32>
          %min3A_1113 = arith.minsi %convert_element_type3A_1105, %min3A_1112 : vector<16xi32>
          %min3A_1114 = arith.constant 511 : i32
          %min3A_1115 = vector.broadcast %min3A_1114 : i32 to vector<16xi32>
          %min3A_1116 = arith.minsi %convert_element_type3A_1106, %min3A_1115 : vector<16xi32>
          %add3A_1117 = arith.constant 1 : i32
          %add3A_1118 = vector.broadcast %add3A_1117 : i32 to vector<16xi32>
          %add3A_1119 = arith.addi %convert_element_type3A_1105, %add3A_1118 : vector<16xi32>
          %min3A_1120 = arith.constant 511 : i32
          %min3A_1121 = vector.broadcast %min3A_1120 : i32 to vector<16xi32>
          %min3A_1122 = arith.minsi %add3A_1119, %min3A_1121 : vector<16xi32>
          %add3A_1123 = arith.constant 1 : i32
          %add3A_1124 = vector.broadcast %add3A_1123 : i32 to vector<16xi32>
          %add3A_1125 = arith.addi %convert_element_type3A_1106, %add3A_1124 : vector<16xi32>
          %min3A_1126 = arith.constant 511 : i32
          %min3A_1127 = vector.broadcast %min3A_1126 : i32 to vector<16xi32>
          %min3A_1128 = arith.minsi %add3A_1125, %min3A_1127 : vector<16xi32>
          %mul3A_1129 = arith.mulf %get3A_1079, %get3A_1082 : vector<16xf32>
          %jit3A_1130 = arith.constant 0.000000e+00 : f32
          %broadcast_in_dim3A_1131 = vector.broadcast %jit3A_1130 : f32 to vector<16xf32>
          %select_n3A_1132 = arith.select %and3A_1090, %mul3A_1129, %broadcast_in_dim3A_1131 : vector<16xi1>, vector<16xf32>
          %sub3A_1133 = arith.constant 1.000000e+00 : f32
          %sub3A_1134 = vector.broadcast %sub3A_1133 : f32 to vector<16xf32>
          %sub3A_1135 = arith.subf %sub3A_1134, %sub3A_1108 : vector<16xf32>
          %mul3A_1136 = arith.mulf %select_n3A_1132, %sub3A_1135 : vector<16xf32>
          %mul3A_1137 = arith.mulf %select_n3A_1132, %sub3A_1108 : vector<16xf32>
          %mul3A_1138 = arith.constant 512 : i32
          %mul3A_1139 = vector.broadcast %mul3A_1138 : i32 to vector<16xi32>
          %mul3A_1140 = arith.muli %min3A_1113, %mul3A_1139 : vector<16xi32>
          %mul3A_1141 = arith.constant 512 : i32
          %mul3A_1142 = vector.broadcast %mul3A_1141 : i32 to vector<16xi32>
          %mul3A_1143 = arith.muli %min3A_1122, %mul3A_1142 : vector<16xi32>
          %add3A_1144 = arith.addi %mul3A_1140, %min3A_1116 : vector<16xi32>
          %swap3A_1145 = arith.index_cast %add3A_212 : i32 to index
          %swap3A_1146 = arith.constant 96 : index
          %swap3A_1147 = tpu.vector_load %arg16[%swap3A_1145, %swap3A_1146] {strides = array<i32>} : memref<132x128xi32, #tpu.memory_space<vmem>>, vector<1x16xi32>,
          %swap3A_1148 = vector.shape_cast %swap3A_1147 : vector<1x16xi32> to vector<16xi32>
          %swap3A_1149 = vector.shape_cast %add3A_1144 : vector<16xi32> to vector<1x16xi32>
          tpu.vector_store %arg16[%swap3A_1145, %swap3A_1146], %swap3A_1149 {strides = array<i32>} : memref<132x128xi32, #tpu.memory_space<vmem>>, vector<1x16xi32>,
          %add3A_1150 = arith.addi %mul3A_1140, %min3A_1128 : vector<16xi32>
          %add3A_1151 = arith.constant 33 : i32
          %add3A_1152 = arith.addi %add3A_1151, %add3A_212 : i32
          %swap3A_1153 = arith.index_cast %add3A_1152 : i32 to index
          %swap3A_1154 = arith.constant 96 : index
          %swap3A_1155 = tpu.vector_load %arg16[%swap3A_1153, %swap3A_1154] {strides = array<i32>} : memref<132x128xi32, #tpu.memory_space<vmem>>, vector<1x16xi32>,
          %swap3A_1156 = vector.shape_cast %swap3A_1155 : vector<1x16xi32> to vector<16xi32>
          %swap3A_1157 = vector.shape_cast %add3A_1150 : vector<16xi32> to vector<1x16xi32>
          tpu.vector_store %arg16[%swap3A_1153, %swap3A_1154], %swap3A_1157 {strides = array<i32>} : memref<132x128xi32, #tpu.memory_space<vmem>>, vector<1x16xi32>,
          %add3A_1158 = arith.addi %mul3A_1143, %min3A_1116 : vector<16xi32>
          %add3A_1159 = arith.constant 66 : i32
          %add3A_1160 = arith.addi %add3A_1159, %add3A_212 : i32
          %swap3A_1161 = arith.index_cast %add3A_1160 : i32 to index
          %swap3A_1162 = arith.constant 96 : index
          %swap3A_1163 = tpu.vector_load %arg16[%swap3A_1161, %swap3A_1162] {strides = array<i32>} : memref<132x128xi32, #tpu.memory_space<vmem>>, vector<1x16xi32>,
          %swap3A_1164 = vector.shape_cast %swap3A_1163 : vector<1x16xi32> to vector<16xi32>
          %swap3A_1165 = vector.shape_cast %add3A_1158 : vector<16xi32> to vector<1x16xi32>
          tpu.vector_store %arg16[%swap3A_1161, %swap3A_1162], %swap3A_1165 {strides = array<i32>} : memref<132x128xi32, #tpu.memory_space<vmem>>, vector<1x16xi32>,
          %add3A_1166 = arith.addi %mul3A_1143, %min3A_1128 : vector<16xi32>
          %add3A_1167 = arith.constant 99 : i32
          %add3A_1168 = arith.addi %add3A_1167, %add3A_212 : i32
          %swap3A_1169 = arith.index_cast %add3A_1168 : i32 to index
          %swap3A_1170 = arith.constant 96 : index
          %swap3A_1171 = tpu.vector_load %arg16[%swap3A_1169, %swap3A_1170] {strides = array<i32>} : memref<132x128xi32, #tpu.memory_space<vmem>>, vector<1x16xi32>,
          %swap3A_1172 = vector.shape_cast %swap3A_1171 : vector<1x16xi32> to vector<16xi32>
          %swap3A_1173 = vector.shape_cast %add3A_1166 : vector<16xi32> to vector<1x16xi32>
          tpu.vector_store %arg16[%swap3A_1169, %swap3A_1170], %swap3A_1173 {strides = array<i32>} : memref<132x128xi32, #tpu.memory_space<vmem>>, vector<1x16xi32>,
          %sub3A_1174 = arith.constant 1.000000e+00 : f32
          %sub3A_1175 = vector.broadcast %sub3A_1174 : f32 to vector<16xf32>
          %sub3A_1176 = arith.subf %sub3A_1175, %sub3A_1110 : vector<16xf32>
          %mul3A_1177 = arith.mulf %mul3A_1136, %sub3A_1176 : vector<16xf32>
          %swap3A_1178 = arith.index_cast %add3A_212 : i32 to index
          %swap3A_1179 = arith.constant 96 : index
          %swap3A_1180 = tpu.vector_load %arg17[%swap3A_1178, %swap3A_1179] {strides = array<i32>} : memref<132x128xf32, #tpu.memory_space<vmem>>, vector<1x16xf32>,
          %swap3A_1181 = vector.shape_cast %swap3A_1180 : vector<1x16xf32> to vector<16xf32>
          %swap3A_1182 = vector.shape_cast %mul3A_1177 : vector<16xf32> to vector<1x16xf32>
          tpu.vector_store %arg17[%swap3A_1178, %swap3A_1179], %swap3A_1182 {strides = array<i32>} : memref<132x128xf32, #tpu.memory_space<vmem>>, vector<1x16xf32>,
          %mul3A_1183 = arith.mulf %mul3A_1136, %sub3A_1110 : vector<16xf32>
          %add3A_1184 = arith.constant 33 : i32
          %add3A_1185 = arith.addi %add3A_1184, %add3A_212 : i32
          %swap3A_1186 = arith.index_cast %add3A_1185 : i32 to index
          %swap3A_1187 = arith.constant 96 : index
          %swap3A_1188 = tpu.vector_load %arg17[%swap3A_1186, %swap3A_1187] {strides = array<i32>} : memref<132x128xf32, #tpu.memory_space<vmem>>, vector<1x16xf32>,
          %swap3A_1189 = vector.shape_cast %swap3A_1188 : vector<1x16xf32> to vector<16xf32>
          %swap3A_1190 = vector.shape_cast %mul3A_1183 : vector<16xf32> to vector<1x16xf32>
          tpu.vector_store %arg17[%swap3A_1186, %swap3A_1187], %swap3A_1190 {strides = array<i32>} : memref<132x128xf32, #tpu.memory_space<vmem>>, vector<1x16xf32>,
          %sub3A_1191 = arith.constant 1.000000e+00 : f32
          %sub3A_1192 = vector.broadcast %sub3A_1191 : f32 to vector<16xf32>
          %sub3A_1193 = arith.subf %sub3A_1192, %sub3A_1110 : vector<16xf32>
          %mul3A_1194 = arith.mulf %mul3A_1137, %sub3A_1193 : vector<16xf32>
          %add3A_1195 = arith.constant 66 : i32
          %add3A_1196 = arith.addi %add3A_1195, %add3A_212 : i32
          %swap3A_1197 = arith.index_cast %add3A_1196 : i32 to index
          %swap3A_1198 = arith.constant 96 : index
          %swap3A_1199 = tpu.vector_load %arg17[%swap3A_1197, %swap3A_1198] {strides = array<i32>} : memref<132x128xf32, #tpu.memory_space<vmem>>, vector<1x16xf32>,
          %swap3A_1200 = vector.shape_cast %swap3A_1199 : vector<1x16xf32> to vector<16xf32>
          %swap3A_1201 = vector.shape_cast %mul3A_1194 : vector<16xf32> to vector<1x16xf32>
          tpu.vector_store %arg17[%swap3A_1197, %swap3A_1198], %swap3A_1201 {strides = array<i32>} : memref<132x128xf32, #tpu.memory_space<vmem>>, vector<1x16xf32>,
          %mul3A_1202 = arith.mulf %mul3A_1137, %sub3A_1110 : vector<16xf32>
          %add3A_1203 = arith.constant 99 : i32
          %add3A_1204 = arith.addi %add3A_1203, %add3A_212 : i32
          %swap3A_1205 = arith.index_cast %add3A_1204 : i32 to index
          %swap3A_1206 = arith.constant 96 : index
          %swap3A_1207 = tpu.vector_load %arg17[%swap3A_1205, %swap3A_1206] {strides = array<i32>} : memref<132x128xf32, #tpu.memory_space<vmem>>, vector<1x16xf32>,
          %swap3A_1208 = vector.shape_cast %swap3A_1207 : vector<1x16xf32> to vector<16xf32>
          %swap3A_1209 = vector.shape_cast %mul3A_1202 : vector<16xf32> to vector<1x16xf32>
          tpu.vector_store %arg17[%swap3A_1205, %swap3A_1206], %swap3A_1209 {strides = array<i32>} : memref<132x128xf32, #tpu.memory_space<vmem>>, vector<1x16xf32>,
          %mul3A_1210 = arith.constant 128 : i32
          %mul3A_1211 = arith.muli %add3A_212, %mul3A_1210 : i32
          %add3A_1212 = arith.constant 112 : i32
          %add3A_1213 = arith.addi %mul3A_1211, %add3A_1212 : i32
          %get3A_1214 = arith.index_cast %add3A_1213 : i32 to index
          %get3A_1215 = tpu.vector_load %arg10[%get3A_1214] {strides = array<i32>} : memref<4224xf32, #tpu.memory_space<vmem>>, vector<16xf32>,
          %get3A_1216 = vector.shape_cast %get3A_1215 : vector<16xf32> to vector<16xf32>
          %get3A_1217 = arith.index_cast %add3A_1213 : i32 to index
          %get3A_1218 = tpu.vector_load %arg11[%get3A_1217] {strides = array<i32>} : memref<4224xf32, #tpu.memory_space<vmem>>, vector<16xf32>,
          %get3A_1219 = vector.shape_cast %get3A_1218 : vector<16xf32> to vector<16xf32>
          %get3A_1220 = arith.index_cast %add3A_1213 : i32 to index
          %get3A_1221 = tpu.vector_load %arg12[%get3A_1220] {strides = array<i32>} : memref<4224xf32, #tpu.memory_space<vmem>>, vector<16xf32>,
          %get3A_1222 = vector.shape_cast %get3A_1221 : vector<16xf32> to vector<16xf32>
          %get3A_1223 = arith.index_cast %add3A_1213 : i32 to index
          %get3A_1224 = tpu.vector_load %arg13[%get3A_1223] {strides = array<i32>} : memref<4224xf32, #tpu.memory_space<vmem>>, vector<16xf32>,
          %get3A_1225 = vector.shape_cast %get3A_1224 : vector<16xf32> to vector<16xf32>
          %add3A_1226 = arith.addi %min3A_197, %add3A_1213 : i32
          %add3A_1227 = vector.broadcast %add3A_1226 : i32 to vector<16xi32>
          %add3A_1228 = arith.addi %add3A_1227, %iota3A : vector<16xi32>
          %ge3A_1229 = vector.broadcast %add3A_189 : i32 to vector<16xi32>
          %ge3A_1230 = arith.cmpi sge, %add3A_1228, %ge3A_1229 : vector<16xi32>
          %lt3A_1231 = vector.broadcast %min3A_193 : i32 to vector<16xi32>
          %lt3A_1232 = arith.cmpi slt, %add3A_1228, %lt3A_1231 : vector<16xi32>
          %and3A_1233 = arith.andi %ge3A_1230, %lt3A_1232 : vector<16xi1>
          %mul3A_1234 = arith.constant 5.000000e-01 : f32
          %mul3A_1235 = vector.broadcast %mul3A_1234 : f32 to vector<16xf32>
          %mul3A_1236 = arith.mulf %mul3A_1235, %get3A_1222 : vector<16xf32>
          %add3A_1237 = arith.addf %get3A_1216, %mul3A_1236 : vector<16xf32>
          %sub3A_1238 = arith.constant 5.000000e-01 : f32
          %sub3A_1239 = vector.broadcast %sub3A_1238 : f32 to vector<16xf32>
          %sub3A_1240 = arith.subf %add3A_1237, %sub3A_1239 : vector<16xf32>
          %mul3A_1241 = arith.constant 5.000000e-01 : f32
          %mul3A_1242 = vector.broadcast %mul3A_1241 : f32 to vector<16xf32>
          %mul3A_1243 = arith.mulf %mul3A_1242, %get3A_1225 : vector<16xf32>
          %add3A_1244 = arith.addf %get3A_1219, %mul3A_1243 : vector<16xf32>
          %sub3A_1245 = arith.constant 5.000000e-01 : f32
          %sub3A_1246 = vector.broadcast %sub3A_1245 : f32 to vector<16xf32>
          %sub3A_1247 = arith.subf %add3A_1244, %sub3A_1246 : vector<16xf32>
          %convert_element_type3A_1248 = arith.fptosi %sub3A_1240 : vector<16xf32> to vector<16xi32>
          %convert_element_type3A_1249 = arith.fptosi %sub3A_1247 : vector<16xf32> to vector<16xi32>
          %convert_element_type3A_1250 = arith.sitofp %convert_element_type3A_1248 : vector<16xi32> to vector<16xf32>
          %sub3A_1251 = arith.subf %sub3A_1240, %convert_element_type3A_1250 : vector<16xf32>
          %convert_element_type3A_1252 = arith.sitofp %convert_element_type3A_1249 : vector<16xi32> to vector<16xf32>
          %sub3A_1253 = arith.subf %sub3A_1247, %convert_element_type3A_1252 : vector<16xf32>
          %min3A_1254 = arith.constant 511 : i32
          %min3A_1255 = vector.broadcast %min3A_1254 : i32 to vector<16xi32>
          %min3A_1256 = arith.minsi %convert_element_type3A_1248, %min3A_1255 : vector<16xi32>
          %min3A_1257 = arith.constant 511 : i32
          %min3A_1258 = vector.broadcast %min3A_1257 : i32 to vector<16xi32>
          %min3A_1259 = arith.minsi %convert_element_type3A_1249, %min3A_1258 : vector<16xi32>
          %add3A_1260 = arith.constant 1 : i32
          %add3A_1261 = vector.broadcast %add3A_1260 : i32 to vector<16xi32>
          %add3A_1262 = arith.addi %convert_element_type3A_1248, %add3A_1261 : vector<16xi32>
          %min3A_1263 = arith.constant 511 : i32
          %min3A_1264 = vector.broadcast %min3A_1263 : i32 to vector<16xi32>
          %min3A_1265 = arith.minsi %add3A_1262, %min3A_1264 : vector<16xi32>
          %add3A_1266 = arith.constant 1 : i32
          %add3A_1267 = vector.broadcast %add3A_1266 : i32 to vector<16xi32>
          %add3A_1268 = arith.addi %convert_element_type3A_1249, %add3A_1267 : vector<16xi32>
          %min3A_1269 = arith.constant 511 : i32
          %min3A_1270 = vector.broadcast %min3A_1269 : i32 to vector<16xi32>
          %min3A_1271 = arith.minsi %add3A_1268, %min3A_1270 : vector<16xi32>
          %mul3A_1272 = arith.mulf %get3A_1222, %get3A_1225 : vector<16xf32>
          %jit3A_1273 = arith.constant 0.000000e+00 : f32
          %broadcast_in_dim3A_1274 = vector.broadcast %jit3A_1273 : f32 to vector<16xf32>
          %select_n3A_1275 = arith.select %and3A_1233, %mul3A_1272, %broadcast_in_dim3A_1274 : vector<16xi1>, vector<16xf32>
          %sub3A_1276 = arith.constant 1.000000e+00 : f32
          %sub3A_1277 = vector.broadcast %sub3A_1276 : f32 to vector<16xf32>
          %sub3A_1278 = arith.subf %sub3A_1277, %sub3A_1251 : vector<16xf32>
          %mul3A_1279 = arith.mulf %select_n3A_1275, %sub3A_1278 : vector<16xf32>
          %mul3A_1280 = arith.mulf %select_n3A_1275, %sub3A_1251 : vector<16xf32>
          %mul3A_1281 = arith.constant 512 : i32
          %mul3A_1282 = vector.broadcast %mul3A_1281 : i32 to vector<16xi32>
          %mul3A_1283 = arith.muli %min3A_1256, %mul3A_1282 : vector<16xi32>
          %mul3A_1284 = arith.constant 512 : i32
          %mul3A_1285 = vector.broadcast %mul3A_1284 : i32 to vector<16xi32>
          %mul3A_1286 = arith.muli %min3A_1265, %mul3A_1285 : vector<16xi32>
          %add3A_1287 = arith.addi %mul3A_1283, %min3A_1259 : vector<16xi32>
          %swap3A_1288 = arith.index_cast %add3A_212 : i32 to index
          %swap3A_1289 = arith.constant 112 : index
          %swap3A_1290 = tpu.vector_load %arg16[%swap3A_1288, %swap3A_1289] {strides = array<i32>} : memref<132x128xi32, #tpu.memory_space<vmem>>, vector<1x16xi32>,
          %swap3A_1291 = vector.shape_cast %swap3A_1290 : vector<1x16xi32> to vector<16xi32>
          %swap3A_1292 = vector.shape_cast %add3A_1287 : vector<16xi32> to vector<1x16xi32>
          tpu.vector_store %arg16[%swap3A_1288, %swap3A_1289], %swap3A_1292 {strides = array<i32>} : memref<132x128xi32, #tpu.memory_space<vmem>>, vector<1x16xi32>,
          %add3A_1293 = arith.addi %mul3A_1283, %min3A_1271 : vector<16xi32>
          %add3A_1294 = arith.constant 33 : i32
          %add3A_1295 = arith.addi %add3A_1294, %add3A_212 : i32
          %swap3A_1296 = arith.index_cast %add3A_1295 : i32 to index
          %swap3A_1297 = arith.constant 112 : index
          %swap3A_1298 = tpu.vector_load %arg16[%swap3A_1296, %swap3A_1297] {strides = array<i32>} : memref<132x128xi32, #tpu.memory_space<vmem>>, vector<1x16xi32>,
          %swap3A_1299 = vector.shape_cast %swap3A_1298 : vector<1x16xi32> to vector<16xi32>
          %swap3A_1300 = vector.shape_cast %add3A_1293 : vector<16xi32> to vector<1x16xi32>
          tpu.vector_store %arg16[%swap3A_1296, %swap3A_1297], %swap3A_1300 {strides = array<i32>} : memref<132x128xi32, #tpu.memory_space<vmem>>, vector<1x16xi32>,
          %add3A_1301 = arith.addi %mul3A_1286, %min3A_1259 : vector<16xi32>
          %add3A_1302 = arith.constant 66 : i32
          %add3A_1303 = arith.addi %add3A_1302, %add3A_212 : i32
          %swap3A_1304 = arith.index_cast %add3A_1303 : i32 to index
          %swap3A_1305 = arith.constant 112 : index
          %swap3A_1306 = tpu.vector_load %arg16[%swap3A_1304, %swap3A_1305] {strides = array<i32>} : memref<132x128xi32, #tpu.memory_space<vmem>>, vector<1x16xi32>,
          %swap3A_1307 = vector.shape_cast %swap3A_1306 : vector<1x16xi32> to vector<16xi32>
          %swap3A_1308 = vector.shape_cast %add3A_1301 : vector<16xi32> to vector<1x16xi32>
          tpu.vector_store %arg16[%swap3A_1304, %swap3A_1305], %swap3A_1308 {strides = array<i32>} : memref<132x128xi32, #tpu.memory_space<vmem>>, vector<1x16xi32>,
          %add3A_1309 = arith.addi %mul3A_1286, %min3A_1271 : vector<16xi32>
          %add3A_1310 = arith.constant 99 : i32
          %add3A_1311 = arith.addi %add3A_1310, %add3A_212 : i32
          %swap3A_1312 = arith.index_cast %add3A_1311 : i32 to index
          %swap3A_1313 = arith.constant 112 : index
          %swap3A_1314 = tpu.vector_load %arg16[%swap3A_1312, %swap3A_1313] {strides = array<i32>} : memref<132x128xi32, #tpu.memory_space<vmem>>, vector<1x16xi32>,
          %swap3A_1315 = vector.shape_cast %swap3A_1314 : vector<1x16xi32> to vector<16xi32>
          %swap3A_1316 = vector.shape_cast %add3A_1309 : vector<16xi32> to vector<1x16xi32>
          tpu.vector_store %arg16[%swap3A_1312, %swap3A_1313], %swap3A_1316 {strides = array<i32>} : memref<132x128xi32, #tpu.memory_space<vmem>>, vector<1x16xi32>,
          %sub3A_1317 = arith.constant 1.000000e+00 : f32
          %sub3A_1318 = vector.broadcast %sub3A_1317 : f32 to vector<16xf32>
          %sub3A_1319 = arith.subf %sub3A_1318, %sub3A_1253 : vector<16xf32>
          %mul3A_1320 = arith.mulf %mul3A_1279, %sub3A_1319 : vector<16xf32>
          %swap3A_1321 = arith.index_cast %add3A_212 : i32 to index
          %swap3A_1322 = arith.constant 112 : index
          %swap3A_1323 = tpu.vector_load %arg17[%swap3A_1321, %swap3A_1322] {strides = array<i32>} : memref<132x128xf32, #tpu.memory_space<vmem>>, vector<1x16xf32>,
          %swap3A_1324 = vector.shape_cast %swap3A_1323 : vector<1x16xf32> to vector<16xf32>
          %swap3A_1325 = vector.shape_cast %mul3A_1320 : vector<16xf32> to vector<1x16xf32>
          tpu.vector_store %arg17[%swap3A_1321, %swap3A_1322], %swap3A_1325 {strides = array<i32>} : memref<132x128xf32, #tpu.memory_space<vmem>>, vector<1x16xf32>,
          %mul3A_1326 = arith.mulf %mul3A_1279, %sub3A_1253 : vector<16xf32>
          %add3A_1327 = arith.constant 33 : i32
          %add3A_1328 = arith.addi %add3A_1327, %add3A_212 : i32
          %swap3A_1329 = arith.index_cast %add3A_1328 : i32 to index
          %swap3A_1330 = arith.constant 112 : index
          %swap3A_1331 = tpu.vector_load %arg17[%swap3A_1329, %swap3A_1330] {strides = array<i32>} : memref<132x128xf32, #tpu.memory_space<vmem>>, vector<1x16xf32>,
          %swap3A_1332 = vector.shape_cast %swap3A_1331 : vector<1x16xf32> to vector<16xf32>
          %swap3A_1333 = vector.shape_cast %mul3A_1326 : vector<16xf32> to vector<1x16xf32>
          tpu.vector_store %arg17[%swap3A_1329, %swap3A_1330], %swap3A_1333 {strides = array<i32>} : memref<132x128xf32, #tpu.memory_space<vmem>>, vector<1x16xf32>,
          %sub3A_1334 = arith.constant 1.000000e+00 : f32
          %sub3A_1335 = vector.broadcast %sub3A_1334 : f32 to vector<16xf32>
          %sub3A_1336 = arith.subf %sub3A_1335, %sub3A_1253 : vector<16xf32>
          %mul3A_1337 = arith.mulf %mul3A_1280, %sub3A_1336 : vector<16xf32>
          %add3A_1338 = arith.constant 66 : i32
          %add3A_1339 = arith.addi %add3A_1338, %add3A_212 : i32
          %swap3A_1340 = arith.index_cast %add3A_1339 : i32 to index
          %swap3A_1341 = arith.constant 112 : index
          %swap3A_1342 = tpu.vector_load %arg17[%swap3A_1340, %swap3A_1341] {strides = array<i32>} : memref<132x128xf32, #tpu.memory_space<vmem>>, vector<1x16xf32>,
          %swap3A_1343 = vector.shape_cast %swap3A_1342 : vector<1x16xf32> to vector<16xf32>
          %swap3A_1344 = vector.shape_cast %mul3A_1337 : vector<16xf32> to vector<1x16xf32>
          tpu.vector_store %arg17[%swap3A_1340, %swap3A_1341], %swap3A_1344 {strides = array<i32>} : memref<132x128xf32, #tpu.memory_space<vmem>>, vector<1x16xf32>,
          %mul3A_1345 = arith.mulf %mul3A_1280, %sub3A_1253 : vector<16xf32>
          %add3A_1346 = arith.constant 99 : i32
          %add3A_1347 = arith.addi %add3A_1346, %add3A_212 : i32
          %swap3A_1348 = arith.index_cast %add3A_1347 : i32 to index
          %swap3A_1349 = arith.constant 112 : index
          %swap3A_1350 = tpu.vector_load %arg17[%swap3A_1348, %swap3A_1349] {strides = array<i32>} : memref<132x128xf32, #tpu.memory_space<vmem>>, vector<1x16xf32>,
          %swap3A_1351 = vector.shape_cast %swap3A_1350 : vector<1x16xf32> to vector<16xf32>
          %swap3A_1352 = vector.shape_cast %mul3A_1345 : vector<16xf32> to vector<1x16xf32>
          tpu.vector_store %arg17[%swap3A_1348, %swap3A_1349], %swap3A_1352 {strides = array<i32>} : memref<132x128xf32, #tpu.memory_space<vmem>>, vector<1x16xf32>,
        }
        %scan3A_202 = arith.constant 33 : i32
        %scan3A_203 = arith.constant 0 : i32
        %scan3A_204 = arith.constant 132 : i32
        %scan3A_205 = arith.addi %scan3A_203, %scan3A_204 : i32
        %scan3A_206 = arith.constant 1 : i32
        scf.for %scan3A_208 = %scan3A_203 to %scan3A_205 step %scan3A_206  : i32 {
          %mul3A_209 = arith.constant 1 : i32
          %mul3A_210 = arith.muli %scan3A_208, %mul3A_209 : i32
          %add3A_211 = arith.constant 0 : i32
          %add3A_212 = arith.addi %add3A_211, %mul3A_210 : i32
          %dma_start3A_213 = arith.constant 0 : i32
          %dma_start3A_214 = tpu.memref_slice %arg17[%add3A_212, %dma_start3A_213] : memref<132x128xf32, #tpu.memory_space<vmem>> -> memref<1x128xf32, #tpu.memory_space<vmem>>
          %dma_start3A_215 = tpu.memref_squeeze %dma_start3A_214 : memref<1x128xf32, #tpu.memory_space<vmem>> -> memref<128xf32, #tpu.memory_space<vmem>>
          %dma_start3A_216 = arith.constant 0 : i32
          %dma_start3A_217 = tpu.memref_slice %arg16[%add3A_212, %dma_start3A_216] : memref<132x128xi32, #tpu.memory_space<vmem>> -> memref<1x128xi32, #tpu.memory_space<vmem>>
          %dma_start3A_218 = tpu.memref_squeeze %dma_start3A_217 : memref<1x128xi32, #tpu.memory_space<vmem>> -> memref<128xi32, #tpu.memory_space<vmem>>
          %dma_start3A_219 = arith.constant 0 : i32
          %dma_start3A_220 = tpu.memref_slice %arg19[%dma_start3A_219] : memref<262144xf32, #tpu.memory_space<vmem_shared>> -> memref<262144xf32, #tpu.memory_space<vmem_shared>>
          tpu.enqueue_indirect_dma source(%dma_start3A_215 : memref<128xf32, #tpu.memory_space<vmem>>) target(%dma_start3A_220 : memref<262144xf32, #tpu.memory_space<vmem_shared>>) offsets(%dma_start3A_218 : memref<128xi32, #tpu.memory_space<vmem>>) semaphore(%arg23 : memref<!tpu.dma_semaphore, #tpu.memory_space<semaphore_mem>>) {add = true}
        }
        %scan3A_207 = arith.constant 132 : i32
      } else {
      }
    }
    %scan3A_101 = arith.constant 4 : i32
    %scan3A_102 = arith.constant 0 : i32
    %scan3A_103 = arith.constant 132 : i32
    %scan3A_104 = arith.addi %scan3A_102, %scan3A_103 : i32
    %scan3A_105 = arith.constant 1 : i32
    scf.for %scan3A_117 = %scan3A_102 to %scan3A_104 step %scan3A_105  : i32 {
      %mul3A_118 = arith.constant 1 : i32
      %mul3A_119 = arith.muli %scan3A_117, %mul3A_118 : i32
      %add3A_120 = arith.constant 0 : i32
      %add3A_121 = arith.addi %add3A_120, %mul3A_119 : i32
      %dma_wait3A = arith.constant 0 : i32
      %dma_wait3A_122 = tpu.memref_slice %arg17[%add3A_121, %dma_wait3A] : memref<132x128xf32, #tpu.memory_space<vmem>> -> memref<1x128xf32, #tpu.memory_space<vmem>>
      %dma_wait3A_123 = tpu.memref_squeeze %dma_wait3A_122 : memref<1x128xf32, #tpu.memory_space<vmem>> -> memref<128xf32, #tpu.memory_space<vmem>>
      %dma_wait3A_124 = arith.constant 0 : i32
      %dma_wait3A_125 = tpu.memref_slice %arg16[%add3A_121, %dma_wait3A_124] : memref<132x128xi32, #tpu.memory_space<vmem>> -> memref<1x128xi32, #tpu.memory_space<vmem>>
      %dma_wait3A_126 = tpu.memref_squeeze %dma_wait3A_125 : memref<1x128xi32, #tpu.memory_space<vmem>> -> memref<128xi32, #tpu.memory_space<vmem>>
      %dma_wait3A_127 = arith.constant 0 : i32
      %dma_wait3A_128 = tpu.memref_slice %arg19[%dma_wait3A_127] : memref<262144xf32, #tpu.memory_space<vmem_shared>> -> memref<262144xf32, #tpu.memory_space<vmem_shared>>
      tpu.wait_indirect_dma semaphore(%arg23 : memref<!tpu.dma_semaphore, #tpu.memory_space<semaphore_mem>>) src(%dma_wait3A_123 : memref<128xf32, #tpu.memory_space<vmem>>) dst(%dma_wait3A_128 : memref<262144xf32, #tpu.memory_space<vmem_shared>>)
    }
    %scan3A_106 = arith.constant 132 : i32
    %scan3A_107 = arith.constant 0 : i32
    %scan3A_108 = arith.constant 132 : i32
    %scan3A_109 = arith.addi %scan3A_107, %scan3A_108 : i32
    %scan3A_110 = arith.constant 1 : i32
    scf.for %scan3A_117 = %scan3A_107 to %scan3A_109 step %scan3A_110  : i32 {
      %mul3A_118 = arith.constant 1 : i32
      %mul3A_119 = arith.muli %scan3A_117, %mul3A_118 : i32
      %add3A_120 = arith.constant 0 : i32
      %add3A_121 = arith.addi %add3A_120, %mul3A_119 : i32
      %dma_wait3A = arith.constant 0 : i32
      %dma_wait3A_122 = tpu.memref_slice %arg15[%add3A_121, %dma_wait3A] : memref<132x128xf32, #tpu.memory_space<vmem>> -> memref<1x128xf32, #tpu.memory_space<vmem>>
      %dma_wait3A_123 = tpu.memref_squeeze %dma_wait3A_122 : memref<1x128xf32, #tpu.memory_space<vmem>> -> memref<128xf32, #tpu.memory_space<vmem>>
      %dma_wait3A_124 = arith.constant 0 : i32
      %dma_wait3A_125 = tpu.memref_slice %arg14[%add3A_121, %dma_wait3A_124] : memref<132x128xi32, #tpu.memory_space<vmem>> -> memref<1x128xi32, #tpu.memory_space<vmem>>
      %dma_wait3A_126 = tpu.memref_squeeze %dma_wait3A_125 : memref<1x128xi32, #tpu.memory_space<vmem>> -> memref<128xi32, #tpu.memory_space<vmem>>
      %dma_wait3A_127 = arith.constant 0 : i32
      %dma_wait3A_128 = tpu.memref_slice %arg19[%dma_wait3A_127] : memref<262144xf32, #tpu.memory_space<vmem_shared>> -> memref<262144xf32, #tpu.memory_space<vmem_shared>>
      tpu.wait_indirect_dma semaphore(%arg22 : memref<!tpu.dma_semaphore, #tpu.memory_space<semaphore_mem>>) src(%dma_wait3A_123 : memref<128xf32, #tpu.memory_space<vmem>>) dst(%dma_wait3A_128 : memref<262144xf32, #tpu.memory_space<vmem_shared>>)
    }
    %scan3A_111 = arith.constant 132 : i32
    %barrier3A_112 = arith.constant 0 : index
    tpu.barrier barrier_id(%barrier3A_112)
    %mul3A_113 = arith.constant 16384 : i32
    %mul3A_114 = arith.muli %arg1, %mul3A_113 : i32
    %mul3A_115 = arith.constant 16384 : i32
    %mul3A_116 = arith.muli %arg1, %mul3A_115 : i32
    "tpu.region"() ({
      %run_scoped3A = tpu.sem_alloc : memref<!tpu.dma_semaphore, #tpu.memory_space<semaphore_mem>>
      %dma_start3A_117 = tpu.memref_slice %arg5[%arg0, %mul3A_116] : memref<2x262144xf32, #tpu.memory_space<hbm>> -> memref<1x16384xf32, #tpu.memory_space<hbm>>
      %dma_start3A_118 = tpu.memref_squeeze %dma_start3A_117 : memref<1x16384xf32, #tpu.memory_space<hbm>> -> memref<16384xf32, #tpu.memory_space<hbm>>
      %dma_start3A_119 = tpu.memref_slice %arg19[%mul3A_114] : memref<262144xf32, #tpu.memory_space<vmem_shared>> -> memref<16384xf32, #tpu.memory_space<vmem_shared>>
      tpu.enqueue_dma source(%dma_start3A_119 : memref<16384xf32, #tpu.memory_space<vmem_shared>>) target(%dma_start3A_118 : memref<16384xf32, #tpu.memory_space<hbm>>) target_semaphore(%run_scoped3A : memref<!tpu.dma_semaphore, #tpu.memory_space<semaphore_mem>>)
      %dma_wait3A = tpu.memref_slice %arg5[%arg0, %mul3A_116] : memref<2x262144xf32, #tpu.memory_space<hbm>> -> memref<1x16384xf32, #tpu.memory_space<hbm>>
      %dma_wait3A_120 = tpu.memref_squeeze %dma_wait3A : memref<1x16384xf32, #tpu.memory_space<hbm>> -> memref<16384xf32, #tpu.memory_space<hbm>>
      %dma_wait3A_121 = tpu.memref_slice %arg19[%mul3A_114] : memref<262144xf32, #tpu.memory_space<vmem_shared>> -> memref<16384xf32, #tpu.memory_space<vmem_shared>>
      tpu.wait_dma2 semaphore(%run_scoped3A : memref<!tpu.dma_semaphore, #tpu.memory_space<semaphore_mem>>) src(%dma_wait3A_121 : memref<16384xf32, #tpu.memory_space<vmem_shared>>) dst(%dma_wait3A_120 : memref<16384xf32, #tpu.memory_space<hbm>>)
      tpu.yield
    }) : () -> ()
    return
  }
}

</mosaic_0001>

<sc_bundles>
// kernel: _sc_density.3.cloned.1.call-start
scs
__scs_entry_jumppad:
0x0: {  	(pc) =	sbr.rel $0x88, $3  }
0x1: {  	(tag) =	ssettag $0x0;
	lr =	simm.s32 $0x1  }
0x2: {  	[smem:$0x3F9E] =	sst lr;
	_ =	strace $0xD0000000  }
0x3: {  	_ = 	snop  }
0x4: {  	_ = 	snop  }
0x5: {  	_ = 	snop  }
0x6: {  	_ = 	snop  }
0x7: {  	_ = 	snop  }
__scs_overlays_trampoline_lowered:
0x8: {  	[smem:$0x3FAD] =	sst s0  }
0x9: {  	[smem:$0x3FAE] =	sst s1  }
0xa: {  	[smem:$0x3FAF] =	sst s2  }
0xb: {  	[smem:$0x3FB0] =	sst s3  }
0xc: {  	[smem:$0x3FB1] =	sst s4  }
0xd: {  	[smem:$0x3FB2] =	sst s5  }
0xe: {  	[smem:$0x3FB3] =	sst s6  }
0xf: {  	[smem:$0x3FB4] =	sst s7  }
0x10: {  	[smem:$0x3FB5] =	sst s8  }
0x11: {  	[smem:$0x3FB6] =	sst s9;
	s0 =	simm.s32 @!p0 $0x0  }
0x12: {  	s1 =	sld [smem:$0x3F9C];
	s0 =	simm.s32 @p0 $0x1  }
0x13: {  	[smem:$0x3FB7] =	sst s0;
	s0 =	simm.s32 @!p1 $0x0  }
0x14: {  	s2 =	sld [smem:$0x3F9B];
	s0 =	simm.s32 @p1 $0x1  }
0x15: {  	[smem:$0x3FB8] =	sst s0;
	s0 =	simm.s32 @!p2 $0x0  }
0x16: {  	s3 =	sld [smem:$0x3FDB];
	s0 =	simm.s32 @p2 $0x1  }
0x17: {  	s4 =	simm.s32 $0x1BF5;
	[smem:$0x3FBA] =	sst s0  }
0x18: {  	s0 =	sld [smem:$0x3F9D];
	_ =	swait.ge [sflag:s4], $0x0  }
0x19: {  	s7 =	sld [smem:$0x3F9E]  }
0x1a: {  	s8 =	sadd.s32 $0xFFFFE003, lr  }
0x1b: {  	s9 =	sadd.s32 $0xFFFFFEF7, lr;
	s5 =	simm.s32 $0xFFFFFFFF;
	p2 =	slt.u32 s8, $0xFFFFF086  }
0x1c: {  	p1 =	slt.u32 s9, $0xF7A;
	s5 =	simm.s32 @!p2 $0x0  }
0x1d: {  	s5 =	simm.s32 @p1 $0x1;
	p0 =	seq.s32 s7, s2  }
0x1e: {  	s7 =	smul.u32 @!p0 $0xF7A, s2;
	p2 =	seq.s32 @!p0 s5, $0x0  }
0x1f: {  	s9 =	smul.u32 $0xF7A, s1;
	s8 =	simm.s32 @!p0 $0x1BF5;
	p2 =	por !p2, p0  }
0x20: {  	[sflag:s8] =	ssyncset.s32 @!p0 $0xFFFFF086;
	s6 =	sadd.s32 @!p0 s3, s7;
	s7 =	simm.s32 @!p0 $0x108  }
0x21: {  	s3 =	sadd.s32 s3, s9;
	s6 =	sadd.s32 @!p0 $0x88, s6;
	s7 =	simm.s32 @p2 $0x1082  }
0x22: {  	[simem:s7], [sflag:s8] =	dma.local @!p0 [hbm:s6], $0xF7A  }
0x23: {  	s9 =	sor.u32 $0xD0000000, s2;
	s6 =	simm.s32 $0x108;
	_ =	swait.ge @!p0 [sflag:s8], $0x0  }
0x24: {  	s3 =	sadd.s32 $0x88, s3;
	s6 =	simm.s32 @!p1 $0x1082;
	[sflag:s4] =	ssyncset.s32 $0xFFFFF086  }
0x25: {  	[simem:s6], [sflag:s4] =	dma.local [hbm:s3], $0xF7A  }
0x26: {  	[smem:$0x3F9E] =	sst s1;
	(tag) =	ssettag s2;
	_ =	strace s9  }
0x27: {  	s1 =	sld [smem:$0x3FAE]  }
0x28: {  	s2 =	sld [smem:$0x3FAF]  }
0x29: {  	s4 =	sld [smem:$0x3FB1]  }
0x2a: {  	p0 =	seq.s32 s5, $0x0;
	s5 =	sld [smem:$0x3FB2]  }
0x2b: {  	s6 =	sld [smem:$0x3FB3]  }
0x2c: {  	s7 =	sld [smem:$0x3FB4]  }
0x2d: {  	s3 =	simm.s32 $0x108;
	s8 =	sld [smem:$0x3FB5]  }
0x2e: {  	s3 =	simm.s32 @!p0 $0x1082;
	s9 =	sld [smem:$0x3FB6]  }
0x2f: {  	lr =	sadd.s32 s0, s3;
	s0 =	sld [smem:$0x3FAD]  }
0x30: {  	s3 =	sld [smem:$0x3FB0]  }
0x31: {  	[smem:$0x3FB9] =	sst s10  }
0x32: {  	s10 =	sld [smem:$0x3FB7];
	_ =	sdelay $0x3  }
0x33: {  	p0 =	seq.s32 s10, $0x1;
	s10 =	sld [smem:$0x3FB9];
	_ =	sdelay $0x3  }
0x34: {  	[smem:$0x3FB9] =	sst s10  }
0x35: {  	s10 =	sld [smem:$0x3FB8];
	_ =	sdelay $0x3  }
0x36: {  	p1 =	seq.s32 s10, $0x1;
	s10 =	sld [smem:$0x3FB9];
	_ =	sdelay $0x3  }
0x37: {  	[smem:$0x3FB9] =	sst s10  }
0x38: {  	s10 =	sld [smem:$0x3FBA]  }
0x39: {  	_ = 	snop;
	(pc) =	sbr.ind lr, $3  }
0x3a: {  	_ = 	snop  }
0x3b: {  	_ = 	snop  }
0x3c: {  	p2 =	seq.s32 s10, $0x1;
	s10 =	sld [smem:$0x3FB9]  }
0x3d: {  	_ =	shalt  }
0x3e: {  	_ =	shalt  }
0x3f: {  	_ =	shalt  }
0x40: {  	_ =	shalt  }
0x41: {  	_ =	shalt  }
0x42: {  	_ =	shalt  }
0x43: {  	_ =	shalt  }
0x44: {  	_ =	shalt  }
0x45: {  	_ =	shalt  }
0x46: {  	_ =	shalt  }
0x47: {  	_ =	shalt  }
0x48: {  	_ =	shalt  }
0x49: {  	_ =	shalt  }
0x4a: {  	_ =	shalt  }
0x4b: {  	_ =	shalt  }
0x4c: {  	_ =	shalt  }
0x4d: {  	_ =	shalt  }
0x4e: {  	_ =	shalt  }
0x4f: {  	_ =	shalt  }
0x50: {  	_ =	shalt  }
0x51: {  	_ =	shalt  }
0x52: {  	_ =	shalt  }
0x53: {  	_ =	shalt  }
0x54: {  	_ =	shalt  }
0x55: {  	_ =	shalt  }
0x56: {  	_ =	shalt  }
0x57: {  	_ =	shalt  }
0x58: {  	_ =	shalt  }
0x59: {  	_ =	shalt  }
0x5a: {  	_ =	shalt  }
0x5b: {  	_ =	shalt  }
0x5c: {  	_ =	shalt  }
0x5d: {  	_ =	shalt  }
0x5e: {  	_ =	shalt  }
0x5f: {  	_ =	shalt  }
0x60: {  	_ =	shalt  }
0x61: {  	_ =	shalt  }
0x62: {  	_ =	shalt  }
0x63: {  	_ =	shalt  }
0x64: {  	_ =	shalt  }
0x65: {  	_ =	shalt  }
0x66: {  	_ =	shalt  }
0x67: {  	_ =	shalt  }
0x68: {  	_ =	shalt  }
0x69: {  	_ =	shalt  }
0x6a: {  	_ =	shalt  }
0x6b: {  	_ =	shalt  }
0x6c: {  	_ =	shalt  }
0x6d: {  	_ =	shalt  }
0x6e: {  	_ =	shalt  }
0x6f: {  	_ =	shalt  }
0x70: {  	_ =	shalt  }
0x71: {  	_ =	shalt  }
0x72: {  	_ =	shalt  }
0x73: {  	_ =	shalt  }
0x74: {  	_ =	shalt  }
0x75: {  	_ =	shalt  }
0x76: {  	_ =	shalt  }
0x77: {  	_ =	shalt  }
0x78: {  	_ =	shalt  }
0x79: {  	_ =	shalt  }
0x7a: {  	_ =	shalt  }
0x7b: {  	_ =	shalt  }
0x7c: {  	_ =	shalt  }
0x7d: {  	_ =	shalt  }
0x7e: {  	_ =	shalt  }
0x7f: {  	_ =	shalt  }
0x80: {  	_ =	shalt  }
0x81: {  	_ =	shalt  }
0x82: {  	_ =	shalt  }
0x83: {  	_ =	shalt  }
0x84: {  	_ =	shalt  }
0x85: {  	_ =	shalt  }
0x86: {  	_ =	shalt  }
0x87: {  	_ =	shalt  }
.Lfunc_end0:
.L_simem_size_0:
called_computation_lowered:
.L_overlay_start_0:
0x88: {  	s2 =	sld [smem:$0x3FD9]  }
0x89: {  	s3 =	sld [smem:$0x3FFE];
	_ =	sdelay $0x1  }
0x8a: {  	s1 =	srdreg.scid  }
0x8b: {  	s0 =	sand.u32 $0x1, s1  }
0x8c: {  	s18 =	sshll.u32 s0, $0xA;
	s2 =	sadd.s32 s3, s2  }
0x8d: {  	s2 =	sadd.s32 s2, s18  }
0x8e: {  	[smem:$0x3FC5] =	sst s2  }
0x8f: {  	_ = 	snop  }
0x90: {  	s2 =	sld [smem:$0x3FC9]  }
0x91: {  	s19 =	sld [smem:$0x3FC8]  }
0x92: {  	s4 =	sld [smem:$0x3FC7]  }
0x93: {  	s5 =	sld [smem:$0x3FD0];
	(tm) =	ssettm $0x1  }
0x94: {  	s6 =	sld [smem:$0x3FFB];
	_ =	sdelay $0x3  }
0x95: {  	_ =	strace s6  }
0x96: {  	s6 =	sld [smem:$0x3FFC];
	_ =	sdelay $0x3  }
0x97: {  	_ =	strace s6  }
0x98: {  	s6 =	sld [smem:$0x3FFD];
	_ =	sdelay $0x3  }
0x99: {  	_ =	strace s6  }
0x9a: {  	_ =	strace $0x8FFFFFFF  }
0x9b: {  	s20 =	sld [smem:$0x3FDB];
	_ =	sdelay $0x1  }
0x9c: {  	s7 =	simm.s32 $_scs_section_size  }
0x9d: {  	s8 =	simm.s32 $_size__tile_overlayer_lowered;
	s9 =	simm.s32 $_tile_overlayer_lowered  }
0x9e: {  	s23 =	simm.s32 $0x1BFF;
	s22 =	sshll.u32 s9, $0x1;
	s6 =	sadd.s32 s7, s20  }
0x9f: {  	s10 =	simm.s32 $0x0;
	s21 =	sshll.u32 s8, $0x1;
	s8 =	sadd.s32 s22, s6  }
0xa0: {  	[timem:s10], [sflag:s23] =	dma.local [hbm:s8], s21  }
0xa1: {  	_ =	swait.ge [sflag:s23], s21  }
0xa2: {  	s7 =	ssub.s32 $0x0, s21;
	[sflag:s23] =	ssyncset.done $0x0  }
0xa3: {  	[sflag:s23] =	ssyncadd.s32 s7;
	_ =	sdelay $0x1  }
0xa4: {  	s24 =	simm.s32 $0x1B8B  }
0xa5: {  	_ =	swait.ge [sflag:s24], $0x1  }
0xa6: {  	[sflag:s24] =	ssyncset.done $0x0  }
0xa7: {  	s25 =	simm.s32 $0x1B8E;
	[sflag:s24] =	ssyncadd.s32 $0xFFFFFFFF  }
0xa8: {  	s26 =	simm.s32 $execute0_lowered;
	[smem:$0x3FD2] =	sst s25  }
0xa9: {  	s7 =	sshll.u32 s26, $0x1;
	_ =	strace $0x80000046;
	[dreg:$0x1] =	wrdreg $0xFFFFFFFF  }
0xaa: {  	s28 =	simm.s32 $_size_execute0_lowered;
	s6 =	sadd.s32 s6, s7;
	[dreg:$0x0] =	wrdreg $0x0  }
0xab: {  	s7 =	sshll.u32 s28, $0x1;
	[dreg:$0x2] =	wrdreg s6  }
0xac: {  	[dreg:$0x3] =	wrdreg s7  }
0xad: {  	[dreg:$0x4] =	wrdreg $0xC0  }
0xae: {  	_ =	task [dreg:s10], $0x5FFFF  }
0xaf: {  	[dreg:$0x1] =	wrdreg $0xFFFFFFFF  }
0xb0: {  	[dreg:$0x0] =	wrdreg $0x60  }
0xb1: {  	[dreg:$0x2] =	wrdreg s2  }
0xb2: {  	[dreg:$0x3] =	wrdreg s19  }
0xb3: {  	[dreg:$0x4] =	wrdreg s4  }
0xb4: {  	[dreg:$0x5] =	wrdreg s5  }
0xb5: {  	[dreg:$0x6] =	wrdreg $0x19C000  }
0xb6: {  	[dreg:$0x7] =	wrdreg $0x9  }
0xb7: {  	_ =	task.clear_ibuf [dreg:s10], $0x8FFFF;
	_ =	strace $0x90000046  }
0xb8: {  	s29 =	simm.s32 $0x9;
	_ =	strace $0x80000048  }
0xb9: {  	_ =	swait.ge [sflag:s29], $0x1  }
0xba: {  	[sflag:s29] =	ssyncadd.s32 $0xFFFFFFFF  }
0xbb: {  	_ =	strace $0x90000048  }
0xbc: {  	_ =	sfence  }
0xbd: {  	s30 =	sld [smem:$0x0];
	_ =	sdelay $0x2  }
0xbe: {  	s31 =	sshll.u32 s1, $0xD;
	s1 =	sshrl.u32 s1, $0x2  }
0xbf: {  	s3 =	sand.u32 $0x4000, s31;
	s1 =	sadd.s32 s1, s30  }
0xc0: {  	s0 =	sor.u32 s3, s0;
	s1 =	sshll.u32 s1, $0x11  }
0xc1: {  	s0 =	sor.u32 s1, s0  }
0xc2: {  	s0 =	sadd.s32 $0x8F2B, s0  }
0xc3: {  	[sflag:s0] =	ssyncadd.remote.s32 $0x1  }
0xc4: {  	_ =	sfence.sel $0xFFFF  }
0xc5: {  	[dreg:$0x0] =	wrdreg $0xFFFFFFFF;
	(pc) =	sbr.abs _section_cstart, $3  }
0xc6: {  	[dreg:$0x1] =	wrdreg $0xFFFFFFFF  }
0xc7: {  	_ =	task.clear_ibuf [dreg:s10], $0x2FFFF;
	_ =	strace $0x9FFFFFFF  }
0xc8: {  	(tm) =	ssettm $0x7FFFFFFF  }
0xc9: {  	_ =	shalt  }
tec
execute0_lowered:
.L_overlay_start_1:
0x0: {  	(tag) =	ssettag $0x1  }
0x1: {  	s1 =	rddreg [dreg:$0x0]  }
0x2: {  	s2 =	rddreg [dreg:$0x1]  }
0x3: {  	s3 =	rddreg [dreg:$0x2]  }
0x4: {  	s0 =	rddreg [dreg:$0x3]  }
0x5: {  	s4 =	rddreg [dreg:$0x4]  }
0x6: {  	s5 =	srdreg.scid;
	s6 =	simm.s32 $0x0;
	s13 =	stileid.u32  }
0x7: {  	s11 =	simm.s32 $0x7B;
	s5 =	sand.u32 $0x1, s5;
	[smem:$0x7FF] =	sst s6  }
0x8: {  	s16 =	sshll.u32 s13, $0xE;
	s7 =	ssub.s32 $0x2, s5;
	s5 =	sshll.u32 s5, $0x4  }
0x9: {  	_ =	strace $0x80000047;
	s8 =	sshrl.u32 s7, $0x1;
	s9 =	sor.u32 s13, s5  }
0xa: {  	s0 =	sadd.s32 s0, s5;
	s7 =	ssub.s32 s7, s8;
	s26 =	smul.u32 $0x7A, s9  }
0xb: {  	s10 =	smin.u32 s9, $0x3;
	p0 =	slt.u32 s9, $0x3;
	s28 =	smul.u32 $0x61, s9  }
0xc: {  	s29 =	smin.u32 s9, $0x15;
	s11 =	simm.s32 @!p0 $0x7A;
	p0 =	slt.u32 s9, $0x15  }
0xd: {  	s19 =	sadd.s32 s10, s26;
	s8 =	sadd.s32 s29, s28;
	s28 =	sshll.u32 s13, $0xC  }
0xe: {  	s29 =	smax.u32 s7, $0x1;
	s12 =	sadd.s32 s11, s19;
	s0 =	sadd.s32 s28, s0  }
0xf: {  	[dreg:$0x13] =	wrdreg s29;
	s10 =	sshll.u32 s12, $0x7;
	s12 =	sshll.u32 s19, $0x4  }
0x10: {  	s9 =	simm.s32 $0x62;
	[dreg:$0x12] =	wrdreg s0;
	s14 =	sadd.s32 s1, s12  }
0x11: {  	s9 =	simm.s32 @!p0 $0x61;
	s17 =	sadd.s32 s2, s12;
	[dreg:$0x6] =	wrdreg s14  }
0x12: {  	s9 =	sadd.s32 s9, s8;
	s18 =	sadd.s32 s3, s12;
	[dreg:$0x8] =	wrdreg s17  }
0x13: {  	s21 =	smin.u32 s10, $0x7A120;
	s10 =	sadd.s32 s16, s4;
	[dreg:$0x9] =	wrdreg s18  }
0x14: {  	s9 =	sshll.u32 s9, $0x7;
	s15 =	sadd.s32 $0x1E848, s14;
	[dreg:$0xa] =	wrdreg s10  }
0x15: {  	s11 =	sadd.s32 $0x927C0, s9;
	s9 =	sadd.s32 $0x800, s10;
	[dreg:$0x7] =	wrdreg s15  }
0x16: {  	s20 =	sadd.s32 $0x1000, s10;
	[dreg:$0xb] =	wrdreg s9  }
0x17: {  	s30 =	simm.s32 $0x5;
	s22 =	sadd.s32 $0x1800, s10;
	[dreg:$0xc] =	wrdreg s20  }
0x18: {  	s31 =	simm.s32 $0x1;
	s23 =	sadd.s32 $0x2000, s10;
	[dreg:$0xd] =	wrdreg s22  }
0x19: {  	s5 =	simm.s32 $0x2;
	s24 =	sadd.s32 $0x2800, s10;
	[dreg:$0xe] =	wrdreg s23  }
0x1a: {  	s13 =	simm.s32 $0x3;
	s25 =	sadd.s32 $0x3000, s10;
	[dreg:$0xf] =	wrdreg s24  }
0x1b: {  	s0 =	simm.s32 $0x80;
	s26 =	sadd.s32 $0x3800, s10;
	[dreg:$0x10] =	wrdreg s25  }
0x1c: {  	v0 =	vimm.f32 $0.0e+00;
	v1 =	vlaneseq.u32;
	s12 =	simm.s32 $0x4;
	[dreg:$0x11] =	wrdreg s26;
	s9 =	simm.s32 $0x0  }
.LBB2_1:
0x1d: {  	[dreg:$0x14] =	wrdreg s9  }
0x1e: {  	s7 =	rddreg [dreg:$0x6]  }
0x1f: {  	s23 =	rddreg [dreg:$0x7]  }
0x20: {  	[tilespmem:s6], [sflag:$0x1] =	stream.linear.gather [hbm4b:s7+s6], $0x1080, $0x38;
	[tilespmem:$0x1DC00] =	vst v63  }
0x21: {  	s24 =	simm.s32 $0x1080;
	s25 =	rddreg [dreg:$0x8]  }
0x22: {  	[tilespmem:s24], [sflag:$0x1] =	stream.linear.gather [hbm4b:s23+s6], $0x1080, $0x38;
	[tilespmem:$0x1DC00] =	vst v63  }
0x23: {  	s26 =	simm.s32 $0x2100;
	s28 =	rddreg [dreg:$0x9]  }
0x24: {  	[tilespmem:s26], [sflag:$0x1] =	stream.linear.gather [hbm4b:s25+s6], $0x1080, $0x38;
	[tilespmem:$0x1DC00] =	vst v63  }
0x25: {  	s29 =	simm.s32 $0x3180;
	s9 =	simm.s32 $0x0;
	s7 =	simm.s32 $0x40  }
0x26: {  	[tilespmem:s29], [sflag:$0x1] =	stream.linear.gather [hbm4b:s28+s6], $0x1080, $0x38;
	[tilespmem:$0x1DC00] =	vst v63  }
.LBB2_2:
0x27: {  	p0 =	sne.s32 s7, $0x1FC0;
	[tilespmem:s9+$0x19400] =	vst v0;
	s9 =	smov.u32 s7;
	s7 =	sadd.s32 $0x40, s7  }
.Ltmp0:
0x28: {  	(pc) =	sbr.rel @p0 .LBB2_2-.Ltmp0, $2  }
0x29: {  	_ =	sdelay $0x2  }
0x2a: {  	s9 =	sshra.s32 s9, $0x2  }
0x2b: {  	[tilespmem:s9+$0x19400] =	vst v0;
	s22 =	simm.s32 $0x19400  }
0x2c: {  	[spmem:s10] =	stream.linear.scatter [tilespmem:s22], [sflag:$0x5], $0x800, $0x38;
	[tilespmem:$0x1DC00] =	vst v63  }
0x2d: {  	_ =	swait.ge [sflag:s30], $0x800  }
0x2e: {  	[sflag:s30] =	ssyncset.done $0x0  }
0x2f: {  	s7 =	rddreg [dreg:$0xb];
	[sflag:s30] =	ssyncadd.s32 $0xFFFFF800  }
0x30: {  	[spmem:s7] =	stream.linear.scatter [tilespmem:s22], [sflag:$0x5], $0x800, $0x38;
	[tilespmem:$0x1DC00] =	vst v63  }
0x31: {  	_ =	swait.ge [sflag:s30], $0x800  }
0x32: {  	[sflag:s30] =	ssyncset.done $0x0  }
0x33: {  	s23 =	rddreg [dreg:$0xc];
	[sflag:s30] =	ssyncadd.s32 $0xFFFFF800  }
0x34: {  	[spmem:s23] =	stream.linear.scatter [tilespmem:s22], [sflag:$0x5], $0x800, $0x38;
	[tilespmem:$0x1DC00] =	vst v63  }
0x35: {  	_ =	swait.ge [sflag:s30], $0x800  }
0x36: {  	[sflag:s30] =	ssyncset.done $0x0  }
0x37: {  	s24 =	rddreg [dreg:$0xd];
	[sflag:s30] =	ssyncadd.s32 $0xFFFFF800  }
0x38: {  	[spmem:s24] =	stream.linear.scatter [tilespmem:s22], [sflag:$0x5], $0x800, $0x38;
	[tilespmem:$0x1DC00] =	vst v63  }
0x39: {  	_ =	swait.ge [sflag:s30], $0x800  }
0x3a: {  	[sflag:s30] =	ssyncset.done $0x0  }
0x3b: {  	s25 =	rddreg [dreg:$0xe];
	[sflag:s30] =	ssyncadd.s32 $0xFFFFF800  }
0x3c: {  	[spmem:s25] =	stream.linear.scatter [tilespmem:s22], [sflag:$0x5], $0x800, $0x38;
	[tilespmem:$0x1DC00] =	vst v63  }
0x3d: {  	_ =	swait.ge [sflag:s30], $0x800  }
0x3e: {  	[sflag:s30] =	ssyncset.done $0x0  }
0x3f: {  	s26 =	rddreg [dreg:$0xf];
	[sflag:s30] =	ssyncadd.s32 $0xFFFFF800  }
0x40: {  	[spmem:s26] =	stream.linear.scatter [tilespmem:s22], [sflag:$0x5], $0x800, $0x38;
	[tilespmem:$0x1DC00] =	vst v63  }
0x41: {  	_ =	swait.ge [sflag:s30], $0x800  }
0x42: {  	[sflag:s30] =	ssyncset.done $0x0  }
0x43: {  	s28 =	rddreg [dreg:$0x10];
	[sflag:s30] =	ssyncadd.s32 $0xFFFFF800  }
0x44: {  	[spmem:s28] =	stream.linear.scatter [tilespmem:s22], [sflag:$0x5], $0x800, $0x38;
	[tilespmem:$0x1DC00] =	vst v63  }
0x45: {  	_ =	swait.ge [sflag:s30], $0x800  }
0x46: {  	[sflag:s30] =	ssyncset.done $0x0  }
0x47: {  	s29 =	rddreg [dreg:$0x11];
	[sflag:s30] =	ssyncadd.s32 $0xFFFFF800  }
0x48: {  	[spmem:s29] =	stream.linear.scatter [tilespmem:s22], [sflag:$0x5], $0x800, $0x38;
	[tilespmem:$0x1DC00] =	vst v63  }
.Ltmp1:
0x49: {  	_ =	swait.ge [sflag:s30], $0x800;
	(pc) =	sbr.rel .LBB2_4-.Ltmp1, $4  }
0x4a: {  	[sflag:s30] =	ssyncset.done $0x0  }
0x4b: {  	[sflag:s30] =	ssyncadd.s32 $0xFFFFF800  }
0x4c: {  	[bflag:$0x0] =	sbarrier.arrive $0xFFFF  }
0x4d: {  	s16 =	simm.s32 $0x0  }
.LBB2_22:
0x4e: {  	s16 =	sadd.s32 $0x1, s16  }
0x4f: {  	p0 =	sne.s32 s16, $0x4  }
.Ltmp2:
0x50: {  	_ = 	snop;
	(pc) =	sbr.rel @!p0 .LBB2_23-.Ltmp2, $2  }
0x51: {  	_ =	sdelay $0x2  }
0x52: {  	s7 =	simm.s32 $0x84  }
.LBB2_4:
0x53: {  	_ =	swait.ge [sflag:s31], $0x1080;
	p1 =	seq.s32 s16, $0x3  }
0x54: {  	s18 =	sshll.u32 s16, $0x1;
	[sflag:s31] =	ssyncset.done $0x0;
	p0 =	sgt.u32 @!p1 s16, $0x1  }
0x55: {  	s9 =	sadd.s32 @!p1 $0x1FFFFFD, s18;
	s7 =	sor.u32 @!p1 $0x1, s18;
	p0 =	por !p0, p1  }
0x56: {  	[sflag:s31] =	ssyncadd.s32 $0xFFFFEF80;
	s9 =	smov.u32 @p0 s7  }
0x57: {  	p0 =	sgt.u32 s16, $0x1;
	s7 =	smov.u32 s19;
	s9 =	smul.u32 @!p1 $0x21, s9  }
0x58: {  	s20 =	simm.s32 $0x927C0;
	_ =	swait.ge [sflag:s31], $0x1080;
	s7 =	smov.u32 @p0 s8  }
0x59: {  	s22 =	simm.s32 $0xF31C0;
	[sflag:s31] =	ssyncset.done $0x0;
	s9 =	sadd.s32 @!p1 s7, s9  }
0x5a: {  	s20 =	simm.s32 @!p0 $0x0;
	[sflag:s31] =	ssyncadd.s32 $0xFFFFEF80;
	s9 =	sshll.u32 @!p1 s9, $0x7  }
0x5b: {  	s22 =	simm.s32 @!p0 $0x790A0;
	_ =	swait.ge [sflag:s31], $0x1080;
	s9 =	sadd.s32 @!p1 s20, s9  }
0x5c: {  	[sflag:s31] =	ssyncset.done $0x0;
	p2 =	slt.s32 @!p1 s9, s22  }
0x5d: {  	s15 =	simm.s32 @!p1 $0x0;
	[sflag:s31] =	ssyncadd.s32 $0xFFFFEF80;
	p2 =	por !p2, p1  }
0x5e: {  	s17 =	simm.s32 @!p1 $0x4200;
	_ =	swait.ge [sflag:s31], $0x1080;
	s9 =	smov.u32 @p2 s22  }
0x5f: {  	[sflag:s31] =	ssyncset.done $0x0;
	s10 =	sshrl.u32 @!p1 s9, $0x3;
	s9 =	sadd.s32 @!p1 $0xF4240, s9  }
0x60: {  	[sflag:s31] =	ssyncadd.s32 $0xFFFFEF80;
	s14 =	sadd.s32 @!p1 s1, s10;
	s9 =	sshrl.u32 @!p1 s9, $0x3  }
0x61: {  	[tilespmem:s17], [sflag:$0x2] =	stream.linear.gather @!p1 [hbm4b:s14+s15], $0x1080, $0x38;
	[tilespmem:$0x1DC00] =	vst v63  }
0x62: {  	s9 =	sadd.s32 @!p1 s1, s9;
	s14 =	simm.s32 @!p1 $0x5280  }
0x63: {  	[tilespmem:s14], [sflag:$0x2] =	stream.linear.gather @!p1 [hbm4b:s9+s15], $0x1080, $0x38;
	[tilespmem:$0x1DC00] =	vst v63  }
0x64: {  	s9 =	sadd.s32 @!p1 s2, s10;
	s14 =	simm.s32 @!p1 $0x6300  }
0x65: {  	[tilespmem:s14], [sflag:$0x2] =	stream.linear.gather @!p1 [hbm4b:s9+s15], $0x1080, $0x38;
	[tilespmem:$0x1DC00] =	vst v63  }
0x66: {  	p2 =	seq.s32 @!p1 s16, $0x0;
	s9 =	sadd.s32 @!p1 s3, s10;
	s10 =	simm.s32 @!p1 $0x7380  }
0x67: {  	[tilespmem:s10], [sflag:$0x2] =	stream.linear.gather @!p1 [hbm4b:s9+s15], $0x1080, $0x38;
	[tilespmem:$0x1DC00] =	vst v63  }
0x68: {  	p1 =	por p1, !p2  }
.Ltmp3:
0x69: {  	_ = 	snop;
	(pc) =	sbr.rel @!p1 .LBB2_8-.Ltmp3, $1  }
0x6a: {  	_ =	sdelay $0x3  }
0x6b: {  	_ =	swait.ge [sflag:s13], $0x80  }
0x6c: {  	s9 =	simm.s32 $0x83;
	[sflag:s13] =	ssyncset.done $0x0  }
.LBB2_6:
0x6d: {  	p1 =	sne.s32 s9, $0x1;
	s9 =	sadd.s32 $0xFFFFFFFF, s9;
	[sflag:s13] =	ssyncadd.s32 $0xFFFFFF80  }
.Ltmp4:
0x6e: {  	(pc) =	sbr.rel @p1 .LBB2_6-.Ltmp4, $3  }
0x6f: {  	_ =	sdelay $0x1  }
0x70: {  	_ =	swait.ge [sflag:s13], $0x80  }
0x71: {  	[sflag:s13] =	ssyncset.done $0x0  }
0x72: {  	[sflag:s13] =	ssyncadd.s32 $0xFFFFFF80  }
.LBB2_8:
0x73: {  	s9 =	sadd.s32 $0x1FFFFFC, s18;
	s10 =	smov.u32 s18  }
0x74: {  	s10 =	smov.u32 @p0 s9  }
0x75: {  	s9 =	smul.u32 $0x21, s10;
	_ =	sdelay $0x1  }
0x76: {  	s9 =	sadd.s32 s7, s9  }
0x77: {  	s17 =	smov.u32 s22;
	s23 =	simm.s32 $0x0;
	s9 =	sshll.u32 s9, $0x7  }
0x78: {  	s24 =	simm.s32 $0x40;
	s14 =	sadd.s32 s20, s9;
	s9 =	smov.u32 s21  }
0x79: {  	s15 =	simm.s32 $0x2140;
	s10 =	sadd.s32 $0x1080, s14;
	s9 =	smov.u32 @p0 s11  }
0x7a: {  	p1 =	slt.s32 s14, s22;
	p2 =	slt.s32 s10, s9;
	s25 =	smov.u32 s9  }
0x7b: {  	s29 =	simm.s32 $0x31C0;
	s17 =	smov.u32 @p1 s14;
	s25 =	smov.u32 @p2 s10  }
0x7c: {  	v2 =	vmov s14;
	s14 =	simm.s32 $0xA500;
	s10 =	simm.s32 $0x10C0;
	v3 =	vmov s25;
	s25 =	simm.s32 $0xE900  }
.LBB2_9:
0x7d: {  	v4 =	vld [tilespmem:s15+$0xFFFFFFC0]  }
0x7e: {  	v5 =	vld [tilespmem:s29+$0xFFFFFFC0]  }
0x7f: {  	v6 =	vld [tilespmem:s24+$0xFFFFFFC0]  }
0x80: {  	v7 =	vld [tilespmem:s10+$0xFFFFFFC0];
	_ =	sdelay $0x2  }
0x81: {  	v8 =	vmul.f32 $5.000000000e-01, v4;
	v9 =	vmul.f32 $5.000000000e-01, v5;
	_ =	sdelay $0x1  }
0x82: {  	v6 =	vadd.f32 v8, v6;
	v7 =	vadd.f32 v9, v7  }
0x83: {  	s26 =	sadd.s32 s23, s17  }
0x84: {  	v10 =	vor.u32 s26, v1;
	v6 =	vadd.f32 $-5.000000000e-01, v6;
	v7 =	vadd.f32 $-5.000000000e-01, v7  }
0x85: {  	vm0 =	vge.s32 v10, v2;
	v4 =	vmul.f32 v5, v4  }
0x86: {  	vm1 =	vlt.s32 v10, v3;
	v38 =	vtrunc.f32 v6;
	v39 =	vtrunc.f32 v7  }
0x87: {  	vm0 =	vmand vm0, vm1;
	v8 =	vcvt.f32.s32 v38;
	v9 =	vcvt.f32.s32 v39  }
0x88: {  	v4 =	vnsel vm0, $0x0, v4  }
0x89: {  	v40 =	vcvt.s32.f32 v8;
	v11 =	vcvt.s32.f32 v9;
	vm6 =	vlt.s32 v8, $0x1FF  }
0x8a: {  	vm7 =	vlt.s32 v9, $0x1FF;
	v43 =	vadd.s32 $0x1, v9;
	v41 =	vnsel vm6, $0x1FF, v8  }
0x8b: {  	v8 =	vadd.s32 $0x1, v8;
	v42 =	vnsel vm7, $0x1FF, v9;
	v6 =	vsub.f32 v6, v40  }
0x8c: {  	vm9 =	vlt.s32 v43, $0x1FF;
	v7 =	vsub.f32 v7, v11;
	vm8 =	vlt.s32 v8, $0x1FF  }
0x8d: {  	v10 =	vshll.u32 v41, $0x9;
	v5 =	vnsel vm8, $0x1FF, v8;
	v44 =	vsub.f32 $1.000000000e+00, v6  }
0x8e: {  	v8 =	vnsel vm9, $0x1FF, v43;
	v12 =	vadd.s32 v42, v10;
	v5 =	vshll.u32 v5, $0x9  }
0x8f: {  	[tilespmem:s14+$0xFFFFDF00] =	vst v12;
	v10 =	vadd.s32 v10, v8;
	v45 =	vsub.f32 $1.000000000e+00, v7;
	v9 =	vmul.f32 v44, v4  }
0x90: {  	[tilespmem:s14+$0xFFFFEF80] =	vst v10;
	v46 =	vadd.s32 v42, v5  }
0x91: {  	v5 =	vadd.s32 v8, v5;
	v4 =	vmul.f32 v6, v4;
	[tilespmem:s14+$0x0] =	vst v46;
	v47 =	vmul.f32 v45, v9  }
0x92: {  	[tilespmem:s14+$0x1080] =	vst v5;
	v5 =	vmul.f32 v9, v7  }
0x93: {  	v48 =	vmul.f32 v45, v4;
	[tilespmem:s25+$0xFFFFDF00] =	vst v47  }
0x94: {  	v4 =	vmul.f32 v7, v4;
	[tilespmem:s25+$0xFFFFEF80] =	vst v5  }
0x95: {  	[tilespmem:s25+$0x0] =	vst v48  }
0x96: {  	[tilespmem:s25+$0x1080] =	vst v4  }
0x97: {  	v4 =	vld [tilespmem:s15+$0xFFFFFFD0]  }
0x98: {  	v5 =	vld [tilespmem:s29+$0xFFFFFFD0]  }
0x99: {  	v6 =	vld [tilespmem:s24+$0xFFFFFFD0]  }
0x9a: {  	v49 =	vld [tilespmem:s10+$0xFFFFFFD0];
	_ =	sdelay $0x2  }
0x9b: {  	v50 =	vmul.f32 $5.000000000e-01, v4;
	v51 =	vmul.f32 $5.000000000e-01, v5;
	_ =	sdelay $0x1  }
0x9c: {  	v6 =	vadd.f32 v50, v6;
	v7 =	vadd.f32 v51, v49  }
0x9d: {  	s28 =	sadd.s32 $0x10, s26  }
0x9e: {  	v54 =	vor.u32 s28, v1;
	v6 =	vadd.f32 $-5.000000000e-01, v6;
	v7 =	vadd.f32 $-5.000000000e-01, v7  }
0x9f: {  	vm10 =	vge.s32 v54, v2;
	v4 =	vmul.f32 v5, v4  }
0xa0: {  	vm11 =	vlt.s32 v54, v3;
	v52 =	vtrunc.f32 v6;
	v53 =	vtrunc.f32 v7  }
0xa1: {  	vm0 =	vmand vm10, vm11;
	v8 =	vcvt.f32.s32 v52;
	v9 =	vcvt.f32.s32 v53  }
0xa2: {  	v4 =	vnsel vm0, $0x0, v4  }
0xa3: {  	v55 =	vcvt.s32.f32 v8;
	v56 =	vcvt.s32.f32 v9;
	vm12 =	vlt.s32 v8, $0x1FF  }
0xa4: {  	vm13 =	vlt.s32 v9, $0x1FF;
	v59 =	vadd.s32 $0x1, v9;
	v57 =	vnsel vm12, $0x1FF, v8  }
0xa5: {  	v8 =	vadd.s32 $0x1, v8;
	v58 =	vnsel vm13, $0x1FF, v9;
	v6 =	vsub.f32 v6, v55  }
0xa6: {  	vm15 =	vlt.s32 v59, $0x1FF;
	v7 =	vsub.f32 v7, v56;
	vm14 =	vlt.s32 v8, $0x1FF  }
0xa7: {  	v10 =	vshll.u32 v57, $0x9;
	v5 =	vnsel vm14, $0x1FF, v8;
	v60 =	vsub.f32 $1.000000000e+00, v6  }
0xa8: {  	v8 =	vnsel vm15, $0x1FF, v59;
	v61 =	vadd.s32 v58, v10;
	v5 =	vshll.u32 v5, $0x9  }
0xa9: {  	[tilespmem:s14+$0xFFFFDF10] =	vst v61;
	v10 =	vadd.s32 v10, v8;
	v62 =	vsub.f32 $1.000000000e+00, v7;
	v9 =	vmul.f32 v60, v4  }
0xaa: {  	[tilespmem:s14+$0xFFFFEF90] =	vst v10;
	v63 =	vadd.s32 v58, v5  }
0xab: {  	v5 =	vadd.s32 v8, v5;
	v4 =	vmul.f32 v6, v4;
	[tilespmem:s14+$0x10] =	vst v63;
	v13 =	vmul.f32 v62, v9  }
0xac: {  	[tilespmem:s14+$0x1090] =	vst v5;
	v5 =	vmul.f32 v9, v7  }
0xad: {  	v14 =	vmul.f32 v62, v4;
	[tilespmem:s25+$0xFFFFDF10] =	vst v13  }
0xae: {  	v4 =	vmul.f32 v7, v4;
	[tilespmem:s25+$0xFFFFEF90] =	vst v5  }
0xaf: {  	[tilespmem:s25+$0x10] =	vst v14  }
0xb0: {  	[tilespmem:s25+$0x1090] =	vst v4  }
0xb1: {  	v4 =	vld [tilespmem:s15+$0xFFFFFFE0]  }
0xb2: {  	v5 =	vld [tilespmem:s29+$0xFFFFFFE0]  }
0xb3: {  	v6 =	vld [tilespmem:s24+$0xFFFFFFE0]  }
0xb4: {  	v15 =	vld [tilespmem:s10+$0xFFFFFFE0];
	_ =	sdelay $0x2  }
0xb5: {  	v16 =	vmul.f32 $5.000000000e-01, v4;
	v17 =	vmul.f32 $5.000000000e-01, v5;
	_ =	sdelay $0x1  }
0xb6: {  	v6 =	vadd.f32 v16, v6;
	v7 =	vadd.f32 v17, v15  }
0xb7: {  	s28 =	sadd.s32 $0x20, s26  }
0xb8: {  	v20 =	vor.u32 s28, v1;
	v6 =	vadd.f32 $-5.000000000e-01, v6;
	v7 =	vadd.f32 $-5.000000000e-01, v7  }
0xb9: {  	vm4 =	vge.s32 v20, v2;
	v4 =	vmul.f32 v5, v4  }
0xba: {  	vm5 =	vlt.s32 v20, v3;
	v18 =	vtrunc.f32 v6;
	v19 =	vtrunc.f32 v7  }
0xbb: {  	vm0 =	vmand vm4, vm5;
	v8 =	vcvt.f32.s32 v18;
	v9 =	vcvt.f32.s32 v19  }
0xbc: {  	v4 =	vnsel vm0, $0x0, v4  }
0xbd: {  	v21 =	vcvt.s32.f32 v8;
	v22 =	vcvt.s32.f32 v9;
	vm6 =	vlt.s32 v8, $0x1FF  }
0xbe: {  	vm7 =	vlt.s32 v9, $0x1FF;
	v25 =	vadd.s32 $0x1, v9;
	v23 =	vnsel vm6, $0x1FF, v8  }
0xbf: {  	v8 =	vadd.s32 $0x1, v8;
	v24 =	vnsel vm7, $0x1FF, v9;
	v6 =	vsub.f32 v6, v21  }
0xc0: {  	vm9 =	vlt.s32 v25, $0x1FF;
	v7 =	vsub.f32 v7, v22;
	vm8 =	vlt.s32 v8, $0x1FF  }
0xc1: {  	v10 =	vshll.u32 v23, $0x9;
	v5 =	vnsel vm8, $0x1FF, v8;
	v26 =	vsub.f32 $1.000000000e+00, v6  }
0xc2: {  	v8 =	vnsel vm9, $0x1FF, v25;
	v27 =	vadd.s32 v24, v10;
	v5 =	vshll.u32 v5, $0x9  }
0xc3: {  	[tilespmem:s14+$0xFFFFDF20] =	vst v27;
	v10 =	vadd.s32 v10, v8;
	v28 =	vsub.f32 $1.000000000e+00, v7;
	v9 =	vmul.f32 v26, v4  }
0xc4: {  	[tilespmem:s14+$0xFFFFEFA0] =	vst v10;
	v29 =	vadd.s32 v24, v5  }
0xc5: {  	v5 =	vadd.s32 v8, v5;
	v4 =	vmul.f32 v6, v4;
	[tilespmem:s14+$0x20] =	vst v29;
	v30 =	vmul.f32 v28, v9  }
0xc6: {  	[tilespmem:s14+$0x10A0] =	vst v5;
	v5 =	vmul.f32 v9, v7  }
0xc7: {  	v31 =	vmul.f32 v28, v4;
	[tilespmem:s25+$0xFFFFDF20] =	vst v30  }
0xc8: {  	v4 =	vmul.f32 v7, v4;
	[tilespmem:s25+$0xFFFFEFA0] =	vst v5  }
0xc9: {  	[tilespmem:s25+$0x20] =	vst v31  }
0xca: {  	[tilespmem:s25+$0x10A0] =	vst v4  }
0xcb: {  	v4 =	vld [tilespmem:s15+$0xFFFFFFF0]  }
0xcc: {  	v5 =	vld [tilespmem:s29+$0xFFFFFFF0]  }
0xcd: {  	v6 =	vld [tilespmem:s24+$0xFFFFFFF0]  }
0xce: {  	v32 =	vld [tilespmem:s10+$0xFFFFFFF0];
	_ =	sdelay $0x2  }
0xcf: {  	v33 =	vmul.f32 $5.000000000e-01, v4;
	v34 =	vmul.f32 $5.000000000e-01, v5;
	_ =	sdelay $0x1  }
0xd0: {  	v6 =	vadd.f32 v33, v6;
	v7 =	vadd.f32 v34, v32  }
0xd1: {  	s28 =	sadd.s32 $0x30, s26  }
0xd2: {  	v37 =	vor.u32 s28, v1;
	v6 =	vadd.f32 $-5.000000000e-01, v6;
	v7 =	vadd.f32 $-5.000000000e-01, v7  }
0xd3: {  	vm10 =	vge.s32 v37, v2;
	v4 =	vmul.f32 v5, v4  }
0xd4: {  	vm11 =	vlt.s32 v37, v3;
	v35 =	vtrunc.f32 v6;
	v36 =	vtrunc.f32 v7  }
0xd5: {  	vm0 =	vmand vm10, vm11;
	v8 =	vcvt.f32.s32 v35;
	v9 =	vcvt.f32.s32 v36  }
0xd6: {  	v4 =	vnsel vm0, $0x0, v4  }
0xd7: {  	v38 =	vcvt.s32.f32 v8;
	v39 =	vcvt.s32.f32 v9;
	vm12 =	vlt.s32 v8, $0x1FF  }
0xd8: {  	vm13 =	vlt.s32 v9, $0x1FF;
	v42 =	vadd.s32 $0x1, v9;
	v40 =	vnsel vm12, $0x1FF, v8  }
0xd9: {  	v8 =	vadd.s32 $0x1, v8;
	v41 =	vnsel vm13, $0x1FF, v9;
	v6 =	vsub.f32 v6, v38  }
0xda: {  	vm15 =	vlt.s32 v42, $0x1FF;
	v7 =	vsub.f32 v7, v39;
	vm14 =	vlt.s32 v8, $0x1FF  }
0xdb: {  	v10 =	vshll.u32 v40, $0x9;
	v5 =	vnsel vm14, $0x1FF, v8;
	v43 =	vsub.f32 $1.000000000e+00, v6  }
0xdc: {  	v8 =	vnsel vm15, $0x1FF, v42;
	v44 =	vadd.s32 v41, v10;
	v5 =	vshll.u32 v5, $0x9  }
0xdd: {  	[tilespmem:s14+$0xFFFFDF30] =	vst v44;
	v10 =	vadd.s32 v10, v8;
	v45 =	vsub.f32 $1.000000000e+00, v7;
	v9 =	vmul.f32 v43, v4  }
0xde: {  	[tilespmem:s14+$0xFFFFEFB0] =	vst v10;
	v46 =	vadd.s32 v41, v5  }
0xdf: {  	v5 =	vadd.s32 v8, v5;
	v4 =	vmul.f32 v6, v4;
	[tilespmem:s14+$0x30] =	vst v46;
	v47 =	vmul.f32 v45, v9  }
0xe0: {  	[tilespmem:s14+$0x10B0] =	vst v5;
	v5 =	vmul.f32 v9, v7  }
0xe1: {  	v48 =	vmul.f32 v45, v4;
	[tilespmem:s25+$0xFFFFDF30] =	vst v47  }
0xe2: {  	v4 =	vmul.f32 v7, v4;
	[tilespmem:s25+$0xFFFFEFB0] =	vst v5  }
0xe3: {  	[tilespmem:s25+$0x30] =	vst v48  }
0xe4: {  	[tilespmem:s25+$0x10B0] =	vst v4  }
0xe5: {  	v4 =	vld [tilespmem:s15+$0x0]  }
0xe6: {  	v5 =	vld [tilespmem:s29+$0x0]  }
0xe7: {  	v6 =	vld [tilespmem:s24+$0x0]  }
0xe8: {  	v49 =	vld [tilespmem:s10+$0x0];
	_ =	sdelay $0x2  }
0xe9: {  	v50 =	vmul.f32 $5.000000000e-01, v4;
	v51 =	vmul.f32 $5.000000000e-01, v5;
	_ =	sdelay $0x1  }
0xea: {  	v6 =	vadd.f32 v50, v6;
	v7 =	vadd.f32 v51, v49  }
0xeb: {  	s28 =	sadd.s32 $0x40, s26  }
0xec: {  	v54 =	vor.u32 s28, v1;
	v6 =	vadd.f32 $-5.000000000e-01, v6;
	v7 =	vadd.f32 $-5.000000000e-01, v7  }
0xed: {  	vm4 =	vge.s32 v54, v2;
	v4 =	vmul.f32 v5, v4  }
0xee: {  	vm5 =	vlt.s32 v54, v3;
	v52 =	vtrunc.f32 v6;
	v53 =	vtrunc.f32 v7  }
0xef: {  	vm0 =	vmand vm4, vm5;
	v8 =	vcvt.f32.s32 v52;
	v9 =	vcvt.f32.s32 v53  }
0xf0: {  	v4 =	vnsel vm0, $0x0, v4  }
0xf1: {  	v55 =	vcvt.s32.f32 v8;
	v56 =	vcvt.s32.f32 v9;
	vm6 =	vlt.s32 v8, $0x1FF  }
0xf2: {  	vm7 =	vlt.s32 v9, $0x1FF;
	v59 =	vadd.s32 $0x1, v9;
	v57 =	vnsel vm6, $0x1FF, v8  }
0xf3: {  	v8 =	vadd.s32 $0x1, v8;
	v58 =	vnsel vm7, $0x1FF, v9;
	v6 =	vsub.f32 v6, v55  }
0xf4: {  	vm9 =	vlt.s32 v59, $0x1FF;
	v7 =	vsub.f32 v7, v56;
	vm8 =	vlt.s32 v8, $0x1FF  }
0xf5: {  	v10 =	vshll.u32 v57, $0x9;
	v5 =	vnsel vm8, $0x1FF, v8;
	v60 =	vsub.f32 $1.000000000e+00, v6  }
0xf6: {  	v8 =	vnsel vm9, $0x1FF, v59;
	v61 =	vadd.s32 v58, v10;
	v5 =	vshll.u32 v5, $0x9  }
0xf7: {  	[tilespmem:s14+$0xFFFFDF40] =	vst v61;
	v10 =	vadd.s32 v10, v8;
	v62 =	vsub.f32 $1.000000000e+00, v7;
	v9 =	vmul.f32 v60, v4  }
0xf8: {  	[tilespmem:s14+$0xFFFFEFC0] =	vst v10;
	v63 =	vadd.s32 v58, v5  }
0xf9: {  	v5 =	vadd.s32 v8, v5;
	v4 =	vmul.f32 v6, v4;
	[tilespmem:s14+$0x40] =	vst v63;
	v11 =	vmul.f32 v62, v9  }
0xfa: {  	[tilespmem:s14+$0x10C0] =	vst v5;
	v5 =	vmul.f32 v9, v7  }
0xfb: {  	v12 =	vmul.f32 v62, v4;
	[tilespmem:s25+$0xFFFFDF40] =	vst v11  }
0xfc: {  	v4 =	vmul.f32 v7, v4;
	[tilespmem:s25+$0xFFFFEFC0] =	vst v5  }
0xfd: {  	[tilespmem:s25+$0x40] =	vst v12  }
0xfe: {  	[tilespmem:s25+$0x10C0] =	vst v4  }
0xff: {  	v4 =	vld [tilespmem:s15+$0x10]  }
0x100: {  	v5 =	vld [tilespmem:s29+$0x10]  }
0x101: {  	v6 =	vld [tilespmem:s24+$0x10]  }
0x102: {  	v13 =	vld [tilespmem:s10+$0x10];
	_ =	sdelay $0x2  }
0x103: {  	v14 =	vmul.f32 $5.000000000e-01, v4;
	v15 =	vmul.f32 $5.000000000e-01, v5;
	_ =	sdelay $0x1  }
0x104: {  	v6 =	vadd.f32 v14, v6;
	v7 =	vadd.f32 v15, v13  }
0x105: {  	s28 =	sadd.s32 $0x50, s26  }
0x106: {  	v18 =	vor.u32 s28, v1;
	v6 =	vadd.f32 $-5.000000000e-01, v6;
	v7 =	vadd.f32 $-5.000000000e-01, v7  }
0x107: {  	vm10 =	vge.s32 v18, v2;
	v4 =	vmul.f32 v5, v4  }
0x108: {  	vm11 =	vlt.s32 v18, v3;
	v16 =	vtrunc.f32 v6;
	v17 =	vtrunc.f32 v7  }
0x109: {  	vm0 =	vmand vm10, vm11;
	v8 =	vcvt.f32.s32 v16;
	v9 =	vcvt.f32.s32 v17  }
0x10a: {  	v4 =	vnsel vm0, $0x0, v4  }
0x10b: {  	v19 =	vcvt.s32.f32 v8;
	v20 =	vcvt.s32.f32 v9;
	vm12 =	vlt.s32 v8, $0x1FF  }
0x10c: {  	vm13 =	vlt.s32 v9, $0x1FF;
	v23 =	vadd.s32 $0x1, v9;
	v21 =	vnsel vm12, $0x1FF, v8  }
0x10d: {  	v8 =	vadd.s32 $0x1, v8;
	v22 =	vnsel vm13, $0x1FF, v9;
	v6 =	vsub.f32 v6, v19  }
0x10e: {  	vm15 =	vlt.s32 v23, $0x1FF;
	v7 =	vsub.f32 v7, v20;
	vm14 =	vlt.s32 v8, $0x1FF  }
0x10f: {  	v10 =	vshll.u32 v21, $0x9;
	v5 =	vnsel vm14, $0x1FF, v8;
	v24 =	vsub.f32 $1.000000000e+00, v6  }
0x110: {  	v8 =	vnsel vm15, $0x1FF, v23;
	v25 =	vadd.s32 v22, v10;
	v5 =	vshll.u32 v5, $0x9  }
0x111: {  	[tilespmem:s14+$0xFFFFDF50] =	vst v25;
	v10 =	vadd.s32 v10, v8;
	v26 =	vsub.f32 $1.000000000e+00, v7;
	v9 =	vmul.f32 v24, v4  }
0x112: {  	[tilespmem:s14+$0xFFFFEFD0] =	vst v10;
	v27 =	vadd.s32 v22, v5  }
0x113: {  	v5 =	vadd.s32 v8, v5;
	v4 =	vmul.f32 v6, v4;
	[tilespmem:s14+$0x50] =	vst v27;
	v28 =	vmul.f32 v26, v9  }
0x114: {  	[tilespmem:s14+$0x10D0] =	vst v5;
	v5 =	vmul.f32 v9, v7  }
0x115: {  	v29 =	vmul.f32 v26, v4;
	[tilespmem:s25+$0xFFFFDF50] =	vst v28  }
0x116: {  	v4 =	vmul.f32 v7, v4;
	[tilespmem:s25+$0xFFFFEFD0] =	vst v5  }
0x117: {  	[tilespmem:s25+$0x50] =	vst v29  }
0x118: {  	[tilespmem:s25+$0x10D0] =	vst v4  }
0x119: {  	v4 =	vld [tilespmem:s15+$0x20]  }
0x11a: {  	v5 =	vld [tilespmem:s29+$0x20]  }
0x11b: {  	v6 =	vld [tilespmem:s24+$0x20]  }
0x11c: {  	v30 =	vld [tilespmem:s10+$0x20];
	_ =	sdelay $0x2  }
0x11d: {  	v31 =	vmul.f32 $5.000000000e-01, v4;
	v32 =	vmul.f32 $5.000000000e-01, v5;
	_ =	sdelay $0x1  }
0x11e: {  	v6 =	vadd.f32 v31, v6;
	v7 =	vadd.f32 v32, v30  }
0x11f: {  	s28 =	sadd.s32 $0x60, s26  }
0x120: {  	v35 =	vor.u32 s28, v1;
	v6 =	vadd.f32 $-5.000000000e-01, v6;
	v7 =	vadd.f32 $-5.000000000e-01, v7  }
0x121: {  	vm4 =	vge.s32 v35, v2;
	v4 =	vmul.f32 v5, v4  }
0x122: {  	vm5 =	vlt.s32 v35, v3;
	v33 =	vtrunc.f32 v6;
	v34 =	vtrunc.f32 v7  }
0x123: {  	vm0 =	vmand vm4, vm5;
	v8 =	vcvt.f32.s32 v33;
	v9 =	vcvt.f32.s32 v34  }
0x124: {  	v4 =	vnsel vm0, $0x0, v4  }
0x125: {  	v36 =	vcvt.s32.f32 v8;
	v37 =	vcvt.s32.f32 v9;
	vm6 =	vlt.s32 v8, $0x1FF  }
0x126: {  	vm7 =	vlt.s32 v9, $0x1FF;
	v40 =	vadd.s32 $0x1, v9;
	v38 =	vnsel vm6, $0x1FF, v8  }
0x127: {  	v8 =	vadd.s32 $0x1, v8;
	v39 =	vnsel vm7, $0x1FF, v9;
	v6 =	vsub.f32 v6, v36  }
0x128: {  	vm9 =	vlt.s32 v40, $0x1FF;
	v7 =	vsub.f32 v7, v37;
	vm8 =	vlt.s32 v8, $0x1FF  }
0x129: {  	v10 =	vshll.u32 v38, $0x9;
	v5 =	vnsel vm8, $0x1FF, v8;
	v41 =	vsub.f32 $1.000000000e+00, v6  }
0x12a: {  	v8 =	vnsel vm9, $0x1FF, v40;
	v42 =	vadd.s32 v39, v10;
	v5 =	vshll.u32 v5, $0x9  }
0x12b: {  	[tilespmem:s14+$0xFFFFDF60] =	vst v42;
	v10 =	vadd.s32 v10, v8;
	v43 =	vsub.f32 $1.000000000e+00, v7;
	v9 =	vmul.f32 v41, v4  }
0x12c: {  	[tilespmem:s14+$0xFFFFEFE0] =	vst v10;
	v44 =	vadd.s32 v39, v5  }
0x12d: {  	v5 =	vadd.s32 v8, v5;
	v4 =	vmul.f32 v6, v4;
	[tilespmem:s14+$0x60] =	vst v44;
	v45 =	vmul.f32 v43, v9  }
0x12e: {  	[tilespmem:s14+$0x10E0] =	vst v5;
	v5 =	vmul.f32 v9, v7  }
0x12f: {  	v46 =	vmul.f32 v43, v4;
	[tilespmem:s25+$0xFFFFDF60] =	vst v45  }
0x130: {  	v4 =	vmul.f32 v7, v4;
	[tilespmem:s25+$0xFFFFEFE0] =	vst v5  }
0x131: {  	[tilespmem:s25+$0x60] =	vst v46  }
0x132: {  	[tilespmem:s25+$0x10E0] =	vst v4  }
0x133: {  	v4 =	vld [tilespmem:s15+$0x30]  }
0x134: {  	v5 =	vld [tilespmem:s29+$0x30]  }
0x135: {  	v6 =	vld [tilespmem:s24+$0x30]  }
0x136: {  	v47 =	vld [tilespmem:s10+$0x30];
	_ =	sdelay $0x2  }
0x137: {  	v48 =	vmul.f32 $5.000000000e-01, v4;
	v49 =	vmul.f32 $5.000000000e-01, v5;
	_ =	sdelay $0x1  }
0x138: {  	v6 =	vadd.f32 v48, v6;
	v7 =	vadd.f32 v49, v47  }
0x139: {  	s26 =	sadd.s32 $0x70, s26  }
0x13a: {  	v52 =	vor.u32 s26, v1;
	v6 =	vadd.f32 $-5.000000000e-01, v6;
	v7 =	vadd.f32 $-5.000000000e-01, v7  }
0x13b: {  	vm10 =	vge.s32 v52, v2;
	v4 =	vmul.f32 v5, v4  }
0x13c: {  	vm11 =	vlt.s32 v52, v3;
	v50 =	vtrunc.f32 v6;
	v51 =	vtrunc.f32 v7  }
0x13d: {  	vm0 =	vmand vm10, vm11;
	v8 =	vcvt.f32.s32 v50;
	v9 =	vcvt.f32.s32 v51  }
0x13e: {  	v4 =	vnsel vm0, $0x0, v4  }
0x13f: {  	v53 =	vcvt.s32.f32 v8;
	v54 =	vcvt.s32.f32 v9;
	vm12 =	vlt.s32 v8, $0x1FF  }
0x140: {  	vm13 =	vlt.s32 v9, $0x1FF;
	v57 =	vadd.s32 $0x1, v9;
	v55 =	vnsel vm12, $0x1FF, v8  }
0x141: {  	v8 =	vadd.s32 $0x1, v8;
	v56 =	vnsel vm13, $0x1FF, v9;
	v6 =	vsub.f32 v6, v53  }
0x142: {  	vm15 =	vlt.s32 v57, $0x1FF;
	v7 =	vsub.f32 v7, v54;
	vm14 =	vlt.s32 v8, $0x1FF  }
0x143: {  	v10 =	vshll.u32 v55, $0x9;
	v5 =	vnsel vm14, $0x1FF, v8;
	v58 =	vsub.f32 $1.000000000e+00, v6  }
0x144: {  	v8 =	vnsel vm15, $0x1FF, v57;
	v59 =	vadd.s32 v56, v10;
	v5 =	vshll.u32 v5, $0x9  }
0x145: {  	[tilespmem:s14+$0xFFFFDF70] =	vst v59;
	v10 =	vadd.s32 v10, v8;
	v60 =	vsub.f32 $1.000000000e+00, v7;
	v9 =	vmul.f32 v58, v4  }
0x146: {  	[tilespmem:s14+$0xFFFFEFF0] =	vst v10;
	v61 =	vadd.s32 v56, v5  }
0x147: {  	p1 =	sne.s32 s23, $0x1000;
	v5 =	vadd.s32 v8, v5;
	v4 =	vmul.f32 v6, v4;
	[tilespmem:s14+$0x70] =	vst v61;
	v62 =	vmul.f32 v60, v9  }
.Ltmp5:
0x148: {  	[tilespmem:s14+$0x10F0] =	vst v5;
	v5 =	vmul.f32 v9, v7;
	(pc) =	sbr.rel @p1 .LBB2_9-.Ltmp5, $4  }
0x149: {  	v63 =	vmul.f32 v60, v4;
	[tilespmem:s25+$0xFFFFDF70] =	vst v62  }
0x14a: {  	s23 =	sadd.s32 $0x80, s23;
	v4 =	vmul.f32 v7, v4;
	[tilespmem:s25+$0xFFFFEFF0] =	vst v5  }
0x14b: {  	s24 =	sadd.s32 $0x80, s24;
	s10 =	sadd.s32 $0x80, s10;
	s15 =	sadd.s32 $0x80, s15;
	[tilespmem:s25+$0x70] =	vst v63  }
0x14c: {  	s29 =	sadd.s32 $0x80, s29;
	s14 =	sadd.s32 $0x80, s14;
	[tilespmem:s25+$0x10F0] =	vst v4;
	s25 =	sadd.s32 $0x80, s25  }
0x14d: {  	s10 =	simm.s32 $0x200;
	s14 =	simm.s32 $0xC800;
	s15 =	simm.s32 $0x8400  }
.LBB2_11:
0x14e: {  	[spmem:s4] =	stream.indirect.scatter.add.f32 [tilespmem:s14], [sflag:$0x3], $0x1, s15, s0, $0xb8;
	[tilespmem:$0x1DC00] =	vst v63  }
0x14f: {  	s14 =	smov.u32 s10;
	p1 =	sne.s32 s10, $0x10600  }
.Ltmp6:
0x150: {  	s10 =	sadd.s32 $0x200, s10;
	(pc) =	sbr.rel @p1 .LBB2_11-.Ltmp6, $3  }
0x151: {  	_ =	sdelay $0x1  }
0x152: {  	s15 =	sshra.s32 s14, $0x2  }
0x153: {  	s14 =	sadd.s32 $0xC800, s15;
	s15 =	sadd.s32 $0x8400, s15  }
0x154: {  	s10 =	sor.u32 $0x1, s18  }
0x155: {  	p1 =	sgt.u32 s10, $0x6  }
.Ltmp7:
0x156: {  	_ = 	snop;
	(pc) =	sbr.rel @p1 .LBB2_22-.Ltmp7, $2  }
0x157: {  	_ =	sdelay $0x2  }
0x158: {  	[spmem:s4] =	stream.indirect.scatter.add.f32 [tilespmem:s14], [sflag:$0x3], $0x1, s15, s0, $0xb8;
	[tilespmem:$0x1DC00] =	vst v63  }
0x159: {  	_ =	swait.ge [sflag:s5], $0x1080  }
0x15a: {  	s14 =	smul.u32 $0x42, s16;
	[sflag:s5] =	ssyncset.done $0x0  }
0x15b: {  	p1 =	seq.s32 s16, $0x0;
	s15 =	smov.u32 s8;
	[sflag:s5] =	ssyncadd.s32 $0xFFFFEF80  }
0x15c: {  	s17 =	simm.s32 $0x0;
	s14 =	sadd.s32 $0x1FFFFBE, s14;
	_ =	swait.ge [sflag:s5], $0x1080  }
0x15d: {  	s15 =	smov.u32 @p1 s19;
	s14 =	simm.s32 @p1 $0x42;
	[sflag:s5] =	ssyncset.done $0x0  }
0x15e: {  	s17 =	simm.s32 @!p1 $0x927C0;
	s14 =	sadd.s32 s15, s14;
	[sflag:s5] =	ssyncadd.s32 $0xFFFFEF80  }
0x15f: {  	s15 =	simm.s32 $0x790A0;
	s14 =	sshll.u32 s14, $0x7;
	_ =	swait.ge [sflag:s5], $0x1080  }
0x160: {  	s15 =	simm.s32 @!p1 $0xF31C0;
	s14 =	sadd.s32 s17, s14;
	[sflag:s5] =	ssyncset.done $0x0  }
0x161: {  	p2 =	slt.s32 s14, s15;
	[sflag:s5] =	ssyncadd.s32 $0xFFFFEF80  }
0x162: {  	s15 =	smov.u32 @p2 s14;
	_ =	swait.ge [sflag:s5], $0x1080  }
0x163: {  	s14 =	sshrl.u32 s15, $0x3;
	s15 =	sadd.s32 $0xF4240, s15;
	[sflag:s5] =	ssyncset.done $0x0  }
0x164: {  	s24 =	sadd.s32 s1, s14;
	s15 =	sshrl.u32 s15, $0x3;
	[sflag:s5] =	ssyncadd.s32 $0xFFFFEF80  }
0x165: {  	[tilespmem:s6], [sflag:$0x1] =	stream.linear.gather [hbm4b:s24+s6], $0x1080, $0x38;
	[tilespmem:$0x1DC00] =	vst v63  }
0x166: {  	s25 =	simm.s32 $0x1080;
	s15 =	sadd.s32 s1, s15  }
0x167: {  	[tilespmem:s25], [sflag:$0x1] =	stream.linear.gather [hbm4b:s15+s6], $0x1080, $0x38;
	[tilespmem:$0x1DC00] =	vst v63  }
.Ltmp8:
0x168: {  	s28 =	simm.s32 $0x2100;
	s26 =	sadd.s32 s2, s14;
	(pc) =	sbr.rel @p1 .LBB2_17-.Ltmp8, $4  }
0x169: {  	[tilespmem:s28], [sflag:$0x1] =	stream.linear.gather [hbm4b:s26+s6], $0x1080, $0x38;
	[tilespmem:$0x1DC00] =	vst v63  }
0x16a: {  	s29 =	simm.s32 $0x3180;
	s14 =	sadd.s32 s3, s14  }
0x16b: {  	[tilespmem:s29], [sflag:$0x1] =	stream.linear.gather [hbm4b:s14+s6], $0x1080, $0x38;
	[tilespmem:$0x1DC00] =	vst v63  }
0x16c: {  	s14 =	simm.s32 $0x84  }
0x16d: {  	_ =	swait.ge [sflag:s12], $0x80  }
0x16e: {  	s14 =	sadd.s32 $0xFFFFFFFF, s14;
	[sflag:s12] =	ssyncset.done $0x0  }
.LBB2_15:
0x16f: {  	p1 =	sne.s32 s14, $0x1;
	s14 =	sadd.s32 $0xFFFFFFFF, s14;
	[sflag:s12] =	ssyncadd.s32 $0xFFFFFF80  }
.Ltmp9:
0x170: {  	(pc) =	sbr.rel @p1 .LBB2_15-.Ltmp9, $3  }
0x171: {  	_ =	sdelay $0x1  }
0x172: {  	_ =	swait.ge [sflag:s12], $0x80  }
0x173: {  	[sflag:s12] =	ssyncset.done $0x0  }
0x174: {  	[sflag:s12] =	ssyncadd.s32 $0xFFFFFF80  }
.LBB2_17:
0x175: {  	s14 =	sadd.s32 $0x1FFFFFD, s18  }
0x176: {  	s10 =	smov.u32 @p0 s14  }
0x177: {  	s10 =	smul.u32 $0x21, s10;
	_ =	sdelay $0x1  }
0x178: {  	s7 =	sadd.s32 s7, s10  }
0x179: {  	s7 =	sshll.u32 s7, $0x7  }
0x17a: {  	s14 =	sadd.s32 s20, s7  }
0x17b: {  	s17 =	simm.s32 $0x4240;
	s15 =	simm.s32 $0x6340;
	s7 =	sadd.s32 $0x1080, s14  }
0x17c: {  	s18 =	simm.s32 $0x17100;
	p0 =	slt.s32 s14, s22;
	p1 =	slt.s32 s7, s9  }
0x17d: {  	s10 =	simm.s32 $0x52C0;
	s22 =	smov.u32 @p0 s14;
	s9 =	smov.u32 @p1 s7  }
0x17e: {  	v2 =	vmov s14;
	s14 =	simm.s32 $0x12D00;
	s7 =	simm.s32 $0x0;
	v3 =	vmov s9;
	s9 =	simm.s32 $0x73C0  }
.LBB2_18:
0x17f: {  	v4 =	vld [tilespmem:s15+$0xFFFFFFC0]  }
0x180: {  	v5 =	vld [tilespmem:s9+$0xFFFFFFC0]  }
0x181: {  	v6 =	vld [tilespmem:s17+$0xFFFFFFC0]  }
0x182: {  	v7 =	vld [tilespmem:s10+$0xFFFFFFC0];
	_ =	sdelay $0x2  }
0x183: {  	v8 =	vmul.f32 $5.000000000e-01, v4;
	v9 =	vmul.f32 $5.000000000e-01, v5;
	_ =	sdelay $0x1  }
0x184: {  	v6 =	vadd.f32 v8, v6;
	v7 =	vadd.f32 v9, v7  }
0x185: {  	s20 =	sadd.s32 s7, s22  }
0x186: {  	v10 =	vor.u32 s20, v1;
	v6 =	vadd.f32 $-5.000000000e-01, v6;
	v7 =	vadd.f32 $-5.000000000e-01, v7  }
0x187: {  	vm0 =	vge.s32 v10, v2;
	v4 =	vmul.f32 v5, v4  }
0x188: {  	vm1 =	vlt.s32 v10, v3;
	v38 =	vtrunc.f32 v6;
	v39 =	vtrunc.f32 v7  }
0x189: {  	vm0 =	vmand vm0, vm1;
	v8 =	vcvt.f32.s32 v38;
	v9 =	vcvt.f32.s32 v39  }
0x18a: {  	v4 =	vnsel vm0, $0x0, v4  }
0x18b: {  	v40 =	vcvt.s32.f32 v8;
	v11 =	vcvt.s32.f32 v9;
	vm6 =	vlt.s32 v8, $0x1FF  }
0x18c: {  	vm7 =	vlt.s32 v9, $0x1FF;
	v43 =	vadd.s32 $0x1, v9;
	v41 =	vnsel vm6, $0x1FF, v8  }
0x18d: {  	v8 =	vadd.s32 $0x1, v8;
	v42 =	vnsel vm7, $0x1FF, v9;
	v6 =	vsub.f32 v6, v40  }
0x18e: {  	vm9 =	vlt.s32 v43, $0x1FF;
	v7 =	vsub.f32 v7, v11;
	vm8 =	vlt.s32 v8, $0x1FF  }
0x18f: {  	v10 =	vshll.u32 v41, $0x9;
	v5 =	vnsel vm8, $0x1FF, v8;
	v44 =	vsub.f32 $1.000000000e+00, v6  }
0x190: {  	v8 =	vnsel vm9, $0x1FF, v43;
	v12 =	vadd.s32 v42, v10;
	v5 =	vshll.u32 v5, $0x9  }
0x191: {  	[tilespmem:s14+$0xFFFFDF00] =	vst v12;
	v10 =	vadd.s32 v10, v8;
	v45 =	vsub.f32 $1.000000000e+00, v7;
	v9 =	vmul.f32 v44, v4  }
0x192: {  	[tilespmem:s14+$0xFFFFEF80] =	vst v10;
	v46 =	vadd.s32 v42, v5  }
0x193: {  	v5 =	vadd.s32 v8, v5;
	v4 =	vmul.f32 v6, v4;
	[tilespmem:s14+$0x0] =	vst v46;
	v47 =	vmul.f32 v45, v9  }
0x194: {  	[tilespmem:s14+$0x1080] =	vst v5;
	v5 =	vmul.f32 v9, v7  }
0x195: {  	v48 =	vmul.f32 v45, v4;
	[tilespmem:s18+$0xFFFFDF00] =	vst v47  }
0x196: {  	v4 =	vmul.f32 v7, v4;
	[tilespmem:s18+$0xFFFFEF80] =	vst v5  }
0x197: {  	[tilespmem:s18+$0x0] =	vst v48  }
0x198: {  	[tilespmem:s18+$0x1080] =	vst v4  }
0x199: {  	v4 =	vld [tilespmem:s15+$0xFFFFFFD0]  }
0x19a: {  	v5 =	vld [tilespmem:s9+$0xFFFFFFD0]  }
0x19b: {  	v6 =	vld [tilespmem:s17+$0xFFFFFFD0]  }
0x19c: {  	v49 =	vld [tilespmem:s10+$0xFFFFFFD0];
	_ =	sdelay $0x2  }
0x19d: {  	v50 =	vmul.f32 $5.000000000e-01, v4;
	v51 =	vmul.f32 $5.000000000e-01, v5;
	_ =	sdelay $0x1  }
0x19e: {  	v6 =	vadd.f32 v50, v6;
	v7 =	vadd.f32 v51, v49  }
0x19f: {  	s23 =	sadd.s32 $0x10, s20  }
0x1a0: {  	v54 =	vor.u32 s23, v1;
	v6 =	vadd.f32 $-5.000000000e-01, v6;
	v7 =	vadd.f32 $-5.000000000e-01, v7  }
0x1a1: {  	vm10 =	vge.s32 v54, v2;
	v4 =	vmul.f32 v5, v4  }
0x1a2: {  	vm11 =	vlt.s32 v54, v3;
	v52 =	vtrunc.f32 v6;
	v53 =	vtrunc.f32 v7  }
0x1a3: {  	vm0 =	vmand vm10, vm11;
	v8 =	vcvt.f32.s32 v52;
	v9 =	vcvt.f32.s32 v53  }
0x1a4: {  	v4 =	vnsel vm0, $0x0, v4  }
0x1a5: {  	v55 =	vcvt.s32.f32 v8;
	v56 =	vcvt.s32.f32 v9;
	vm12 =	vlt.s32 v8, $0x1FF  }
0x1a6: {  	vm13 =	vlt.s32 v9, $0x1FF;
	v59 =	vadd.s32 $0x1, v9;
	v57 =	vnsel vm12, $0x1FF, v8  }
0x1a7: {  	v8 =	vadd.s32 $0x1, v8;
	v58 =	vnsel vm13, $0x1FF, v9;
	v6 =	vsub.f32 v6, v55  }
0x1a8: {  	vm15 =	vlt.s32 v59, $0x1FF;
	v7 =	vsub.f32 v7, v56;
	vm14 =	vlt.s32 v8, $0x1FF  }
0x1a9: {  	v10 =	vshll.u32 v57, $0x9;
	v5 =	vnsel vm14, $0x1FF, v8;
	v60 =	vsub.f32 $1.000000000e+00, v6  }
0x1aa: {  	v8 =	vnsel vm15, $0x1FF, v59;
	v61 =	vadd.s32 v58, v10;
	v5 =	vshll.u32 v5, $0x9  }
0x1ab: {  	[tilespmem:s14+$0xFFFFDF10] =	vst v61;
	v10 =	vadd.s32 v10, v8;
	v62 =	vsub.f32 $1.000000000e+00, v7;
	v9 =	vmul.f32 v60, v4  }
0x1ac: {  	[tilespmem:s14+$0xFFFFEF90] =	vst v10;
	v63 =	vadd.s32 v58, v5  }
0x1ad: {  	v5 =	vadd.s32 v8, v5;
	v4 =	vmul.f32 v6, v4;
	[tilespmem:s14+$0x10] =	vst v63;
	v13 =	vmul.f32 v62, v9  }
0x1ae: {  	[tilespmem:s14+$0x1090] =	vst v5;
	v5 =	vmul.f32 v9, v7  }
0x1af: {  	v14 =	vmul.f32 v62, v4;
	[tilespmem:s18+$0xFFFFDF10] =	vst v13  }
0x1b0: {  	v4 =	vmul.f32 v7, v4;
	[tilespmem:s18+$0xFFFFEF90] =	vst v5  }
0x1b1: {  	[tilespmem:s18+$0x10] =	vst v14  }
0x1b2: {  	[tilespmem:s18+$0x1090] =	vst v4  }
0x1b3: {  	v4 =	vld [tilespmem:s15+$0xFFFFFFE0]  }
0x1b4: {  	v5 =	vld [tilespmem:s9+$0xFFFFFFE0]  }
0x1b5: {  	v6 =	vld [tilespmem:s17+$0xFFFFFFE0]  }
0x1b6: {  	v15 =	vld [tilespmem:s10+$0xFFFFFFE0];
	_ =	sdelay $0x2  }
0x1b7: {  	v16 =	vmul.f32 $5.000000000e-01, v4;
	v17 =	vmul.f32 $5.000000000e-01, v5;
	_ =	sdelay $0x1  }
0x1b8: {  	v6 =	vadd.f32 v16, v6;
	v7 =	vadd.f32 v17, v15  }
0x1b9: {  	s24 =	sadd.s32 $0x20, s20  }
0x1ba: {  	v20 =	vor.u32 s24, v1;
	v6 =	vadd.f32 $-5.000000000e-01, v6;
	v7 =	vadd.f32 $-5.000000000e-01, v7  }
0x1bb: {  	vm4 =	vge.s32 v20, v2;
	v4 =	vmul.f32 v5, v4  }
0x1bc: {  	vm5 =	vlt.s32 v20, v3;
	v18 =	vtrunc.f32 v6;
	v19 =	vtrunc.f32 v7  }
0x1bd: {  	vm0 =	vmand vm4, vm5;
	v8 =	vcvt.f32.s32 v18;
	v9 =	vcvt.f32.s32 v19  }
0x1be: {  	v4 =	vnsel vm0, $0x0, v4  }
0x1bf: {  	v21 =	vcvt.s32.f32 v8;
	v22 =	vcvt.s32.f32 v9;
	vm6 =	vlt.s32 v8, $0x1FF  }
0x1c0: {  	vm7 =	vlt.s32 v9, $0x1FF;
	v25 =	vadd.s32 $0x1, v9;
	v23 =	vnsel vm6, $0x1FF, v8  }
0x1c1: {  	v8 =	vadd.s32 $0x1, v8;
	v24 =	vnsel vm7, $0x1FF, v9;
	v6 =	vsub.f32 v6, v21  }
0x1c2: {  	vm9 =	vlt.s32 v25, $0x1FF;
	v7 =	vsub.f32 v7, v22;
	vm8 =	vlt.s32 v8, $0x1FF  }
0x1c3: {  	v10 =	vshll.u32 v23, $0x9;
	v5 =	vnsel vm8, $0x1FF, v8;
	v26 =	vsub.f32 $1.000000000e+00, v6  }
0x1c4: {  	v8 =	vnsel vm9, $0x1FF, v25;
	v27 =	vadd.s32 v24, v10;
	v5 =	vshll.u32 v5, $0x9  }
0x1c5: {  	[tilespmem:s14+$0xFFFFDF20] =	vst v27;
	v10 =	vadd.s32 v10, v8;
	v28 =	vsub.f32 $1.000000000e+00, v7;
	v9 =	vmul.f32 v26, v4  }
0x1c6: {  	[tilespmem:s14+$0xFFFFEFA0] =	vst v10;
	v29 =	vadd.s32 v24, v5  }
0x1c7: {  	v5 =	vadd.s32 v8, v5;
	v4 =	vmul.f32 v6, v4;
	[tilespmem:s14+$0x20] =	vst v29;
	v30 =	vmul.f32 v28, v9  }
0x1c8: {  	[tilespmem:s14+$0x10A0] =	vst v5;
	v5 =	vmul.f32 v9, v7  }
0x1c9: {  	v31 =	vmul.f32 v28, v4;
	[tilespmem:s18+$0xFFFFDF20] =	vst v30  }
0x1ca: {  	v4 =	vmul.f32 v7, v4;
	[tilespmem:s18+$0xFFFFEFA0] =	vst v5  }
0x1cb: {  	[tilespmem:s18+$0x20] =	vst v31  }
0x1cc: {  	[tilespmem:s18+$0x10A0] =	vst v4  }
0x1cd: {  	v4 =	vld [tilespmem:s15+$0xFFFFFFF0]  }
0x1ce: {  	v5 =	vld [tilespmem:s9+$0xFFFFFFF0]  }
0x1cf: {  	v6 =	vld [tilespmem:s17+$0xFFFFFFF0]  }
0x1d0: {  	v32 =	vld [tilespmem:s10+$0xFFFFFFF0];
	_ =	sdelay $0x2  }
0x1d1: {  	v33 =	vmul.f32 $5.000000000e-01, v4;
	v34 =	vmul.f32 $5.000000000e-01, v5;
	_ =	sdelay $0x1  }
0x1d2: {  	v6 =	vadd.f32 v33, v6;
	v7 =	vadd.f32 v34, v32  }
0x1d3: {  	s25 =	sadd.s32 $0x30, s20  }
0x1d4: {  	v37 =	vor.u32 s25, v1;
	v6 =	vadd.f32 $-5.000000000e-01, v6;
	v7 =	vadd.f32 $-5.000000000e-01, v7  }
0x1d5: {  	vm10 =	vge.s32 v37, v2;
	v4 =	vmul.f32 v5, v4  }
0x1d6: {  	vm11 =	vlt.s32 v37, v3;
	v35 =	vtrunc.f32 v6;
	v36 =	vtrunc.f32 v7  }
0x1d7: {  	vm0 =	vmand vm10, vm11;
	v8 =	vcvt.f32.s32 v35;
	v9 =	vcvt.f32.s32 v36  }
0x1d8: {  	v4 =	vnsel vm0, $0x0, v4  }
0x1d9: {  	v38 =	vcvt.s32.f32 v8;
	v39 =	vcvt.s32.f32 v9;
	vm12 =	vlt.s32 v8, $0x1FF  }
0x1da: {  	vm13 =	vlt.s32 v9, $0x1FF;
	v42 =	vadd.s32 $0x1, v9;
	v40 =	vnsel vm12, $0x1FF, v8  }
0x1db: {  	v8 =	vadd.s32 $0x1, v8;
	v41 =	vnsel vm13, $0x1FF, v9;
	v6 =	vsub.f32 v6, v38  }
0x1dc: {  	vm15 =	vlt.s32 v42, $0x1FF;
	v7 =	vsub.f32 v7, v39;
	vm14 =	vlt.s32 v8, $0x1FF  }
0x1dd: {  	v10 =	vshll.u32 v40, $0x9;
	v5 =	vnsel vm14, $0x1FF, v8;
	v43 =	vsub.f32 $1.000000000e+00, v6  }
0x1de: {  	v8 =	vnsel vm15, $0x1FF, v42;
	v44 =	vadd.s32 v41, v10;
	v5 =	vshll.u32 v5, $0x9  }
0x1df: {  	[tilespmem:s14+$0xFFFFDF30] =	vst v44;
	v10 =	vadd.s32 v10, v8;
	v45 =	vsub.f32 $1.000000000e+00, v7;
	v9 =	vmul.f32 v43, v4  }
0x1e0: {  	[tilespmem:s14+$0xFFFFEFB0] =	vst v10;
	v46 =	vadd.s32 v41, v5  }
0x1e1: {  	v5 =	vadd.s32 v8, v5;
	v4 =	vmul.f32 v6, v4;
	[tilespmem:s14+$0x30] =	vst v46;
	v47 =	vmul.f32 v45, v9  }
0x1e2: {  	[tilespmem:s14+$0x10B0] =	vst v5;
	v5 =	vmul.f32 v9, v7  }
0x1e3: {  	v48 =	vmul.f32 v45, v4;
	[tilespmem:s18+$0xFFFFDF30] =	vst v47  }
0x1e4: {  	v4 =	vmul.f32 v7, v4;
	[tilespmem:s18+$0xFFFFEFB0] =	vst v5  }
0x1e5: {  	[tilespmem:s18+$0x30] =	vst v48  }
0x1e6: {  	[tilespmem:s18+$0x10B0] =	vst v4  }
0x1e7: {  	v4 =	vld [tilespmem:s15+$0x0]  }
0x1e8: {  	v5 =	vld [tilespmem:s9+$0x0]  }
0x1e9: {  	v6 =	vld [tilespmem:s17+$0x0]  }
0x1ea: {  	v49 =	vld [tilespmem:s10+$0x0];
	_ =	sdelay $0x2  }
0x1eb: {  	v50 =	vmul.f32 $5.000000000e-01, v4;
	v51 =	vmul.f32 $5.000000000e-01, v5;
	_ =	sdelay $0x1  }
0x1ec: {  	v6 =	vadd.f32 v50, v6;
	v7 =	vadd.f32 v51, v49  }
0x1ed: {  	s26 =	sadd.s32 $0x40, s20  }
0x1ee: {  	v54 =	vor.u32 s26, v1;
	v6 =	vadd.f32 $-5.000000000e-01, v6;
	v7 =	vadd.f32 $-5.000000000e-01, v7  }
0x1ef: {  	vm4 =	vge.s32 v54, v2;
	v4 =	vmul.f32 v5, v4  }
0x1f0: {  	vm5 =	vlt.s32 v54, v3;
	v52 =	vtrunc.f32 v6;
	v53 =	vtrunc.f32 v7  }
0x1f1: {  	vm0 =	vmand vm4, vm5;
	v8 =	vcvt.f32.s32 v52;
	v9 =	vcvt.f32.s32 v53  }
0x1f2: {  	v4 =	vnsel vm0, $0x0, v4  }
0x1f3: {  	v55 =	vcvt.s32.f32 v8;
	v56 =	vcvt.s32.f32 v9;
	vm6 =	vlt.s32 v8, $0x1FF  }
0x1f4: {  	vm7 =	vlt.s32 v9, $0x1FF;
	v59 =	vadd.s32 $0x1, v9;
	v57 =	vnsel vm6, $0x1FF, v8  }
0x1f5: {  	v8 =	vadd.s32 $0x1, v8;
	v58 =	vnsel vm7, $0x1FF, v9;
	v6 =	vsub.f32 v6, v55  }
0x1f6: {  	vm9 =	vlt.s32 v59, $0x1FF;
	v7 =	vsub.f32 v7, v56;
	vm8 =	vlt.s32 v8, $0x1FF  }
0x1f7: {  	v10 =	vshll.u32 v57, $0x9;
	v5 =	vnsel vm8, $0x1FF, v8;
	v60 =	vsub.f32 $1.000000000e+00, v6  }
0x1f8: {  	v8 =	vnsel vm9, $0x1FF, v59;
	v61 =	vadd.s32 v58, v10;
	v5 =	vshll.u32 v5, $0x9  }
0x1f9: {  	[tilespmem:s14+$0xFFFFDF40] =	vst v61;
	v10 =	vadd.s32 v10, v8;
	v62 =	vsub.f32 $1.000000000e+00, v7;
	v9 =	vmul.f32 v60, v4  }
0x1fa: {  	[tilespmem:s14+$0xFFFFEFC0] =	vst v10;
	v63 =	vadd.s32 v58, v5  }
0x1fb: {  	v5 =	vadd.s32 v8, v5;
	v4 =	vmul.f32 v6, v4;
	[tilespmem:s14+$0x40] =	vst v63;
	v11 =	vmul.f32 v62, v9  }
0x1fc: {  	[tilespmem:s14+$0x10C0] =	vst v5;
	v5 =	vmul.f32 v9, v7  }
0x1fd: {  	v12 =	vmul.f32 v62, v4;
	[tilespmem:s18+$0xFFFFDF40] =	vst v11  }
0x1fe: {  	v4 =	vmul.f32 v7, v4;
	[tilespmem:s18+$0xFFFFEFC0] =	vst v5  }
0x1ff: {  	[tilespmem:s18+$0x40] =	vst v12  }
0x200: {  	[tilespmem:s18+$0x10C0] =	vst v4  }
0x201: {  	v4 =	vld [tilespmem:s15+$0x10]  }
0x202: {  	v5 =	vld [tilespmem:s9+$0x10]  }
0x203: {  	v6 =	vld [tilespmem:s17+$0x10]  }
0x204: {  	v13 =	vld [tilespmem:s10+$0x10];
	_ =	sdelay $0x2  }
0x205: {  	v14 =	vmul.f32 $5.000000000e-01, v4;
	v15 =	vmul.f32 $5.000000000e-01, v5;
	_ =	sdelay $0x1  }
0x206: {  	v6 =	vadd.f32 v14, v6;
	v7 =	vadd.f32 v15, v13  }
0x207: {  	s28 =	sadd.s32 $0x50, s20  }
0x208: {  	v18 =	vor.u32 s28, v1;
	v6 =	vadd.f32 $-5.000000000e-01, v6;
	v7 =	vadd.f32 $-5.000000000e-01, v7  }
0x209: {  	vm10 =	vge.s32 v18, v2;
	v4 =	vmul.f32 v5, v4  }
0x20a: {  	vm11 =	vlt.s32 v18, v3;
	v16 =	vtrunc.f32 v6;
	v17 =	vtrunc.f32 v7  }
0x20b: {  	vm0 =	vmand vm10, vm11;
	v8 =	vcvt.f32.s32 v16;
	v9 =	vcvt.f32.s32 v17  }
0x20c: {  	v4 =	vnsel vm0, $0x0, v4  }
0x20d: {  	v19 =	vcvt.s32.f32 v8;
	v20 =	vcvt.s32.f32 v9;
	vm12 =	vlt.s32 v8, $0x1FF  }
0x20e: {  	vm13 =	vlt.s32 v9, $0x1FF;
	v23 =	vadd.s32 $0x1, v9;
	v21 =	vnsel vm12, $0x1FF, v8  }
0x20f: {  	v8 =	vadd.s32 $0x1, v8;
	v22 =	vnsel vm13, $0x1FF, v9;
	v6 =	vsub.f32 v6, v19  }
0x210: {  	vm15 =	vlt.s32 v23, $0x1FF;
	v7 =	vsub.f32 v7, v20;
	vm14 =	vlt.s32 v8, $0x1FF  }
0x211: {  	v10 =	vshll.u32 v21, $0x9;
	v5 =	vnsel vm14, $0x1FF, v8;
	v24 =	vsub.f32 $1.000000000e+00, v6  }
0x212: {  	v8 =	vnsel vm15, $0x1FF, v23;
	v25 =	vadd.s32 v22, v10;
	v5 =	vshll.u32 v5, $0x9  }
0x213: {  	[tilespmem:s14+$0xFFFFDF50] =	vst v25;
	v10 =	vadd.s32 v10, v8;
	v26 =	vsub.f32 $1.000000000e+00, v7;
	v9 =	vmul.f32 v24, v4  }
0x214: {  	[tilespmem:s14+$0xFFFFEFD0] =	vst v10;
	v27 =	vadd.s32 v22, v5  }
0x215: {  	v5 =	vadd.s32 v8, v5;
	v4 =	vmul.f32 v6, v4;
	[tilespmem:s14+$0x50] =	vst v27;
	v28 =	vmul.f32 v26, v9  }
0x216: {  	[tilespmem:s14+$0x10D0] =	vst v5;
	v5 =	vmul.f32 v9, v7  }
0x217: {  	v29 =	vmul.f32 v26, v4;
	[tilespmem:s18+$0xFFFFDF50] =	vst v28  }
0x218: {  	v4 =	vmul.f32 v7, v4;
	[tilespmem:s18+$0xFFFFEFD0] =	vst v5  }
0x219: {  	[tilespmem:s18+$0x50] =	vst v29  }
0x21a: {  	[tilespmem:s18+$0x10D0] =	vst v4  }
0x21b: {  	v4 =	vld [tilespmem:s15+$0x20]  }
0x21c: {  	v5 =	vld [tilespmem:s9+$0x20]  }
0x21d: {  	v6 =	vld [tilespmem:s17+$0x20]  }
0x21e: {  	v30 =	vld [tilespmem:s10+$0x20];
	_ =	sdelay $0x2  }
0x21f: {  	v31 =	vmul.f32 $5.000000000e-01, v4;
	v32 =	vmul.f32 $5.000000000e-01, v5;
	_ =	sdelay $0x1  }
0x220: {  	v6 =	vadd.f32 v31, v6;
	v7 =	vadd.f32 v32, v30  }
0x221: {  	s29 =	sadd.s32 $0x60, s20  }
0x222: {  	v35 =	vor.u32 s29, v1;
	v6 =	vadd.f32 $-5.000000000e-01, v6;
	v7 =	vadd.f32 $-5.000000000e-01, v7  }
0x223: {  	vm4 =	vge.s32 v35, v2;
	v4 =	vmul.f32 v5, v4  }
0x224: {  	vm5 =	vlt.s32 v35, v3;
	v33 =	vtrunc.f32 v6;
	v34 =	vtrunc.f32 v7  }
0x225: {  	vm0 =	vmand vm4, vm5;
	v8 =	vcvt.f32.s32 v33;
	v9 =	vcvt.f32.s32 v34  }
0x226: {  	v4 =	vnsel vm0, $0x0, v4  }
0x227: {  	v36 =	vcvt.s32.f32 v8;
	v37 =	vcvt.s32.f32 v9;
	vm6 =	vlt.s32 v8, $0x1FF  }
0x228: {  	vm7 =	vlt.s32 v9, $0x1FF;
	v40 =	vadd.s32 $0x1, v9;
	v38 =	vnsel vm6, $0x1FF, v8  }
0x229: {  	v8 =	vadd.s32 $0x1, v8;
	v39 =	vnsel vm7, $0x1FF, v9;
	v6 =	vsub.f32 v6, v36  }
0x22a: {  	vm9 =	vlt.s32 v40, $0x1FF;
	v7 =	vsub.f32 v7, v37;
	vm8 =	vlt.s32 v8, $0x1FF  }
0x22b: {  	v10 =	vshll.u32 v38, $0x9;
	v5 =	vnsel vm8, $0x1FF, v8;
	v41 =	vsub.f32 $1.000000000e+00, v6  }
0x22c: {  	v8 =	vnsel vm9, $0x1FF, v40;
	v42 =	vadd.s32 v39, v10;
	v5 =	vshll.u32 v5, $0x9  }
0x22d: {  	[tilespmem:s14+$0xFFFFDF60] =	vst v42;
	v10 =	vadd.s32 v10, v8;
	v43 =	vsub.f32 $1.000000000e+00, v7;
	v9 =	vmul.f32 v41, v4  }
0x22e: {  	[tilespmem:s14+$0xFFFFEFE0] =	vst v10;
	v44 =	vadd.s32 v39, v5  }
0x22f: {  	v5 =	vadd.s32 v8, v5;
	v4 =	vmul.f32 v6, v4;
	[tilespmem:s14+$0x60] =	vst v44;
	v45 =	vmul.f32 v43, v9  }
0x230: {  	[tilespmem:s14+$0x10E0] =	vst v5;
	v5 =	vmul.f32 v9, v7  }
0x231: {  	v46 =	vmul.f32 v43, v4;
	[tilespmem:s18+$0xFFFFDF60] =	vst v45  }
0x232: {  	v4 =	vmul.f32 v7, v4;
	[tilespmem:s18+$0xFFFFEFE0] =	vst v5  }
0x233: {  	[tilespmem:s18+$0x60] =	vst v46  }
0x234: {  	[tilespmem:s18+$0x10E0] =	vst v4  }
0x235: {  	v4 =	vld [tilespmem:s15+$0x30]  }
0x236: {  	v5 =	vld [tilespmem:s9+$0x30]  }
0x237: {  	v6 =	vld [tilespmem:s17+$0x30]  }
0x238: {  	v47 =	vld [tilespmem:s10+$0x30];
	_ =	sdelay $0x2  }
0x239: {  	v48 =	vmul.f32 $5.000000000e-01, v4;
	v49 =	vmul.f32 $5.000000000e-01, v5;
	_ =	sdelay $0x1  }
0x23a: {  	v6 =	vadd.f32 v48, v6;
	v7 =	vadd.f32 v49, v47  }
0x23b: {  	s20 =	sadd.s32 $0x70, s20  }
0x23c: {  	v52 =	vor.u32 s20, v1;
	v6 =	vadd.f32 $-5.000000000e-01, v6;
	v7 =	vadd.f32 $-5.000000000e-01, v7  }
0x23d: {  	vm10 =	vge.s32 v52, v2;
	v4 =	vmul.f32 v5, v4  }
0x23e: {  	vm11 =	vlt.s32 v52, v3;
	v50 =	vtrunc.f32 v6;
	v51 =	vtrunc.f32 v7  }
0x23f: {  	vm0 =	vmand vm10, vm11;
	v8 =	vcvt.f32.s32 v50;
	v9 =	vcvt.f32.s32 v51  }
0x240: {  	v4 =	vnsel vm0, $0x0, v4  }
0x241: {  	v53 =	vcvt.s32.f32 v8;
	v54 =	vcvt.s32.f32 v9;
	vm12 =	vlt.s32 v8, $0x1FF  }
0x242: {  	vm13 =	vlt.s32 v9, $0x1FF;
	v57 =	vadd.s32 $0x1, v9;
	v55 =	vnsel vm12, $0x1FF, v8  }
0x243: {  	v8 =	vadd.s32 $0x1, v8;
	v56 =	vnsel vm13, $0x1FF, v9;
	v6 =	vsub.f32 v6, v53  }
0x244: {  	vm15 =	vlt.s32 v57, $0x1FF;
	v7 =	vsub.f32 v7, v54;
	vm14 =	vlt.s32 v8, $0x1FF  }
0x245: {  	v10 =	vshll.u32 v55, $0x9;
	v5 =	vnsel vm14, $0x1FF, v8;
	v58 =	vsub.f32 $1.000000000e+00, v6  }
0x246: {  	v8 =	vnsel vm15, $0x1FF, v57;
	v59 =	vadd.s32 v56, v10;
	v5 =	vshll.u32 v5, $0x9  }
0x247: {  	[tilespmem:s14+$0xFFFFDF70] =	vst v59;
	v10 =	vadd.s32 v10, v8;
	v60 =	vsub.f32 $1.000000000e+00, v7;
	v9 =	vmul.f32 v58, v4  }
0x248: {  	[tilespmem:s14+$0xFFFFEFF0] =	vst v10;
	v61 =	vadd.s32 v56, v5  }
0x249: {  	p0 =	sne.s32 s7, $0x1000;
	v5 =	vadd.s32 v8, v5;
	v4 =	vmul.f32 v6, v4;
	[tilespmem:s14+$0x70] =	vst v61;
	v62 =	vmul.f32 v60, v9  }
.Ltmp10:
0x24a: {  	[tilespmem:s14+$0x10F0] =	vst v5;
	v5 =	vmul.f32 v9, v7;
	(pc) =	sbr.rel @p0 .LBB2_18-.Ltmp10, $4  }
0x24b: {  	v63 =	vmul.f32 v60, v4;
	[tilespmem:s18+$0xFFFFDF70] =	vst v62  }
0x24c: {  	s7 =	sadd.s32 $0x80, s7;
	v4 =	vmul.f32 v7, v4;
	[tilespmem:s18+$0xFFFFEFF0] =	vst v5  }
0x24d: {  	s17 =	sadd.s32 $0x80, s17;
	s10 =	sadd.s32 $0x80, s10;
	s15 =	sadd.s32 $0x80, s15;
	[tilespmem:s18+$0x70] =	vst v63  }
0x24e: {  	s9 =	sadd.s32 $0x80, s9;
	s14 =	sadd.s32 $0x80, s14;
	[tilespmem:s18+$0x10F0] =	vst v4;
	s18 =	sadd.s32 $0x80, s18  }
0x24f: {  	s7 =	simm.s32 $0x200;
	s9 =	simm.s32 $0x15000;
	s10 =	simm.s32 $0x10C00  }
.LBB2_20:
0x250: {  	[spmem:s4] =	stream.indirect.scatter.add.f32 [tilespmem:s9], [sflag:$0x4], $0x1, s10, s0, $0xb8;
	[tilespmem:$0x1DC00] =	vst v63  }
0x251: {  	s9 =	smov.u32 s7;
	p0 =	sne.s32 s7, $0x10600  }
.Ltmp11:
0x252: {  	s7 =	sadd.s32 $0x200, s7;
	(pc) =	sbr.rel @p0 .LBB2_20-.Ltmp11, $3  }
0x253: {  	_ =	sdelay $0x1  }
0x254: {  	s10 =	sshra.s32 s9, $0x2  }
0x255: {  	s9 =	sadd.s32 $0x15000, s10;
	s10 =	sadd.s32 $0x10C00, s10  }
.Ltmp12:
0x256: {  	(pc) =	sbr.rel .LBB2_22-.Ltmp12, $2  }
0x257: {  	_ =	sdelay $0x2  }
0x258: {  	[spmem:s4] =	stream.indirect.scatter.add.f32 [tilespmem:s9], [sflag:$0x4], $0x1, s10, s0, $0xb8;
	[tilespmem:$0x1DC00] =	vst v63  }
.LBB2_23:
0x259: {  	_ =	swait.ge [sflag:s12], $0x80  }
0x25a: {  	s7 =	sadd.s32 $0xFFFFFFFF, s7;
	[sflag:s12] =	ssyncset.done $0x0  }
.LBB2_24:
0x25b: {  	p0 =	sne.s32 s7, $0x1;
	s7 =	sadd.s32 $0xFFFFFFFF, s7;
	[sflag:s12] =	ssyncadd.s32 $0xFFFFFF80  }
.Ltmp13:
0x25c: {  	(pc) =	sbr.rel @p0 .LBB2_24-.Ltmp13, $3  }
0x25d: {  	_ =	sdelay $0x1  }
0x25e: {  	_ =	swait.ge [sflag:s12], $0x80  }
0x25f: {  	[sflag:s12] =	ssyncset.done $0x0  }
0x260: {  	[sflag:s12] =	ssyncadd.s32 $0xFFFFFF80  }
0x261: {  	_ =	swait.ge [sflag:s13], $0x80  }
0x262: {  	s7 =	simm.s32 $0x83;
	[sflag:s13] =	ssyncset.done $0x0;
	s10 =	rddreg [dreg:$0xa]  }
.LBB2_26:
0x263: {  	p0 =	sne.s32 s7, $0x1;
	s7 =	sadd.s32 $0xFFFFFFFF, s7;
	[sflag:s13] =	ssyncadd.s32 $0xFFFFFF80  }
.Ltmp14:
0x264: {  	(pc) =	sbr.rel @p0 .LBB2_26-.Ltmp14, $3  }
0x265: {  	_ =	sdelay $0x1  }
0x266: {  	_ =	swait.ge [sflag:s13], $0x80  }
0x267: {  	[sflag:s13] =	ssyncset.done $0x0  }
0x268: {  	[sflag:s13] =	ssyncadd.s32 $0xFFFFFF80;
	s7 =	stileid.u32;
	s9 =	sshrl.u32 s10, $0x3  }
0x269: {  	s15 =	simm.s32 $0x20;
	s7 =	sshll.u32 s7, $0x6;
	[bflag:$0x0] =	sbarrier.arrive $0xFFFF  }
0x26a: {  	s16 =	simm.s32 $0x10;
	s7 =	sor.u32 $0x1C05, s7;
	s14 =	rddreg [dreg:$0x12]  }
0x26b: {  	[hbm:s14@s15], [sflag:s7] =	dma.strided [spmem:s9@s16], $0x800, s31, $0x10   }
0x26c: {  	_ =	swait.ge [sflag:s30], $0x800  }
0x26d: {  	s28 =	rddreg [dreg:$0x14]  }
0x26e: {  	s29 =	rddreg [dreg:$0x13];
	s9 =	sadd.s32 $0x1, s28  }
0x26f: {  	p0 =	sne.s32 s9, s29  }
.Ltmp15:
0x270: {  	_ = 	snop;
	(pc) =	sbr.rel @p0 .LBB2_1-.Ltmp15, $3  }
0x271: {  	_ =	sdelay $0x1  }
0x272: {  	[sflag:s30] =	ssyncset.done $0x0  }
0x273: {  	[sflag:s30] =	ssyncadd.s32 $0xFFFFF800  }
0x274: {  	_ =	sfence.sel $0x180000  }
0x275: {  	[bflag:$0x0] =	sbarrier.arrive $0xFFFF  }
0x276: {  	_ =	strace $0x90000047  }
0x277: {  	s0 =	stileid.u32;
	[bflag:$0x2] =	sbarrier.arrive $0xFFFF  }
0x278: {  	p0 =	sne.s32 s0, $0x0;
	s0 =	rddreg [dreg:$0x5]  }
0x279: {  	s0 =	sadd.s32 @!p0 $0x100000, s0  }
0x27a: {  	[sflag:s0] =	ssyncadd.tile.s32 @!p0 $0x1;
	_ =	shalt  }
.Lfunc_end2:
_tile_overlayer_lowered:
.L_overlay_start_2:
0x27b: {  	(tag) =	ssettag $0x2  }
0x27c: {  	s0 =	rddreg [dreg:$0x0];
	s2 =	stileid.u32  }
0x27d: {  	s1 =	rddreg [dreg:$0x1];
	p0 =	sne.s32 s2, $0x0  }
0x27e: {  	s3 =	rddreg [dreg:$0x2];
	[bflag:$0x3] =	sbarrier.arrive $0xFFFF;
	s2 =	simm.s32 @!p0 $0x1C05  }
0x27f: {  	[timem:s3], [sflag:s2] =	dma.local @!p0 [hbm:s0], s1  }
0x280: {  	s0 =	simm.s32 @!p0 $0x5  }
0x281: {  	_ =	swait.ge @!p0 [sflag:s0], s1  }
0x282: {  	s1 =	ssub.s32 @!p0 $0x0, s1;
	[sflag:s0] =	ssyncset.done @!p0 $0x0  }
0x283: {  	[sflag:s0] =	ssyncadd.s32 @!p0 s1  }
0x284: {  	[bflag:$0x3] =	sbarrier.arrive $0xFFFF  }
0x285: {  	_ =	shalt  }

</sc_bundles>
